<compile_context>
chip_gen: v7x
topology: tpu7x:2x2x1
jax: 0.10.2.dev20260603
libtpu: 0.0.44.dev20260713+nightly
codegen_flags: <defaults>
</compile_context>

<pallas_src>
import functools

import jax
import jax.numpy as jnp
from jax import lax
from jax.experimental import pallas as pl
from jax.experimental.pallas import tpu as pltpu
from jax.experimental.pallas import tpu_sc as plsc

E = 16
TOP_K = 2
D_IN = 768
D_HID = 2048
D_OUT = 768
T = 2048
BM = 320
G = 29
PROWS = G * BM
LB_WEIGHT = 0.01

_NC = 2
_NS = 16
_NW = _NC * _NS
_CH = T // _NW


def _router_body(x_ref, wg_ref, bg_ref, pos_ref, w_ref, estep_ref, srow_ref,
                 loss_ref):
    x = x_ref[...]
    logits = jnp.dot(x, wg_ref[...], preferred_element_type=jnp.float32)
    logits = logits + bg_ref[...]
    m = jnp.max(logits, axis=1, keepdims=True)
    p = jnp.exp(logits - m)
    p = p / jnp.sum(p, axis=1, keepdims=True)

    ei = lax.broadcasted_iota(jnp.int32, (T, E), 1)
    v0 = jnp.max(p, axis=1, keepdims=True)
    i0 = jnp.min(jnp.where(p == v0, ei, E), axis=1, keepdims=True)
    c0 = ei == i0
    p2 = jnp.where(c0, -jnp.inf, p)
    v1 = jnp.max(p2, axis=1, keepdims=True)
    i1 = jnp.min(jnp.where(p2 == v1, ei, E), axis=1, keepdims=True)
    c1 = ei == i1
    s01 = v0 + v1
    w_ref[:, 0:1] = v0 / s01
    w_ref[:, 1:2] = v1 / s01

    meanp = jnp.sum(p, axis=0, keepdims=True) / T
    cnt = c0.astype(jnp.float32) + c1.astype(jnp.float32)
    counts = jnp.sum(cnt, axis=0, keepdims=True)
    frac = counts / (T * TOP_K)
    loss_ref[...] = LB_WEIGHT * E * jnp.sum(frac * meanp, axis=1,
                                            keepdims=True)

    c = cnt
    off = 1
    while off < T:
        c = c + jnp.concatenate(
            [jnp.zeros((off, E), jnp.float32), c[: T - off]], axis=0)
        off *= 2
    cume = c - cnt

    blocks = jnp.floor((counts + (BM - 1)) / BM)
    eio = lax.broadcasted_iota(jnp.int32, (E, E), 0)
    ejo = lax.broadcasted_iota(jnp.int32, (E, E), 1)
    strict_lt = (eio < ejo).astype(jnp.float32)
    cumexcl = jnp.dot(blocks, strict_lt,
                      preferred_element_type=jnp.float32)
    cuminc = cumexcl + blocks
    total_i = jnp.sum(blocks).astype(jnp.int32)
    padded_off = cumexcl * BM

    pos0 = jnp.sum(jnp.where(c0, cume + padded_off, 0.0), axis=1,
                   keepdims=True)
    pos1 = jnp.sum(jnp.where(c1, cume + padded_off, 0.0), axis=1,
                   keepdims=True)
    pos_ref[:, 0:1] = pos0.astype(jnp.int32)
    pos_ref[:, 1:2] = pos1.astype(jnp.int32)

    s_io = lax.broadcasted_iota(jnp.int32, (G, E), 0)
    s_cl = jnp.minimum(s_io, total_i - 1)
    cuminc_i = cuminc.astype(jnp.int32)
    estep_ref[...] = jnp.sum((s_cl >= cuminc_i).astype(jnp.int32), axis=1,
                             keepdims=True)
    srow_ref[...] = jnp.minimum(
        lax.broadcasted_iota(jnp.int32, (G, 1), 0), total_i - 1)


def _router(x, Wg, bg):
    return pl.pallas_call(
        _router_body,
        out_shape=(
            jax.ShapeDtypeStruct((T, 2), jnp.int32),
            jax.ShapeDtypeStruct((T, 2), jnp.float32),
            jax.ShapeDtypeStruct((G, 1), jnp.int32),
            jax.ShapeDtypeStruct((G, 1), jnp.int32),
            jax.ShapeDtypeStruct((1, 1), jnp.float32),
        ),
    )(x, Wg, bg)


@functools.lru_cache(maxsize=None)
def _sc_mesh():
    return plsc.VectorSubcoreMesh(
        core_axis_name="c", subcore_axis_name="s",
        num_cores=_NC, num_subcores=_NS)


def _dispatch_body(x_hbm, pos0_hbm, pos1_hbm, xg_hbm, idx0, idx1, rows_v, sem):
    wid = lax.axis_index("s") * _NC + lax.axis_index("c")
    base = wid * _CH
    pltpu.sync_copy(pos0_hbm.at[pl.ds(base, _CH)], idx0)
    pltpu.sync_copy(pos1_hbm.at[pl.ds(base, _CH)], idx1)
    pltpu.sync_copy(x_hbm.at[pl.ds(base, _CH)], rows_v)
    c0 = pltpu.async_copy(rows_v, xg_hbm.at[idx0], sem)
    c1 = pltpu.async_copy(rows_v, xg_hbm.at[idx1], sem)
    c0.wait()
    c1.wait()


@functools.lru_cache(maxsize=None)
def _dispatch_kernel():
    return pl.kernel(
        _dispatch_body,
        mesh=_sc_mesh(),
        out_type=jax.ShapeDtypeStruct((PROWS, D_IN), jnp.float32),
        scratch_types=[
            pltpu.VMEM((_CH,), jnp.int32),
            pltpu.VMEM((_CH,), jnp.int32),
            pltpu.VMEM((_CH, D_IN), jnp.float32),
            pltpu.SemaphoreType.DMA,
        ],
    )


def _gmm_body(estep_s, srow_s, xg_ref, w1_ref, b1_ref, w2_ref, b2_ref,
              pos0_ref, pos1_ref, wt0_ref, wt1_ref, y_ref):
    s = pl.program_id(0)

    @pl.when(srow_s[s] == s)
    def _():
        xb = xg_ref[...]
        h = jnp.dot(xb, w1_ref[0], preferred_element_type=jnp.float32)
        h = jnp.maximum(h + b1_ref[0], 0.0)
        y = jnp.dot(h, w2_ref[0], preferred_element_type=jnp.float32)
        rowid = s * BM + lax.broadcasted_iota(jnp.int32, (BM, 1), 0)
        m0 = (pos0_ref[...] == rowid).astype(jnp.float32)
        m1 = (pos1_ref[...] == rowid).astype(jnp.float32)
        ws = (jnp.dot(m0, wt0_ref[...], preferred_element_type=jnp.float32)
              + jnp.dot(m1, wt1_ref[...], preferred_element_type=jnp.float32))
        y_ref[...] = (y + b2_ref[0]) * ws


def _gmm(estep, srow, xg, W1, b1, W2, b2, pos0, pos1, wt0, wt1):
    grid_spec = pltpu.PrefetchScalarGridSpec(
        num_scalar_prefetch=2,
        grid=(G,),
        in_specs=[
            pl.BlockSpec((BM, D_IN), lambda s, es, sr: (sr[s], 0)),
            pl.BlockSpec((1, D_IN, D_HID), lambda s, es, sr: (es[s], 0, 0)),
            pl.BlockSpec((1, 1, D_HID), lambda s, es, sr: (es[s], 0, 0)),
            pl.BlockSpec((1, D_HID, D_OUT), lambda s, es, sr: (es[s], 0, 0)),
            pl.BlockSpec((1, 1, D_OUT), lambda s, es, sr: (es[s], 0, 0)),
            pl.BlockSpec((1, T), lambda s, es, sr: (0, 0)),
            pl.BlockSpec((1, T), lambda s, es, sr: (0, 0)),
            pl.BlockSpec((T, 1), lambda s, es, sr: (0, 0)),
            pl.BlockSpec((T, 1), lambda s, es, sr: (0, 0)),
        ],
        out_specs=pl.BlockSpec((BM, D_OUT), lambda s, es, sr: (sr[s], 0)),
    )
    return pl.pallas_call(
        _gmm_body,
        grid_spec=grid_spec,
        out_shape=jax.ShapeDtypeStruct((PROWS, D_OUT), jnp.float32),
    )(estep, srow, xg, W1, b1, W2, b2, pos0.reshape(1, T), pos1.reshape(1, T),
      wt0.reshape(T, 1), wt1.reshape(T, 1))


_NCHUNK = 4
_CC = _CH // _NCHUNK


def _combine_body(y_hbm, pos0_hbm, pos1_hbm, out_hbm, idx0, idx1, buf0, buf1,
                  sem0, sem1):
    wid = lax.axis_index("s") * _NC + lax.axis_index("c")
    base = wid * _CH
    pltpu.sync_copy(pos0_hbm.at[pl.ds(base, _CH)], idx0)
    pltpu.sync_copy(pos1_hbm.at[pl.ds(base, _CH)], idx1)
    cps = []
    for c in range(_NCHUNK):
        cs = pl.ds(c * _CC, _CC)
        cps.append((pltpu.async_copy(y_hbm.at[idx0.at[cs]], buf0.at[cs],
                                     sem0.at[c]),
                    pltpu.async_copy(y_hbm.at[idx1.at[cs]], buf1.at[cs],
                                     sem1.at[c])))
    for c in range(_NCHUNK):
        cp0, cp1 = cps[c]
        cp0.wait()
        cp1.wait()

        def row_add(i, carry):
            for j in range(D_OUT // 16):
                sl = pl.ds(j * 16, 16)
                buf0[i, sl] = buf0[i, sl] + buf1[i, sl]
            return carry

        lax.fori_loop(c * _CC, (c + 1) * _CC, row_add, 0)
        pltpu.sync_copy(buf0.at[pl.ds(c * _CC, _CC)],
                        out_hbm.at[pl.ds(base + c * _CC, _CC)])


@functools.lru_cache(maxsize=None)
def _combine_kernel():
    return pl.kernel(
        _combine_body,
        mesh=_sc_mesh(),
        out_type=jax.ShapeDtypeStruct((T, D_OUT), jnp.float32),
        scratch_types=[
            pltpu.VMEM((_CH,), jnp.int32),
            pltpu.VMEM((_CH,), jnp.int32),
            pltpu.VMEM((_CH, D_OUT), jnp.float32),
            pltpu.VMEM((_CH, D_OUT), jnp.float32),
            pltpu.SemaphoreType.DMA((_NCHUNK,)),
            pltpu.SemaphoreType.DMA((_NCHUNK,)),
        ],
    )


def kernel(input_tensor, Wg, bg, W1, b1, W2, b2):
    x = input_tensor.reshape(T, D_IN)
    pos, w, estep, srow, loss = _router(x, Wg, bg.reshape(1, E))
    pos0 = pos[:, 0]
    pos1 = pos[:, 1]
    xg = _dispatch_kernel()(x, pos0, pos1)
    y = _gmm(estep.reshape(G), srow.reshape(G), xg, W1,
             b1.reshape(E, 1, D_HID), W2, b2.reshape(E, 1, D_OUT),
             pos0, pos1, w[:, 0], w[:, 1])
    out = _combine_kernel()(y, pos0, pos1)
    return out.reshape(1, T, D_OUT), loss[0, 0]

# --- scband reference (transcript-rebuilt; emitter-appended) ---
"""Pipeline reference for scband-mixture-of-experts-88837103551402 (READ-ONLY COPY).

The authoritative reference and input builder live on the scoring server;
editing this copy changes nothing except your own understanding.
"""

import jax, jax.numpy as jnp
import numpy as np

E = 16
TOP_K = 2
D_IN = 768
D_HID = 2048
D_OUT = 768
B = 1
S = 2048
LB_WEIGHT = 0.01


def setup_inputs(seed: int = 0) -> dict:
    key = jax.random.key(seed)
    ks = jax.random.split(key, 8)
    x = jax.random.normal(ks[0], (B, S, D_IN), dtype=jnp.float32)
    Wg = jax.random.normal(ks[1], (D_IN, E), dtype=jnp.float32) * 0.02
    bg = jnp.zeros((E,), dtype=jnp.float32)
    W1 = jax.random.normal(ks[2], (E, D_IN, D_HID), dtype=jnp.float32) * 0.02
    b1 = jnp.zeros((E, D_HID), dtype=jnp.float32)
    W2 = jax.random.normal(ks[3], (E, D_HID, D_OUT), dtype=jnp.float32) * 0.02
    b2 = jnp.zeros((E, D_OUT), dtype=jnp.float32)
    return {"input_tensor": x, "Wg": Wg, "bg": bg, "W1": W1, "b1": b1, "W2": W2, "b2": b2}


def _moe_forward(x, Wg, bg, W1, b1, W2, b2):
    b, s, d = x.shape
    xf = x.reshape(-1, d)
    t = xf.shape[0]
    # Router
    logits = xf @ Wg + bg
    probs = jax.nn.softmax(logits, axis=-1)
    topw, topi = jax.lax.top_k(probs, TOP_K)
    topw = topw / jnp.sum(topw, axis=-1, keepdims=True)
    # Experts: linear1 -> ReLU -> linear2 (dense over all experts; unselected
    # experts receive zero combine weight, so math matches the sparse torch loop)
    h = jax.nn.relu(jnp.einsum('td,edh->eth', xf, W1) + b1[:, None, :])
    eo = jnp.einsum('eth,eho->eto', h, W2) + b2[:, None, :]
    # Per-token per-expert combine weights from top-k routing
    comb = jnp.sum(jax.nn.one_hot(topi, E, dtype=xf.dtype) * topw[..., None], axis=1)  # [T, E]
    outf = jnp.einsum('te,eto->to', comb, eo)
    out = outf.reshape(b, s, D_OUT)
    # Load balance loss
    frac = jnp.sum(jax.nn.one_hot(topi, E, dtype=jnp.float32), axis=(0, 1)) / (t * TOP_K)
    meanp = jnp.mean(probs, axis=0)
    loss = LB_WEIGHT * (E * jnp.sum(frac * meanp))
    return out, loss


def reference(input_tensor, Wg, bg, W1, b1, W2, b2):
    return _moe_forward(input_tensor, Wg, bg, W1, b1, W2, b2)

if __name__ == "__main__":
    import jax
    _d = setup_inputs()
    print(jax.jit(kernel)(*tuple(_d.values())))

</pallas_src>

<mosaic_0001>
#map = affine_map<(d0, d1) -> (0, 0)>
#map1 = affine_map<(d0, d1) -> (0)>
module attributes {stable_mosaic.version = 14 : i64} {
  func.func @_combine_body(%arg0: i32, %arg1: i32, %arg2: memref<9280x768xf32, #tpu.memory_space<hbm>>, %arg3: memref<2048xi32, #tpu.memory_space<hbm>>, %arg4: memref<2048xi32, #tpu.memory_space<hbm>>, %arg5: memref<2048x768xf32, #tpu.memory_space<hbm>>, %arg6: memref<64xi32, #tpu.memory_space<vmem>>, %arg7: memref<64xi32, #tpu.memory_space<vmem>>, %arg8: memref<64x768xf32, #tpu.memory_space<vmem>>, %arg9: memref<64x768xf32, #tpu.memory_space<vmem>>, %arg10: memref<4x!tpu.dma_semaphore, #tpu.memory_space<semaphore_mem>>, %arg11: memref<4x!tpu.dma_semaphore, #tpu.memory_space<semaphore_mem>>) attributes {dimension_semantics = [#tpu.dimension_semantics<core_parallel>, #tpu.dimension_semantics<subcore_parallel>], iteration_bounds = array<i64: 2, 16>, scalar_prefetch = 0 : i64, scratch_operands = 6 : i64, tpu.core_type = #tpu.core_type<sc_vector_subcore>, window_params = [{transform_indices = #map}, {transform_indices = #map1}, {transform_indices = #map1}, {transform_indices = #map}]} {
    %mul3A = arith.constant 2 : i32
    %mul3A_0 = arith.muli %arg1, %mul3A : i32
    %add3A = arith.addi %mul3A_0, %arg0 : i32
    %mul3A_1 = arith.constant 64 : i32
    %mul3A_2 = arith.muli %add3A, %mul3A_1 : i32
    "tpu.region"() ({
      %run_scoped3A = tpu.sem_alloc : memref<!tpu.dma_semaphore, #tpu.memory_space<semaphore_mem>>
      %dma_start3A_208 = tpu.memref_slice %arg3[%mul3A_2] : memref<2048xi32, #tpu.memory_space<hbm>> -> memref<64xi32, #tpu.memory_space<hbm>>
      %dma_start3A_209 = tpu.memref_slice %arg3[%mul3A_2] : memref<2048xi32, #tpu.memory_space<hbm>> -> memref<64xi32, #tpu.memory_space<hbm>>
      tpu.enqueue_dma source(%dma_start3A_209 : memref<64xi32, #tpu.memory_space<hbm>>) target(%arg6 : memref<64xi32, #tpu.memory_space<vmem>>) target_semaphore(%run_scoped3A : memref<!tpu.dma_semaphore, #tpu.memory_space<semaphore_mem>>)
      %dma_wait3A_210 = tpu.memref_slice %arg3[%mul3A_2] : memref<2048xi32, #tpu.memory_space<hbm>> -> memref<64xi32, #tpu.memory_space<hbm>>
      %dma_wait3A_211 = tpu.memref_slice %arg3[%mul3A_2] : memref<2048xi32, #tpu.memory_space<hbm>> -> memref<64xi32, #tpu.memory_space<hbm>>
      tpu.wait_dma2 semaphore(%run_scoped3A : memref<!tpu.dma_semaphore, #tpu.memory_space<semaphore_mem>>) src(%dma_wait3A_211 : memref<64xi32, #tpu.memory_space<hbm>>) dst(%arg6 : memref<64xi32, #tpu.memory_space<vmem>>)
      tpu.yield
    }) : () -> ()
    "tpu.region"() ({
      %run_scoped3A = tpu.sem_alloc : memref<!tpu.dma_semaphore, #tpu.memory_space<semaphore_mem>>
      %dma_start3A_208 = tpu.memref_slice %arg4[%mul3A_2] : memref<2048xi32, #tpu.memory_space<hbm>> -> memref<64xi32, #tpu.memory_space<hbm>>
      %dma_start3A_209 = tpu.memref_slice %arg4[%mul3A_2] : memref<2048xi32, #tpu.memory_space<hbm>> -> memref<64xi32, #tpu.memory_space<hbm>>
      tpu.enqueue_dma source(%dma_start3A_209 : memref<64xi32, #tpu.memory_space<hbm>>) target(%arg7 : memref<64xi32, #tpu.memory_space<vmem>>) target_semaphore(%run_scoped3A : memref<!tpu.dma_semaphore, #tpu.memory_space<semaphore_mem>>)
      %dma_wait3A_210 = tpu.memref_slice %arg4[%mul3A_2] : memref<2048xi32, #tpu.memory_space<hbm>> -> memref<64xi32, #tpu.memory_space<hbm>>
      %dma_wait3A_211 = tpu.memref_slice %arg4[%mul3A_2] : memref<2048xi32, #tpu.memory_space<hbm>> -> memref<64xi32, #tpu.memory_space<hbm>>
      tpu.wait_dma2 semaphore(%run_scoped3A : memref<!tpu.dma_semaphore, #tpu.memory_space<semaphore_mem>>) src(%dma_wait3A_211 : memref<64xi32, #tpu.memory_space<hbm>>) dst(%arg7 : memref<64xi32, #tpu.memory_space<vmem>>)
      tpu.yield
    }) : () -> ()
    %dma_start3A = arith.constant 0 : i32
    %dma_start3A_3 = arith.constant 0 : i32
    %dma_start3A_4 = arith.constant 0 : i32
    %dma_start3A_5 = tpu.memref_slice %arg8[%dma_start3A_3, %dma_start3A_4] : memref<64x768xf32, #tpu.memory_space<vmem>> -> memref<16x768xf32, #tpu.memory_space<vmem>>
    %dma_start3A_6 = arith.constant 0 : i32
    %dma_start3A_7 = tpu.memref_slice %arg6[%dma_start3A_6] : memref<64xi32, #tpu.memory_space<vmem>> -> memref<16xi32, #tpu.memory_space<vmem>>
    %dma_start3A_8 = arith.constant 0 : i32
    %dma_start3A_9 = arith.constant 0 : i32
    %dma_start3A_10 = tpu.memref_slice %arg2[%dma_start3A_8, %dma_start3A_9] : memref<9280x768xf32, #tpu.memory_space<hbm>> -> memref<9280x768xf32, #tpu.memory_space<hbm>>
    %dma_start3A_11 = tpu.memref_slice %arg10[%dma_start3A] : memref<4x!tpu.dma_semaphore, #tpu.memory_space<semaphore_mem>> -> memref<1x!tpu.dma_semaphore, #tpu.memory_space<semaphore_mem>>
    %dma_start3A_12 = tpu.memref_squeeze %dma_start3A_11 : memref<1x!tpu.dma_semaphore, #tpu.memory_space<semaphore_mem>> -> memref<!tpu.dma_semaphore, #tpu.memory_space<semaphore_mem>>
    tpu.enqueue_indirect_dma source(%dma_start3A_10 : memref<9280x768xf32, #tpu.memory_space<hbm>>) target(%dma_start3A_5 : memref<16x768xf32, #tpu.memory_space<vmem>>) offsets(%dma_start3A_7 : memref<16xi32, #tpu.memory_space<vmem>>) semaphore(%dma_start3A_12 : memref<!tpu.dma_semaphore, #tpu.memory_space<semaphore_mem>>)
    %dma_start3A_13 = arith.constant 0 : i32
    %dma_start3A_14 = arith.constant 0 : i32
    %dma_start3A_15 = arith.constant 0 : i32
    %dma_start3A_16 = tpu.memref_slice %arg9[%dma_start3A_14, %dma_start3A_15] : memref<64x768xf32, #tpu.memory_space<vmem>> -> memref<16x768xf32, #tpu.memory_space<vmem>>
    %dma_start3A_17 = arith.constant 0 : i32
    %dma_start3A_18 = tpu.memref_slice %arg7[%dma_start3A_17] : memref<64xi32, #tpu.memory_space<vmem>> -> memref<16xi32, #tpu.memory_space<vmem>>
    %dma_start3A_19 = arith.constant 0 : i32
    %dma_start3A_20 = arith.constant 0 : i32
    %dma_start3A_21 = tpu.memref_slice %arg2[%dma_start3A_19, %dma_start3A_20] : memref<9280x768xf32, #tpu.memory_space<hbm>> -> memref<9280x768xf32, #tpu.memory_space<hbm>>
    %dma_start3A_22 = tpu.memref_slice %arg11[%dma_start3A_13] : memref<4x!tpu.dma_semaphore, #tpu.memory_space<semaphore_mem>> -> memref<1x!tpu.dma_semaphore, #tpu.memory_space<semaphore_mem>>
    %dma_start3A_23 = tpu.memref_squeeze %dma_start3A_22 : memref<1x!tpu.dma_semaphore, #tpu.memory_space<semaphore_mem>> -> memref<!tpu.dma_semaphore, #tpu.memory_space<semaphore_mem>>
    tpu.enqueue_indirect_dma source(%dma_start3A_21 : memref<9280x768xf32, #tpu.memory_space<hbm>>) target(%dma_start3A_16 : memref<16x768xf32, #tpu.memory_space<vmem>>) offsets(%dma_start3A_18 : memref<16xi32, #tpu.memory_space<vmem>>) semaphore(%dma_start3A_23 : memref<!tpu.dma_semaphore, #tpu.memory_space<semaphore_mem>>)
    %dma_start3A_24 = arith.constant 1 : i32
    %dma_start3A_25 = arith.constant 16 : i32
    %dma_start3A_26 = arith.constant 0 : i32
    %dma_start3A_27 = tpu.memref_slice %arg8[%dma_start3A_25, %dma_start3A_26] : memref<64x768xf32, #tpu.memory_space<vmem>> -> memref<16x768xf32, #tpu.memory_space<vmem>>
    %dma_start3A_28 = arith.constant 16 : i32
    %dma_start3A_29 = tpu.memref_slice %arg6[%dma_start3A_28] : memref<64xi32, #tpu.memory_space<vmem>> -> memref<16xi32, #tpu.memory_space<vmem>>
    %dma_start3A_30 = arith.constant 0 : i32
    %dma_start3A_31 = arith.constant 0 : i32
    %dma_start3A_32 = tpu.memref_slice %arg2[%dma_start3A_30, %dma_start3A_31] : memref<9280x768xf32, #tpu.memory_space<hbm>> -> memref<9280x768xf32, #tpu.memory_space<hbm>>
    %dma_start3A_33 = tpu.memref_slice %arg10[%dma_start3A_24] : memref<4x!tpu.dma_semaphore, #tpu.memory_space<semaphore_mem>> -> memref<1x!tpu.dma_semaphore, #tpu.memory_space<semaphore_mem>>
    %dma_start3A_34 = tpu.memref_squeeze %dma_start3A_33 : memref<1x!tpu.dma_semaphore, #tpu.memory_space<semaphore_mem>> -> memref<!tpu.dma_semaphore, #tpu.memory_space<semaphore_mem>>
    tpu.enqueue_indirect_dma source(%dma_start3A_32 : memref<9280x768xf32, #tpu.memory_space<hbm>>) target(%dma_start3A_27 : memref<16x768xf32, #tpu.memory_space<vmem>>) offsets(%dma_start3A_29 : memref<16xi32, #tpu.memory_space<vmem>>) semaphore(%dma_start3A_34 : memref<!tpu.dma_semaphore, #tpu.memory_space<semaphore_mem>>)
    %dma_start3A_35 = arith.constant 1 : i32
    %dma_start3A_36 = arith.constant 16 : i32
    %dma_start3A_37 = arith.constant 0 : i32
    %dma_start3A_38 = tpu.memref_slice %arg9[%dma_start3A_36, %dma_start3A_37] : memref<64x768xf32, #tpu.memory_space<vmem>> -> memref<16x768xf32, #tpu.memory_space<vmem>>
    %dma_start3A_39 = arith.constant 16 : i32
    %dma_start3A_40 = tpu.memref_slice %arg7[%dma_start3A_39] : memref<64xi32, #tpu.memory_space<vmem>> -> memref<16xi32, #tpu.memory_space<vmem>>
    %dma_start3A_41 = arith.constant 0 : i32
    %dma_start3A_42 = arith.constant 0 : i32
    %dma_start3A_43 = tpu.memref_slice %arg2[%dma_start3A_41, %dma_start3A_42] : memref<9280x768xf32, #tpu.memory_space<hbm>> -> memref<9280x768xf32, #tpu.memory_space<hbm>>
    %dma_start3A_44 = tpu.memref_slice %arg11[%dma_start3A_35] : memref<4x!tpu.dma_semaphore, #tpu.memory_space<semaphore_mem>> -> memref<1x!tpu.dma_semaphore, #tpu.memory_space<semaphore_mem>>
    %dma_start3A_45 = tpu.memref_squeeze %dma_start3A_44 : memref<1x!tpu.dma_semaphore, #tpu.memory_space<semaphore_mem>> -> memref<!tpu.dma_semaphore, #tpu.memory_space<semaphore_mem>>
    tpu.enqueue_indirect_dma source(%dma_start3A_43 : memref<9280x768xf32, #tpu.memory_space<hbm>>) target(%dma_start3A_38 : memref<16x768xf32, #tpu.memory_space<vmem>>) offsets(%dma_start3A_40 : memref<16xi32, #tpu.memory_space<vmem>>) semaphore(%dma_start3A_45 : memref<!tpu.dma_semaphore, #tpu.memory_space<semaphore_mem>>)
    %dma_start3A_46 = arith.constant 2 : i32
    %dma_start3A_47 = arith.constant 32 : i32
    %dma_start3A_48 = arith.constant 0 : i32
    %dma_start3A_49 = tpu.memref_slice %arg8[%dma_start3A_47, %dma_start3A_48] : memref<64x768xf32, #tpu.memory_space<vmem>> -> memref<16x768xf32, #tpu.memory_space<vmem>>
    %dma_start3A_50 = arith.constant 32 : i32
    %dma_start3A_51 = tpu.memref_slice %arg6[%dma_start3A_50] : memref<64xi32, #tpu.memory_space<vmem>> -> memref<16xi32, #tpu.memory_space<vmem>>
    %dma_start3A_52 = arith.constant 0 : i32
    %dma_start3A_53 = arith.constant 0 : i32
    %dma_start3A_54 = tpu.memref_slice %arg2[%dma_start3A_52, %dma_start3A_53] : memref<9280x768xf32, #tpu.memory_space<hbm>> -> memref<9280x768xf32, #tpu.memory_space<hbm>>
    %dma_start3A_55 = tpu.memref_slice %arg10[%dma_start3A_46] : memref<4x!tpu.dma_semaphore, #tpu.memory_space<semaphore_mem>> -> memref<1x!tpu.dma_semaphore, #tpu.memory_space<semaphore_mem>>
    %dma_start3A_56 = tpu.memref_squeeze %dma_start3A_55 : memref<1x!tpu.dma_semaphore, #tpu.memory_space<semaphore_mem>> -> memref<!tpu.dma_semaphore, #tpu.memory_space<semaphore_mem>>
    tpu.enqueue_indirect_dma source(%dma_start3A_54 : memref<9280x768xf32, #tpu.memory_space<hbm>>) target(%dma_start3A_49 : memref<16x768xf32, #tpu.memory_space<vmem>>) offsets(%dma_start3A_51 : memref<16xi32, #tpu.memory_space<vmem>>) semaphore(%dma_start3A_56 : memref<!tpu.dma_semaphore, #tpu.memory_space<semaphore_mem>>)
    %dma_start3A_57 = arith.constant 2 : i32
    %dma_start3A_58 = arith.constant 32 : i32
    %dma_start3A_59 = arith.constant 0 : i32
    %dma_start3A_60 = tpu.memref_slice %arg9[%dma_start3A_58, %dma_start3A_59] : memref<64x768xf32, #tpu.memory_space<vmem>> -> memref<16x768xf32, #tpu.memory_space<vmem>>
    %dma_start3A_61 = arith.constant 32 : i32
    %dma_start3A_62 = tpu.memref_slice %arg7[%dma_start3A_61] : memref<64xi32, #tpu.memory_space<vmem>> -> memref<16xi32, #tpu.memory_space<vmem>>
    %dma_start3A_63 = arith.constant 0 : i32
    %dma_start3A_64 = arith.constant 0 : i32
    %dma_start3A_65 = tpu.memref_slice %arg2[%dma_start3A_63, %dma_start3A_64] : memref<9280x768xf32, #tpu.memory_space<hbm>> -> memref<9280x768xf32, #tpu.memory_space<hbm>>
    %dma_start3A_66 = tpu.memref_slice %arg11[%dma_start3A_57] : memref<4x!tpu.dma_semaphore, #tpu.memory_space<semaphore_mem>> -> memref<1x!tpu.dma_semaphore, #tpu.memory_space<semaphore_mem>>
    %dma_start3A_67 = tpu.memref_squeeze %dma_start3A_66 : memref<1x!tpu.dma_semaphore, #tpu.memory_space<semaphore_mem>> -> memref<!tpu.dma_semaphore, #tpu.memory_space<semaphore_mem>>
    tpu.enqueue_indirect_dma source(%dma_start3A_65 : memref<9280x768xf32, #tpu.memory_space<hbm>>) target(%dma_start3A_60 : memref<16x768xf32, #tpu.memory_space<vmem>>) offsets(%dma_start3A_62 : memref<16xi32, #tpu.memory_space<vmem>>) semaphore(%dma_start3A_67 : memref<!tpu.dma_semaphore, #tpu.memory_space<semaphore_mem>>)
    %dma_start3A_68 = arith.constant 3 : i32
    %dma_start3A_69 = arith.constant 48 : i32
    %dma_start3A_70 = arith.constant 0 : i32
    %dma_start3A_71 = tpu.memref_slice %arg8[%dma_start3A_69, %dma_start3A_70] : memref<64x768xf32, #tpu.memory_space<vmem>> -> memref<16x768xf32, #tpu.memory_space<vmem>>
    %dma_start3A_72 = arith.constant 48 : i32
    %dma_start3A_73 = tpu.memref_slice %arg6[%dma_start3A_72] : memref<64xi32, #tpu.memory_space<vmem>> -> memref<16xi32, #tpu.memory_space<vmem>>
    %dma_start3A_74 = arith.constant 0 : i32
    %dma_start3A_75 = arith.constant 0 : i32
    %dma_start3A_76 = tpu.memref_slice %arg2[%dma_start3A_74, %dma_start3A_75] : memref<9280x768xf32, #tpu.memory_space<hbm>> -> memref<9280x768xf32, #tpu.memory_space<hbm>>
    %dma_start3A_77 = tpu.memref_slice %arg10[%dma_start3A_68] : memref<4x!tpu.dma_semaphore, #tpu.memory_space<semaphore_mem>> -> memref<1x!tpu.dma_semaphore, #tpu.memory_space<semaphore_mem>>
    %dma_start3A_78 = tpu.memref_squeeze %dma_start3A_77 : memref<1x!tpu.dma_semaphore, #tpu.memory_space<semaphore_mem>> -> memref<!tpu.dma_semaphore, #tpu.memory_space<semaphore_mem>>
    tpu.enqueue_indirect_dma source(%dma_start3A_76 : memref<9280x768xf32, #tpu.memory_space<hbm>>) target(%dma_start3A_71 : memref<16x768xf32, #tpu.memory_space<vmem>>) offsets(%dma_start3A_73 : memref<16xi32, #tpu.memory_space<vmem>>) semaphore(%dma_start3A_78 : memref<!tpu.dma_semaphore, #tpu.memory_space<semaphore_mem>>)
    %dma_start3A_79 = arith.constant 3 : i32
    %dma_start3A_80 = arith.constant 48 : i32
    %dma_start3A_81 = arith.constant 0 : i32
    %dma_start3A_82 = tpu.memref_slice %arg9[%dma_start3A_80, %dma_start3A_81] : memref<64x768xf32, #tpu.memory_space<vmem>> -> memref<16x768xf32, #tpu.memory_space<vmem>>
    %dma_start3A_83 = arith.constant 48 : i32
    %dma_start3A_84 = tpu.memref_slice %arg7[%dma_start3A_83] : memref<64xi32, #tpu.memory_space<vmem>> -> memref<16xi32, #tpu.memory_space<vmem>>
    %dma_start3A_85 = arith.constant 0 : i32
    %dma_start3A_86 = arith.constant 0 : i32
    %dma_start3A_87 = tpu.memref_slice %arg2[%dma_start3A_85, %dma_start3A_86] : memref<9280x768xf32, #tpu.memory_space<hbm>> -> memref<9280x768xf32, #tpu.memory_space<hbm>>
    %dma_start3A_88 = tpu.memref_slice %arg11[%dma_start3A_79] : memref<4x!tpu.dma_semaphore, #tpu.memory_space<semaphore_mem>> -> memref<1x!tpu.dma_semaphore, #tpu.memory_space<semaphore_mem>>
    %dma_start3A_89 = tpu.memref_squeeze %dma_start3A_88 : memref<1x!tpu.dma_semaphore, #tpu.memory_space<semaphore_mem>> -> memref<!tpu.dma_semaphore, #tpu.memory_space<semaphore_mem>>
    tpu.enqueue_indirect_dma source(%dma_start3A_87 : memref<9280x768xf32, #tpu.memory_space<hbm>>) target(%dma_start3A_82 : memref<16x768xf32, #tpu.memory_space<vmem>>) offsets(%dma_start3A_84 : memref<16xi32, #tpu.memory_space<vmem>>) semaphore(%dma_start3A_89 : memref<!tpu.dma_semaphore, #tpu.memory_space<semaphore_mem>>)
    %dma_wait3A = arith.constant 0 : i32
    %dma_wait3A_90 = arith.constant 0 : i32
    %dma_wait3A_91 = arith.constant 0 : i32
    %dma_wait3A_92 = tpu.memref_slice %arg8[%dma_wait3A_90, %dma_wait3A_91] : memref<64x768xf32, #tpu.memory_space<vmem>> -> memref<16x768xf32, #tpu.memory_space<vmem>>
    %dma_wait3A_93 = arith.constant 0 : i32
    %dma_wait3A_94 = tpu.memref_slice %arg6[%dma_wait3A_93] : memref<64xi32, #tpu.memory_space<vmem>> -> memref<16xi32, #tpu.memory_space<vmem>>
    %dma_wait3A_95 = arith.constant 0 : i32
    %dma_wait3A_96 = arith.constant 0 : i32
    %dma_wait3A_97 = tpu.memref_slice %arg2[%dma_wait3A_95, %dma_wait3A_96] : memref<9280x768xf32, #tpu.memory_space<hbm>> -> memref<9280x768xf32, #tpu.memory_space<hbm>>
    %dma_wait3A_98 = tpu.memref_slice %arg10[%dma_wait3A] : memref<4x!tpu.dma_semaphore, #tpu.memory_space<semaphore_mem>> -> memref<1x!tpu.dma_semaphore, #tpu.memory_space<semaphore_mem>>
    %dma_wait3A_99 = tpu.memref_squeeze %dma_wait3A_98 : memref<1x!tpu.dma_semaphore, #tpu.memory_space<semaphore_mem>> -> memref<!tpu.dma_semaphore, #tpu.memory_space<semaphore_mem>>
    tpu.wait_indirect_dma semaphore(%dma_wait3A_99 : memref<!tpu.dma_semaphore, #tpu.memory_space<semaphore_mem>>) src(%dma_wait3A_97 : memref<9280x768xf32, #tpu.memory_space<hbm>>) dst(%dma_wait3A_92 : memref<16x768xf32, #tpu.memory_space<vmem>>)
    %dma_wait3A_100 = arith.constant 0 : i32
    %dma_wait3A_101 = arith.constant 0 : i32
    %dma_wait3A_102 = arith.constant 0 : i32
    %dma_wait3A_103 = tpu.memref_slice %arg9[%dma_wait3A_101, %dma_wait3A_102] : memref<64x768xf32, #tpu.memory_space<vmem>> -> memref<16x768xf32, #tpu.memory_space<vmem>>
    %dma_wait3A_104 = arith.constant 0 : i32
    %dma_wait3A_105 = tpu.memref_slice %arg7[%dma_wait3A_104] : memref<64xi32, #tpu.memory_space<vmem>> -> memref<16xi32, #tpu.memory_space<vmem>>
    %dma_wait3A_106 = arith.constant 0 : i32
    %dma_wait3A_107 = arith.constant 0 : i32
    %dma_wait3A_108 = tpu.memref_slice %arg2[%dma_wait3A_106, %dma_wait3A_107] : memref<9280x768xf32, #tpu.memory_space<hbm>> -> memref<9280x768xf32, #tpu.memory_space<hbm>>
    %dma_wait3A_109 = tpu.memref_slice %arg11[%dma_wait3A_100] : memref<4x!tpu.dma_semaphore, #tpu.memory_space<semaphore_mem>> -> memref<1x!tpu.dma_semaphore, #tpu.memory_space<semaphore_mem>>
    %dma_wait3A_110 = tpu.memref_squeeze %dma_wait3A_109 : memref<1x!tpu.dma_semaphore, #tpu.memory_space<semaphore_mem>> -> memref<!tpu.dma_semaphore, #tpu.memory_space<semaphore_mem>>
    tpu.wait_indirect_dma semaphore(%dma_wait3A_110 : memref<!tpu.dma_semaphore, #tpu.memory_space<semaphore_mem>>) src(%dma_wait3A_108 : memref<9280x768xf32, #tpu.memory_space<hbm>>) dst(%dma_wait3A_103 : memref<16x768xf32, #tpu.memory_space<vmem>>)
    %scan3A = arith.constant 0 : i32
    %scan3A_111 = arith.constant 0 : i32
    %scan3A_112 = arith.constant 16 : i32
    %scan3A_113 = arith.addi %scan3A_111, %scan3A_112 : i32
    %scan3A_114 = arith.constant 1 : i32
    scf.for %scan3A_208 = %scan3A_111 to %scan3A_113 step %scan3A_114  : i32 {
      %get3A = arith.index_cast %scan3A_208 : i32 to index
      %get3A_209 = arith.constant 0 : index
      %get3A_210 = tpu.vector_load %arg8[%get3A, %get3A_209] {strides = array<i32>} : memref<64x768xf32, #tpu.memory_space<vmem>>, vector<1x16xf32>,
      %get3A_211 = vector.shape_cast %get3A_210 : vector<1x16xf32> to vector<16xf32>
      %get3A_212 = arith.index_cast %scan3A_208 : i32 to index
      %get3A_213 = arith.constant 0 : index
      %get3A_214 = tpu.vector_load %arg9[%get3A_212, %get3A_213] {strides = array<i32>} : memref<64x768xf32, #tpu.memory_space<vmem>>, vector<1x16xf32>,
      %get3A_215 = vector.shape_cast %get3A_214 : vector<1x16xf32> to vector<16xf32>
      %add3A_216 = arith.addf %get3A_211, %get3A_215 : vector<16xf32>
      %swap3A = arith.index_cast %scan3A_208 : i32 to index
      %swap3A_217 = arith.constant 0 : index
      %swap3A_218 = tpu.vector_load %arg8[%swap3A, %swap3A_217] {strides = array<i32>} : memref<64x768xf32, #tpu.memory_space<vmem>>, vector<1x16xf32>,
      %swap3A_219 = vector.shape_cast %swap3A_218 : vector<1x16xf32> to vector<16xf32>
      %swap3A_220 = vector.shape_cast %add3A_216 : vector<16xf32> to vector<1x16xf32>
      tpu.vector_store %arg8[%swap3A, %swap3A_217], %swap3A_220 {strides = array<i32>} : memref<64x768xf32, #tpu.memory_space<vmem>>, vector<1x16xf32>,
      %get3A_221 = arith.index_cast %scan3A_208 : i32 to index
      %get3A_222 = arith.constant 16 : index
      %get3A_223 = tpu.vector_load %arg8[%get3A_221, %get3A_222] {strides = array<i32>} : memref<64x768xf32, #tpu.memory_space<vmem>>, vector<1x16xf32>,
      %get3A_224 = vector.shape_cast %get3A_223 : vector<1x16xf32> to vector<16xf32>
      %get3A_225 = arith.index_cast %scan3A_208 : i32 to index
      %get3A_226 = arith.constant 16 : index
      %get3A_227 = tpu.vector_load %arg9[%get3A_225, %get3A_226] {strides = array<i32>} : memref<64x768xf32, #tpu.memory_space<vmem>>, vector<1x16xf32>,
      %get3A_228 = vector.shape_cast %get3A_227 : vector<1x16xf32> to vector<16xf32>
      %add3A_229 = arith.addf %get3A_224, %get3A_228 : vector<16xf32>
      %swap3A_230 = arith.index_cast %scan3A_208 : i32 to index
      %swap3A_231 = arith.constant 16 : index
      %swap3A_232 = tpu.vector_load %arg8[%swap3A_230, %swap3A_231] {strides = array<i32>} : memref<64x768xf32, #tpu.memory_space<vmem>>, vector<1x16xf32>,
      %swap3A_233 = vector.shape_cast %swap3A_232 : vector<1x16xf32> to vector<16xf32>
      %swap3A_234 = vector.shape_cast %add3A_229 : vector<16xf32> to vector<1x16xf32>
      tpu.vector_store %arg8[%swap3A_230, %swap3A_231], %swap3A_234 {strides = array<i32>} : memref<64x768xf32, #tpu.memory_space<vmem>>, vector<1x16xf32>,
      %get3A_235 = arith.index_cast %scan3A_208 : i32 to index
      %get3A_236 = arith.constant 32 : index
      %get3A_237 = tpu.vector_load %arg8[%get3A_235, %get3A_236] {strides = array<i32>} : memref<64x768xf32, #tpu.memory_space<vmem>>, vector<1x16xf32>,
      %get3A_238 = vector.shape_cast %get3A_237 : vector<1x16xf32> to vector<16xf32>
      %get3A_239 = arith.index_cast %scan3A_208 : i32 to index
      %get3A_240 = arith.constant 32 : index
      %get3A_241 = tpu.vector_load %arg9[%get3A_239, %get3A_240] {strides = array<i32>} : memref<64x768xf32, #tpu.memory_space<vmem>>, vector<1x16xf32>,
      %get3A_242 = vector.shape_cast %get3A_241 : vector<1x16xf32> to vector<16xf32>
      %add3A_243 = arith.addf %get3A_238, %get3A_242 : vector<16xf32>
      %swap3A_244 = arith.index_cast %scan3A_208 : i32 to index
      %swap3A_245 = arith.constant 32 : index
      %swap3A_246 = tpu.vector_load %arg8[%swap3A_244, %swap3A_245] {strides = array<i32>} : memref<64x768xf32, #tpu.memory_space<vmem>>, vector<1x16xf32>,
      %swap3A_247 = vector.shape_cast %swap3A_246 : vector<1x16xf32> to vector<16xf32>
      %swap3A_248 = vector.shape_cast %add3A_243 : vector<16xf32> to vector<1x16xf32>
      tpu.vector_store %arg8[%swap3A_244, %swap3A_245], %swap3A_248 {strides = array<i32>} : memref<64x768xf32, #tpu.memory_space<vmem>>, vector<1x16xf32>,
      %get3A_249 = arith.index_cast %scan3A_208 : i32 to index
      %get3A_250 = arith.constant 48 : index
      %get3A_251 = tpu.vector_load %arg8[%get3A_249, %get3A_250] {strides = array<i32>} : memref<64x768xf32, #tpu.memory_space<vmem>>, vector<1x16xf32>,
      %get3A_252 = vector.shape_cast %get3A_251 : vector<1x16xf32> to vector<16xf32>
      %get3A_253 = arith.index_cast %scan3A_208 : i32 to index
      %get3A_254 = arith.constant 48 : index
      %get3A_255 = tpu.vector_load %arg9[%get3A_253, %get3A_254] {strides = array<i32>} : memref<64x768xf32, #tpu.memory_space<vmem>>, vector<1x16xf32>,
      %get3A_256 = vector.shape_cast %get3A_255 : vector<1x16xf32> to vector<16xf32>
      %add3A_257 = arith.addf %get3A_252, %get3A_256 : vector<16xf32>
      %swap3A_258 = arith.index_cast %scan3A_208 : i32 to index
      %swap3A_259 = arith.constant 48 : index
      %swap3A_260 = tpu.vector_load %arg8[%swap3A_258, %swap3A_259] {strides = array<i32>} : memref<64x768xf32, #tpu.memory_space<vmem>>, vector<1x16xf32>,
      %swap3A_261 = vector.shape_cast %swap3A_260 : vector<1x16xf32> to vector<16xf32>
      %swap3A_262 = vector.shape_cast %add3A_257 : vector<16xf32> to vector<1x16xf32>
      tpu.vector_store %arg8[%swap3A_258, %swap3A_259], %swap3A_262 {strides = array<i32>} : memref<64x768xf32, #tpu.memory_space<vmem>>, vector<1x16xf32>,
      %get3A_263 = arith.index_cast %scan3A_208 : i32 to index
      %get3A_264 = arith.constant 64 : index
      %get3A_265 = tpu.vector_load %arg8[%get3A_263, %get3A_264] {strides = array<i32>} : memref<64x768xf32, #tpu.memory_space<vmem>>, vector<1x16xf32>,
      %get3A_266 = vector.shape_cast %get3A_265 : vector<1x16xf32> to vector<16xf32>
      %get3A_267 = arith.index_cast %scan3A_208 : i32 to index
      %get3A_268 = arith.constant 64 : index
      %get3A_269 = tpu.vector_load %arg9[%get3A_267, %get3A_268] {strides = array<i32>} : memref<64x768xf32, #tpu.memory_space<vmem>>, vector<1x16xf32>,
      %get3A_270 = vector.shape_cast %get3A_269 : vector<1x16xf32> to vector<16xf32>
      %add3A_271 = arith.addf %get3A_266, %get3A_270 : vector<16xf32>
      %swap3A_272 = arith.index_cast %scan3A_208 : i32 to index
      %swap3A_273 = arith.constant 64 : index
      %swap3A_274 = tpu.vector_load %arg8[%swap3A_272, %swap3A_273] {strides = array<i32>} : memref<64x768xf32, #tpu.memory_space<vmem>>, vector<1x16xf32>,
      %swap3A_275 = vector.shape_cast %swap3A_274 : vector<1x16xf32> to vector<16xf32>
      %swap3A_276 = vector.shape_cast %add3A_271 : vector<16xf32> to vector<1x16xf32>
      tpu.vector_store %arg8[%swap3A_272, %swap3A_273], %swap3A_276 {strides = array<i32>} : memref<64x768xf32, #tpu.memory_space<vmem>>, vector<1x16xf32>,
      %get3A_277 = arith.index_cast %scan3A_208 : i32 to index
      %get3A_278 = arith.constant 80 : index
      %get3A_279 = tpu.vector_load %arg8[%get3A_277, %get3A_278] {strides = array<i32>} : memref<64x768xf32, #tpu.memory_space<vmem>>, vector<1x16xf32>,
      %get3A_280 = vector.shape_cast %get3A_279 : vector<1x16xf32> to vector<16xf32>
      %get3A_281 = arith.index_cast %scan3A_208 : i32 to index
      %get3A_282 = arith.constant 80 : index
      %get3A_283 = tpu.vector_load %arg9[%get3A_281, %get3A_282] {strides = array<i32>} : memref<64x768xf32, #tpu.memory_space<vmem>>, vector<1x16xf32>,
      %get3A_284 = vector.shape_cast %get3A_283 : vector<1x16xf32> to vector<16xf32>
      %add3A_285 = arith.addf %get3A_280, %get3A_284 : vector<16xf32>
      %swap3A_286 = arith.index_cast %scan3A_208 : i32 to index
      %swap3A_287 = arith.constant 80 : index
      %swap3A_288 = tpu.vector_load %arg8[%swap3A_286, %swap3A_287] {strides = array<i32>} : memref<64x768xf32, #tpu.memory_space<vmem>>, vector<1x16xf32>,
      %swap3A_289 = vector.shape_cast %swap3A_288 : vector<1x16xf32> to vector<16xf32>
      %swap3A_290 = vector.shape_cast %add3A_285 : vector<16xf32> to vector<1x16xf32>
      tpu.vector_store %arg8[%swap3A_286, %swap3A_287], %swap3A_290 {strides = array<i32>} : memref<64x768xf32, #tpu.memory_space<vmem>>, vector<1x16xf32>,
      %get3A_291 = arith.index_cast %scan3A_208 : i32 to index
      %get3A_292 = arith.constant 96 : index
      %get3A_293 = tpu.vector_load %arg8[%get3A_291, %get3A_292] {strides = array<i32>} : memref<64x768xf32, #tpu.memory_space<vmem>>, vector<1x16xf32>,
      %get3A_294 = vector.shape_cast %get3A_293 : vector<1x16xf32> to vector<16xf32>
      %get3A_295 = arith.index_cast %scan3A_208 : i32 to index
      %get3A_296 = arith.constant 96 : index
      %get3A_297 = tpu.vector_load %arg9[%get3A_295, %get3A_296] {strides = array<i32>} : memref<64x768xf32, #tpu.memory_space<vmem>>, vector<1x16xf32>,
      %get3A_298 = vector.shape_cast %get3A_297 : vector<1x16xf32> to vector<16xf32>
      %add3A_299 = arith.addf %get3A_294, %get3A_298 : vector<16xf32>
      %swap3A_300 = arith.index_cast %scan3A_208 : i32 to index
      %swap3A_301 = arith.constant 96 : index
      %swap3A_302 = tpu.vector_load %arg8[%swap3A_300, %swap3A_301] {strides = array<i32>} : memref<64x768xf32, #tpu.memory_space<vmem>>, vector<1x16xf32>,
      %swap3A_303 = vector.shape_cast %swap3A_302 : vector<1x16xf32> to vector<16xf32>
      %swap3A_304 = vector.shape_cast %add3A_299 : vector<16xf32> to vector<1x16xf32>
      tpu.vector_store %arg8[%swap3A_300, %swap3A_301], %swap3A_304 {strides = array<i32>} : memref<64x768xf32, #tpu.memory_space<vmem>>, vector<1x16xf32>,
      %get3A_305 = arith.index_cast %scan3A_208 : i32 to index
      %get3A_306 = arith.constant 112 : index
      %get3A_307 = tpu.vector_load %arg8[%get3A_305, %get3A_306] {strides = array<i32>} : memref<64x768xf32, #tpu.memory_space<vmem>>, vector<1x16xf32>,
      %get3A_308 = vector.shape_cast %get3A_307 : vector<1x16xf32> to vector<16xf32>
      %get3A_309 = arith.index_cast %scan3A_208 : i32 to index
      %get3A_310 = arith.constant 112 : index
      %get3A_311 = tpu.vector_load %arg9[%get3A_309, %get3A_310] {strides = array<i32>} : memref<64x768xf32, #tpu.memory_space<vmem>>, vector<1x16xf32>,
      %get3A_312 = vector.shape_cast %get3A_311 : vector<1x16xf32> to vector<16xf32>
      %add3A_313 = arith.addf %get3A_308, %get3A_312 : vector<16xf32>
      %swap3A_314 = arith.index_cast %scan3A_208 : i32 to index
      %swap3A_315 = arith.constant 112 : index
      %swap3A_316 = tpu.vector_load %arg8[%swap3A_314, %swap3A_315] {strides = array<i32>} : memref<64x768xf32, #tpu.memory_space<vmem>>, vector<1x16xf32>,
      %swap3A_317 = vector.shape_cast %swap3A_316 : vector<1x16xf32> to vector<16xf32>
      %swap3A_318 = vector.shape_cast %add3A_313 : vector<16xf32> to vector<1x16xf32>
      tpu.vector_store %arg8[%swap3A_314, %swap3A_315], %swap3A_318 {strides = array<i32>} : memref<64x768xf32, #tpu.memory_space<vmem>>, vector<1x16xf32>,
      %get3A_319 = arith.index_cast %scan3A_208 : i32 to index
      %get3A_320 = arith.constant 128 : index
      %get3A_321 = tpu.vector_load %arg8[%get3A_319, %get3A_320] {strides = array<i32>} : memref<64x768xf32, #tpu.memory_space<vmem>>, vector<1x16xf32>,
      %get3A_322 = vector.shape_cast %get3A_321 : vector<1x16xf32> to vector<16xf32>
      %get3A_323 = arith.index_cast %scan3A_208 : i32 to index
      %get3A_324 = arith.constant 128 : index
      %get3A_325 = tpu.vector_load %arg9[%get3A_323, %get3A_324] {strides = array<i32>} : memref<64x768xf32, #tpu.memory_space<vmem>>, vector<1x16xf32>,
      %get3A_326 = vector.shape_cast %get3A_325 : vector<1x16xf32> to vector<16xf32>
      %add3A_327 = arith.addf %get3A_322, %get3A_326 : vector<16xf32>
      %swap3A_328 = arith.index_cast %scan3A_208 : i32 to index
      %swap3A_329 = arith.constant 128 : index
      %swap3A_330 = tpu.vector_load %arg8[%swap3A_328, %swap3A_329] {strides = array<i32>} : memref<64x768xf32, #tpu.memory_space<vmem>>, vector<1x16xf32>,
      %swap3A_331 = vector.shape_cast %swap3A_330 : vector<1x16xf32> to vector<16xf32>
      %swap3A_332 = vector.shape_cast %add3A_327 : vector<16xf32> to vector<1x16xf32>
      tpu.vector_store %arg8[%swap3A_328, %swap3A_329], %swap3A_332 {strides = array<i32>} : memref<64x768xf32, #tpu.memory_space<vmem>>, vector<1x16xf32>,
      %get3A_333 = arith.index_cast %scan3A_208 : i32 to index
      %get3A_334 = arith.constant 144 : index
      %get3A_335 = tpu.vector_load %arg8[%get3A_333, %get3A_334] {strides = array<i32>} : memref<64x768xf32, #tpu.memory_space<vmem>>, vector<1x16xf32>,
      %get3A_336 = vector.shape_cast %get3A_335 : vector<1x16xf32> to vector<16xf32>
      %get3A_337 = arith.index_cast %scan3A_208 : i32 to index
      %get3A_338 = arith.constant 144 : index
      %get3A_339 = tpu.vector_load %arg9[%get3A_337, %get3A_338] {strides = array<i32>} : memref<64x768xf32, #tpu.memory_space<vmem>>, vector<1x16xf32>,
      %get3A_340 = vector.shape_cast %get3A_339 : vector<1x16xf32> to vector<16xf32>
      %add3A_341 = arith.addf %get3A_336, %get3A_340 : vector<16xf32>
      %swap3A_342 = arith.index_cast %scan3A_208 : i32 to index
      %swap3A_343 = arith.constant 144 : index
      %swap3A_344 = tpu.vector_load %arg8[%swap3A_342, %swap3A_343] {strides = array<i32>} : memref<64x768xf32, #tpu.memory_space<vmem>>, vector<1x16xf32>,
      %swap3A_345 = vector.shape_cast %swap3A_344 : vector<1x16xf32> to vector<16xf32>
      %swap3A_346 = vector.shape_cast %add3A_341 : vector<16xf32> to vector<1x16xf32>
      tpu.vector_store %arg8[%swap3A_342, %swap3A_343], %swap3A_346 {strides = array<i32>} : memref<64x768xf32, #tpu.memory_space<vmem>>, vector<1x16xf32>,
      %get3A_347 = arith.index_cast %scan3A_208 : i32 to index
      %get3A_348 = arith.constant 160 : index
      %get3A_349 = tpu.vector_load %arg8[%get3A_347, %get3A_348] {strides = array<i32>} : memref<64x768xf32, #tpu.memory_space<vmem>>, vector<1x16xf32>,
      %get3A_350 = vector.shape_cast %get3A_349 : vector<1x16xf32> to vector<16xf32>
      %get3A_351 = arith.index_cast %scan3A_208 : i32 to index
      %get3A_352 = arith.constant 160 : index
      %get3A_353 = tpu.vector_load %arg9[%get3A_351, %get3A_352] {strides = array<i32>} : memref<64x768xf32, #tpu.memory_space<vmem>>, vector<1x16xf32>,
      %get3A_354 = vector.shape_cast %get3A_353 : vector<1x16xf32> to vector<16xf32>
      %add3A_355 = arith.addf %get3A_350, %get3A_354 : vector<16xf32>
      %swap3A_356 = arith.index_cast %scan3A_208 : i32 to index
      %swap3A_357 = arith.constant 160 : index
      %swap3A_358 = tpu.vector_load %arg8[%swap3A_356, %swap3A_357] {strides = array<i32>} : memref<64x768xf32, #tpu.memory_space<vmem>>, vector<1x16xf32>,
      %swap3A_359 = vector.shape_cast %swap3A_358 : vector<1x16xf32> to vector<16xf32>
      %swap3A_360 = vector.shape_cast %add3A_355 : vector<16xf32> to vector<1x16xf32>
      tpu.vector_store %arg8[%swap3A_356, %swap3A_357], %swap3A_360 {strides = array<i32>} : memref<64x768xf32, #tpu.memory_space<vmem>>, vector<1x16xf32>,
      %get3A_361 = arith.index_cast %scan3A_208 : i32 to index
      %get3A_362 = arith.constant 176 : index
      %get3A_363 = tpu.vector_load %arg8[%get3A_361, %get3A_362] {strides = array<i32>} : memref<64x768xf32, #tpu.memory_space<vmem>>, vector<1x16xf32>,
      %get3A_364 = vector.shape_cast %get3A_363 : vector<1x16xf32> to vector<16xf32>
      %get3A_365 = arith.index_cast %scan3A_208 : i32 to index
      %get3A_366 = arith.constant 176 : index
      %get3A_367 = tpu.vector_load %arg9[%get3A_365, %get3A_366] {strides = array<i32>} : memref<64x768xf32, #tpu.memory_space<vmem>>, vector<1x16xf32>,
      %get3A_368 = vector.shape_cast %get3A_367 : vector<1x16xf32> to vector<16xf32>
      %add3A_369 = arith.addf %get3A_364, %get3A_368 : vector<16xf32>
      %swap3A_370 = arith.index_cast %scan3A_208 : i32 to index
      %swap3A_371 = arith.constant 176 : index
      %swap3A_372 = tpu.vector_load %arg8[%swap3A_370, %swap3A_371] {strides = array<i32>} : memref<64x768xf32, #tpu.memory_space<vmem>>, vector<1x16xf32>,
      %swap3A_373 = vector.shape_cast %swap3A_372 : vector<1x16xf32> to vector<16xf32>
      %swap3A_374 = vector.shape_cast %add3A_369 : vector<16xf32> to vector<1x16xf32>
      tpu.vector_store %arg8[%swap3A_370, %swap3A_371], %swap3A_374 {strides = array<i32>} : memref<64x768xf32, #tpu.memory_space<vmem>>, vector<1x16xf32>,
      %get3A_375 = arith.index_cast %scan3A_208 : i32 to index
      %get3A_376 = arith.constant 192 : index
      %get3A_377 = tpu.vector_load %arg8[%get3A_375, %get3A_376] {strides = array<i32>} : memref<64x768xf32, #tpu.memory_space<vmem>>, vector<1x16xf32>,
      %get3A_378 = vector.shape_cast %get3A_377 : vector<1x16xf32> to vector<16xf32>
      %get3A_379 = arith.index_cast %scan3A_208 : i32 to index
      %get3A_380 = arith.constant 192 : index
      %get3A_381 = tpu.vector_load %arg9[%get3A_379, %get3A_380] {strides = array<i32>} : memref<64x768xf32, #tpu.memory_space<vmem>>, vector<1x16xf32>,
      %get3A_382 = vector.shape_cast %get3A_381 : vector<1x16xf32> to vector<16xf32>
      %add3A_383 = arith.addf %get3A_378, %get3A_382 : vector<16xf32>
      %swap3A_384 = arith.index_cast %scan3A_208 : i32 to index
      %swap3A_385 = arith.constant 192 : index
      %swap3A_386 = tpu.vector_load %arg8[%swap3A_384, %swap3A_385] {strides = array<i32>} : memref<64x768xf32, #tpu.memory_space<vmem>>, vector<1x16xf32>,
      %swap3A_387 = vector.shape_cast %swap3A_386 : vector<1x16xf32> to vector<16xf32>
      %swap3A_388 = vector.shape_cast %add3A_383 : vector<16xf32> to vector<1x16xf32>
      tpu.vector_store %arg8[%swap3A_384, %swap3A_385], %swap3A_388 {strides = array<i32>} : memref<64x768xf32, #tpu.memory_space<vmem>>, vector<1x16xf32>,
      %get3A_389 = arith.index_cast %scan3A_208 : i32 to index
      %get3A_390 = arith.constant 208 : index
      %get3A_391 = tpu.vector_load %arg8[%get3A_389, %get3A_390] {strides = array<i32>} : memref<64x768xf32, #tpu.memory_space<vmem>>, vector<1x16xf32>,
      %get3A_392 = vector.shape_cast %get3A_391 : vector<1x16xf32> to vector<16xf32>
      %get3A_393 = arith.index_cast %scan3A_208 : i32 to index
      %get3A_394 = arith.constant 208 : index
      %get3A_395 = tpu.vector_load %arg9[%get3A_393, %get3A_394] {strides = array<i32>} : memref<64x768xf32, #tpu.memory_space<vmem>>, vector<1x16xf32>,
      %get3A_396 = vector.shape_cast %get3A_395 : vector<1x16xf32> to vector<16xf32>
      %add3A_397 = arith.addf %get3A_392, %get3A_396 : vector<16xf32>
      %swap3A_398 = arith.index_cast %scan3A_208 : i32 to index
      %swap3A_399 = arith.constant 208 : index
      %swap3A_400 = tpu.vector_load %arg8[%swap3A_398, %swap3A_399] {strides = array<i32>} : memref<64x768xf32, #tpu.memory_space<vmem>>, vector<1x16xf32>,
      %swap3A_401 = vector.shape_cast %swap3A_400 : vector<1x16xf32> to vector<16xf32>
      %swap3A_402 = vector.shape_cast %add3A_397 : vector<16xf32> to vector<1x16xf32>
      tpu.vector_store %arg8[%swap3A_398, %swap3A_399], %swap3A_402 {strides = array<i32>} : memref<64x768xf32, #tpu.memory_space<vmem>>, vector<1x16xf32>,
      %get3A_403 = arith.index_cast %scan3A_208 : i32 to index
      %get3A_404 = arith.constant 224 : index
      %get3A_405 = tpu.vector_load %arg8[%get3A_403, %get3A_404] {strides = array<i32>} : memref<64x768xf32, #tpu.memory_space<vmem>>, vector<1x16xf32>,
      %get3A_406 = vector.shape_cast %get3A_405 : vector<1x16xf32> to vector<16xf32>
      %get3A_407 = arith.index_cast %scan3A_208 : i32 to index
      %get3A_408 = arith.constant 224 : index
      %get3A_409 = tpu.vector_load %arg9[%get3A_407, %get3A_408] {strides = array<i32>} : memref<64x768xf32, #tpu.memory_space<vmem>>, vector<1x16xf32>,
      %get3A_410 = vector.shape_cast %get3A_409 : vector<1x16xf32> to vector<16xf32>
      %add3A_411 = arith.addf %get3A_406, %get3A_410 : vector<16xf32>
      %swap3A_412 = arith.index_cast %scan3A_208 : i32 to index
      %swap3A_413 = arith.constant 224 : index
      %swap3A_414 = tpu.vector_load %arg8[%swap3A_412, %swap3A_413] {strides = array<i32>} : memref<64x768xf32, #tpu.memory_space<vmem>>, vector<1x16xf32>,
      %swap3A_415 = vector.shape_cast %swap3A_414 : vector<1x16xf32> to vector<16xf32>
      %swap3A_416 = vector.shape_cast %add3A_411 : vector<16xf32> to vector<1x16xf32>
      tpu.vector_store %arg8[%swap3A_412, %swap3A_413], %swap3A_416 {strides = array<i32>} : memref<64x768xf32, #tpu.memory_space<vmem>>, vector<1x16xf32>,
      %get3A_417 = arith.index_cast %scan3A_208 : i32 to index
      %get3A_418 = arith.constant 240 : index
      %get3A_419 = tpu.vector_load %arg8[%get3A_417, %get3A_418] {strides = array<i32>} : memref<64x768xf32, #tpu.memory_space<vmem>>, vector<1x16xf32>,
      %get3A_420 = vector.shape_cast %get3A_419 : vector<1x16xf32> to vector<16xf32>
      %get3A_421 = arith.index_cast %scan3A_208 : i32 to index
      %get3A_422 = arith.constant 240 : index
      %get3A_423 = tpu.vector_load %arg9[%get3A_421, %get3A_422] {strides = array<i32>} : memref<64x768xf32, #tpu.memory_space<vmem>>, vector<1x16xf32>,
      %get3A_424 = vector.shape_cast %get3A_423 : vector<1x16xf32> to vector<16xf32>
      %add3A_425 = arith.addf %get3A_420, %get3A_424 : vector<16xf32>
      %swap3A_426 = arith.index_cast %scan3A_208 : i32 to index
      %swap3A_427 = arith.constant 240 : index
      %swap3A_428 = tpu.vector_load %arg8[%swap3A_426, %swap3A_427] {strides = array<i32>} : memref<64x768xf32, #tpu.memory_space<vmem>>, vector<1x16xf32>,
      %swap3A_429 = vector.shape_cast %swap3A_428 : vector<1x16xf32> to vector<16xf32>
      %swap3A_430 = vector.shape_cast %add3A_425 : vector<16xf32> to vector<1x16xf32>
      tpu.vector_store %arg8[%swap3A_426, %swap3A_427], %swap3A_430 {strides = array<i32>} : memref<64x768xf32, #tpu.memory_space<vmem>>, vector<1x16xf32>,
      %get3A_431 = arith.index_cast %scan3A_208 : i32 to index
      %get3A_432 = arith.constant 256 : index
      %get3A_433 = tpu.vector_load %arg8[%get3A_431, %get3A_432] {strides = array<i32>} : memref<64x768xf32, #tpu.memory_space<vmem>>, vector<1x16xf32>,
      %get3A_434 = vector.shape_cast %get3A_433 : vector<1x16xf32> to vector<16xf32>
      %get3A_435 = arith.index_cast %scan3A_208 : i32 to index
      %get3A_436 = arith.constant 256 : index
      %get3A_437 = tpu.vector_load %arg9[%get3A_435, %get3A_436] {strides = array<i32>} : memref<64x768xf32, #tpu.memory_space<vmem>>, vector<1x16xf32>,
      %get3A_438 = vector.shape_cast %get3A_437 : vector<1x16xf32> to vector<16xf32>
      %add3A_439 = arith.addf %get3A_434, %get3A_438 : vector<16xf32>
      %swap3A_440 = arith.index_cast %scan3A_208 : i32 to index
      %swap3A_441 = arith.constant 256 : index
      %swap3A_442 = tpu.vector_load %arg8[%swap3A_440, %swap3A_441] {strides = array<i32>} : memref<64x768xf32, #tpu.memory_space<vmem>>, vector<1x16xf32>,
      %swap3A_443 = vector.shape_cast %swap3A_442 : vector<1x16xf32> to vector<16xf32>
      %swap3A_444 = vector.shape_cast %add3A_439 : vector<16xf32> to vector<1x16xf32>
      tpu.vector_store %arg8[%swap3A_440, %swap3A_441], %swap3A_444 {strides = array<i32>} : memref<64x768xf32, #tpu.memory_space<vmem>>, vector<1x16xf32>,
      %get3A_445 = arith.index_cast %scan3A_208 : i32 to index
      %get3A_446 = arith.constant 272 : index
      %get3A_447 = tpu.vector_load %arg8[%get3A_445, %get3A_446] {strides = array<i32>} : memref<64x768xf32, #tpu.memory_space<vmem>>, vector<1x16xf32>,
      %get3A_448 = vector.shape_cast %get3A_447 : vector<1x16xf32> to vector<16xf32>
      %get3A_449 = arith.index_cast %scan3A_208 : i32 to index
      %get3A_450 = arith.constant 272 : index
      %get3A_451 = tpu.vector_load %arg9[%get3A_449, %get3A_450] {strides = array<i32>} : memref<64x768xf32, #tpu.memory_space<vmem>>, vector<1x16xf32>,
      %get3A_452 = vector.shape_cast %get3A_451 : vector<1x16xf32> to vector<16xf32>
      %add3A_453 = arith.addf %get3A_448, %get3A_452 : vector<16xf32>
      %swap3A_454 = arith.index_cast %scan3A_208 : i32 to index
      %swap3A_455 = arith.constant 272 : index
      %swap3A_456 = tpu.vector_load %arg8[%swap3A_454, %swap3A_455] {strides = array<i32>} : memref<64x768xf32, #tpu.memory_space<vmem>>, vector<1x16xf32>,
      %swap3A_457 = vector.shape_cast %swap3A_456 : vector<1x16xf32> to vector<16xf32>
      %swap3A_458 = vector.shape_cast %add3A_453 : vector<16xf32> to vector<1x16xf32>
      tpu.vector_store %arg8[%swap3A_454, %swap3A_455], %swap3A_458 {strides = array<i32>} : memref<64x768xf32, #tpu.memory_space<vmem>>, vector<1x16xf32>,
      %get3A_459 = arith.index_cast %scan3A_208 : i32 to index
      %get3A_460 = arith.constant 288 : index
      %get3A_461 = tpu.vector_load %arg8[%get3A_459, %get3A_460] {strides = array<i32>} : memref<64x768xf32, #tpu.memory_space<vmem>>, vector<1x16xf32>,
      %get3A_462 = vector.shape_cast %get3A_461 : vector<1x16xf32> to vector<16xf32>
      %get3A_463 = arith.index_cast %scan3A_208 : i32 to index
      %get3A_464 = arith.constant 288 : index
      %get3A_465 = tpu.vector_load %arg9[%get3A_463, %get3A_464] {strides = array<i32>} : memref<64x768xf32, #tpu.memory_space<vmem>>, vector<1x16xf32>,
      %get3A_466 = vector.shape_cast %get3A_465 : vector<1x16xf32> to vector<16xf32>
      %add3A_467 = arith.addf %get3A_462, %get3A_466 : vector<16xf32>
      %swap3A_468 = arith.index_cast %scan3A_208 : i32 to index
      %swap3A_469 = arith.constant 288 : index
      %swap3A_470 = tpu.vector_load %arg8[%swap3A_468, %swap3A_469] {strides = array<i32>} : memref<64x768xf32, #tpu.memory_space<vmem>>, vector<1x16xf32>,
      %swap3A_471 = vector.shape_cast %swap3A_470 : vector<1x16xf32> to vector<16xf32>
      %swap3A_472 = vector.shape_cast %add3A_467 : vector<16xf32> to vector<1x16xf32>
      tpu.vector_store %arg8[%swap3A_468, %swap3A_469], %swap3A_472 {strides = array<i32>} : memref<64x768xf32, #tpu.memory_space<vmem>>, vector<1x16xf32>,
      %get3A_473 = arith.index_cast %scan3A_208 : i32 to index
      %get3A_474 = arith.constant 304 : index
      %get3A_475 = tpu.vector_load %arg8[%get3A_473, %get3A_474] {strides = array<i32>} : memref<64x768xf32, #tpu.memory_space<vmem>>, vector<1x16xf32>,
      %get3A_476 = vector.shape_cast %get3A_475 : vector<1x16xf32> to vector<16xf32>
      %get3A_477 = arith.index_cast %scan3A_208 : i32 to index
      %get3A_478 = arith.constant 304 : index
      %get3A_479 = tpu.vector_load %arg9[%get3A_477, %get3A_478] {strides = array<i32>} : memref<64x768xf32, #tpu.memory_space<vmem>>, vector<1x16xf32>,
      %get3A_480 = vector.shape_cast %get3A_479 : vector<1x16xf32> to vector<16xf32>
      %add3A_481 = arith.addf %get3A_476, %get3A_480 : vector<16xf32>
      %swap3A_482 = arith.index_cast %scan3A_208 : i32 to index
      %swap3A_483 = arith.constant 304 : index
      %swap3A_484 = tpu.vector_load %arg8[%swap3A_482, %swap3A_483] {strides = array<i32>} : memref<64x768xf32, #tpu.memory_space<vmem>>, vector<1x16xf32>,
      %swap3A_485 = vector.shape_cast %swap3A_484 : vector<1x16xf32> to vector<16xf32>
      %swap3A_486 = vector.shape_cast %add3A_481 : vector<16xf32> to vector<1x16xf32>
      tpu.vector_store %arg8[%swap3A_482, %swap3A_483], %swap3A_486 {strides = array<i32>} : memref<64x768xf32, #tpu.memory_space<vmem>>, vector<1x16xf32>,
      %get3A_487 = arith.index_cast %scan3A_208 : i32 to index
      %get3A_488 = arith.constant 320 : index
      %get3A_489 = tpu.vector_load %arg8[%get3A_487, %get3A_488] {strides = array<i32>} : memref<64x768xf32, #tpu.memory_space<vmem>>, vector<1x16xf32>,
      %get3A_490 = vector.shape_cast %get3A_489 : vector<1x16xf32> to vector<16xf32>
      %get3A_491 = arith.index_cast %scan3A_208 : i32 to index
      %get3A_492 = arith.constant 320 : index
      %get3A_493 = tpu.vector_load %arg9[%get3A_491, %get3A_492] {strides = array<i32>} : memref<64x768xf32, #tpu.memory_space<vmem>>, vector<1x16xf32>,
      %get3A_494 = vector.shape_cast %get3A_493 : vector<1x16xf32> to vector<16xf32>
      %add3A_495 = arith.addf %get3A_490, %get3A_494 : vector<16xf32>
      %swap3A_496 = arith.index_cast %scan3A_208 : i32 to index
      %swap3A_497 = arith.constant 320 : index
      %swap3A_498 = tpu.vector_load %arg8[%swap3A_496, %swap3A_497] {strides = array<i32>} : memref<64x768xf32, #tpu.memory_space<vmem>>, vector<1x16xf32>,
      %swap3A_499 = vector.shape_cast %swap3A_498 : vector<1x16xf32> to vector<16xf32>
      %swap3A_500 = vector.shape_cast %add3A_495 : vector<16xf32> to vector<1x16xf32>
      tpu.vector_store %arg8[%swap3A_496, %swap3A_497], %swap3A_500 {strides = array<i32>} : memref<64x768xf32, #tpu.memory_space<vmem>>, vector<1x16xf32>,
      %get3A_501 = arith.index_cast %scan3A_208 : i32 to index
      %get3A_502 = arith.constant 336 : index
      %get3A_503 = tpu.vector_load %arg8[%get3A_501, %get3A_502] {strides = array<i32>} : memref<64x768xf32, #tpu.memory_space<vmem>>, vector<1x16xf32>,
      %get3A_504 = vector.shape_cast %get3A_503 : vector<1x16xf32> to vector<16xf32>
      %get3A_505 = arith.index_cast %scan3A_208 : i32 to index
      %get3A_506 = arith.constant 336 : index
      %get3A_507 = tpu.vector_load %arg9[%get3A_505, %get3A_506] {strides = array<i32>} : memref<64x768xf32, #tpu.memory_space<vmem>>, vector<1x16xf32>,
      %get3A_508 = vector.shape_cast %get3A_507 : vector<1x16xf32> to vector<16xf32>
      %add3A_509 = arith.addf %get3A_504, %get3A_508 : vector<16xf32>
      %swap3A_510 = arith.index_cast %scan3A_208 : i32 to index
      %swap3A_511 = arith.constant 336 : index
      %swap3A_512 = tpu.vector_load %arg8[%swap3A_510, %swap3A_511] {strides = array<i32>} : memref<64x768xf32, #tpu.memory_space<vmem>>, vector<1x16xf32>,
      %swap3A_513 = vector.shape_cast %swap3A_512 : vector<1x16xf32> to vector<16xf32>
      %swap3A_514 = vector.shape_cast %add3A_509 : vector<16xf32> to vector<1x16xf32>
      tpu.vector_store %arg8[%swap3A_510, %swap3A_511], %swap3A_514 {strides = array<i32>} : memref<64x768xf32, #tpu.memory_space<vmem>>, vector<1x16xf32>,
      %get3A_515 = arith.index_cast %scan3A_208 : i32 to index
      %get3A_516 = arith.constant 352 : index
      %get3A_517 = tpu.vector_load %arg8[%get3A_515, %get3A_516] {strides = array<i32>} : memref<64x768xf32, #tpu.memory_space<vmem>>, vector<1x16xf32>,
      %get3A_518 = vector.shape_cast %get3A_517 : vector<1x16xf32> to vector<16xf32>
      %get3A_519 = arith.index_cast %scan3A_208 : i32 to index
      %get3A_520 = arith.constant 352 : index
      %get3A_521 = tpu.vector_load %arg9[%get3A_519, %get3A_520] {strides = array<i32>} : memref<64x768xf32, #tpu.memory_space<vmem>>, vector<1x16xf32>,
      %get3A_522 = vector.shape_cast %get3A_521 : vector<1x16xf32> to vector<16xf32>
      %add3A_523 = arith.addf %get3A_518, %get3A_522 : vector<16xf32>
      %swap3A_524 = arith.index_cast %scan3A_208 : i32 to index
      %swap3A_525 = arith.constant 352 : index
      %swap3A_526 = tpu.vector_load %arg8[%swap3A_524, %swap3A_525] {strides = array<i32>} : memref<64x768xf32, #tpu.memory_space<vmem>>, vector<1x16xf32>,
      %swap3A_527 = vector.shape_cast %swap3A_526 : vector<1x16xf32> to vector<16xf32>
      %swap3A_528 = vector.shape_cast %add3A_523 : vector<16xf32> to vector<1x16xf32>
      tpu.vector_store %arg8[%swap3A_524, %swap3A_525], %swap3A_528 {strides = array<i32>} : memref<64x768xf32, #tpu.memory_space<vmem>>, vector<1x16xf32>,
      %get3A_529 = arith.index_cast %scan3A_208 : i32 to index
      %get3A_530 = arith.constant 368 : index
      %get3A_531 = tpu.vector_load %arg8[%get3A_529, %get3A_530] {strides = array<i32>} : memref<64x768xf32, #tpu.memory_space<vmem>>, vector<1x16xf32>,
      %get3A_532 = vector.shape_cast %get3A_531 : vector<1x16xf32> to vector<16xf32>
      %get3A_533 = arith.index_cast %scan3A_208 : i32 to index
      %get3A_534 = arith.constant 368 : index
      %get3A_535 = tpu.vector_load %arg9[%get3A_533, %get3A_534] {strides = array<i32>} : memref<64x768xf32, #tpu.memory_space<vmem>>, vector<1x16xf32>,
      %get3A_536 = vector.shape_cast %get3A_535 : vector<1x16xf32> to vector<16xf32>
      %add3A_537 = arith.addf %get3A_532, %get3A_536 : vector<16xf32>
      %swap3A_538 = arith.index_cast %scan3A_208 : i32 to index
      %swap3A_539 = arith.constant 368 : index
      %swap3A_540 = tpu.vector_load %arg8[%swap3A_538, %swap3A_539] {strides = array<i32>} : memref<64x768xf32, #tpu.memory_space<vmem>>, vector<1x16xf32>,
      %swap3A_541 = vector.shape_cast %swap3A_540 : vector<1x16xf32> to vector<16xf32>
      %swap3A_542 = vector.shape_cast %add3A_537 : vector<16xf32> to vector<1x16xf32>
      tpu.vector_store %arg8[%swap3A_538, %swap3A_539], %swap3A_542 {strides = array<i32>} : memref<64x768xf32, #tpu.memory_space<vmem>>, vector<1x16xf32>,
      %get3A_543 = arith.index_cast %scan3A_208 : i32 to index
      %get3A_544 = arith.constant 384 : index
      %get3A_545 = tpu.vector_load %arg8[%get3A_543, %get3A_544] {strides = array<i32>} : memref<64x768xf32, #tpu.memory_space<vmem>>, vector<1x16xf32>,
      %get3A_546 = vector.shape_cast %get3A_545 : vector<1x16xf32> to vector<16xf32>
      %get3A_547 = arith.index_cast %scan3A_208 : i32 to index
      %get3A_548 = arith.constant 384 : index
      %get3A_549 = tpu.vector_load %arg9[%get3A_547, %get3A_548] {strides = array<i32>} : memref<64x768xf32, #tpu.memory_space<vmem>>, vector<1x16xf32>,
      %get3A_550 = vector.shape_cast %get3A_549 : vector<1x16xf32> to vector<16xf32>
      %add3A_551 = arith.addf %get3A_546, %get3A_550 : vector<16xf32>
      %swap3A_552 = arith.index_cast %scan3A_208 : i32 to index
      %swap3A_553 = arith.constant 384 : index
      %swap3A_554 = tpu.vector_load %arg8[%swap3A_552, %swap3A_553] {strides = array<i32>} : memref<64x768xf32, #tpu.memory_space<vmem>>, vector<1x16xf32>,
      %swap3A_555 = vector.shape_cast %swap3A_554 : vector<1x16xf32> to vector<16xf32>
      %swap3A_556 = vector.shape_cast %add3A_551 : vector<16xf32> to vector<1x16xf32>
      tpu.vector_store %arg8[%swap3A_552, %swap3A_553], %swap3A_556 {strides = array<i32>} : memref<64x768xf32, #tpu.memory_space<vmem>>, vector<1x16xf32>,
      %get3A_557 = arith.index_cast %scan3A_208 : i32 to index
      %get3A_558 = arith.constant 400 : index
      %get3A_559 = tpu.vector_load %arg8[%get3A_557, %get3A_558] {strides = array<i32>} : memref<64x768xf32, #tpu.memory_space<vmem>>, vector<1x16xf32>,
      %get3A_560 = vector.shape_cast %get3A_559 : vector<1x16xf32> to vector<16xf32>
      %get3A_561 = arith.index_cast %scan3A_208 : i32 to index
      %get3A_562 = arith.constant 400 : index
      %get3A_563 = tpu.vector_load %arg9[%get3A_561, %get3A_562] {strides = array<i32>} : memref<64x768xf32, #tpu.memory_space<vmem>>, vector<1x16xf32>,
      %get3A_564 = vector.shape_cast %get3A_563 : vector<1x16xf32> to vector<16xf32>
      %add3A_565 = arith.addf %get3A_560, %get3A_564 : vector<16xf32>
      %swap3A_566 = arith.index_cast %scan3A_208 : i32 to index
      %swap3A_567 = arith.constant 400 : index
      %swap3A_568 = tpu.vector_load %arg8[%swap3A_566, %swap3A_567] {strides = array<i32>} : memref<64x768xf32, #tpu.memory_space<vmem>>, vector<1x16xf32>,
      %swap3A_569 = vector.shape_cast %swap3A_568 : vector<1x16xf32> to vector<16xf32>
      %swap3A_570 = vector.shape_cast %add3A_565 : vector<16xf32> to vector<1x16xf32>
      tpu.vector_store %arg8[%swap3A_566, %swap3A_567], %swap3A_570 {strides = array<i32>} : memref<64x768xf32, #tpu.memory_space<vmem>>, vector<1x16xf32>,
      %get3A_571 = arith.index_cast %scan3A_208 : i32 to index
      %get3A_572 = arith.constant 416 : index
      %get3A_573 = tpu.vector_load %arg8[%get3A_571, %get3A_572] {strides = array<i32>} : memref<64x768xf32, #tpu.memory_space<vmem>>, vector<1x16xf32>,
      %get3A_574 = vector.shape_cast %get3A_573 : vector<1x16xf32> to vector<16xf32>
      %get3A_575 = arith.index_cast %scan3A_208 : i32 to index
      %get3A_576 = arith.constant 416 : index
      %get3A_577 = tpu.vector_load %arg9[%get3A_575, %get3A_576] {strides = array<i32>} : memref<64x768xf32, #tpu.memory_space<vmem>>, vector<1x16xf32>,
      %get3A_578 = vector.shape_cast %get3A_577 : vector<1x16xf32> to vector<16xf32>
      %add3A_579 = arith.addf %get3A_574, %get3A_578 : vector<16xf32>
      %swap3A_580 = arith.index_cast %scan3A_208 : i32 to index
      %swap3A_581 = arith.constant 416 : index
      %swap3A_582 = tpu.vector_load %arg8[%swap3A_580, %swap3A_581] {strides = array<i32>} : memref<64x768xf32, #tpu.memory_space<vmem>>, vector<1x16xf32>,
      %swap3A_583 = vector.shape_cast %swap3A_582 : vector<1x16xf32> to vector<16xf32>
      %swap3A_584 = vector.shape_cast %add3A_579 : vector<16xf32> to vector<1x16xf32>
      tpu.vector_store %arg8[%swap3A_580, %swap3A_581], %swap3A_584 {strides = array<i32>} : memref<64x768xf32, #tpu.memory_space<vmem>>, vector<1x16xf32>,
      %get3A_585 = arith.index_cast %scan3A_208 : i32 to index
      %get3A_586 = arith.constant 432 : index
      %get3A_587 = tpu.vector_load %arg8[%get3A_585, %get3A_586] {strides = array<i32>} : memref<64x768xf32, #tpu.memory_space<vmem>>, vector<1x16xf32>,
      %get3A_588 = vector.shape_cast %get3A_587 : vector<1x16xf32> to vector<16xf32>
      %get3A_589 = arith.index_cast %scan3A_208 : i32 to index
      %get3A_590 = arith.constant 432 : index
      %get3A_591 = tpu.vector_load %arg9[%get3A_589, %get3A_590] {strides = array<i32>} : memref<64x768xf32, #tpu.memory_space<vmem>>, vector<1x16xf32>,
      %get3A_592 = vector.shape_cast %get3A_591 : vector<1x16xf32> to vector<16xf32>
      %add3A_593 = arith.addf %get3A_588, %get3A_592 : vector<16xf32>
      %swap3A_594 = arith.index_cast %scan3A_208 : i32 to index
      %swap3A_595 = arith.constant 432 : index
      %swap3A_596 = tpu.vector_load %arg8[%swap3A_594, %swap3A_595] {strides = array<i32>} : memref<64x768xf32, #tpu.memory_space<vmem>>, vector<1x16xf32>,
      %swap3A_597 = vector.shape_cast %swap3A_596 : vector<1x16xf32> to vector<16xf32>
      %swap3A_598 = vector.shape_cast %add3A_593 : vector<16xf32> to vector<1x16xf32>
      tpu.vector_store %arg8[%swap3A_594, %swap3A_595], %swap3A_598 {strides = array<i32>} : memref<64x768xf32, #tpu.memory_space<vmem>>, vector<1x16xf32>,
      %get3A_599 = arith.index_cast %scan3A_208 : i32 to index
      %get3A_600 = arith.constant 448 : index
      %get3A_601 = tpu.vector_load %arg8[%get3A_599, %get3A_600] {strides = array<i32>} : memref<64x768xf32, #tpu.memory_space<vmem>>, vector<1x16xf32>,
      %get3A_602 = vector.shape_cast %get3A_601 : vector<1x16xf32> to vector<16xf32>
      %get3A_603 = arith.index_cast %scan3A_208 : i32 to index
      %get3A_604 = arith.constant 448 : index
      %get3A_605 = tpu.vector_load %arg9[%get3A_603, %get3A_604] {strides = array<i32>} : memref<64x768xf32, #tpu.memory_space<vmem>>, vector<1x16xf32>,
      %get3A_606 = vector.shape_cast %get3A_605 : vector<1x16xf32> to vector<16xf32>
      %add3A_607 = arith.addf %get3A_602, %get3A_606 : vector<16xf32>
      %swap3A_608 = arith.index_cast %scan3A_208 : i32 to index
      %swap3A_609 = arith.constant 448 : index
      %swap3A_610 = tpu.vector_load %arg8[%swap3A_608, %swap3A_609] {strides = array<i32>} : memref<64x768xf32, #tpu.memory_space<vmem>>, vector<1x16xf32>,
      %swap3A_611 = vector.shape_cast %swap3A_610 : vector<1x16xf32> to vector<16xf32>
      %swap3A_612 = vector.shape_cast %add3A_607 : vector<16xf32> to vector<1x16xf32>
      tpu.vector_store %arg8[%swap3A_608, %swap3A_609], %swap3A_612 {strides = array<i32>} : memref<64x768xf32, #tpu.memory_space<vmem>>, vector<1x16xf32>,
      %get3A_613 = arith.index_cast %scan3A_208 : i32 to index
      %get3A_614 = arith.constant 464 : index
      %get3A_615 = tpu.vector_load %arg8[%get3A_613, %get3A_614] {strides = array<i32>} : memref<64x768xf32, #tpu.memory_space<vmem>>, vector<1x16xf32>,
      %get3A_616 = vector.shape_cast %get3A_615 : vector<1x16xf32> to vector<16xf32>
      %get3A_617 = arith.index_cast %scan3A_208 : i32 to index
      %get3A_618 = arith.constant 464 : index
      %get3A_619 = tpu.vector_load %arg9[%get3A_617, %get3A_618] {strides = array<i32>} : memref<64x768xf32, #tpu.memory_space<vmem>>, vector<1x16xf32>,
      %get3A_620 = vector.shape_cast %get3A_619 : vector<1x16xf32> to vector<16xf32>
      %add3A_621 = arith.addf %get3A_616, %get3A_620 : vector<16xf32>
      %swap3A_622 = arith.index_cast %scan3A_208 : i32 to index
      %swap3A_623 = arith.constant 464 : index
      %swap3A_624 = tpu.vector_load %arg8[%swap3A_622, %swap3A_623] {strides = array<i32>} : memref<64x768xf32, #tpu.memory_space<vmem>>, vector<1x16xf32>,
      %swap3A_625 = vector.shape_cast %swap3A_624 : vector<1x16xf32> to vector<16xf32>
      %swap3A_626 = vector.shape_cast %add3A_621 : vector<16xf32> to vector<1x16xf32>
      tpu.vector_store %arg8[%swap3A_622, %swap3A_623], %swap3A_626 {strides = array<i32>} : memref<64x768xf32, #tpu.memory_space<vmem>>, vector<1x16xf32>,
      %get3A_627 = arith.index_cast %scan3A_208 : i32 to index
      %get3A_628 = arith.constant 480 : index
      %get3A_629 = tpu.vector_load %arg8[%get3A_627, %get3A_628] {strides = array<i32>} : memref<64x768xf32, #tpu.memory_space<vmem>>, vector<1x16xf32>,
      %get3A_630 = vector.shape_cast %get3A_629 : vector<1x16xf32> to vector<16xf32>
      %get3A_631 = arith.index_cast %scan3A_208 : i32 to index
      %get3A_632 = arith.constant 480 : index
      %get3A_633 = tpu.vector_load %arg9[%get3A_631, %get3A_632] {strides = array<i32>} : memref<64x768xf32, #tpu.memory_space<vmem>>, vector<1x16xf32>,
      %get3A_634 = vector.shape_cast %get3A_633 : vector<1x16xf32> to vector<16xf32>
      %add3A_635 = arith.addf %get3A_630, %get3A_634 : vector<16xf32>
      %swap3A_636 = arith.index_cast %scan3A_208 : i32 to index
      %swap3A_637 = arith.constant 480 : index
      %swap3A_638 = tpu.vector_load %arg8[%swap3A_636, %swap3A_637] {strides = array<i32>} : memref<64x768xf32, #tpu.memory_space<vmem>>, vector<1x16xf32>,
      %swap3A_639 = vector.shape_cast %swap3A_638 : vector<1x16xf32> to vector<16xf32>
      %swap3A_640 = vector.shape_cast %add3A_635 : vector<16xf32> to vector<1x16xf32>
      tpu.vector_store %arg8[%swap3A_636, %swap3A_637], %swap3A_640 {strides = array<i32>} : memref<64x768xf32, #tpu.memory_space<vmem>>, vector<1x16xf32>,
      %get3A_641 = arith.index_cast %scan3A_208 : i32 to index
      %get3A_642 = arith.constant 496 : index
      %get3A_643 = tpu.vector_load %arg8[%get3A_641, %get3A_642] {strides = array<i32>} : memref<64x768xf32, #tpu.memory_space<vmem>>, vector<1x16xf32>,
      %get3A_644 = vector.shape_cast %get3A_643 : vector<1x16xf32> to vector<16xf32>
      %get3A_645 = arith.index_cast %scan3A_208 : i32 to index
      %get3A_646 = arith.constant 496 : index
      %get3A_647 = tpu.vector_load %arg9[%get3A_645, %get3A_646] {strides = array<i32>} : memref<64x768xf32, #tpu.memory_space<vmem>>, vector<1x16xf32>,
      %get3A_648 = vector.shape_cast %get3A_647 : vector<1x16xf32> to vector<16xf32>
      %add3A_649 = arith.addf %get3A_644, %get3A_648 : vector<16xf32>
      %swap3A_650 = arith.index_cast %scan3A_208 : i32 to index
      %swap3A_651 = arith.constant 496 : index
      %swap3A_652 = tpu.vector_load %arg8[%swap3A_650, %swap3A_651] {strides = array<i32>} : memref<64x768xf32, #tpu.memory_space<vmem>>, vector<1x16xf32>,
      %swap3A_653 = vector.shape_cast %swap3A_652 : vector<1x16xf32> to vector<16xf32>
      %swap3A_654 = vector.shape_cast %add3A_649 : vector<16xf32> to vector<1x16xf32>
      tpu.vector_store %arg8[%swap3A_650, %swap3A_651], %swap3A_654 {strides = array<i32>} : memref<64x768xf32, #tpu.memory_space<vmem>>, vector<1x16xf32>,
      %get3A_655 = arith.index_cast %scan3A_208 : i32 to index
      %get3A_656 = arith.constant 512 : index
      %get3A_657 = tpu.vector_load %arg8[%get3A_655, %get3A_656] {strides = array<i32>} : memref<64x768xf32, #tpu.memory_space<vmem>>, vector<1x16xf32>,
      %get3A_658 = vector.shape_cast %get3A_657 : vector<1x16xf32> to vector<16xf32>
      %get3A_659 = arith.index_cast %scan3A_208 : i32 to index
      %get3A_660 = arith.constant 512 : index
      %get3A_661 = tpu.vector_load %arg9[%get3A_659, %get3A_660] {strides = array<i32>} : memref<64x768xf32, #tpu.memory_space<vmem>>, vector<1x16xf32>,
      %get3A_662 = vector.shape_cast %get3A_661 : vector<1x16xf32> to vector<16xf32>
      %add3A_663 = arith.addf %get3A_658, %get3A_662 : vector<16xf32>
      %swap3A_664 = arith.index_cast %scan3A_208 : i32 to index
      %swap3A_665 = arith.constant 512 : index
      %swap3A_666 = tpu.vector_load %arg8[%swap3A_664, %swap3A_665] {strides = array<i32>} : memref<64x768xf32, #tpu.memory_space<vmem>>, vector<1x16xf32>,
      %swap3A_667 = vector.shape_cast %swap3A_666 : vector<1x16xf32> to vector<16xf32>
      %swap3A_668 = vector.shape_cast %add3A_663 : vector<16xf32> to vector<1x16xf32>
      tpu.vector_store %arg8[%swap3A_664, %swap3A_665], %swap3A_668 {strides = array<i32>} : memref<64x768xf32, #tpu.memory_space<vmem>>, vector<1x16xf32>,
      %get3A_669 = arith.index_cast %scan3A_208 : i32 to index
      %get3A_670 = arith.constant 528 : index
      %get3A_671 = tpu.vector_load %arg8[%get3A_669, %get3A_670] {strides = array<i32>} : memref<64x768xf32, #tpu.memory_space<vmem>>, vector<1x16xf32>,
      %get3A_672 = vector.shape_cast %get3A_671 : vector<1x16xf32> to vector<16xf32>
      %get3A_673 = arith.index_cast %scan3A_208 : i32 to index
      %get3A_674 = arith.constant 528 : index
      %get3A_675 = tpu.vector_load %arg9[%get3A_673, %get3A_674] {strides = array<i32>} : memref<64x768xf32, #tpu.memory_space<vmem>>, vector<1x16xf32>,
      %get3A_676 = vector.shape_cast %get3A_675 : vector<1x16xf32> to vector<16xf32>
      %add3A_677 = arith.addf %get3A_672, %get3A_676 : vector<16xf32>
      %swap3A_678 = arith.index_cast %scan3A_208 : i32 to index
      %swap3A_679 = arith.constant 528 : index
      %swap3A_680 = tpu.vector_load %arg8[%swap3A_678, %swap3A_679] {strides = array<i32>} : memref<64x768xf32, #tpu.memory_space<vmem>>, vector<1x16xf32>,
      %swap3A_681 = vector.shape_cast %swap3A_680 : vector<1x16xf32> to vector<16xf32>
      %swap3A_682 = vector.shape_cast %add3A_677 : vector<16xf32> to vector<1x16xf32>
      tpu.vector_store %arg8[%swap3A_678, %swap3A_679], %swap3A_682 {strides = array<i32>} : memref<64x768xf32, #tpu.memory_space<vmem>>, vector<1x16xf32>,
      %get3A_683 = arith.index_cast %scan3A_208 : i32 to index
      %get3A_684 = arith.constant 544 : index
      %get3A_685 = tpu.vector_load %arg8[%get3A_683, %get3A_684] {strides = array<i32>} : memref<64x768xf32, #tpu.memory_space<vmem>>, vector<1x16xf32>,
      %get3A_686 = vector.shape_cast %get3A_685 : vector<1x16xf32> to vector<16xf32>
      %get3A_687 = arith.index_cast %scan3A_208 : i32 to index
      %get3A_688 = arith.constant 544 : index
      %get3A_689 = tpu.vector_load %arg9[%get3A_687, %get3A_688] {strides = array<i32>} : memref<64x768xf32, #tpu.memory_space<vmem>>, vector<1x16xf32>,
      %get3A_690 = vector.shape_cast %get3A_689 : vector<1x16xf32> to vector<16xf32>
      %add3A_691 = arith.addf %get3A_686, %get3A_690 : vector<16xf32>
      %swap3A_692 = arith.index_cast %scan3A_208 : i32 to index
      %swap3A_693 = arith.constant 544 : index
      %swap3A_694 = tpu.vector_load %arg8[%swap3A_692, %swap3A_693] {strides = array<i32>} : memref<64x768xf32, #tpu.memory_space<vmem>>, vector<1x16xf32>,
      %swap3A_695 = vector.shape_cast %swap3A_694 : vector<1x16xf32> to vector<16xf32>
      %swap3A_696 = vector.shape_cast %add3A_691 : vector<16xf32> to vector<1x16xf32>
      tpu.vector_store %arg8[%swap3A_692, %swap3A_693], %swap3A_696 {strides = array<i32>} : memref<64x768xf32, #tpu.memory_space<vmem>>, vector<1x16xf32>,
      %get3A_697 = arith.index_cast %scan3A_208 : i32 to index
      %get3A_698 = arith.constant 560 : index
      %get3A_699 = tpu.vector_load %arg8[%get3A_697, %get3A_698] {strides = array<i32>} : memref<64x768xf32, #tpu.memory_space<vmem>>, vector<1x16xf32>,
      %get3A_700 = vector.shape_cast %get3A_699 : vector<1x16xf32> to vector<16xf32>
      %get3A_701 = arith.index_cast %scan3A_208 : i32 to index
      %get3A_702 = arith.constant 560 : index
      %get3A_703 = tpu.vector_load %arg9[%get3A_701, %get3A_702] {strides = array<i32>} : memref<64x768xf32, #tpu.memory_space<vmem>>, vector<1x16xf32>,
      %get3A_704 = vector.shape_cast %get3A_703 : vector<1x16xf32> to vector<16xf32>
      %add3A_705 = arith.addf %get3A_700, %get3A_704 : vector<16xf32>
      %swap3A_706 = arith.index_cast %scan3A_208 : i32 to index
      %swap3A_707 = arith.constant 560 : index
      %swap3A_708 = tpu.vector_load %arg8[%swap3A_706, %swap3A_707] {strides = array<i32>} : memref<64x768xf32, #tpu.memory_space<vmem>>, vector<1x16xf32>,
      %swap3A_709 = vector.shape_cast %swap3A_708 : vector<1x16xf32> to vector<16xf32>
      %swap3A_710 = vector.shape_cast %add3A_705 : vector<16xf32> to vector<1x16xf32>
      tpu.vector_store %arg8[%swap3A_706, %swap3A_707], %swap3A_710 {strides = array<i32>} : memref<64x768xf32, #tpu.memory_space<vmem>>, vector<1x16xf32>,
      %get3A_711 = arith.index_cast %scan3A_208 : i32 to index
      %get3A_712 = arith.constant 576 : index
      %get3A_713 = tpu.vector_load %arg8[%get3A_711, %get3A_712] {strides = array<i32>} : memref<64x768xf32, #tpu.memory_space<vmem>>, vector<1x16xf32>,
      %get3A_714 = vector.shape_cast %get3A_713 : vector<1x16xf32> to vector<16xf32>
      %get3A_715 = arith.index_cast %scan3A_208 : i32 to index
      %get3A_716 = arith.constant 576 : index
      %get3A_717 = tpu.vector_load %arg9[%get3A_715, %get3A_716] {strides = array<i32>} : memref<64x768xf32, #tpu.memory_space<vmem>>, vector<1x16xf32>,
      %get3A_718 = vector.shape_cast %get3A_717 : vector<1x16xf32> to vector<16xf32>
      %add3A_719 = arith.addf %get3A_714, %get3A_718 : vector<16xf32>
      %swap3A_720 = arith.index_cast %scan3A_208 : i32 to index
      %swap3A_721 = arith.constant 576 : index
      %swap3A_722 = tpu.vector_load %arg8[%swap3A_720, %swap3A_721] {strides = array<i32>} : memref<64x768xf32, #tpu.memory_space<vmem>>, vector<1x16xf32>,
      %swap3A_723 = vector.shape_cast %swap3A_722 : vector<1x16xf32> to vector<16xf32>
      %swap3A_724 = vector.shape_cast %add3A_719 : vector<16xf32> to vector<1x16xf32>
      tpu.vector_store %arg8[%swap3A_720, %swap3A_721], %swap3A_724 {strides = array<i32>} : memref<64x768xf32, #tpu.memory_space<vmem>>, vector<1x16xf32>,
      %get3A_725 = arith.index_cast %scan3A_208 : i32 to index
      %get3A_726 = arith.constant 592 : index
      %get3A_727 = tpu.vector_load %arg8[%get3A_725, %get3A_726] {strides = array<i32>} : memref<64x768xf32, #tpu.memory_space<vmem>>, vector<1x16xf32>,
      %get3A_728 = vector.shape_cast %get3A_727 : vector<1x16xf32> to vector<16xf32>
      %get3A_729 = arith.index_cast %scan3A_208 : i32 to index
      %get3A_730 = arith.constant 592 : index
      %get3A_731 = tpu.vector_load %arg9[%get3A_729, %get3A_730] {strides = array<i32>} : memref<64x768xf32, #tpu.memory_space<vmem>>, vector<1x16xf32>,
      %get3A_732 = vector.shape_cast %get3A_731 : vector<1x16xf32> to vector<16xf32>
      %add3A_733 = arith.addf %get3A_728, %get3A_732 : vector<16xf32>
      %swap3A_734 = arith.index_cast %scan3A_208 : i32 to index
      %swap3A_735 = arith.constant 592 : index
      %swap3A_736 = tpu.vector_load %arg8[%swap3A_734, %swap3A_735] {strides = array<i32>} : memref<64x768xf32, #tpu.memory_space<vmem>>, vector<1x16xf32>,
      %swap3A_737 = vector.shape_cast %swap3A_736 : vector<1x16xf32> to vector<16xf32>
      %swap3A_738 = vector.shape_cast %add3A_733 : vector<16xf32> to vector<1x16xf32>
      tpu.vector_store %arg8[%swap3A_734, %swap3A_735], %swap3A_738 {strides = array<i32>} : memref<64x768xf32, #tpu.memory_space<vmem>>, vector<1x16xf32>,
      %get3A_739 = arith.index_cast %scan3A_208 : i32 to index
      %get3A_740 = arith.constant 608 : index
      %get3A_741 = tpu.vector_load %arg8[%get3A_739, %get3A_740] {strides = array<i32>} : memref<64x768xf32, #tpu.memory_space<vmem>>, vector<1x16xf32>,
      %get3A_742 = vector.shape_cast %get3A_741 : vector<1x16xf32> to vector<16xf32>
      %get3A_743 = arith.index_cast %scan3A_208 : i32 to index
      %get3A_744 = arith.constant 608 : index
      %get3A_745 = tpu.vector_load %arg9[%get3A_743, %get3A_744] {strides = array<i32>} : memref<64x768xf32, #tpu.memory_space<vmem>>, vector<1x16xf32>,
      %get3A_746 = vector.shape_cast %get3A_745 : vector<1x16xf32> to vector<16xf32>
      %add3A_747 = arith.addf %get3A_742, %get3A_746 : vector<16xf32>
      %swap3A_748 = arith.index_cast %scan3A_208 : i32 to index
      %swap3A_749 = arith.constant 608 : index
      %swap3A_750 = tpu.vector_load %arg8[%swap3A_748, %swap3A_749] {strides = array<i32>} : memref<64x768xf32, #tpu.memory_space<vmem>>, vector<1x16xf32>,
      %swap3A_751 = vector.shape_cast %swap3A_750 : vector<1x16xf32> to vector<16xf32>
      %swap3A_752 = vector.shape_cast %add3A_747 : vector<16xf32> to vector<1x16xf32>
      tpu.vector_store %arg8[%swap3A_748, %swap3A_749], %swap3A_752 {strides = array<i32>} : memref<64x768xf32, #tpu.memory_space<vmem>>, vector<1x16xf32>,
      %get3A_753 = arith.index_cast %scan3A_208 : i32 to index
      %get3A_754 = arith.constant 624 : index
      %get3A_755 = tpu.vector_load %arg8[%get3A_753, %get3A_754] {strides = array<i32>} : memref<64x768xf32, #tpu.memory_space<vmem>>, vector<1x16xf32>,
      %get3A_756 = vector.shape_cast %get3A_755 : vector<1x16xf32> to vector<16xf32>
      %get3A_757 = arith.index_cast %scan3A_208 : i32 to index
      %get3A_758 = arith.constant 624 : index
      %get3A_759 = tpu.vector_load %arg9[%get3A_757, %get3A_758] {strides = array<i32>} : memref<64x768xf32, #tpu.memory_space<vmem>>, vector<1x16xf32>,
      %get3A_760 = vector.shape_cast %get3A_759 : vector<1x16xf32> to vector<16xf32>
      %add3A_761 = arith.addf %get3A_756, %get3A_760 : vector<16xf32>
      %swap3A_762 = arith.index_cast %scan3A_208 : i32 to index
      %swap3A_763 = arith.constant 624 : index
      %swap3A_764 = tpu.vector_load %arg8[%swap3A_762, %swap3A_763] {strides = array<i32>} : memref<64x768xf32, #tpu.memory_space<vmem>>, vector<1x16xf32>,
      %swap3A_765 = vector.shape_cast %swap3A_764 : vector<1x16xf32> to vector<16xf32>
      %swap3A_766 = vector.shape_cast %add3A_761 : vector<16xf32> to vector<1x16xf32>
      tpu.vector_store %arg8[%swap3A_762, %swap3A_763], %swap3A_766 {strides = array<i32>} : memref<64x768xf32, #tpu.memory_space<vmem>>, vector<1x16xf32>,
      %get3A_767 = arith.index_cast %scan3A_208 : i32 to index
      %get3A_768 = arith.constant 640 : index
      %get3A_769 = tpu.vector_load %arg8[%get3A_767, %get3A_768] {strides = array<i32>} : memref<64x768xf32, #tpu.memory_space<vmem>>, vector<1x16xf32>,
      %get3A_770 = vector.shape_cast %get3A_769 : vector<1x16xf32> to vector<16xf32>
      %get3A_771 = arith.index_cast %scan3A_208 : i32 to index
      %get3A_772 = arith.constant 640 : index
      %get3A_773 = tpu.vector_load %arg9[%get3A_771, %get3A_772] {strides = array<i32>} : memref<64x768xf32, #tpu.memory_space<vmem>>, vector<1x16xf32>,
      %get3A_774 = vector.shape_cast %get3A_773 : vector<1x16xf32> to vector<16xf32>
      %add3A_775 = arith.addf %get3A_770, %get3A_774 : vector<16xf32>
      %swap3A_776 = arith.index_cast %scan3A_208 : i32 to index
      %swap3A_777 = arith.constant 640 : index
      %swap3A_778 = tpu.vector_load %arg8[%swap3A_776, %swap3A_777] {strides = array<i32>} : memref<64x768xf32, #tpu.memory_space<vmem>>, vector<1x16xf32>,
      %swap3A_779 = vector.shape_cast %swap3A_778 : vector<1x16xf32> to vector<16xf32>
      %swap3A_780 = vector.shape_cast %add3A_775 : vector<16xf32> to vector<1x16xf32>
      tpu.vector_store %arg8[%swap3A_776, %swap3A_777], %swap3A_780 {strides = array<i32>} : memref<64x768xf32, #tpu.memory_space<vmem>>, vector<1x16xf32>,
      %get3A_781 = arith.index_cast %scan3A_208 : i32 to index
      %get3A_782 = arith.constant 656 : index
      %get3A_783 = tpu.vector_load %arg8[%get3A_781, %get3A_782] {strides = array<i32>} : memref<64x768xf32, #tpu.memory_space<vmem>>, vector<1x16xf32>,
      %get3A_784 = vector.shape_cast %get3A_783 : vector<1x16xf32> to vector<16xf32>
      %get3A_785 = arith.index_cast %scan3A_208 : i32 to index
      %get3A_786 = arith.constant 656 : index
      %get3A_787 = tpu.vector_load %arg9[%get3A_785, %get3A_786] {strides = array<i32>} : memref<64x768xf32, #tpu.memory_space<vmem>>, vector<1x16xf32>,
      %get3A_788 = vector.shape_cast %get3A_787 : vector<1x16xf32> to vector<16xf32>
      %add3A_789 = arith.addf %get3A_784, %get3A_788 : vector<16xf32>
      %swap3A_790 = arith.index_cast %scan3A_208 : i32 to index
      %swap3A_791 = arith.constant 656 : index
      %swap3A_792 = tpu.vector_load %arg8[%swap3A_790, %swap3A_791] {strides = array<i32>} : memref<64x768xf32, #tpu.memory_space<vmem>>, vector<1x16xf32>,
      %swap3A_793 = vector.shape_cast %swap3A_792 : vector<1x16xf32> to vector<16xf32>
      %swap3A_794 = vector.shape_cast %add3A_789 : vector<16xf32> to vector<1x16xf32>
      tpu.vector_store %arg8[%swap3A_790, %swap3A_791], %swap3A_794 {strides = array<i32>} : memref<64x768xf32, #tpu.memory_space<vmem>>, vector<1x16xf32>,
      %get3A_795 = arith.index_cast %scan3A_208 : i32 to index
      %get3A_796 = arith.constant 672 : index
      %get3A_797 = tpu.vector_load %arg8[%get3A_795, %get3A_796] {strides = array<i32>} : memref<64x768xf32, #tpu.memory_space<vmem>>, vector<1x16xf32>,
      %get3A_798 = vector.shape_cast %get3A_797 : vector<1x16xf32> to vector<16xf32>
      %get3A_799 = arith.index_cast %scan3A_208 : i32 to index
      %get3A_800 = arith.constant 672 : index
      %get3A_801 = tpu.vector_load %arg9[%get3A_799, %get3A_800] {strides = array<i32>} : memref<64x768xf32, #tpu.memory_space<vmem>>, vector<1x16xf32>,
      %get3A_802 = vector.shape_cast %get3A_801 : vector<1x16xf32> to vector<16xf32>
      %add3A_803 = arith.addf %get3A_798, %get3A_802 : vector<16xf32>
      %swap3A_804 = arith.index_cast %scan3A_208 : i32 to index
      %swap3A_805 = arith.constant 672 : index
      %swap3A_806 = tpu.vector_load %arg8[%swap3A_804, %swap3A_805] {strides = array<i32>} : memref<64x768xf32, #tpu.memory_space<vmem>>, vector<1x16xf32>,
      %swap3A_807 = vector.shape_cast %swap3A_806 : vector<1x16xf32> to vector<16xf32>
      %swap3A_808 = vector.shape_cast %add3A_803 : vector<16xf32> to vector<1x16xf32>
      tpu.vector_store %arg8[%swap3A_804, %swap3A_805], %swap3A_808 {strides = array<i32>} : memref<64x768xf32, #tpu.memory_space<vmem>>, vector<1x16xf32>,
      %get3A_809 = arith.index_cast %scan3A_208 : i32 to index
      %get3A_810 = arith.constant 688 : index
      %get3A_811 = tpu.vector_load %arg8[%get3A_809, %get3A_810] {strides = array<i32>} : memref<64x768xf32, #tpu.memory_space<vmem>>, vector<1x16xf32>,
      %get3A_812 = vector.shape_cast %get3A_811 : vector<1x16xf32> to vector<16xf32>
      %get3A_813 = arith.index_cast %scan3A_208 : i32 to index
      %get3A_814 = arith.constant 688 : index
      %get3A_815 = tpu.vector_load %arg9[%get3A_813, %get3A_814] {strides = array<i32>} : memref<64x768xf32, #tpu.memory_space<vmem>>, vector<1x16xf32>,
      %get3A_816 = vector.shape_cast %get3A_815 : vector<1x16xf32> to vector<16xf32>
      %add3A_817 = arith.addf %get3A_812, %get3A_816 : vector<16xf32>
      %swap3A_818 = arith.index_cast %scan3A_208 : i32 to index
      %swap3A_819 = arith.constant 688 : index
      %swap3A_820 = tpu.vector_load %arg8[%swap3A_818, %swap3A_819] {strides = array<i32>} : memref<64x768xf32, #tpu.memory_space<vmem>>, vector<1x16xf32>,
      %swap3A_821 = vector.shape_cast %swap3A_820 : vector<1x16xf32> to vector<16xf32>
      %swap3A_822 = vector.shape_cast %add3A_817 : vector<16xf32> to vector<1x16xf32>
      tpu.vector_store %arg8[%swap3A_818, %swap3A_819], %swap3A_822 {strides = array<i32>} : memref<64x768xf32, #tpu.memory_space<vmem>>, vector<1x16xf32>,
      %get3A_823 = arith.index_cast %scan3A_208 : i32 to index
      %get3A_824 = arith.constant 704 : index
      %get3A_825 = tpu.vector_load %arg8[%get3A_823, %get3A_824] {strides = array<i32>} : memref<64x768xf32, #tpu.memory_space<vmem>>, vector<1x16xf32>,
      %get3A_826 = vector.shape_cast %get3A_825 : vector<1x16xf32> to vector<16xf32>
      %get3A_827 = arith.index_cast %scan3A_208 : i32 to index
      %get3A_828 = arith.constant 704 : index
      %get3A_829 = tpu.vector_load %arg9[%get3A_827, %get3A_828] {strides = array<i32>} : memref<64x768xf32, #tpu.memory_space<vmem>>, vector<1x16xf32>,
      %get3A_830 = vector.shape_cast %get3A_829 : vector<1x16xf32> to vector<16xf32>
      %add3A_831 = arith.addf %get3A_826, %get3A_830 : vector<16xf32>
      %swap3A_832 = arith.index_cast %scan3A_208 : i32 to index
      %swap3A_833 = arith.constant 704 : index
      %swap3A_834 = tpu.vector_load %arg8[%swap3A_832, %swap3A_833] {strides = array<i32>} : memref<64x768xf32, #tpu.memory_space<vmem>>, vector<1x16xf32>,
      %swap3A_835 = vector.shape_cast %swap3A_834 : vector<1x16xf32> to vector<16xf32>
      %swap3A_836 = vector.shape_cast %add3A_831 : vector<16xf32> to vector<1x16xf32>
      tpu.vector_store %arg8[%swap3A_832, %swap3A_833], %swap3A_836 {strides = array<i32>} : memref<64x768xf32, #tpu.memory_space<vmem>>, vector<1x16xf32>,
      %get3A_837 = arith.index_cast %scan3A_208 : i32 to index
      %get3A_838 = arith.constant 720 : index
      %get3A_839 = tpu.vector_load %arg8[%get3A_837, %get3A_838] {strides = array<i32>} : memref<64x768xf32, #tpu.memory_space<vmem>>, vector<1x16xf32>,
      %get3A_840 = vector.shape_cast %get3A_839 : vector<1x16xf32> to vector<16xf32>
      %get3A_841 = arith.index_cast %scan3A_208 : i32 to index
      %get3A_842 = arith.constant 720 : index
      %get3A_843 = tpu.vector_load %arg9[%get3A_841, %get3A_842] {strides = array<i32>} : memref<64x768xf32, #tpu.memory_space<vmem>>, vector<1x16xf32>,
      %get3A_844 = vector.shape_cast %get3A_843 : vector<1x16xf32> to vector<16xf32>
      %add3A_845 = arith.addf %get3A_840, %get3A_844 : vector<16xf32>
      %swap3A_846 = arith.index_cast %scan3A_208 : i32 to index
      %swap3A_847 = arith.constant 720 : index
      %swap3A_848 = tpu.vector_load %arg8[%swap3A_846, %swap3A_847] {strides = array<i32>} : memref<64x768xf32, #tpu.memory_space<vmem>>, vector<1x16xf32>,
      %swap3A_849 = vector.shape_cast %swap3A_848 : vector<1x16xf32> to vector<16xf32>
      %swap3A_850 = vector.shape_cast %add3A_845 : vector<16xf32> to vector<1x16xf32>
      tpu.vector_store %arg8[%swap3A_846, %swap3A_847], %swap3A_850 {strides = array<i32>} : memref<64x768xf32, #tpu.memory_space<vmem>>, vector<1x16xf32>,
      %get3A_851 = arith.index_cast %scan3A_208 : i32 to index
      %get3A_852 = arith.constant 736 : index
      %get3A_853 = tpu.vector_load %arg8[%get3A_851, %get3A_852] {strides = array<i32>} : memref<64x768xf32, #tpu.memory_space<vmem>>, vector<1x16xf32>,
      %get3A_854 = vector.shape_cast %get3A_853 : vector<1x16xf32> to vector<16xf32>
      %get3A_855 = arith.index_cast %scan3A_208 : i32 to index
      %get3A_856 = arith.constant 736 : index
      %get3A_857 = tpu.vector_load %arg9[%get3A_855, %get3A_856] {strides = array<i32>} : memref<64x768xf32, #tpu.memory_space<vmem>>, vector<1x16xf32>,
      %get3A_858 = vector.shape_cast %get3A_857 : vector<1x16xf32> to vector<16xf32>
      %add3A_859 = arith.addf %get3A_854, %get3A_858 : vector<16xf32>
      %swap3A_860 = arith.index_cast %scan3A_208 : i32 to index
      %swap3A_861 = arith.constant 736 : index
      %swap3A_862 = tpu.vector_load %arg8[%swap3A_860, %swap3A_861] {strides = array<i32>} : memref<64x768xf32, #tpu.memory_space<vmem>>, vector<1x16xf32>,
      %swap3A_863 = vector.shape_cast %swap3A_862 : vector<1x16xf32> to vector<16xf32>
      %swap3A_864 = vector.shape_cast %add3A_859 : vector<16xf32> to vector<1x16xf32>
      tpu.vector_store %arg8[%swap3A_860, %swap3A_861], %swap3A_864 {strides = array<i32>} : memref<64x768xf32, #tpu.memory_space<vmem>>, vector<1x16xf32>,
      %get3A_865 = arith.index_cast %scan3A_208 : i32 to index
      %get3A_866 = arith.constant 752 : index
      %get3A_867 = tpu.vector_load %arg8[%get3A_865, %get3A_866] {strides = array<i32>} : memref<64x768xf32, #tpu.memory_space<vmem>>, vector<1x16xf32>,
      %get3A_868 = vector.shape_cast %get3A_867 : vector<1x16xf32> to vector<16xf32>
      %get3A_869 = arith.index_cast %scan3A_208 : i32 to index
      %get3A_870 = arith.constant 752 : index
      %get3A_871 = tpu.vector_load %arg9[%get3A_869, %get3A_870] {strides = array<i32>} : memref<64x768xf32, #tpu.memory_space<vmem>>, vector<1x16xf32>,
      %get3A_872 = vector.shape_cast %get3A_871 : vector<1x16xf32> to vector<16xf32>
      %add3A_873 = arith.addf %get3A_868, %get3A_872 : vector<16xf32>
      %swap3A_874 = arith.index_cast %scan3A_208 : i32 to index
      %swap3A_875 = arith.constant 752 : index
      %swap3A_876 = tpu.vector_load %arg8[%swap3A_874, %swap3A_875] {strides = array<i32>} : memref<64x768xf32, #tpu.memory_space<vmem>>, vector<1x16xf32>,
      %swap3A_877 = vector.shape_cast %swap3A_876 : vector<1x16xf32> to vector<16xf32>
      %swap3A_878 = vector.shape_cast %add3A_873 : vector<16xf32> to vector<1x16xf32>
      tpu.vector_store %arg8[%swap3A_874, %swap3A_875], %swap3A_878 {strides = array<i32>} : memref<64x768xf32, #tpu.memory_space<vmem>>, vector<1x16xf32>,
    }
    %scan3A_115 = arith.constant 16 : i32
    %add3A_116 = arith.constant 0 : i32
    %add3A_117 = arith.addi %mul3A_2, %add3A_116 : i32
    "tpu.region"() ({
      %run_scoped3A = tpu.sem_alloc : memref<!tpu.dma_semaphore, #tpu.memory_space<semaphore_mem>>
      %dma_start3A_208 = arith.constant 0 : i32
      %dma_start3A_209 = arith.constant 0 : i32
      %dma_start3A_210 = tpu.memref_slice %arg8[%dma_start3A_208, %dma_start3A_209] : memref<64x768xf32, #tpu.memory_space<vmem>> -> memref<16x768xf32, #tpu.memory_space<vmem>>
      %dma_start3A_211 = arith.constant 0 : i32
      %dma_start3A_212 = tpu.memref_slice %arg5[%add3A_117, %dma_start3A_211] : memref<2048x768xf32, #tpu.memory_space<hbm>> -> memref<16x768xf32, #tpu.memory_space<hbm>>
      %dma_start3A_213 = arith.constant 0 : i32
      %dma_start3A_214 = tpu.memref_slice %arg5[%add3A_117, %dma_start3A_213] : memref<2048x768xf32, #tpu.memory_space<hbm>> -> memref<16x768xf32, #tpu.memory_space<hbm>>
      %dma_start3A_215 = arith.constant 0 : i32
      %dma_start3A_216 = arith.constant 0 : i32
      %dma_start3A_217 = tpu.memref_slice %arg8[%dma_start3A_215, %dma_start3A_216] : memref<64x768xf32, #tpu.memory_space<vmem>> -> memref<16x768xf32, #tpu.memory_space<vmem>>
      tpu.enqueue_dma source(%dma_start3A_217 : memref<16x768xf32, #tpu.memory_space<vmem>>) target(%dma_start3A_214 : memref<16x768xf32, #tpu.memory_space<hbm>>) target_semaphore(%run_scoped3A : memref<!tpu.dma_semaphore, #tpu.memory_space<semaphore_mem>>)
      %dma_wait3A_218 = arith.constant 0 : i32
      %dma_wait3A_219 = arith.constant 0 : i32
      %dma_wait3A_220 = tpu.memref_slice %arg8[%dma_wait3A_218, %dma_wait3A_219] : memref<64x768xf32, #tpu.memory_space<vmem>> -> memref<16x768xf32, #tpu.memory_space<vmem>>
      %dma_wait3A_221 = arith.constant 0 : i32
      %dma_wait3A_222 = tpu.memref_slice %arg5[%add3A_117, %dma_wait3A_221] : memref<2048x768xf32, #tpu.memory_space<hbm>> -> memref<16x768xf32, #tpu.memory_space<hbm>>
      %dma_wait3A_223 = arith.constant 0 : i32
      %dma_wait3A_224 = tpu.memref_slice %arg5[%add3A_117, %dma_wait3A_223] : memref<2048x768xf32, #tpu.memory_space<hbm>> -> memref<16x768xf32, #tpu.memory_space<hbm>>
      %dma_wait3A_225 = arith.constant 0 : i32
      %dma_wait3A_226 = arith.constant 0 : i32
      %dma_wait3A_227 = tpu.memref_slice %arg8[%dma_wait3A_225, %dma_wait3A_226] : memref<64x768xf32, #tpu.memory_space<vmem>> -> memref<16x768xf32, #tpu.memory_space<vmem>>
      tpu.wait_dma2 semaphore(%run_scoped3A : memref<!tpu.dma_semaphore, #tpu.memory_space<semaphore_mem>>) src(%dma_wait3A_227 : memref<16x768xf32, #tpu.memory_space<vmem>>) dst(%dma_wait3A_224 : memref<16x768xf32, #tpu.memory_space<hbm>>)
      tpu.yield
    }) : () -> ()
    %dma_wait3A_118 = arith.constant 1 : i32
    %dma_wait3A_119 = arith.constant 16 : i32
    %dma_wait3A_120 = arith.constant 0 : i32
    %dma_wait3A_121 = tpu.memref_slice %arg8[%dma_wait3A_119, %dma_wait3A_120] : memref<64x768xf32, #tpu.memory_space<vmem>> -> memref<16x768xf32, #tpu.memory_space<vmem>>
    %dma_wait3A_122 = arith.constant 16 : i32
    %dma_wait3A_123 = tpu.memref_slice %arg6[%dma_wait3A_122] : memref<64xi32, #tpu.memory_space<vmem>> -> memref<16xi32, #tpu.memory_space<vmem>>
    %dma_wait3A_124 = arith.constant 0 : i32
    %dma_wait3A_125 = arith.constant 0 : i32
    %dma_wait3A_126 = tpu.memref_slice %arg2[%dma_wait3A_124, %dma_wait3A_125] : memref<9280x768xf32, #tpu.memory_space<hbm>> -> memref<9280x768xf32, #tpu.memory_space<hbm>>
    %dma_wait3A_127 = tpu.memref_slice %arg10[%dma_wait3A_118] : memref<4x!tpu.dma_semaphore, #tpu.memory_space<semaphore_mem>> -> memref<1x!tpu.dma_semaphore, #tpu.memory_space<semaphore_mem>>
    %dma_wait3A_128 = tpu.memref_squeeze %dma_wait3A_127 : memref<1x!tpu.dma_semaphore, #tpu.memory_space<semaphore_mem>> -> memref<!tpu.dma_semaphore, #tpu.memory_space<semaphore_mem>>
    tpu.wait_indirect_dma semaphore(%dma_wait3A_128 : memref<!tpu.dma_semaphore, #tpu.memory_space<semaphore_mem>>) src(%dma_wait3A_126 : memref<9280x768xf32, #tpu.memory_space<hbm>>) dst(%dma_wait3A_121 : memref<16x768xf32, #tpu.memory_space<vmem>>)
    %dma_wait3A_129 = arith.constant 1 : i32
    %dma_wait3A_130 = arith.constant 16 : i32
    %dma_wait3A_131 = arith.constant 0 : i32
    %dma_wait3A_132 = tpu.memref_slice %arg9[%dma_wait3A_130, %dma_wait3A_131] : memref<64x768xf32, #tpu.memory_space<vmem>> -> memref<16x768xf32, #tpu.memory_space<vmem>>
    %dma_wait3A_133 = arith.constant 16 : i32
    %dma_wait3A_134 = tpu.memref_slice %arg7[%dma_wait3A_133] : memref<64xi32, #tpu.memory_space<vmem>> -> memref<16xi32, #tpu.memory_space<vmem>>
    %dma_wait3A_135 = arith.constant 0 : i32
    %dma_wait3A_136 = arith.constant 0 : i32
    %dma_wait3A_137 = tpu.memref_slice %arg2[%dma_wait3A_135, %dma_wait3A_136] : memref<9280x768xf32, #tpu.memory_space<hbm>> -> memref<9280x768xf32, #tpu.memory_space<hbm>>
    %dma_wait3A_138 = tpu.memref_slice %arg11[%dma_wait3A_129] : memref<4x!tpu.dma_semaphore, #tpu.memory_space<semaphore_mem>> -> memref<1x!tpu.dma_semaphore, #tpu.memory_space<semaphore_mem>>
    %dma_wait3A_139 = tpu.memref_squeeze %dma_wait3A_138 : memref<1x!tpu.dma_semaphore, #tpu.memory_space<semaphore_mem>> -> memref<!tpu.dma_semaphore, #tpu.memory_space<semaphore_mem>>
    tpu.wait_indirect_dma semaphore(%dma_wait3A_139 : memref<!tpu.dma_semaphore, #tpu.memory_space<semaphore_mem>>) src(%dma_wait3A_137 : memref<9280x768xf32, #tpu.memory_space<hbm>>) dst(%dma_wait3A_132 : memref<16x768xf32, #tpu.memory_space<vmem>>)
    %scan3A_140 = arith.constant 0 : i32
    %scan3A_141 = arith.constant 16 : i32
    %scan3A_142 = arith.constant 16 : i32
    %scan3A_143 = arith.addi %scan3A_141, %scan3A_142 : i32
    %scan3A_144 = arith.constant 1 : i32
    scf.for %scan3A_208 = %scan3A_141 to %scan3A_143 step %scan3A_144  : i32 {
      %get3A = arith.index_cast %scan3A_208 : i32 to index
      %get3A_209 = arith.constant 0 : index
      %get3A_210 = tpu.vector_load %arg8[%get3A, %get3A_209] {strides = array<i32>} : memref<64x768xf32, #tpu.memory_space<vmem>>, vector<1x16xf32>,
      %get3A_211 = vector.shape_cast %get3A_210 : vector<1x16xf32> to vector<16xf32>
      %get3A_212 = arith.index_cast %scan3A_208 : i32 to index
      %get3A_213 = arith.constant 0 : index
      %get3A_214 = tpu.vector_load %arg9[%get3A_212, %get3A_213] {strides = array<i32>} : memref<64x768xf32, #tpu.memory_space<vmem>>, vector<1x16xf32>,
      %get3A_215 = vector.shape_cast %get3A_214 : vector<1x16xf32> to vector<16xf32>
      %add3A_216 = arith.addf %get3A_211, %get3A_215 : vector<16xf32>
      %swap3A = arith.index_cast %scan3A_208 : i32 to index
      %swap3A_217 = arith.constant 0 : index
      %swap3A_218 = tpu.vector_load %arg8[%swap3A, %swap3A_217] {strides = array<i32>} : memref<64x768xf32, #tpu.memory_space<vmem>>, vector<1x16xf32>,
      %swap3A_219 = vector.shape_cast %swap3A_218 : vector<1x16xf32> to vector<16xf32>
      %swap3A_220 = vector.shape_cast %add3A_216 : vector<16xf32> to vector<1x16xf32>
      tpu.vector_store %arg8[%swap3A, %swap3A_217], %swap3A_220 {strides = array<i32>} : memref<64x768xf32, #tpu.memory_space<vmem>>, vector<1x16xf32>,
      %get3A_221 = arith.index_cast %scan3A_208 : i32 to index
      %get3A_222 = arith.constant 16 : index
      %get3A_223 = tpu.vector_load %arg8[%get3A_221, %get3A_222] {strides = array<i32>} : memref<64x768xf32, #tpu.memory_space<vmem>>, vector<1x16xf32>,
      %get3A_224 = vector.shape_cast %get3A_223 : vector<1x16xf32> to vector<16xf32>
      %get3A_225 = arith.index_cast %scan3A_208 : i32 to index
      %get3A_226 = arith.constant 16 : index
      %get3A_227 = tpu.vector_load %arg9[%get3A_225, %get3A_226] {strides = array<i32>} : memref<64x768xf32, #tpu.memory_space<vmem>>, vector<1x16xf32>,
      %get3A_228 = vector.shape_cast %get3A_227 : vector<1x16xf32> to vector<16xf32>
      %add3A_229 = arith.addf %get3A_224, %get3A_228 : vector<16xf32>
      %swap3A_230 = arith.index_cast %scan3A_208 : i32 to index
      %swap3A_231 = arith.constant 16 : index
      %swap3A_232 = tpu.vector_load %arg8[%swap3A_230, %swap3A_231] {strides = array<i32>} : memref<64x768xf32, #tpu.memory_space<vmem>>, vector<1x16xf32>,
      %swap3A_233 = vector.shape_cast %swap3A_232 : vector<1x16xf32> to vector<16xf32>
      %swap3A_234 = vector.shape_cast %add3A_229 : vector<16xf32> to vector<1x16xf32>
      tpu.vector_store %arg8[%swap3A_230, %swap3A_231], %swap3A_234 {strides = array<i32>} : memref<64x768xf32, #tpu.memory_space<vmem>>, vector<1x16xf32>,
      %get3A_235 = arith.index_cast %scan3A_208 : i32 to index
      %get3A_236 = arith.constant 32 : index
      %get3A_237 = tpu.vector_load %arg8[%get3A_235, %get3A_236] {strides = array<i32>} : memref<64x768xf32, #tpu.memory_space<vmem>>, vector<1x16xf32>,
      %get3A_238 = vector.shape_cast %get3A_237 : vector<1x16xf32> to vector<16xf32>
      %get3A_239 = arith.index_cast %scan3A_208 : i32 to index
      %get3A_240 = arith.constant 32 : index
      %get3A_241 = tpu.vector_load %arg9[%get3A_239, %get3A_240] {strides = array<i32>} : memref<64x768xf32, #tpu.memory_space<vmem>>, vector<1x16xf32>,
      %get3A_242 = vector.shape_cast %get3A_241 : vector<1x16xf32> to vector<16xf32>
      %add3A_243 = arith.addf %get3A_238, %get3A_242 : vector<16xf32>
      %swap3A_244 = arith.index_cast %scan3A_208 : i32 to index
      %swap3A_245 = arith.constant 32 : index
      %swap3A_246 = tpu.vector_load %arg8[%swap3A_244, %swap3A_245] {strides = array<i32>} : memref<64x768xf32, #tpu.memory_space<vmem>>, vector<1x16xf32>,
      %swap3A_247 = vector.shape_cast %swap3A_246 : vector<1x16xf32> to vector<16xf32>
      %swap3A_248 = vector.shape_cast %add3A_243 : vector<16xf32> to vector<1x16xf32>
      tpu.vector_store %arg8[%swap3A_244, %swap3A_245], %swap3A_248 {strides = array<i32>} : memref<64x768xf32, #tpu.memory_space<vmem>>, vector<1x16xf32>,
      %get3A_249 = arith.index_cast %scan3A_208 : i32 to index
      %get3A_250 = arith.constant 48 : index
      %get3A_251 = tpu.vector_load %arg8[%get3A_249, %get3A_250] {strides = array<i32>} : memref<64x768xf32, #tpu.memory_space<vmem>>, vector<1x16xf32>,
      %get3A_252 = vector.shape_cast %get3A_251 : vector<1x16xf32> to vector<16xf32>
      %get3A_253 = arith.index_cast %scan3A_208 : i32 to index
      %get3A_254 = arith.constant 48 : index
      %get3A_255 = tpu.vector_load %arg9[%get3A_253, %get3A_254] {strides = array<i32>} : memref<64x768xf32, #tpu.memory_space<vmem>>, vector<1x16xf32>,
      %get3A_256 = vector.shape_cast %get3A_255 : vector<1x16xf32> to vector<16xf32>
      %add3A_257 = arith.addf %get3A_252, %get3A_256 : vector<16xf32>
      %swap3A_258 = arith.index_cast %scan3A_208 : i32 to index
      %swap3A_259 = arith.constant 48 : index
      %swap3A_260 = tpu.vector_load %arg8[%swap3A_258, %swap3A_259] {strides = array<i32>} : memref<64x768xf32, #tpu.memory_space<vmem>>, vector<1x16xf32>,
      %swap3A_261 = vector.shape_cast %swap3A_260 : vector<1x16xf32> to vector<16xf32>
      %swap3A_262 = vector.shape_cast %add3A_257 : vector<16xf32> to vector<1x16xf32>
      tpu.vector_store %arg8[%swap3A_258, %swap3A_259], %swap3A_262 {strides = array<i32>} : memref<64x768xf32, #tpu.memory_space<vmem>>, vector<1x16xf32>,
      %get3A_263 = arith.index_cast %scan3A_208 : i32 to index
      %get3A_264 = arith.constant 64 : index
      %get3A_265 = tpu.vector_load %arg8[%get3A_263, %get3A_264] {strides = array<i32>} : memref<64x768xf32, #tpu.memory_space<vmem>>, vector<1x16xf32>,
      %get3A_266 = vector.shape_cast %get3A_265 : vector<1x16xf32> to vector<16xf32>
      %get3A_267 = arith.index_cast %scan3A_208 : i32 to index
      %get3A_268 = arith.constant 64 : index
      %get3A_269 = tpu.vector_load %arg9[%get3A_267, %get3A_268] {strides = array<i32>} : memref<64x768xf32, #tpu.memory_space<vmem>>, vector<1x16xf32>,
      %get3A_270 = vector.shape_cast %get3A_269 : vector<1x16xf32> to vector<16xf32>
      %add3A_271 = arith.addf %get3A_266, %get3A_270 : vector<16xf32>
      %swap3A_272 = arith.index_cast %scan3A_208 : i32 to index
      %swap3A_273 = arith.constant 64 : index
      %swap3A_274 = tpu.vector_load %arg8[%swap3A_272, %swap3A_273] {strides = array<i32>} : memref<64x768xf32, #tpu.memory_space<vmem>>, vector<1x16xf32>,
      %swap3A_275 = vector.shape_cast %swap3A_274 : vector<1x16xf32> to vector<16xf32>
      %swap3A_276 = vector.shape_cast %add3A_271 : vector<16xf32> to vector<1x16xf32>
      tpu.vector_store %arg8[%swap3A_272, %swap3A_273], %swap3A_276 {strides = array<i32>} : memref<64x768xf32, #tpu.memory_space<vmem>>, vector<1x16xf32>,
      %get3A_277 = arith.index_cast %scan3A_208 : i32 to index
      %get3A_278 = arith.constant 80 : index
      %get3A_279 = tpu.vector_load %arg8[%get3A_277, %get3A_278] {strides = array<i32>} : memref<64x768xf32, #tpu.memory_space<vmem>>, vector<1x16xf32>,
      %get3A_280 = vector.shape_cast %get3A_279 : vector<1x16xf32> to vector<16xf32>
      %get3A_281 = arith.index_cast %scan3A_208 : i32 to index
      %get3A_282 = arith.constant 80 : index
      %get3A_283 = tpu.vector_load %arg9[%get3A_281, %get3A_282] {strides = array<i32>} : memref<64x768xf32, #tpu.memory_space<vmem>>, vector<1x16xf32>,
      %get3A_284 = vector.shape_cast %get3A_283 : vector<1x16xf32> to vector<16xf32>
      %add3A_285 = arith.addf %get3A_280, %get3A_284 : vector<16xf32>
      %swap3A_286 = arith.index_cast %scan3A_208 : i32 to index
      %swap3A_287 = arith.constant 80 : index
      %swap3A_288 = tpu.vector_load %arg8[%swap3A_286, %swap3A_287] {strides = array<i32>} : memref<64x768xf32, #tpu.memory_space<vmem>>, vector<1x16xf32>,
      %swap3A_289 = vector.shape_cast %swap3A_288 : vector<1x16xf32> to vector<16xf32>
      %swap3A_290 = vector.shape_cast %add3A_285 : vector<16xf32> to vector<1x16xf32>
      tpu.vector_store %arg8[%swap3A_286, %swap3A_287], %swap3A_290 {strides = array<i32>} : memref<64x768xf32, #tpu.memory_space<vmem>>, vector<1x16xf32>,
      %get3A_291 = arith.index_cast %scan3A_208 : i32 to index
      %get3A_292 = arith.constant 96 : index
      %get3A_293 = tpu.vector_load %arg8[%get3A_291, %get3A_292] {strides = array<i32>} : memref<64x768xf32, #tpu.memory_space<vmem>>, vector<1x16xf32>,
      %get3A_294 = vector.shape_cast %get3A_293 : vector<1x16xf32> to vector<16xf32>
      %get3A_295 = arith.index_cast %scan3A_208 : i32 to index
      %get3A_296 = arith.constant 96 : index
      %get3A_297 = tpu.vector_load %arg9[%get3A_295, %get3A_296] {strides = array<i32>} : memref<64x768xf32, #tpu.memory_space<vmem>>, vector<1x16xf32>,
      %get3A_298 = vector.shape_cast %get3A_297 : vector<1x16xf32> to vector<16xf32>
      %add3A_299 = arith.addf %get3A_294, %get3A_298 : vector<16xf32>
      %swap3A_300 = arith.index_cast %scan3A_208 : i32 to index
      %swap3A_301 = arith.constant 96 : index
      %swap3A_302 = tpu.vector_load %arg8[%swap3A_300, %swap3A_301] {strides = array<i32>} : memref<64x768xf32, #tpu.memory_space<vmem>>, vector<1x16xf32>,
      %swap3A_303 = vector.shape_cast %swap3A_302 : vector<1x16xf32> to vector<16xf32>
      %swap3A_304 = vector.shape_cast %add3A_299 : vector<16xf32> to vector<1x16xf32>
      tpu.vector_store %arg8[%swap3A_300, %swap3A_301], %swap3A_304 {strides = array<i32>} : memref<64x768xf32, #tpu.memory_space<vmem>>, vector<1x16xf32>,
      %get3A_305 = arith.index_cast %scan3A_208 : i32 to index
      %get3A_306 = arith.constant 112 : index
      %get3A_307 = tpu.vector_load %arg8[%get3A_305, %get3A_306] {strides = array<i32>} : memref<64x768xf32, #tpu.memory_space<vmem>>, vector<1x16xf32>,
      %get3A_308 = vector.shape_cast %get3A_307 : vector<1x16xf32> to vector<16xf32>
      %get3A_309 = arith.index_cast %scan3A_208 : i32 to index
      %get3A_310 = arith.constant 112 : index
      %get3A_311 = tpu.vector_load %arg9[%get3A_309, %get3A_310] {strides = array<i32>} : memref<64x768xf32, #tpu.memory_space<vmem>>, vector<1x16xf32>,
      %get3A_312 = vector.shape_cast %get3A_311 : vector<1x16xf32> to vector<16xf32>
      %add3A_313 = arith.addf %get3A_308, %get3A_312 : vector<16xf32>
      %swap3A_314 = arith.index_cast %scan3A_208 : i32 to index
      %swap3A_315 = arith.constant 112 : index
      %swap3A_316 = tpu.vector_load %arg8[%swap3A_314, %swap3A_315] {strides = array<i32>} : memref<64x768xf32, #tpu.memory_space<vmem>>, vector<1x16xf32>,
      %swap3A_317 = vector.shape_cast %swap3A_316 : vector<1x16xf32> to vector<16xf32>
      %swap3A_318 = vector.shape_cast %add3A_313 : vector<16xf32> to vector<1x16xf32>
      tpu.vector_store %arg8[%swap3A_314, %swap3A_315], %swap3A_318 {strides = array<i32>} : memref<64x768xf32, #tpu.memory_space<vmem>>, vector<1x16xf32>,
      %get3A_319 = arith.index_cast %scan3A_208 : i32 to index
      %get3A_320 = arith.constant 128 : index
      %get3A_321 = tpu.vector_load %arg8[%get3A_319, %get3A_320] {strides = array<i32>} : memref<64x768xf32, #tpu.memory_space<vmem>>, vector<1x16xf32>,
      %get3A_322 = vector.shape_cast %get3A_321 : vector<1x16xf32> to vector<16xf32>
      %get3A_323 = arith.index_cast %scan3A_208 : i32 to index
      %get3A_324 = arith.constant 128 : index
      %get3A_325 = tpu.vector_load %arg9[%get3A_323, %get3A_324] {strides = array<i32>} : memref<64x768xf32, #tpu.memory_space<vmem>>, vector<1x16xf32>,
      %get3A_326 = vector.shape_cast %get3A_325 : vector<1x16xf32> to vector<16xf32>
      %add3A_327 = arith.addf %get3A_322, %get3A_326 : vector<16xf32>
      %swap3A_328 = arith.index_cast %scan3A_208 : i32 to index
      %swap3A_329 = arith.constant 128 : index
      %swap3A_330 = tpu.vector_load %arg8[%swap3A_328, %swap3A_329] {strides = array<i32>} : memref<64x768xf32, #tpu.memory_space<vmem>>, vector<1x16xf32>,
      %swap3A_331 = vector.shape_cast %swap3A_330 : vector<1x16xf32> to vector<16xf32>
      %swap3A_332 = vector.shape_cast %add3A_327 : vector<16xf32> to vector<1x16xf32>
      tpu.vector_store %arg8[%swap3A_328, %swap3A_329], %swap3A_332 {strides = array<i32>} : memref<64x768xf32, #tpu.memory_space<vmem>>, vector<1x16xf32>,
      %get3A_333 = arith.index_cast %scan3A_208 : i32 to index
      %get3A_334 = arith.constant 144 : index
      %get3A_335 = tpu.vector_load %arg8[%get3A_333, %get3A_334] {strides = array<i32>} : memref<64x768xf32, #tpu.memory_space<vmem>>, vector<1x16xf32>,
      %get3A_336 = vector.shape_cast %get3A_335 : vector<1x16xf32> to vector<16xf32>
      %get3A_337 = arith.index_cast %scan3A_208 : i32 to index
      %get3A_338 = arith.constant 144 : index
      %get3A_339 = tpu.vector_load %arg9[%get3A_337, %get3A_338] {strides = array<i32>} : memref<64x768xf32, #tpu.memory_space<vmem>>, vector<1x16xf32>,
      %get3A_340 = vector.shape_cast %get3A_339 : vector<1x16xf32> to vector<16xf32>
      %add3A_341 = arith.addf %get3A_336, %get3A_340 : vector<16xf32>
      %swap3A_342 = arith.index_cast %scan3A_208 : i32 to index
      %swap3A_343 = arith.constant 144 : index
      %swap3A_344 = tpu.vector_load %arg8[%swap3A_342, %swap3A_343] {strides = array<i32>} : memref<64x768xf32, #tpu.memory_space<vmem>>, vector<1x16xf32>,
      %swap3A_345 = vector.shape_cast %swap3A_344 : vector<1x16xf32> to vector<16xf32>
      %swap3A_346 = vector.shape_cast %add3A_341 : vector<16xf32> to vector<1x16xf32>
      tpu.vector_store %arg8[%swap3A_342, %swap3A_343], %swap3A_346 {strides = array<i32>} : memref<64x768xf32, #tpu.memory_space<vmem>>, vector<1x16xf32>,
      %get3A_347 = arith.index_cast %scan3A_208 : i32 to index
      %get3A_348 = arith.constant 160 : index
      %get3A_349 = tpu.vector_load %arg8[%get3A_347, %get3A_348] {strides = array<i32>} : memref<64x768xf32, #tpu.memory_space<vmem>>, vector<1x16xf32>,
      %get3A_350 = vector.shape_cast %get3A_349 : vector<1x16xf32> to vector<16xf32>
      %get3A_351 = arith.index_cast %scan3A_208 : i32 to index
      %get3A_352 = arith.constant 160 : index
      %get3A_353 = tpu.vector_load %arg9[%get3A_351, %get3A_352] {strides = array<i32>} : memref<64x768xf32, #tpu.memory_space<vmem>>, vector<1x16xf32>,
      %get3A_354 = vector.shape_cast %get3A_353 : vector<1x16xf32> to vector<16xf32>
      %add3A_355 = arith.addf %get3A_350, %get3A_354 : vector<16xf32>
      %swap3A_356 = arith.index_cast %scan3A_208 : i32 to index
      %swap3A_357 = arith.constant 160 : index
      %swap3A_358 = tpu.vector_load %arg8[%swap3A_356, %swap3A_357] {strides = array<i32>} : memref<64x768xf32, #tpu.memory_space<vmem>>, vector<1x16xf32>,
      %swap3A_359 = vector.shape_cast %swap3A_358 : vector<1x16xf32> to vector<16xf32>
      %swap3A_360 = vector.shape_cast %add3A_355 : vector<16xf32> to vector<1x16xf32>
      tpu.vector_store %arg8[%swap3A_356, %swap3A_357], %swap3A_360 {strides = array<i32>} : memref<64x768xf32, #tpu.memory_space<vmem>>, vector<1x16xf32>,
      %get3A_361 = arith.index_cast %scan3A_208 : i32 to index
      %get3A_362 = arith.constant 176 : index
      %get3A_363 = tpu.vector_load %arg8[%get3A_361, %get3A_362] {strides = array<i32>} : memref<64x768xf32, #tpu.memory_space<vmem>>, vector<1x16xf32>,
      %get3A_364 = vector.shape_cast %get3A_363 : vector<1x16xf32> to vector<16xf32>
      %get3A_365 = arith.index_cast %scan3A_208 : i32 to index
      %get3A_366 = arith.constant 176 : index
      %get3A_367 = tpu.vector_load %arg9[%get3A_365, %get3A_366] {strides = array<i32>} : memref<64x768xf32, #tpu.memory_space<vmem>>, vector<1x16xf32>,
      %get3A_368 = vector.shape_cast %get3A_367 : vector<1x16xf32> to vector<16xf32>
      %add3A_369 = arith.addf %get3A_364, %get3A_368 : vector<16xf32>
      %swap3A_370 = arith.index_cast %scan3A_208 : i32 to index
      %swap3A_371 = arith.constant 176 : index
      %swap3A_372 = tpu.vector_load %arg8[%swap3A_370, %swap3A_371] {strides = array<i32>} : memref<64x768xf32, #tpu.memory_space<vmem>>, vector<1x16xf32>,
      %swap3A_373 = vector.shape_cast %swap3A_372 : vector<1x16xf32> to vector<16xf32>
      %swap3A_374 = vector.shape_cast %add3A_369 : vector<16xf32> to vector<1x16xf32>
      tpu.vector_store %arg8[%swap3A_370, %swap3A_371], %swap3A_374 {strides = array<i32>} : memref<64x768xf32, #tpu.memory_space<vmem>>, vector<1x16xf32>,
      %get3A_375 = arith.index_cast %scan3A_208 : i32 to index
      %get3A_376 = arith.constant 192 : index
      %get3A_377 = tpu.vector_load %arg8[%get3A_375, %get3A_376] {strides = array<i32>} : memref<64x768xf32, #tpu.memory_space<vmem>>, vector<1x16xf32>,
      %get3A_378 = vector.shape_cast %get3A_377 : vector<1x16xf32> to vector<16xf32>
      %get3A_379 = arith.index_cast %scan3A_208 : i32 to index
      %get3A_380 = arith.constant 192 : index
      %get3A_381 = tpu.vector_load %arg9[%get3A_379, %get3A_380] {strides = array<i32>} : memref<64x768xf32, #tpu.memory_space<vmem>>, vector<1x16xf32>,
      %get3A_382 = vector.shape_cast %get3A_381 : vector<1x16xf32> to vector<16xf32>
      %add3A_383 = arith.addf %get3A_378, %get3A_382 : vector<16xf32>
      %swap3A_384 = arith.index_cast %scan3A_208 : i32 to index
      %swap3A_385 = arith.constant 192 : index
      %swap3A_386 = tpu.vector_load %arg8[%swap3A_384, %swap3A_385] {strides = array<i32>} : memref<64x768xf32, #tpu.memory_space<vmem>>, vector<1x16xf32>,
      %swap3A_387 = vector.shape_cast %swap3A_386 : vector<1x16xf32> to vector<16xf32>
      %swap3A_388 = vector.shape_cast %add3A_383 : vector<16xf32> to vector<1x16xf32>
      tpu.vector_store %arg8[%swap3A_384, %swap3A_385], %swap3A_388 {strides = array<i32>} : memref<64x768xf32, #tpu.memory_space<vmem>>, vector<1x16xf32>,
      %get3A_389 = arith.index_cast %scan3A_208 : i32 to index
      %get3A_390 = arith.constant 208 : index
      %get3A_391 = tpu.vector_load %arg8[%get3A_389, %get3A_390] {strides = array<i32>} : memref<64x768xf32, #tpu.memory_space<vmem>>, vector<1x16xf32>,
      %get3A_392 = vector.shape_cast %get3A_391 : vector<1x16xf32> to vector<16xf32>
      %get3A_393 = arith.index_cast %scan3A_208 : i32 to index
      %get3A_394 = arith.constant 208 : index
      %get3A_395 = tpu.vector_load %arg9[%get3A_393, %get3A_394] {strides = array<i32>} : memref<64x768xf32, #tpu.memory_space<vmem>>, vector<1x16xf32>,
      %get3A_396 = vector.shape_cast %get3A_395 : vector<1x16xf32> to vector<16xf32>
      %add3A_397 = arith.addf %get3A_392, %get3A_396 : vector<16xf32>
      %swap3A_398 = arith.index_cast %scan3A_208 : i32 to index
      %swap3A_399 = arith.constant 208 : index
      %swap3A_400 = tpu.vector_load %arg8[%swap3A_398, %swap3A_399] {strides = array<i32>} : memref<64x768xf32, #tpu.memory_space<vmem>>, vector<1x16xf32>,
      %swap3A_401 = vector.shape_cast %swap3A_400 : vector<1x16xf32> to vector<16xf32>
      %swap3A_402 = vector.shape_cast %add3A_397 : vector<16xf32> to vector<1x16xf32>
      tpu.vector_store %arg8[%swap3A_398, %swap3A_399], %swap3A_402 {strides = array<i32>} : memref<64x768xf32, #tpu.memory_space<vmem>>, vector<1x16xf32>,
      %get3A_403 = arith.index_cast %scan3A_208 : i32 to index
      %get3A_404 = arith.constant 224 : index
      %get3A_405 = tpu.vector_load %arg8[%get3A_403, %get3A_404] {strides = array<i32>} : memref<64x768xf32, #tpu.memory_space<vmem>>, vector<1x16xf32>,
      %get3A_406 = vector.shape_cast %get3A_405 : vector<1x16xf32> to vector<16xf32>
      %get3A_407 = arith.index_cast %scan3A_208 : i32 to index
      %get3A_408 = arith.constant 224 : index
      %get3A_409 = tpu.vector_load %arg9[%get3A_407, %get3A_408] {strides = array<i32>} : memref<64x768xf32, #tpu.memory_space<vmem>>, vector<1x16xf32>,
      %get3A_410 = vector.shape_cast %get3A_409 : vector<1x16xf32> to vector<16xf32>
      %add3A_411 = arith.addf %get3A_406, %get3A_410 : vector<16xf32>
      %swap3A_412 = arith.index_cast %scan3A_208 : i32 to index
      %swap3A_413 = arith.constant 224 : index
      %swap3A_414 = tpu.vector_load %arg8[%swap3A_412, %swap3A_413] {strides = array<i32>} : memref<64x768xf32, #tpu.memory_space<vmem>>, vector<1x16xf32>,
      %swap3A_415 = vector.shape_cast %swap3A_414 : vector<1x16xf32> to vector<16xf32>
      %swap3A_416 = vector.shape_cast %add3A_411 : vector<16xf32> to vector<1x16xf32>
      tpu.vector_store %arg8[%swap3A_412, %swap3A_413], %swap3A_416 {strides = array<i32>} : memref<64x768xf32, #tpu.memory_space<vmem>>, vector<1x16xf32>,
      %get3A_417 = arith.index_cast %scan3A_208 : i32 to index
      %get3A_418 = arith.constant 240 : index
      %get3A_419 = tpu.vector_load %arg8[%get3A_417, %get3A_418] {strides = array<i32>} : memref<64x768xf32, #tpu.memory_space<vmem>>, vector<1x16xf32>,
      %get3A_420 = vector.shape_cast %get3A_419 : vector<1x16xf32> to vector<16xf32>
      %get3A_421 = arith.index_cast %scan3A_208 : i32 to index
      %get3A_422 = arith.constant 240 : index
      %get3A_423 = tpu.vector_load %arg9[%get3A_421, %get3A_422] {strides = array<i32>} : memref<64x768xf32, #tpu.memory_space<vmem>>, vector<1x16xf32>,
      %get3A_424 = vector.shape_cast %get3A_423 : vector<1x16xf32> to vector<16xf32>
      %add3A_425 = arith.addf %get3A_420, %get3A_424 : vector<16xf32>
      %swap3A_426 = arith.index_cast %scan3A_208 : i32 to index
      %swap3A_427 = arith.constant 240 : index
      %swap3A_428 = tpu.vector_load %arg8[%swap3A_426, %swap3A_427] {strides = array<i32>} : memref<64x768xf32, #tpu.memory_space<vmem>>, vector<1x16xf32>,
      %swap3A_429 = vector.shape_cast %swap3A_428 : vector<1x16xf32> to vector<16xf32>
      %swap3A_430 = vector.shape_cast %add3A_425 : vector<16xf32> to vector<1x16xf32>
      tpu.vector_store %arg8[%swap3A_426, %swap3A_427], %swap3A_430 {strides = array<i32>} : memref<64x768xf32, #tpu.memory_space<vmem>>, vector<1x16xf32>,
      %get3A_431 = arith.index_cast %scan3A_208 : i32 to index
      %get3A_432 = arith.constant 256 : index
      %get3A_433 = tpu.vector_load %arg8[%get3A_431, %get3A_432] {strides = array<i32>} : memref<64x768xf32, #tpu.memory_space<vmem>>, vector<1x16xf32>,
      %get3A_434 = vector.shape_cast %get3A_433 : vector<1x16xf32> to vector<16xf32>
      %get3A_435 = arith.index_cast %scan3A_208 : i32 to index
      %get3A_436 = arith.constant 256 : index
      %get3A_437 = tpu.vector_load %arg9[%get3A_435, %get3A_436] {strides = array<i32>} : memref<64x768xf32, #tpu.memory_space<vmem>>, vector<1x16xf32>,
      %get3A_438 = vector.shape_cast %get3A_437 : vector<1x16xf32> to vector<16xf32>
      %add3A_439 = arith.addf %get3A_434, %get3A_438 : vector<16xf32>
      %swap3A_440 = arith.index_cast %scan3A_208 : i32 to index
      %swap3A_441 = arith.constant 256 : index
      %swap3A_442 = tpu.vector_load %arg8[%swap3A_440, %swap3A_441] {strides = array<i32>} : memref<64x768xf32, #tpu.memory_space<vmem>>, vector<1x16xf32>,
      %swap3A_443 = vector.shape_cast %swap3A_442 : vector<1x16xf32> to vector<16xf32>
      %swap3A_444 = vector.shape_cast %add3A_439 : vector<16xf32> to vector<1x16xf32>
      tpu.vector_store %arg8[%swap3A_440, %swap3A_441], %swap3A_444 {strides = array<i32>} : memref<64x768xf32, #tpu.memory_space<vmem>>, vector<1x16xf32>,
      %get3A_445 = arith.index_cast %scan3A_208 : i32 to index
      %get3A_446 = arith.constant 272 : index
      %get3A_447 = tpu.vector_load %arg8[%get3A_445, %get3A_446] {strides = array<i32>} : memref<64x768xf32, #tpu.memory_space<vmem>>, vector<1x16xf32>,
      %get3A_448 = vector.shape_cast %get3A_447 : vector<1x16xf32> to vector<16xf32>
      %get3A_449 = arith.index_cast %scan3A_208 : i32 to index
      %get3A_450 = arith.constant 272 : index
      %get3A_451 = tpu.vector_load %arg9[%get3A_449, %get3A_450] {strides = array<i32>} : memref<64x768xf32, #tpu.memory_space<vmem>>, vector<1x16xf32>,
      %get3A_452 = vector.shape_cast %get3A_451 : vector<1x16xf32> to vector<16xf32>
      %add3A_453 = arith.addf %get3A_448, %get3A_452 : vector<16xf32>
      %swap3A_454 = arith.index_cast %scan3A_208 : i32 to index
      %swap3A_455 = arith.constant 272 : index
      %swap3A_456 = tpu.vector_load %arg8[%swap3A_454, %swap3A_455] {strides = array<i32>} : memref<64x768xf32, #tpu.memory_space<vmem>>, vector<1x16xf32>,
      %swap3A_457 = vector.shape_cast %swap3A_456 : vector<1x16xf32> to vector<16xf32>
      %swap3A_458 = vector.shape_cast %add3A_453 : vector<16xf32> to vector<1x16xf32>
      tpu.vector_store %arg8[%swap3A_454, %swap3A_455], %swap3A_458 {strides = array<i32>} : memref<64x768xf32, #tpu.memory_space<vmem>>, vector<1x16xf32>,
      %get3A_459 = arith.index_cast %scan3A_208 : i32 to index
      %get3A_460 = arith.constant 288 : index
      %get3A_461 = tpu.vector_load %arg8[%get3A_459, %get3A_460] {strides = array<i32>} : memref<64x768xf32, #tpu.memory_space<vmem>>, vector<1x16xf32>,
      %get3A_462 = vector.shape_cast %get3A_461 : vector<1x16xf32> to vector<16xf32>
      %get3A_463 = arith.index_cast %scan3A_208 : i32 to index
      %get3A_464 = arith.constant 288 : index
      %get3A_465 = tpu.vector_load %arg9[%get3A_463, %get3A_464] {strides = array<i32>} : memref<64x768xf32, #tpu.memory_space<vmem>>, vector<1x16xf32>,
      %get3A_466 = vector.shape_cast %get3A_465 : vector<1x16xf32> to vector<16xf32>
      %add3A_467 = arith.addf %get3A_462, %get3A_466 : vector<16xf32>
      %swap3A_468 = arith.index_cast %scan3A_208 : i32 to index
      %swap3A_469 = arith.constant 288 : index
      %swap3A_470 = tpu.vector_load %arg8[%swap3A_468, %swap3A_469] {strides = array<i32>} : memref<64x768xf32, #tpu.memory_space<vmem>>, vector<1x16xf32>,
      %swap3A_471 = vector.shape_cast %swap3A_470 : vector<1x16xf32> to vector<16xf32>
      %swap3A_472 = vector.shape_cast %add3A_467 : vector<16xf32> to vector<1x16xf32>
      tpu.vector_store %arg8[%swap3A_468, %swap3A_469], %swap3A_472 {strides = array<i32>} : memref<64x768xf32, #tpu.memory_space<vmem>>, vector<1x16xf32>,
      %get3A_473 = arith.index_cast %scan3A_208 : i32 to index
      %get3A_474 = arith.constant 304 : index
      %get3A_475 = tpu.vector_load %arg8[%get3A_473, %get3A_474] {strides = array<i32>} : memref<64x768xf32, #tpu.memory_space<vmem>>, vector<1x16xf32>,
      %get3A_476 = vector.shape_cast %get3A_475 : vector<1x16xf32> to vector<16xf32>
      %get3A_477 = arith.index_cast %scan3A_208 : i32 to index
      %get3A_478 = arith.constant 304 : index
      %get3A_479 = tpu.vector_load %arg9[%get3A_477, %get3A_478] {strides = array<i32>} : memref<64x768xf32, #tpu.memory_space<vmem>>, vector<1x16xf32>,
      %get3A_480 = vector.shape_cast %get3A_479 : vector<1x16xf32> to vector<16xf32>
      %add3A_481 = arith.addf %get3A_476, %get3A_480 : vector<16xf32>
      %swap3A_482 = arith.index_cast %scan3A_208 : i32 to index
      %swap3A_483 = arith.constant 304 : index
      %swap3A_484 = tpu.vector_load %arg8[%swap3A_482, %swap3A_483] {strides = array<i32>} : memref<64x768xf32, #tpu.memory_space<vmem>>, vector<1x16xf32>,
      %swap3A_485 = vector.shape_cast %swap3A_484 : vector<1x16xf32> to vector<16xf32>
      %swap3A_486 = vector.shape_cast %add3A_481 : vector<16xf32> to vector<1x16xf32>
      tpu.vector_store %arg8[%swap3A_482, %swap3A_483], %swap3A_486 {strides = array<i32>} : memref<64x768xf32, #tpu.memory_space<vmem>>, vector<1x16xf32>,
      %get3A_487 = arith.index_cast %scan3A_208 : i32 to index
      %get3A_488 = arith.constant 320 : index
      %get3A_489 = tpu.vector_load %arg8[%get3A_487, %get3A_488] {strides = array<i32>} : memref<64x768xf32, #tpu.memory_space<vmem>>, vector<1x16xf32>,
      %get3A_490 = vector.shape_cast %get3A_489 : vector<1x16xf32> to vector<16xf32>
      %get3A_491 = arith.index_cast %scan3A_208 : i32 to index
      %get3A_492 = arith.constant 320 : index
      %get3A_493 = tpu.vector_load %arg9[%get3A_491, %get3A_492] {strides = array<i32>} : memref<64x768xf32, #tpu.memory_space<vmem>>, vector<1x16xf32>,
      %get3A_494 = vector.shape_cast %get3A_493 : vector<1x16xf32> to vector<16xf32>
      %add3A_495 = arith.addf %get3A_490, %get3A_494 : vector<16xf32>
      %swap3A_496 = arith.index_cast %scan3A_208 : i32 to index
      %swap3A_497 = arith.constant 320 : index
      %swap3A_498 = tpu.vector_load %arg8[%swap3A_496, %swap3A_497] {strides = array<i32>} : memref<64x768xf32, #tpu.memory_space<vmem>>, vector<1x16xf32>,
      %swap3A_499 = vector.shape_cast %swap3A_498 : vector<1x16xf32> to vector<16xf32>
      %swap3A_500 = vector.shape_cast %add3A_495 : vector<16xf32> to vector<1x16xf32>
      tpu.vector_store %arg8[%swap3A_496, %swap3A_497], %swap3A_500 {strides = array<i32>} : memref<64x768xf32, #tpu.memory_space<vmem>>, vector<1x16xf32>,
      %get3A_501 = arith.index_cast %scan3A_208 : i32 to index
      %get3A_502 = arith.constant 336 : index
      %get3A_503 = tpu.vector_load %arg8[%get3A_501, %get3A_502] {strides = array<i32>} : memref<64x768xf32, #tpu.memory_space<vmem>>, vector<1x16xf32>,
      %get3A_504 = vector.shape_cast %get3A_503 : vector<1x16xf32> to vector<16xf32>
      %get3A_505 = arith.index_cast %scan3A_208 : i32 to index
      %get3A_506 = arith.constant 336 : index
      %get3A_507 = tpu.vector_load %arg9[%get3A_505, %get3A_506] {strides = array<i32>} : memref<64x768xf32, #tpu.memory_space<vmem>>, vector<1x16xf32>,
      %get3A_508 = vector.shape_cast %get3A_507 : vector<1x16xf32> to vector<16xf32>
      %add3A_509 = arith.addf %get3A_504, %get3A_508 : vector<16xf32>
      %swap3A_510 = arith.index_cast %scan3A_208 : i32 to index
      %swap3A_511 = arith.constant 336 : index
      %swap3A_512 = tpu.vector_load %arg8[%swap3A_510, %swap3A_511] {strides = array<i32>} : memref<64x768xf32, #tpu.memory_space<vmem>>, vector<1x16xf32>,
      %swap3A_513 = vector.shape_cast %swap3A_512 : vector<1x16xf32> to vector<16xf32>
      %swap3A_514 = vector.shape_cast %add3A_509 : vector<16xf32> to vector<1x16xf32>
      tpu.vector_store %arg8[%swap3A_510, %swap3A_511], %swap3A_514 {strides = array<i32>} : memref<64x768xf32, #tpu.memory_space<vmem>>, vector<1x16xf32>,
      %get3A_515 = arith.index_cast %scan3A_208 : i32 to index
      %get3A_516 = arith.constant 352 : index
      %get3A_517 = tpu.vector_load %arg8[%get3A_515, %get3A_516] {strides = array<i32>} : memref<64x768xf32, #tpu.memory_space<vmem>>, vector<1x16xf32>,
      %get3A_518 = vector.shape_cast %get3A_517 : vector<1x16xf32> to vector<16xf32>
      %get3A_519 = arith.index_cast %scan3A_208 : i32 to index
      %get3A_520 = arith.constant 352 : index
      %get3A_521 = tpu.vector_load %arg9[%get3A_519, %get3A_520] {strides = array<i32>} : memref<64x768xf32, #tpu.memory_space<vmem>>, vector<1x16xf32>,
      %get3A_522 = vector.shape_cast %get3A_521 : vector<1x16xf32> to vector<16xf32>
      %add3A_523 = arith.addf %get3A_518, %get3A_522 : vector<16xf32>
      %swap3A_524 = arith.index_cast %scan3A_208 : i32 to index
      %swap3A_525 = arith.constant 352 : index
      %swap3A_526 = tpu.vector_load %arg8[%swap3A_524, %swap3A_525] {strides = array<i32>} : memref<64x768xf32, #tpu.memory_space<vmem>>, vector<1x16xf32>,
      %swap3A_527 = vector.shape_cast %swap3A_526 : vector<1x16xf32> to vector<16xf32>
      %swap3A_528 = vector.shape_cast %add3A_523 : vector<16xf32> to vector<1x16xf32>
      tpu.vector_store %arg8[%swap3A_524, %swap3A_525], %swap3A_528 {strides = array<i32>} : memref<64x768xf32, #tpu.memory_space<vmem>>, vector<1x16xf32>,
      %get3A_529 = arith.index_cast %scan3A_208 : i32 to index
      %get3A_530 = arith.constant 368 : index
      %get3A_531 = tpu.vector_load %arg8[%get3A_529, %get3A_530] {strides = array<i32>} : memref<64x768xf32, #tpu.memory_space<vmem>>, vector<1x16xf32>,
      %get3A_532 = vector.shape_cast %get3A_531 : vector<1x16xf32> to vector<16xf32>
      %get3A_533 = arith.index_cast %scan3A_208 : i32 to index
      %get3A_534 = arith.constant 368 : index
      %get3A_535 = tpu.vector_load %arg9[%get3A_533, %get3A_534] {strides = array<i32>} : memref<64x768xf32, #tpu.memory_space<vmem>>, vector<1x16xf32>,
      %get3A_536 = vector.shape_cast %get3A_535 : vector<1x16xf32> to vector<16xf32>
      %add3A_537 = arith.addf %get3A_532, %get3A_536 : vector<16xf32>
      %swap3A_538 = arith.index_cast %scan3A_208 : i32 to index
      %swap3A_539 = arith.constant 368 : index
      %swap3A_540 = tpu.vector_load %arg8[%swap3A_538, %swap3A_539] {strides = array<i32>} : memref<64x768xf32, #tpu.memory_space<vmem>>, vector<1x16xf32>,
      %swap3A_541 = vector.shape_cast %swap3A_540 : vector<1x16xf32> to vector<16xf32>
      %swap3A_542 = vector.shape_cast %add3A_537 : vector<16xf32> to vector<1x16xf32>
      tpu.vector_store %arg8[%swap3A_538, %swap3A_539], %swap3A_542 {strides = array<i32>} : memref<64x768xf32, #tpu.memory_space<vmem>>, vector<1x16xf32>,
      %get3A_543 = arith.index_cast %scan3A_208 : i32 to index
      %get3A_544 = arith.constant 384 : index
      %get3A_545 = tpu.vector_load %arg8[%get3A_543, %get3A_544] {strides = array<i32>} : memref<64x768xf32, #tpu.memory_space<vmem>>, vector<1x16xf32>,
      %get3A_546 = vector.shape_cast %get3A_545 : vector<1x16xf32> to vector<16xf32>
      %get3A_547 = arith.index_cast %scan3A_208 : i32 to index
      %get3A_548 = arith.constant 384 : index
      %get3A_549 = tpu.vector_load %arg9[%get3A_547, %get3A_548] {strides = array<i32>} : memref<64x768xf32, #tpu.memory_space<vmem>>, vector<1x16xf32>,
      %get3A_550 = vector.shape_cast %get3A_549 : vector<1x16xf32> to vector<16xf32>
      %add3A_551 = arith.addf %get3A_546, %get3A_550 : vector<16xf32>
      %swap3A_552 = arith.index_cast %scan3A_208 : i32 to index
      %swap3A_553 = arith.constant 384 : index
      %swap3A_554 = tpu.vector_load %arg8[%swap3A_552, %swap3A_553] {strides = array<i32>} : memref<64x768xf32, #tpu.memory_space<vmem>>, vector<1x16xf32>,
      %swap3A_555 = vector.shape_cast %swap3A_554 : vector<1x16xf32> to vector<16xf32>
      %swap3A_556 = vector.shape_cast %add3A_551 : vector<16xf32> to vector<1x16xf32>
      tpu.vector_store %arg8[%swap3A_552, %swap3A_553], %swap3A_556 {strides = array<i32>} : memref<64x768xf32, #tpu.memory_space<vmem>>, vector<1x16xf32>,
      %get3A_557 = arith.index_cast %scan3A_208 : i32 to index
      %get3A_558 = arith.constant 400 : index
      %get3A_559 = tpu.vector_load %arg8[%get3A_557, %get3A_558] {strides = array<i32>} : memref<64x768xf32, #tpu.memory_space<vmem>>, vector<1x16xf32>,
      %get3A_560 = vector.shape_cast %get3A_559 : vector<1x16xf32> to vector<16xf32>
      %get3A_561 = arith.index_cast %scan3A_208 : i32 to index
      %get3A_562 = arith.constant 400 : index
      %get3A_563 = tpu.vector_load %arg9[%get3A_561, %get3A_562] {strides = array<i32>} : memref<64x768xf32, #tpu.memory_space<vmem>>, vector<1x16xf32>,
      %get3A_564 = vector.shape_cast %get3A_563 : vector<1x16xf32> to vector<16xf32>
      %add3A_565 = arith.addf %get3A_560, %get3A_564 : vector<16xf32>
      %swap3A_566 = arith.index_cast %scan3A_208 : i32 to index
      %swap3A_567 = arith.constant 400 : index
      %swap3A_568 = tpu.vector_load %arg8[%swap3A_566, %swap3A_567] {strides = array<i32>} : memref<64x768xf32, #tpu.memory_space<vmem>>, vector<1x16xf32>,
      %swap3A_569 = vector.shape_cast %swap3A_568 : vector<1x16xf32> to vector<16xf32>
      %swap3A_570 = vector.shape_cast %add3A_565 : vector<16xf32> to vector<1x16xf32>
      tpu.vector_store %arg8[%swap3A_566, %swap3A_567], %swap3A_570 {strides = array<i32>} : memref<64x768xf32, #tpu.memory_space<vmem>>, vector<1x16xf32>,
      %get3A_571 = arith.index_cast %scan3A_208 : i32 to index
      %get3A_572 = arith.constant 416 : index
      %get3A_573 = tpu.vector_load %arg8[%get3A_571, %get3A_572] {strides = array<i32>} : memref<64x768xf32, #tpu.memory_space<vmem>>, vector<1x16xf32>,
      %get3A_574 = vector.shape_cast %get3A_573 : vector<1x16xf32> to vector<16xf32>
      %get3A_575 = arith.index_cast %scan3A_208 : i32 to index
      %get3A_576 = arith.constant 416 : index
      %get3A_577 = tpu.vector_load %arg9[%get3A_575, %get3A_576] {strides = array<i32>} : memref<64x768xf32, #tpu.memory_space<vmem>>, vector<1x16xf32>,
      %get3A_578 = vector.shape_cast %get3A_577 : vector<1x16xf32> to vector<16xf32>
      %add3A_579 = arith.addf %get3A_574, %get3A_578 : vector<16xf32>
      %swap3A_580 = arith.index_cast %scan3A_208 : i32 to index
      %swap3A_581 = arith.constant 416 : index
      %swap3A_582 = tpu.vector_load %arg8[%swap3A_580, %swap3A_581] {strides = array<i32>} : memref<64x768xf32, #tpu.memory_space<vmem>>, vector<1x16xf32>,
      %swap3A_583 = vector.shape_cast %swap3A_582 : vector<1x16xf32> to vector<16xf32>
      %swap3A_584 = vector.shape_cast %add3A_579 : vector<16xf32> to vector<1x16xf32>
      tpu.vector_store %arg8[%swap3A_580, %swap3A_581], %swap3A_584 {strides = array<i32>} : memref<64x768xf32, #tpu.memory_space<vmem>>, vector<1x16xf32>,
      %get3A_585 = arith.index_cast %scan3A_208 : i32 to index
      %get3A_586 = arith.constant 432 : index
      %get3A_587 = tpu.vector_load %arg8[%get3A_585, %get3A_586] {strides = array<i32>} : memref<64x768xf32, #tpu.memory_space<vmem>>, vector<1x16xf32>,
      %get3A_588 = vector.shape_cast %get3A_587 : vector<1x16xf32> to vector<16xf32>
      %get3A_589 = arith.index_cast %scan3A_208 : i32 to index
      %get3A_590 = arith.constant 432 : index
      %get3A_591 = tpu.vector_load %arg9[%get3A_589, %get3A_590] {strides = array<i32>} : memref<64x768xf32, #tpu.memory_space<vmem>>, vector<1x16xf32>,
      %get3A_592 = vector.shape_cast %get3A_591 : vector<1x16xf32> to vector<16xf32>
      %add3A_593 = arith.addf %get3A_588, %get3A_592 : vector<16xf32>
      %swap3A_594 = arith.index_cast %scan3A_208 : i32 to index
      %swap3A_595 = arith.constant 432 : index
      %swap3A_596 = tpu.vector_load %arg8[%swap3A_594, %swap3A_595] {strides = array<i32>} : memref<64x768xf32, #tpu.memory_space<vmem>>, vector<1x16xf32>,
      %swap3A_597 = vector.shape_cast %swap3A_596 : vector<1x16xf32> to vector<16xf32>
      %swap3A_598 = vector.shape_cast %add3A_593 : vector<16xf32> to vector<1x16xf32>
      tpu.vector_store %arg8[%swap3A_594, %swap3A_595], %swap3A_598 {strides = array<i32>} : memref<64x768xf32, #tpu.memory_space<vmem>>, vector<1x16xf32>,
      %get3A_599 = arith.index_cast %scan3A_208 : i32 to index
      %get3A_600 = arith.constant 448 : index
      %get3A_601 = tpu.vector_load %arg8[%get3A_599, %get3A_600] {strides = array<i32>} : memref<64x768xf32, #tpu.memory_space<vmem>>, vector<1x16xf32>,
      %get3A_602 = vector.shape_cast %get3A_601 : vector<1x16xf32> to vector<16xf32>
      %get3A_603 = arith.index_cast %scan3A_208 : i32 to index
      %get3A_604 = arith.constant 448 : index
      %get3A_605 = tpu.vector_load %arg9[%get3A_603, %get3A_604] {strides = array<i32>} : memref<64x768xf32, #tpu.memory_space<vmem>>, vector<1x16xf32>,
      %get3A_606 = vector.shape_cast %get3A_605 : vector<1x16xf32> to vector<16xf32>
      %add3A_607 = arith.addf %get3A_602, %get3A_606 : vector<16xf32>
      %swap3A_608 = arith.index_cast %scan3A_208 : i32 to index
      %swap3A_609 = arith.constant 448 : index
      %swap3A_610 = tpu.vector_load %arg8[%swap3A_608, %swap3A_609] {strides = array<i32>} : memref<64x768xf32, #tpu.memory_space<vmem>>, vector<1x16xf32>,
      %swap3A_611 = vector.shape_cast %swap3A_610 : vector<1x16xf32> to vector<16xf32>
      %swap3A_612 = vector.shape_cast %add3A_607 : vector<16xf32> to vector<1x16xf32>
      tpu.vector_store %arg8[%swap3A_608, %swap3A_609], %swap3A_612 {strides = array<i32>} : memref<64x768xf32, #tpu.memory_space<vmem>>, vector<1x16xf32>,
      %get3A_613 = arith.index_cast %scan3A_208 : i32 to index
      %get3A_614 = arith.constant 464 : index
      %get3A_615 = tpu.vector_load %arg8[%get3A_613, %get3A_614] {strides = array<i32>} : memref<64x768xf32, #tpu.memory_space<vmem>>, vector<1x16xf32>,
      %get3A_616 = vector.shape_cast %get3A_615 : vector<1x16xf32> to vector<16xf32>
      %get3A_617 = arith.index_cast %scan3A_208 : i32 to index
      %get3A_618 = arith.constant 464 : index
      %get3A_619 = tpu.vector_load %arg9[%get3A_617, %get3A_618] {strides = array<i32>} : memref<64x768xf32, #tpu.memory_space<vmem>>, vector<1x16xf32>,
      %get3A_620 = vector.shape_cast %get3A_619 : vector<1x16xf32> to vector<16xf32>
      %add3A_621 = arith.addf %get3A_616, %get3A_620 : vector<16xf32>
      %swap3A_622 = arith.index_cast %scan3A_208 : i32 to index
      %swap3A_623 = arith.constant 464 : index
      %swap3A_624 = tpu.vector_load %arg8[%swap3A_622, %swap3A_623] {strides = array<i32>} : memref<64x768xf32, #tpu.memory_space<vmem>>, vector<1x16xf32>,
      %swap3A_625 = vector.shape_cast %swap3A_624 : vector<1x16xf32> to vector<16xf32>
      %swap3A_626 = vector.shape_cast %add3A_621 : vector<16xf32> to vector<1x16xf32>
      tpu.vector_store %arg8[%swap3A_622, %swap3A_623], %swap3A_626 {strides = array<i32>} : memref<64x768xf32, #tpu.memory_space<vmem>>, vector<1x16xf32>,
      %get3A_627 = arith.index_cast %scan3A_208 : i32 to index
      %get3A_628 = arith.constant 480 : index
      %get3A_629 = tpu.vector_load %arg8[%get3A_627, %get3A_628] {strides = array<i32>} : memref<64x768xf32, #tpu.memory_space<vmem>>, vector<1x16xf32>,
      %get3A_630 = vector.shape_cast %get3A_629 : vector<1x16xf32> to vector<16xf32>
      %get3A_631 = arith.index_cast %scan3A_208 : i32 to index
      %get3A_632 = arith.constant 480 : index
      %get3A_633 = tpu.vector_load %arg9[%get3A_631, %get3A_632] {strides = array<i32>} : memref<64x768xf32, #tpu.memory_space<vmem>>, vector<1x16xf32>,
      %get3A_634 = vector.shape_cast %get3A_633 : vector<1x16xf32> to vector<16xf32>
      %add3A_635 = arith.addf %get3A_630, %get3A_634 : vector<16xf32>
      %swap3A_636 = arith.index_cast %scan3A_208 : i32 to index
      %swap3A_637 = arith.constant 480 : index
      %swap3A_638 = tpu.vector_load %arg8[%swap3A_636, %swap3A_637] {strides = array<i32>} : memref<64x768xf32, #tpu.memory_space<vmem>>, vector<1x16xf32>,
      %swap3A_639 = vector.shape_cast %swap3A_638 : vector<1x16xf32> to vector<16xf32>
      %swap3A_640 = vector.shape_cast %add3A_635 : vector<16xf32> to vector<1x16xf32>
      tpu.vector_store %arg8[%swap3A_636, %swap3A_637], %swap3A_640 {strides = array<i32>} : memref<64x768xf32, #tpu.memory_space<vmem>>, vector<1x16xf32>,
      %get3A_641 = arith.index_cast %scan3A_208 : i32 to index
      %get3A_642 = arith.constant 496 : index
      %get3A_643 = tpu.vector_load %arg8[%get3A_641, %get3A_642] {strides = array<i32>} : memref<64x768xf32, #tpu.memory_space<vmem>>, vector<1x16xf32>,
      %get3A_644 = vector.shape_cast %get3A_643 : vector<1x16xf32> to vector<16xf32>
      %get3A_645 = arith.index_cast %scan3A_208 : i32 to index
      %get3A_646 = arith.constant 496 : index
      %get3A_647 = tpu.vector_load %arg9[%get3A_645, %get3A_646] {strides = array<i32>} : memref<64x768xf32, #tpu.memory_space<vmem>>, vector<1x16xf32>,
      %get3A_648 = vector.shape_cast %get3A_647 : vector<1x16xf32> to vector<16xf32>
      %add3A_649 = arith.addf %get3A_644, %get3A_648 : vector<16xf32>
      %swap3A_650 = arith.index_cast %scan3A_208 : i32 to index
      %swap3A_651 = arith.constant 496 : index
      %swap3A_652 = tpu.vector_load %arg8[%swap3A_650, %swap3A_651] {strides = array<i32>} : memref<64x768xf32, #tpu.memory_space<vmem>>, vector<1x16xf32>,
      %swap3A_653 = vector.shape_cast %swap3A_652 : vector<1x16xf32> to vector<16xf32>
      %swap3A_654 = vector.shape_cast %add3A_649 : vector<16xf32> to vector<1x16xf32>
      tpu.vector_store %arg8[%swap3A_650, %swap3A_651], %swap3A_654 {strides = array<i32>} : memref<64x768xf32, #tpu.memory_space<vmem>>, vector<1x16xf32>,
      %get3A_655 = arith.index_cast %scan3A_208 : i32 to index
      %get3A_656 = arith.constant 512 : index
      %get3A_657 = tpu.vector_load %arg8[%get3A_655, %get3A_656] {strides = array<i32>} : memref<64x768xf32, #tpu.memory_space<vmem>>, vector<1x16xf32>,
      %get3A_658 = vector.shape_cast %get3A_657 : vector<1x16xf32> to vector<16xf32>
      %get3A_659 = arith.index_cast %scan3A_208 : i32 to index
      %get3A_660 = arith.constant 512 : index
      %get3A_661 = tpu.vector_load %arg9[%get3A_659, %get3A_660] {strides = array<i32>} : memref<64x768xf32, #tpu.memory_space<vmem>>, vector<1x16xf32>,
      %get3A_662 = vector.shape_cast %get3A_661 : vector<1x16xf32> to vector<16xf32>
      %add3A_663 = arith.addf %get3A_658, %get3A_662 : vector<16xf32>
      %swap3A_664 = arith.index_cast %scan3A_208 : i32 to index
      %swap3A_665 = arith.constant 512 : index
      %swap3A_666 = tpu.vector_load %arg8[%swap3A_664, %swap3A_665] {strides = array<i32>} : memref<64x768xf32, #tpu.memory_space<vmem>>, vector<1x16xf32>,
      %swap3A_667 = vector.shape_cast %swap3A_666 : vector<1x16xf32> to vector<16xf32>
      %swap3A_668 = vector.shape_cast %add3A_663 : vector<16xf32> to vector<1x16xf32>
      tpu.vector_store %arg8[%swap3A_664, %swap3A_665], %swap3A_668 {strides = array<i32>} : memref<64x768xf32, #tpu.memory_space<vmem>>, vector<1x16xf32>,
      %get3A_669 = arith.index_cast %scan3A_208 : i32 to index
      %get3A_670 = arith.constant 528 : index
      %get3A_671 = tpu.vector_load %arg8[%get3A_669, %get3A_670] {strides = array<i32>} : memref<64x768xf32, #tpu.memory_space<vmem>>, vector<1x16xf32>,
      %get3A_672 = vector.shape_cast %get3A_671 : vector<1x16xf32> to vector<16xf32>
      %get3A_673 = arith.index_cast %scan3A_208 : i32 to index
      %get3A_674 = arith.constant 528 : index
      %get3A_675 = tpu.vector_load %arg9[%get3A_673, %get3A_674] {strides = array<i32>} : memref<64x768xf32, #tpu.memory_space<vmem>>, vector<1x16xf32>,
      %get3A_676 = vector.shape_cast %get3A_675 : vector<1x16xf32> to vector<16xf32>
      %add3A_677 = arith.addf %get3A_672, %get3A_676 : vector<16xf32>
      %swap3A_678 = arith.index_cast %scan3A_208 : i32 to index
      %swap3A_679 = arith.constant 528 : index
      %swap3A_680 = tpu.vector_load %arg8[%swap3A_678, %swap3A_679] {strides = array<i32>} : memref<64x768xf32, #tpu.memory_space<vmem>>, vector<1x16xf32>,
      %swap3A_681 = vector.shape_cast %swap3A_680 : vector<1x16xf32> to vector<16xf32>
      %swap3A_682 = vector.shape_cast %add3A_677 : vector<16xf32> to vector<1x16xf32>
      tpu.vector_store %arg8[%swap3A_678, %swap3A_679], %swap3A_682 {strides = array<i32>} : memref<64x768xf32, #tpu.memory_space<vmem>>, vector<1x16xf32>,
      %get3A_683 = arith.index_cast %scan3A_208 : i32 to index
      %get3A_684 = arith.constant 544 : index
      %get3A_685 = tpu.vector_load %arg8[%get3A_683, %get3A_684] {strides = array<i32>} : memref<64x768xf32, #tpu.memory_space<vmem>>, vector<1x16xf32>,
      %get3A_686 = vector.shape_cast %get3A_685 : vector<1x16xf32> to vector<16xf32>
      %get3A_687 = arith.index_cast %scan3A_208 : i32 to index
      %get3A_688 = arith.constant 544 : index
      %get3A_689 = tpu.vector_load %arg9[%get3A_687, %get3A_688] {strides = array<i32>} : memref<64x768xf32, #tpu.memory_space<vmem>>, vector<1x16xf32>,
      %get3A_690 = vector.shape_cast %get3A_689 : vector<1x16xf32> to vector<16xf32>
      %add3A_691 = arith.addf %get3A_686, %get3A_690 : vector<16xf32>
      %swap3A_692 = arith.index_cast %scan3A_208 : i32 to index
      %swap3A_693 = arith.constant 544 : index
      %swap3A_694 = tpu.vector_load %arg8[%swap3A_692, %swap3A_693] {strides = array<i32>} : memref<64x768xf32, #tpu.memory_space<vmem>>, vector<1x16xf32>,
      %swap3A_695 = vector.shape_cast %swap3A_694 : vector<1x16xf32> to vector<16xf32>
      %swap3A_696 = vector.shape_cast %add3A_691 : vector<16xf32> to vector<1x16xf32>
      tpu.vector_store %arg8[%swap3A_692, %swap3A_693], %swap3A_696 {strides = array<i32>} : memref<64x768xf32, #tpu.memory_space<vmem>>, vector<1x16xf32>,
      %get3A_697 = arith.index_cast %scan3A_208 : i32 to index
      %get3A_698 = arith.constant 560 : index
      %get3A_699 = tpu.vector_load %arg8[%get3A_697, %get3A_698] {strides = array<i32>} : memref<64x768xf32, #tpu.memory_space<vmem>>, vector<1x16xf32>,
      %get3A_700 = vector.shape_cast %get3A_699 : vector<1x16xf32> to vector<16xf32>
      %get3A_701 = arith.index_cast %scan3A_208 : i32 to index
      %get3A_702 = arith.constant 560 : index
      %get3A_703 = tpu.vector_load %arg9[%get3A_701, %get3A_702] {strides = array<i32>} : memref<64x768xf32, #tpu.memory_space<vmem>>, vector<1x16xf32>,
      %get3A_704 = vector.shape_cast %get3A_703 : vector<1x16xf32> to vector<16xf32>
      %add3A_705 = arith.addf %get3A_700, %get3A_704 : vector<16xf32>
      %swap3A_706 = arith.index_cast %scan3A_208 : i32 to index
      %swap3A_707 = arith.constant 560 : index
      %swap3A_708 = tpu.vector_load %arg8[%swap3A_706, %swap3A_707] {strides = array<i32>} : memref<64x768xf32, #tpu.memory_space<vmem>>, vector<1x16xf32>,
      %swap3A_709 = vector.shape_cast %swap3A_708 : vector<1x16xf32> to vector<16xf32>
      %swap3A_710 = vector.shape_cast %add3A_705 : vector<16xf32> to vector<1x16xf32>
      tpu.vector_store %arg8[%swap3A_706, %swap3A_707], %swap3A_710 {strides = array<i32>} : memref<64x768xf32, #tpu.memory_space<vmem>>, vector<1x16xf32>,
      %get3A_711 = arith.index_cast %scan3A_208 : i32 to index
      %get3A_712 = arith.constant 576 : index
      %get3A_713 = tpu.vector_load %arg8[%get3A_711, %get3A_712] {strides = array<i32>} : memref<64x768xf32, #tpu.memory_space<vmem>>, vector<1x16xf32>,
      %get3A_714 = vector.shape_cast %get3A_713 : vector<1x16xf32> to vector<16xf32>
      %get3A_715 = arith.index_cast %scan3A_208 : i32 to index
      %get3A_716 = arith.constant 576 : index
      %get3A_717 = tpu.vector_load %arg9[%get3A_715, %get3A_716] {strides = array<i32>} : memref<64x768xf32, #tpu.memory_space<vmem>>, vector<1x16xf32>,
      %get3A_718 = vector.shape_cast %get3A_717 : vector<1x16xf32> to vector<16xf32>
      %add3A_719 = arith.addf %get3A_714, %get3A_718 : vector<16xf32>
      %swap3A_720 = arith.index_cast %scan3A_208 : i32 to index
      %swap3A_721 = arith.constant 576 : index
      %swap3A_722 = tpu.vector_load %arg8[%swap3A_720, %swap3A_721] {strides = array<i32>} : memref<64x768xf32, #tpu.memory_space<vmem>>, vector<1x16xf32>,
      %swap3A_723 = vector.shape_cast %swap3A_722 : vector<1x16xf32> to vector<16xf32>
      %swap3A_724 = vector.shape_cast %add3A_719 : vector<16xf32> to vector<1x16xf32>
      tpu.vector_store %arg8[%swap3A_720, %swap3A_721], %swap3A_724 {strides = array<i32>} : memref<64x768xf32, #tpu.memory_space<vmem>>, vector<1x16xf32>,
      %get3A_725 = arith.index_cast %scan3A_208 : i32 to index
      %get3A_726 = arith.constant 592 : index
      %get3A_727 = tpu.vector_load %arg8[%get3A_725, %get3A_726] {strides = array<i32>} : memref<64x768xf32, #tpu.memory_space<vmem>>, vector<1x16xf32>,
      %get3A_728 = vector.shape_cast %get3A_727 : vector<1x16xf32> to vector<16xf32>
      %get3A_729 = arith.index_cast %scan3A_208 : i32 to index
      %get3A_730 = arith.constant 592 : index
      %get3A_731 = tpu.vector_load %arg9[%get3A_729, %get3A_730] {strides = array<i32>} : memref<64x768xf32, #tpu.memory_space<vmem>>, vector<1x16xf32>,
      %get3A_732 = vector.shape_cast %get3A_731 : vector<1x16xf32> to vector<16xf32>
      %add3A_733 = arith.addf %get3A_728, %get3A_732 : vector<16xf32>
      %swap3A_734 = arith.index_cast %scan3A_208 : i32 to index
      %swap3A_735 = arith.constant 592 : index
      %swap3A_736 = tpu.vector_load %arg8[%swap3A_734, %swap3A_735] {strides = array<i32>} : memref<64x768xf32, #tpu.memory_space<vmem>>, vector<1x16xf32>,
      %swap3A_737 = vector.shape_cast %swap3A_736 : vector<1x16xf32> to vector<16xf32>
      %swap3A_738 = vector.shape_cast %add3A_733 : vector<16xf32> to vector<1x16xf32>
      tpu.vector_store %arg8[%swap3A_734, %swap3A_735], %swap3A_738 {strides = array<i32>} : memref<64x768xf32, #tpu.memory_space<vmem>>, vector<1x16xf32>,
      %get3A_739 = arith.index_cast %scan3A_208 : i32 to index
      %get3A_740 = arith.constant 608 : index
      %get3A_741 = tpu.vector_load %arg8[%get3A_739, %get3A_740] {strides = array<i32>} : memref<64x768xf32, #tpu.memory_space<vmem>>, vector<1x16xf32>,
      %get3A_742 = vector.shape_cast %get3A_741 : vector<1x16xf32> to vector<16xf32>
      %get3A_743 = arith.index_cast %scan3A_208 : i32 to index
      %get3A_744 = arith.constant 608 : index
      %get3A_745 = tpu.vector_load %arg9[%get3A_743, %get3A_744] {strides = array<i32>} : memref<64x768xf32, #tpu.memory_space<vmem>>, vector<1x16xf32>,
      %get3A_746 = vector.shape_cast %get3A_745 : vector<1x16xf32> to vector<16xf32>
      %add3A_747 = arith.addf %get3A_742, %get3A_746 : vector<16xf32>
      %swap3A_748 = arith.index_cast %scan3A_208 : i32 to index
      %swap3A_749 = arith.constant 608 : index
      %swap3A_750 = tpu.vector_load %arg8[%swap3A_748, %swap3A_749] {strides = array<i32>} : memref<64x768xf32, #tpu.memory_space<vmem>>, vector<1x16xf32>,
      %swap3A_751 = vector.shape_cast %swap3A_750 : vector<1x16xf32> to vector<16xf32>
      %swap3A_752 = vector.shape_cast %add3A_747 : vector<16xf32> to vector<1x16xf32>
      tpu.vector_store %arg8[%swap3A_748, %swap3A_749], %swap3A_752 {strides = array<i32>} : memref<64x768xf32, #tpu.memory_space<vmem>>, vector<1x16xf32>,
      %get3A_753 = arith.index_cast %scan3A_208 : i32 to index
      %get3A_754 = arith.constant 624 : index
      %get3A_755 = tpu.vector_load %arg8[%get3A_753, %get3A_754] {strides = array<i32>} : memref<64x768xf32, #tpu.memory_space<vmem>>, vector<1x16xf32>,
      %get3A_756 = vector.shape_cast %get3A_755 : vector<1x16xf32> to vector<16xf32>
      %get3A_757 = arith.index_cast %scan3A_208 : i32 to index
      %get3A_758 = arith.constant 624 : index
      %get3A_759 = tpu.vector_load %arg9[%get3A_757, %get3A_758] {strides = array<i32>} : memref<64x768xf32, #tpu.memory_space<vmem>>, vector<1x16xf32>,
      %get3A_760 = vector.shape_cast %get3A_759 : vector<1x16xf32> to vector<16xf32>
      %add3A_761 = arith.addf %get3A_756, %get3A_760 : vector<16xf32>
      %swap3A_762 = arith.index_cast %scan3A_208 : i32 to index
      %swap3A_763 = arith.constant 624 : index
      %swap3A_764 = tpu.vector_load %arg8[%swap3A_762, %swap3A_763] {strides = array<i32>} : memref<64x768xf32, #tpu.memory_space<vmem>>, vector<1x16xf32>,
      %swap3A_765 = vector.shape_cast %swap3A_764 : vector<1x16xf32> to vector<16xf32>
      %swap3A_766 = vector.shape_cast %add3A_761 : vector<16xf32> to vector<1x16xf32>
      tpu.vector_store %arg8[%swap3A_762, %swap3A_763], %swap3A_766 {strides = array<i32>} : memref<64x768xf32, #tpu.memory_space<vmem>>, vector<1x16xf32>,
      %get3A_767 = arith.index_cast %scan3A_208 : i32 to index
      %get3A_768 = arith.constant 640 : index
      %get3A_769 = tpu.vector_load %arg8[%get3A_767, %get3A_768] {strides = array<i32>} : memref<64x768xf32, #tpu.memory_space<vmem>>, vector<1x16xf32>,
      %get3A_770 = vector.shape_cast %get3A_769 : vector<1x16xf32> to vector<16xf32>
      %get3A_771 = arith.index_cast %scan3A_208 : i32 to index
      %get3A_772 = arith.constant 640 : index
      %get3A_773 = tpu.vector_load %arg9[%get3A_771, %get3A_772] {strides = array<i32>} : memref<64x768xf32, #tpu.memory_space<vmem>>, vector<1x16xf32>,
      %get3A_774 = vector.shape_cast %get3A_773 : vector<1x16xf32> to vector<16xf32>
      %add3A_775 = arith.addf %get3A_770, %get3A_774 : vector<16xf32>
      %swap3A_776 = arith.index_cast %scan3A_208 : i32 to index
      %swap3A_777 = arith.constant 640 : index
      %swap3A_778 = tpu.vector_load %arg8[%swap3A_776, %swap3A_777] {strides = array<i32>} : memref<64x768xf32, #tpu.memory_space<vmem>>, vector<1x16xf32>,
      %swap3A_779 = vector.shape_cast %swap3A_778 : vector<1x16xf32> to vector<16xf32>
      %swap3A_780 = vector.shape_cast %add3A_775 : vector<16xf32> to vector<1x16xf32>
      tpu.vector_store %arg8[%swap3A_776, %swap3A_777], %swap3A_780 {strides = array<i32>} : memref<64x768xf32, #tpu.memory_space<vmem>>, vector<1x16xf32>,
      %get3A_781 = arith.index_cast %scan3A_208 : i32 to index
      %get3A_782 = arith.constant 656 : index
      %get3A_783 = tpu.vector_load %arg8[%get3A_781, %get3A_782] {strides = array<i32>} : memref<64x768xf32, #tpu.memory_space<vmem>>, vector<1x16xf32>,
      %get3A_784 = vector.shape_cast %get3A_783 : vector<1x16xf32> to vector<16xf32>
      %get3A_785 = arith.index_cast %scan3A_208 : i32 to index
      %get3A_786 = arith.constant 656 : index
      %get3A_787 = tpu.vector_load %arg9[%get3A_785, %get3A_786] {strides = array<i32>} : memref<64x768xf32, #tpu.memory_space<vmem>>, vector<1x16xf32>,
      %get3A_788 = vector.shape_cast %get3A_787 : vector<1x16xf32> to vector<16xf32>
      %add3A_789 = arith.addf %get3A_784, %get3A_788 : vector<16xf32>
      %swap3A_790 = arith.index_cast %scan3A_208 : i32 to index
      %swap3A_791 = arith.constant 656 : index
      %swap3A_792 = tpu.vector_load %arg8[%swap3A_790, %swap3A_791] {strides = array<i32>} : memref<64x768xf32, #tpu.memory_space<vmem>>, vector<1x16xf32>,
      %swap3A_793 = vector.shape_cast %swap3A_792 : vector<1x16xf32> to vector<16xf32>
      %swap3A_794 = vector.shape_cast %add3A_789 : vector<16xf32> to vector<1x16xf32>
      tpu.vector_store %arg8[%swap3A_790, %swap3A_791], %swap3A_794 {strides = array<i32>} : memref<64x768xf32, #tpu.memory_space<vmem>>, vector<1x16xf32>,
      %get3A_795 = arith.index_cast %scan3A_208 : i32 to index
      %get3A_796 = arith.constant 672 : index
      %get3A_797 = tpu.vector_load %arg8[%get3A_795, %get3A_796] {strides = array<i32>} : memref<64x768xf32, #tpu.memory_space<vmem>>, vector<1x16xf32>,
      %get3A_798 = vector.shape_cast %get3A_797 : vector<1x16xf32> to vector<16xf32>
      %get3A_799 = arith.index_cast %scan3A_208 : i32 to index
      %get3A_800 = arith.constant 672 : index
      %get3A_801 = tpu.vector_load %arg9[%get3A_799, %get3A_800] {strides = array<i32>} : memref<64x768xf32, #tpu.memory_space<vmem>>, vector<1x16xf32>,
      %get3A_802 = vector.shape_cast %get3A_801 : vector<1x16xf32> to vector<16xf32>
      %add3A_803 = arith.addf %get3A_798, %get3A_802 : vector<16xf32>
      %swap3A_804 = arith.index_cast %scan3A_208 : i32 to index
      %swap3A_805 = arith.constant 672 : index
      %swap3A_806 = tpu.vector_load %arg8[%swap3A_804, %swap3A_805] {strides = array<i32>} : memref<64x768xf32, #tpu.memory_space<vmem>>, vector<1x16xf32>,
      %swap3A_807 = vector.shape_cast %swap3A_806 : vector<1x16xf32> to vector<16xf32>
      %swap3A_808 = vector.shape_cast %add3A_803 : vector<16xf32> to vector<1x16xf32>
      tpu.vector_store %arg8[%swap3A_804, %swap3A_805], %swap3A_808 {strides = array<i32>} : memref<64x768xf32, #tpu.memory_space<vmem>>, vector<1x16xf32>,
      %get3A_809 = arith.index_cast %scan3A_208 : i32 to index
      %get3A_810 = arith.constant 688 : index
      %get3A_811 = tpu.vector_load %arg8[%get3A_809, %get3A_810] {strides = array<i32>} : memref<64x768xf32, #tpu.memory_space<vmem>>, vector<1x16xf32>,
      %get3A_812 = vector.shape_cast %get3A_811 : vector<1x16xf32> to vector<16xf32>
      %get3A_813 = arith.index_cast %scan3A_208 : i32 to index
      %get3A_814 = arith.constant 688 : index
      %get3A_815 = tpu.vector_load %arg9[%get3A_813, %get3A_814] {strides = array<i32>} : memref<64x768xf32, #tpu.memory_space<vmem>>, vector<1x16xf32>,
      %get3A_816 = vector.shape_cast %get3A_815 : vector<1x16xf32> to vector<16xf32>
      %add3A_817 = arith.addf %get3A_812, %get3A_816 : vector<16xf32>
      %swap3A_818 = arith.index_cast %scan3A_208 : i32 to index
      %swap3A_819 = arith.constant 688 : index
      %swap3A_820 = tpu.vector_load %arg8[%swap3A_818, %swap3A_819] {strides = array<i32>} : memref<64x768xf32, #tpu.memory_space<vmem>>, vector<1x16xf32>,
      %swap3A_821 = vector.shape_cast %swap3A_820 : vector<1x16xf32> to vector<16xf32>
      %swap3A_822 = vector.shape_cast %add3A_817 : vector<16xf32> to vector<1x16xf32>
      tpu.vector_store %arg8[%swap3A_818, %swap3A_819], %swap3A_822 {strides = array<i32>} : memref<64x768xf32, #tpu.memory_space<vmem>>, vector<1x16xf32>,
      %get3A_823 = arith.index_cast %scan3A_208 : i32 to index
      %get3A_824 = arith.constant 704 : index
      %get3A_825 = tpu.vector_load %arg8[%get3A_823, %get3A_824] {strides = array<i32>} : memref<64x768xf32, #tpu.memory_space<vmem>>, vector<1x16xf32>,
      %get3A_826 = vector.shape_cast %get3A_825 : vector<1x16xf32> to vector<16xf32>
      %get3A_827 = arith.index_cast %scan3A_208 : i32 to index
      %get3A_828 = arith.constant 704 : index
      %get3A_829 = tpu.vector_load %arg9[%get3A_827, %get3A_828] {strides = array<i32>} : memref<64x768xf32, #tpu.memory_space<vmem>>, vector<1x16xf32>,
      %get3A_830 = vector.shape_cast %get3A_829 : vector<1x16xf32> to vector<16xf32>
      %add3A_831 = arith.addf %get3A_826, %get3A_830 : vector<16xf32>
      %swap3A_832 = arith.index_cast %scan3A_208 : i32 to index
      %swap3A_833 = arith.constant 704 : index
      %swap3A_834 = tpu.vector_load %arg8[%swap3A_832, %swap3A_833] {strides = array<i32>} : memref<64x768xf32, #tpu.memory_space<vmem>>, vector<1x16xf32>,
      %swap3A_835 = vector.shape_cast %swap3A_834 : vector<1x16xf32> to vector<16xf32>
      %swap3A_836 = vector.shape_cast %add3A_831 : vector<16xf32> to vector<1x16xf32>
      tpu.vector_store %arg8[%swap3A_832, %swap3A_833], %swap3A_836 {strides = array<i32>} : memref<64x768xf32, #tpu.memory_space<vmem>>, vector<1x16xf32>,
      %get3A_837 = arith.index_cast %scan3A_208 : i32 to index
      %get3A_838 = arith.constant 720 : index
      %get3A_839 = tpu.vector_load %arg8[%get3A_837, %get3A_838] {strides = array<i32>} : memref<64x768xf32, #tpu.memory_space<vmem>>, vector<1x16xf32>,
      %get3A_840 = vector.shape_cast %get3A_839 : vector<1x16xf32> to vector<16xf32>
      %get3A_841 = arith.index_cast %scan3A_208 : i32 to index
      %get3A_842 = arith.constant 720 : index
      %get3A_843 = tpu.vector_load %arg9[%get3A_841, %get3A_842] {strides = array<i32>} : memref<64x768xf32, #tpu.memory_space<vmem>>, vector<1x16xf32>,
      %get3A_844 = vector.shape_cast %get3A_843 : vector<1x16xf32> to vector<16xf32>
      %add3A_845 = arith.addf %get3A_840, %get3A_844 : vector<16xf32>
      %swap3A_846 = arith.index_cast %scan3A_208 : i32 to index
      %swap3A_847 = arith.constant 720 : index
      %swap3A_848 = tpu.vector_load %arg8[%swap3A_846, %swap3A_847] {strides = array<i32>} : memref<64x768xf32, #tpu.memory_space<vmem>>, vector<1x16xf32>,
      %swap3A_849 = vector.shape_cast %swap3A_848 : vector<1x16xf32> to vector<16xf32>
      %swap3A_850 = vector.shape_cast %add3A_845 : vector<16xf32> to vector<1x16xf32>
      tpu.vector_store %arg8[%swap3A_846, %swap3A_847], %swap3A_850 {strides = array<i32>} : memref<64x768xf32, #tpu.memory_space<vmem>>, vector<1x16xf32>,
      %get3A_851 = arith.index_cast %scan3A_208 : i32 to index
      %get3A_852 = arith.constant 736 : index
      %get3A_853 = tpu.vector_load %arg8[%get3A_851, %get3A_852] {strides = array<i32>} : memref<64x768xf32, #tpu.memory_space<vmem>>, vector<1x16xf32>,
      %get3A_854 = vector.shape_cast %get3A_853 : vector<1x16xf32> to vector<16xf32>
      %get3A_855 = arith.index_cast %scan3A_208 : i32 to index
      %get3A_856 = arith.constant 736 : index
      %get3A_857 = tpu.vector_load %arg9[%get3A_855, %get3A_856] {strides = array<i32>} : memref<64x768xf32, #tpu.memory_space<vmem>>, vector<1x16xf32>,
      %get3A_858 = vector.shape_cast %get3A_857 : vector<1x16xf32> to vector<16xf32>
      %add3A_859 = arith.addf %get3A_854, %get3A_858 : vector<16xf32>
      %swap3A_860 = arith.index_cast %scan3A_208 : i32 to index
      %swap3A_861 = arith.constant 736 : index
      %swap3A_862 = tpu.vector_load %arg8[%swap3A_860, %swap3A_861] {strides = array<i32>} : memref<64x768xf32, #tpu.memory_space<vmem>>, vector<1x16xf32>,
      %swap3A_863 = vector.shape_cast %swap3A_862 : vector<1x16xf32> to vector<16xf32>
      %swap3A_864 = vector.shape_cast %add3A_859 : vector<16xf32> to vector<1x16xf32>
      tpu.vector_store %arg8[%swap3A_860, %swap3A_861], %swap3A_864 {strides = array<i32>} : memref<64x768xf32, #tpu.memory_space<vmem>>, vector<1x16xf32>,
      %get3A_865 = arith.index_cast %scan3A_208 : i32 to index
      %get3A_866 = arith.constant 752 : index
      %get3A_867 = tpu.vector_load %arg8[%get3A_865, %get3A_866] {strides = array<i32>} : memref<64x768xf32, #tpu.memory_space<vmem>>, vector<1x16xf32>,
      %get3A_868 = vector.shape_cast %get3A_867 : vector<1x16xf32> to vector<16xf32>
      %get3A_869 = arith.index_cast %scan3A_208 : i32 to index
      %get3A_870 = arith.constant 752 : index
      %get3A_871 = tpu.vector_load %arg9[%get3A_869, %get3A_870] {strides = array<i32>} : memref<64x768xf32, #tpu.memory_space<vmem>>, vector<1x16xf32>,
      %get3A_872 = vector.shape_cast %get3A_871 : vector<1x16xf32> to vector<16xf32>
      %add3A_873 = arith.addf %get3A_868, %get3A_872 : vector<16xf32>
      %swap3A_874 = arith.index_cast %scan3A_208 : i32 to index
      %swap3A_875 = arith.constant 752 : index
      %swap3A_876 = tpu.vector_load %arg8[%swap3A_874, %swap3A_875] {strides = array<i32>} : memref<64x768xf32, #tpu.memory_space<vmem>>, vector<1x16xf32>,
      %swap3A_877 = vector.shape_cast %swap3A_876 : vector<1x16xf32> to vector<16xf32>
      %swap3A_878 = vector.shape_cast %add3A_873 : vector<16xf32> to vector<1x16xf32>
      tpu.vector_store %arg8[%swap3A_874, %swap3A_875], %swap3A_878 {strides = array<i32>} : memref<64x768xf32, #tpu.memory_space<vmem>>, vector<1x16xf32>,
    }
    %scan3A_145 = arith.constant 16 : i32
    %add3A_146 = arith.constant 16 : i32
    %add3A_147 = arith.addi %mul3A_2, %add3A_146 : i32
    "tpu.region"() ({
      %run_scoped3A = tpu.sem_alloc : memref<!tpu.dma_semaphore, #tpu.memory_space<semaphore_mem>>
      %dma_start3A_208 = arith.constant 16 : i32
      %dma_start3A_209 = arith.constant 0 : i32
      %dma_start3A_210 = tpu.memref_slice %arg8[%dma_start3A_208, %dma_start3A_209] : memref<64x768xf32, #tpu.memory_space<vmem>> -> memref<16x768xf32, #tpu.memory_space<vmem>>
      %dma_start3A_211 = arith.constant 0 : i32
      %dma_start3A_212 = tpu.memref_slice %arg5[%add3A_147, %dma_start3A_211] : memref<2048x768xf32, #tpu.memory_space<hbm>> -> memref<16x768xf32, #tpu.memory_space<hbm>>
      %dma_start3A_213 = arith.constant 0 : i32
      %dma_start3A_214 = tpu.memref_slice %arg5[%add3A_147, %dma_start3A_213] : memref<2048x768xf32, #tpu.memory_space<hbm>> -> memref<16x768xf32, #tpu.memory_space<hbm>>
      %dma_start3A_215 = arith.constant 16 : i32
      %dma_start3A_216 = arith.constant 0 : i32
      %dma_start3A_217 = tpu.memref_slice %arg8[%dma_start3A_215, %dma_start3A_216] : memref<64x768xf32, #tpu.memory_space<vmem>> -> memref<16x768xf32, #tpu.memory_space<vmem>>
      tpu.enqueue_dma source(%dma_start3A_217 : memref<16x768xf32, #tpu.memory_space<vmem>>) target(%dma_start3A_214 : memref<16x768xf32, #tpu.memory_space<hbm>>) target_semaphore(%run_scoped3A : memref<!tpu.dma_semaphore, #tpu.memory_space<semaphore_mem>>)
      %dma_wait3A_218 = arith.constant 16 : i32
      %dma_wait3A_219 = arith.constant 0 : i32
      %dma_wait3A_220 = tpu.memref_slice %arg8[%dma_wait3A_218, %dma_wait3A_219] : memref<64x768xf32, #tpu.memory_space<vmem>> -> memref<16x768xf32, #tpu.memory_space<vmem>>
      %dma_wait3A_221 = arith.constant 0 : i32
      %dma_wait3A_222 = tpu.memref_slice %arg5[%add3A_147, %dma_wait3A_221] : memref<2048x768xf32, #tpu.memory_space<hbm>> -> memref<16x768xf32, #tpu.memory_space<hbm>>
      %dma_wait3A_223 = arith.constant 0 : i32
      %dma_wait3A_224 = tpu.memref_slice %arg5[%add3A_147, %dma_wait3A_223] : memref<2048x768xf32, #tpu.memory_space<hbm>> -> memref<16x768xf32, #tpu.memory_space<hbm>>
      %dma_wait3A_225 = arith.constant 16 : i32
      %dma_wait3A_226 = arith.constant 0 : i32
      %dma_wait3A_227 = tpu.memref_slice %arg8[%dma_wait3A_225, %dma_wait3A_226] : memref<64x768xf32, #tpu.memory_space<vmem>> -> memref<16x768xf32, #tpu.memory_space<vmem>>
      tpu.wait_dma2 semaphore(%run_scoped3A : memref<!tpu.dma_semaphore, #tpu.memory_space<semaphore_mem>>) src(%dma_wait3A_227 : memref<16x768xf32, #tpu.memory_space<vmem>>) dst(%dma_wait3A_224 : memref<16x768xf32, #tpu.memory_space<hbm>>)
      tpu.yield
    }) : () -> ()
    %dma_wait3A_148 = arith.constant 2 : i32
    %dma_wait3A_149 = arith.constant 32 : i32
    %dma_wait3A_150 = arith.constant 0 : i32
    %dma_wait3A_151 = tpu.memref_slice %arg8[%dma_wait3A_149, %dma_wait3A_150] : memref<64x768xf32, #tpu.memory_space<vmem>> -> memref<16x768xf32, #tpu.memory_space<vmem>>
    %dma_wait3A_152 = arith.constant 32 : i32
    %dma_wait3A_153 = tpu.memref_slice %arg6[%dma_wait3A_152] : memref<64xi32, #tpu.memory_space<vmem>> -> memref<16xi32, #tpu.memory_space<vmem>>
    %dma_wait3A_154 = arith.constant 0 : i32
    %dma_wait3A_155 = arith.constant 0 : i32
    %dma_wait3A_156 = tpu.memref_slice %arg2[%dma_wait3A_154, %dma_wait3A_155] : memref<9280x768xf32, #tpu.memory_space<hbm>> -> memref<9280x768xf32, #tpu.memory_space<hbm>>
    %dma_wait3A_157 = tpu.memref_slice %arg10[%dma_wait3A_148] : memref<4x!tpu.dma_semaphore, #tpu.memory_space<semaphore_mem>> -> memref<1x!tpu.dma_semaphore, #tpu.memory_space<semaphore_mem>>
    %dma_wait3A_158 = tpu.memref_squeeze %dma_wait3A_157 : memref<1x!tpu.dma_semaphore, #tpu.memory_space<semaphore_mem>> -> memref<!tpu.dma_semaphore, #tpu.memory_space<semaphore_mem>>
    tpu.wait_indirect_dma semaphore(%dma_wait3A_158 : memref<!tpu.dma_semaphore, #tpu.memory_space<semaphore_mem>>) src(%dma_wait3A_156 : memref<9280x768xf32, #tpu.memory_space<hbm>>) dst(%dma_wait3A_151 : memref<16x768xf32, #tpu.memory_space<vmem>>)
    %dma_wait3A_159 = arith.constant 2 : i32
    %dma_wait3A_160 = arith.constant 32 : i32
    %dma_wait3A_161 = arith.constant 0 : i32
    %dma_wait3A_162 = tpu.memref_slice %arg9[%dma_wait3A_160, %dma_wait3A_161] : memref<64x768xf32, #tpu.memory_space<vmem>> -> memref<16x768xf32, #tpu.memory_space<vmem>>
    %dma_wait3A_163 = arith.constant 32 : i32
    %dma_wait3A_164 = tpu.memref_slice %arg7[%dma_wait3A_163] : memref<64xi32, #tpu.memory_space<vmem>> -> memref<16xi32, #tpu.memory_space<vmem>>
    %dma_wait3A_165 = arith.constant 0 : i32
    %dma_wait3A_166 = arith.constant 0 : i32
    %dma_wait3A_167 = tpu.memref_slice %arg2[%dma_wait3A_165, %dma_wait3A_166] : memref<9280x768xf32, #tpu.memory_space<hbm>> -> memref<9280x768xf32, #tpu.memory_space<hbm>>
    %dma_wait3A_168 = tpu.memref_slice %arg11[%dma_wait3A_159] : memref<4x!tpu.dma_semaphore, #tpu.memory_space<semaphore_mem>> -> memref<1x!tpu.dma_semaphore, #tpu.memory_space<semaphore_mem>>
    %dma_wait3A_169 = tpu.memref_squeeze %dma_wait3A_168 : memref<1x!tpu.dma_semaphore, #tpu.memory_space<semaphore_mem>> -> memref<!tpu.dma_semaphore, #tpu.memory_space<semaphore_mem>>
    tpu.wait_indirect_dma semaphore(%dma_wait3A_169 : memref<!tpu.dma_semaphore, #tpu.memory_space<semaphore_mem>>) src(%dma_wait3A_167 : memref<9280x768xf32, #tpu.memory_space<hbm>>) dst(%dma_wait3A_162 : memref<16x768xf32, #tpu.memory_space<vmem>>)
    %scan3A_170 = arith.constant 0 : i32
    %scan3A_171 = arith.constant 32 : i32
    %scan3A_172 = arith.constant 16 : i32
    %scan3A_173 = arith.addi %scan3A_171, %scan3A_172 : i32
    %scan3A_174 = arith.constant 1 : i32
    scf.for %scan3A_208 = %scan3A_171 to %scan3A_173 step %scan3A_174  : i32 {
      %get3A = arith.index_cast %scan3A_208 : i32 to index
      %get3A_209 = arith.constant 0 : index
      %get3A_210 = tpu.vector_load %arg8[%get3A, %get3A_209] {strides = array<i32>} : memref<64x768xf32, #tpu.memory_space<vmem>>, vector<1x16xf32>,
      %get3A_211 = vector.shape_cast %get3A_210 : vector<1x16xf32> to vector<16xf32>
      %get3A_212 = arith.index_cast %scan3A_208 : i32 to index
      %get3A_213 = arith.constant 0 : index
      %get3A_214 = tpu.vector_load %arg9[%get3A_212, %get3A_213] {strides = array<i32>} : memref<64x768xf32, #tpu.memory_space<vmem>>, vector<1x16xf32>,
      %get3A_215 = vector.shape_cast %get3A_214 : vector<1x16xf32> to vector<16xf32>
      %add3A_216 = arith.addf %get3A_211, %get3A_215 : vector<16xf32>
      %swap3A = arith.index_cast %scan3A_208 : i32 to index
      %swap3A_217 = arith.constant 0 : index
      %swap3A_218 = tpu.vector_load %arg8[%swap3A, %swap3A_217] {strides = array<i32>} : memref<64x768xf32, #tpu.memory_space<vmem>>, vector<1x16xf32>,
      %swap3A_219 = vector.shape_cast %swap3A_218 : vector<1x16xf32> to vector<16xf32>
      %swap3A_220 = vector.shape_cast %add3A_216 : vector<16xf32> to vector<1x16xf32>
      tpu.vector_store %arg8[%swap3A, %swap3A_217], %swap3A_220 {strides = array<i32>} : memref<64x768xf32, #tpu.memory_space<vmem>>, vector<1x16xf32>,
      %get3A_221 = arith.index_cast %scan3A_208 : i32 to index
      %get3A_222 = arith.constant 16 : index
      %get3A_223 = tpu.vector_load %arg8[%get3A_221, %get3A_222] {strides = array<i32>} : memref<64x768xf32, #tpu.memory_space<vmem>>, vector<1x16xf32>,
      %get3A_224 = vector.shape_cast %get3A_223 : vector<1x16xf32> to vector<16xf32>
      %get3A_225 = arith.index_cast %scan3A_208 : i32 to index
      %get3A_226 = arith.constant 16 : index
      %get3A_227 = tpu.vector_load %arg9[%get3A_225, %get3A_226] {strides = array<i32>} : memref<64x768xf32, #tpu.memory_space<vmem>>, vector<1x16xf32>,
      %get3A_228 = vector.shape_cast %get3A_227 : vector<1x16xf32> to vector<16xf32>
      %add3A_229 = arith.addf %get3A_224, %get3A_228 : vector<16xf32>
      %swap3A_230 = arith.index_cast %scan3A_208 : i32 to index
      %swap3A_231 = arith.constant 16 : index
      %swap3A_232 = tpu.vector_load %arg8[%swap3A_230, %swap3A_231] {strides = array<i32>} : memref<64x768xf32, #tpu.memory_space<vmem>>, vector<1x16xf32>,
      %swap3A_233 = vector.shape_cast %swap3A_232 : vector<1x16xf32> to vector<16xf32>
      %swap3A_234 = vector.shape_cast %add3A_229 : vector<16xf32> to vector<1x16xf32>
      tpu.vector_store %arg8[%swap3A_230, %swap3A_231], %swap3A_234 {strides = array<i32>} : memref<64x768xf32, #tpu.memory_space<vmem>>, vector<1x16xf32>,
      %get3A_235 = arith.index_cast %scan3A_208 : i32 to index
      %get3A_236 = arith.constant 32 : index
      %get3A_237 = tpu.vector_load %arg8[%get3A_235, %get3A_236] {strides = array<i32>} : memref<64x768xf32, #tpu.memory_space<vmem>>, vector<1x16xf32>,
      %get3A_238 = vector.shape_cast %get3A_237 : vector<1x16xf32> to vector<16xf32>
      %get3A_239 = arith.index_cast %scan3A_208 : i32 to index
      %get3A_240 = arith.constant 32 : index
      %get3A_241 = tpu.vector_load %arg9[%get3A_239, %get3A_240] {strides = array<i32>} : memref<64x768xf32, #tpu.memory_space<vmem>>, vector<1x16xf32>,
      %get3A_242 = vector.shape_cast %get3A_241 : vector<1x16xf32> to vector<16xf32>
      %add3A_243 = arith.addf %get3A_238, %get3A_242 : vector<16xf32>
      %swap3A_244 = arith.index_cast %scan3A_208 : i32 to index
      %swap3A_245 = arith.constant 32 : index
      %swap3A_246 = tpu.vector_load %arg8[%swap3A_244, %swap3A_245] {strides = array<i32>} : memref<64x768xf32, #tpu.memory_space<vmem>>, vector<1x16xf32>,
      %swap3A_247 = vector.shape_cast %swap3A_246 : vector<1x16xf32> to vector<16xf32>
      %swap3A_248 = vector.shape_cast %add3A_243 : vector<16xf32> to vector<1x16xf32>
      tpu.vector_store %arg8[%swap3A_244, %swap3A_245], %swap3A_248 {strides = array<i32>} : memref<64x768xf32, #tpu.memory_space<vmem>>, vector<1x16xf32>,
      %get3A_249 = arith.index_cast %scan3A_208 : i32 to index
      %get3A_250 = arith.constant 48 : index
      %get3A_251 = tpu.vector_load %arg8[%get3A_249, %get3A_250] {strides = array<i32>} : memref<64x768xf32, #tpu.memory_space<vmem>>, vector<1x16xf32>,
      %get3A_252 = vector.shape_cast %get3A_251 : vector<1x16xf32> to vector<16xf32>
      %get3A_253 = arith.index_cast %scan3A_208 : i32 to index
      %get3A_254 = arith.constant 48 : index
      %get3A_255 = tpu.vector_load %arg9[%get3A_253, %get3A_254] {strides = array<i32>} : memref<64x768xf32, #tpu.memory_space<vmem>>, vector<1x16xf32>,
      %get3A_256 = vector.shape_cast %get3A_255 : vector<1x16xf32> to vector<16xf32>
      %add3A_257 = arith.addf %get3A_252, %get3A_256 : vector<16xf32>
      %swap3A_258 = arith.index_cast %scan3A_208 : i32 to index
      %swap3A_259 = arith.constant 48 : index
      %swap3A_260 = tpu.vector_load %arg8[%swap3A_258, %swap3A_259] {strides = array<i32>} : memref<64x768xf32, #tpu.memory_space<vmem>>, vector<1x16xf32>,
      %swap3A_261 = vector.shape_cast %swap3A_260 : vector<1x16xf32> to vector<16xf32>
      %swap3A_262 = vector.shape_cast %add3A_257 : vector<16xf32> to vector<1x16xf32>
      tpu.vector_store %arg8[%swap3A_258, %swap3A_259], %swap3A_262 {strides = array<i32>} : memref<64x768xf32, #tpu.memory_space<vmem>>, vector<1x16xf32>,
      %get3A_263 = arith.index_cast %scan3A_208 : i32 to index
      %get3A_264 = arith.constant 64 : index
      %get3A_265 = tpu.vector_load %arg8[%get3A_263, %get3A_264] {strides = array<i32>} : memref<64x768xf32, #tpu.memory_space<vmem>>, vector<1x16xf32>,
      %get3A_266 = vector.shape_cast %get3A_265 : vector<1x16xf32> to vector<16xf32>
      %get3A_267 = arith.index_cast %scan3A_208 : i32 to index
      %get3A_268 = arith.constant 64 : index
      %get3A_269 = tpu.vector_load %arg9[%get3A_267, %get3A_268] {strides = array<i32>} : memref<64x768xf32, #tpu.memory_space<vmem>>, vector<1x16xf32>,
      %get3A_270 = vector.shape_cast %get3A_269 : vector<1x16xf32> to vector<16xf32>
      %add3A_271 = arith.addf %get3A_266, %get3A_270 : vector<16xf32>
      %swap3A_272 = arith.index_cast %scan3A_208 : i32 to index
      %swap3A_273 = arith.constant 64 : index
      %swap3A_274 = tpu.vector_load %arg8[%swap3A_272, %swap3A_273] {strides = array<i32>} : memref<64x768xf32, #tpu.memory_space<vmem>>, vector<1x16xf32>,
      %swap3A_275 = vector.shape_cast %swap3A_274 : vector<1x16xf32> to vector<16xf32>
      %swap3A_276 = vector.shape_cast %add3A_271 : vector<16xf32> to vector<1x16xf32>
      tpu.vector_store %arg8[%swap3A_272, %swap3A_273], %swap3A_276 {strides = array<i32>} : memref<64x768xf32, #tpu.memory_space<vmem>>, vector<1x16xf32>,
      %get3A_277 = arith.index_cast %scan3A_208 : i32 to index
      %get3A_278 = arith.constant 80 : index
      %get3A_279 = tpu.vector_load %arg8[%get3A_277, %get3A_278] {strides = array<i32>} : memref<64x768xf32, #tpu.memory_space<vmem>>, vector<1x16xf32>,
      %get3A_280 = vector.shape_cast %get3A_279 : vector<1x16xf32> to vector<16xf32>
      %get3A_281 = arith.index_cast %scan3A_208 : i32 to index
      %get3A_282 = arith.constant 80 : index
      %get3A_283 = tpu.vector_load %arg9[%get3A_281, %get3A_282] {strides = array<i32>} : memref<64x768xf32, #tpu.memory_space<vmem>>, vector<1x16xf32>,
      %get3A_284 = vector.shape_cast %get3A_283 : vector<1x16xf32> to vector<16xf32>
      %add3A_285 = arith.addf %get3A_280, %get3A_284 : vector<16xf32>
      %swap3A_286 = arith.index_cast %scan3A_208 : i32 to index
      %swap3A_287 = arith.constant 80 : index
      %swap3A_288 = tpu.vector_load %arg8[%swap3A_286, %swap3A_287] {strides = array<i32>} : memref<64x768xf32, #tpu.memory_space<vmem>>, vector<1x16xf32>,
      %swap3A_289 = vector.shape_cast %swap3A_288 : vector<1x16xf32> to vector<16xf32>
      %swap3A_290 = vector.shape_cast %add3A_285 : vector<16xf32> to vector<1x16xf32>
      tpu.vector_store %arg8[%swap3A_286, %swap3A_287], %swap3A_290 {strides = array<i32>} : memref<64x768xf32, #tpu.memory_space<vmem>>, vector<1x16xf32>,
      %get3A_291 = arith.index_cast %scan3A_208 : i32 to index
      %get3A_292 = arith.constant 96 : index
      %get3A_293 = tpu.vector_load %arg8[%get3A_291, %get3A_292] {strides = array<i32>} : memref<64x768xf32, #tpu.memory_space<vmem>>, vector<1x16xf32>,
      %get3A_294 = vector.shape_cast %get3A_293 : vector<1x16xf32> to vector<16xf32>
      %get3A_295 = arith.index_cast %scan3A_208 : i32 to index
      %get3A_296 = arith.constant 96 : index
      %get3A_297 = tpu.vector_load %arg9[%get3A_295, %get3A_296] {strides = array<i32>} : memref<64x768xf32, #tpu.memory_space<vmem>>, vector<1x16xf32>,
      %get3A_298 = vector.shape_cast %get3A_297 : vector<1x16xf32> to vector<16xf32>
      %add3A_299 = arith.addf %get3A_294, %get3A_298 : vector<16xf32>
      %swap3A_300 = arith.index_cast %scan3A_208 : i32 to index
      %swap3A_301 = arith.constant 96 : index
      %swap3A_302 = tpu.vector_load %arg8[%swap3A_300, %swap3A_301] {strides = array<i32>} : memref<64x768xf32, #tpu.memory_space<vmem>>, vector<1x16xf32>,
      %swap3A_303 = vector.shape_cast %swap3A_302 : vector<1x16xf32> to vector<16xf32>
      %swap3A_304 = vector.shape_cast %add3A_299 : vector<16xf32> to vector<1x16xf32>
      tpu.vector_store %arg8[%swap3A_300, %swap3A_301], %swap3A_304 {strides = array<i32>} : memref<64x768xf32, #tpu.memory_space<vmem>>, vector<1x16xf32>,
      %get3A_305 = arith.index_cast %scan3A_208 : i32 to index
      %get3A_306 = arith.constant 112 : index
      %get3A_307 = tpu.vector_load %arg8[%get3A_305, %get3A_306] {strides = array<i32>} : memref<64x768xf32, #tpu.memory_space<vmem>>, vector<1x16xf32>,
      %get3A_308 = vector.shape_cast %get3A_307 : vector<1x16xf32> to vector<16xf32>
      %get3A_309 = arith.index_cast %scan3A_208 : i32 to index
      %get3A_310 = arith.constant 112 : index
      %get3A_311 = tpu.vector_load %arg9[%get3A_309, %get3A_310] {strides = array<i32>} : memref<64x768xf32, #tpu.memory_space<vmem>>, vector<1x16xf32>,
      %get3A_312 = vector.shape_cast %get3A_311 : vector<1x16xf32> to vector<16xf32>
      %add3A_313 = arith.addf %get3A_308, %get3A_312 : vector<16xf32>
      %swap3A_314 = arith.index_cast %scan3A_208 : i32 to index
      %swap3A_315 = arith.constant 112 : index
      %swap3A_316 = tpu.vector_load %arg8[%swap3A_314, %swap3A_315] {strides = array<i32>} : memref<64x768xf32, #tpu.memory_space<vmem>>, vector<1x16xf32>,
      %swap3A_317 = vector.shape_cast %swap3A_316 : vector<1x16xf32> to vector<16xf32>
      %swap3A_318 = vector.shape_cast %add3A_313 : vector<16xf32> to vector<1x16xf32>
      tpu.vector_store %arg8[%swap3A_314, %swap3A_315], %swap3A_318 {strides = array<i32>} : memref<64x768xf32, #tpu.memory_space<vmem>>, vector<1x16xf32>,
      %get3A_319 = arith.index_cast %scan3A_208 : i32 to index
      %get3A_320 = arith.constant 128 : index
      %get3A_321 = tpu.vector_load %arg8[%get3A_319, %get3A_320] {strides = array<i32>} : memref<64x768xf32, #tpu.memory_space<vmem>>, vector<1x16xf32>,
      %get3A_322 = vector.shape_cast %get3A_321 : vector<1x16xf32> to vector<16xf32>
      %get3A_323 = arith.index_cast %scan3A_208 : i32 to index
      %get3A_324 = arith.constant 128 : index
      %get3A_325 = tpu.vector_load %arg9[%get3A_323, %get3A_324] {strides = array<i32>} : memref<64x768xf32, #tpu.memory_space<vmem>>, vector<1x16xf32>,
      %get3A_326 = vector.shape_cast %get3A_325 : vector<1x16xf32> to vector<16xf32>
      %add3A_327 = arith.addf %get3A_322, %get3A_326 : vector<16xf32>
      %swap3A_328 = arith.index_cast %scan3A_208 : i32 to index
      %swap3A_329 = arith.constant 128 : index
      %swap3A_330 = tpu.vector_load %arg8[%swap3A_328, %swap3A_329] {strides = array<i32>} : memref<64x768xf32, #tpu.memory_space<vmem>>, vector<1x16xf32>,
      %swap3A_331 = vector.shape_cast %swap3A_330 : vector<1x16xf32> to vector<16xf32>
      %swap3A_332 = vector.shape_cast %add3A_327 : vector<16xf32> to vector<1x16xf32>
      tpu.vector_store %arg8[%swap3A_328, %swap3A_329], %swap3A_332 {strides = array<i32>} : memref<64x768xf32, #tpu.memory_space<vmem>>, vector<1x16xf32>,
      %get3A_333 = arith.index_cast %scan3A_208 : i32 to index
      %get3A_334 = arith.constant 144 : index
      %get3A_335 = tpu.vector_load %arg8[%get3A_333, %get3A_334] {strides = array<i32>} : memref<64x768xf32, #tpu.memory_space<vmem>>, vector<1x16xf32>,
      %get3A_336 = vector.shape_cast %get3A_335 : vector<1x16xf32> to vector<16xf32>
      %get3A_337 = arith.index_cast %scan3A_208 : i32 to index
      %get3A_338 = arith.constant 144 : index
      %get3A_339 = tpu.vector_load %arg9[%get3A_337, %get3A_338] {strides = array<i32>} : memref<64x768xf32, #tpu.memory_space<vmem>>, vector<1x16xf32>,
      %get3A_340 = vector.shape_cast %get3A_339 : vector<1x16xf32> to vector<16xf32>
      %add3A_341 = arith.addf %get3A_336, %get3A_340 : vector<16xf32>
      %swap3A_342 = arith.index_cast %scan3A_208 : i32 to index
      %swap3A_343 = arith.constant 144 : index
      %swap3A_344 = tpu.vector_load %arg8[%swap3A_342, %swap3A_343] {strides = array<i32>} : memref<64x768xf32, #tpu.memory_space<vmem>>, vector<1x16xf32>,
      %swap3A_345 = vector.shape_cast %swap3A_344 : vector<1x16xf32> to vector<16xf32>
      %swap3A_346 = vector.shape_cast %add3A_341 : vector<16xf32> to vector<1x16xf32>
      tpu.vector_store %arg8[%swap3A_342, %swap3A_343], %swap3A_346 {strides = array<i32>} : memref<64x768xf32, #tpu.memory_space<vmem>>, vector<1x16xf32>,
      %get3A_347 = arith.index_cast %scan3A_208 : i32 to index
      %get3A_348 = arith.constant 160 : index
      %get3A_349 = tpu.vector_load %arg8[%get3A_347, %get3A_348] {strides = array<i32>} : memref<64x768xf32, #tpu.memory_space<vmem>>, vector<1x16xf32>,
      %get3A_350 = vector.shape_cast %get3A_349 : vector<1x16xf32> to vector<16xf32>
      %get3A_351 = arith.index_cast %scan3A_208 : i32 to index
      %get3A_352 = arith.constant 160 : index
      %get3A_353 = tpu.vector_load %arg9[%get3A_351, %get3A_352] {strides = array<i32>} : memref<64x768xf32, #tpu.memory_space<vmem>>, vector<1x16xf32>,
      %get3A_354 = vector.shape_cast %get3A_353 : vector<1x16xf32> to vector<16xf32>
      %add3A_355 = arith.addf %get3A_350, %get3A_354 : vector<16xf32>
      %swap3A_356 = arith.index_cast %scan3A_208 : i32 to index
      %swap3A_357 = arith.constant 160 : index
      %swap3A_358 = tpu.vector_load %arg8[%swap3A_356, %swap3A_357] {strides = array<i32>} : memref<64x768xf32, #tpu.memory_space<vmem>>, vector<1x16xf32>,
      %swap3A_359 = vector.shape_cast %swap3A_358 : vector<1x16xf32> to vector<16xf32>
      %swap3A_360 = vector.shape_cast %add3A_355 : vector<16xf32> to vector<1x16xf32>
      tpu.vector_store %arg8[%swap3A_356, %swap3A_357], %swap3A_360 {strides = array<i32>} : memref<64x768xf32, #tpu.memory_space<vmem>>, vector<1x16xf32>,
      %get3A_361 = arith.index_cast %scan3A_208 : i32 to index
      %get3A_362 = arith.constant 176 : index
      %get3A_363 = tpu.vector_load %arg8[%get3A_361, %get3A_362] {strides = array<i32>} : memref<64x768xf32, #tpu.memory_space<vmem>>, vector<1x16xf32>,
      %get3A_364 = vector.shape_cast %get3A_363 : vector<1x16xf32> to vector<16xf32>
      %get3A_365 = arith.index_cast %scan3A_208 : i32 to index
      %get3A_366 = arith.constant 176 : index
      %get3A_367 = tpu.vector_load %arg9[%get3A_365, %get3A_366] {strides = array<i32>} : memref<64x768xf32, #tpu.memory_space<vmem>>, vector<1x16xf32>,
      %get3A_368 = vector.shape_cast %get3A_367 : vector<1x16xf32> to vector<16xf32>
      %add3A_369 = arith.addf %get3A_364, %get3A_368 : vector<16xf32>
      %swap3A_370 = arith.index_cast %scan3A_208 : i32 to index
      %swap3A_371 = arith.constant 176 : index
      %swap3A_372 = tpu.vector_load %arg8[%swap3A_370, %swap3A_371] {strides = array<i32>} : memref<64x768xf32, #tpu.memory_space<vmem>>, vector<1x16xf32>,
      %swap3A_373 = vector.shape_cast %swap3A_372 : vector<1x16xf32> to vector<16xf32>
      %swap3A_374 = vector.shape_cast %add3A_369 : vector<16xf32> to vector<1x16xf32>
      tpu.vector_store %arg8[%swap3A_370, %swap3A_371], %swap3A_374 {strides = array<i32>} : memref<64x768xf32, #tpu.memory_space<vmem>>, vector<1x16xf32>,
      %get3A_375 = arith.index_cast %scan3A_208 : i32 to index
      %get3A_376 = arith.constant 192 : index
      %get3A_377 = tpu.vector_load %arg8[%get3A_375, %get3A_376] {strides = array<i32>} : memref<64x768xf32, #tpu.memory_space<vmem>>, vector<1x16xf32>,
      %get3A_378 = vector.shape_cast %get3A_377 : vector<1x16xf32> to vector<16xf32>
      %get3A_379 = arith.index_cast %scan3A_208 : i32 to index
      %get3A_380 = arith.constant 192 : index
      %get3A_381 = tpu.vector_load %arg9[%get3A_379, %get3A_380] {strides = array<i32>} : memref<64x768xf32, #tpu.memory_space<vmem>>, vector<1x16xf32>,
      %get3A_382 = vector.shape_cast %get3A_381 : vector<1x16xf32> to vector<16xf32>
      %add3A_383 = arith.addf %get3A_378, %get3A_382 : vector<16xf32>
      %swap3A_384 = arith.index_cast %scan3A_208 : i32 to index
      %swap3A_385 = arith.constant 192 : index
      %swap3A_386 = tpu.vector_load %arg8[%swap3A_384, %swap3A_385] {strides = array<i32>} : memref<64x768xf32, #tpu.memory_space<vmem>>, vector<1x16xf32>,
      %swap3A_387 = vector.shape_cast %swap3A_386 : vector<1x16xf32> to vector<16xf32>
      %swap3A_388 = vector.shape_cast %add3A_383 : vector<16xf32> to vector<1x16xf32>
      tpu.vector_store %arg8[%swap3A_384, %swap3A_385], %swap3A_388 {strides = array<i32>} : memref<64x768xf32, #tpu.memory_space<vmem>>, vector<1x16xf32>,
      %get3A_389 = arith.index_cast %scan3A_208 : i32 to index
      %get3A_390 = arith.constant 208 : index
      %get3A_391 = tpu.vector_load %arg8[%get3A_389, %get3A_390] {strides = array<i32>} : memref<64x768xf32, #tpu.memory_space<vmem>>, vector<1x16xf32>,
      %get3A_392 = vector.shape_cast %get3A_391 : vector<1x16xf32> to vector<16xf32>
      %get3A_393 = arith.index_cast %scan3A_208 : i32 to index
      %get3A_394 = arith.constant 208 : index
      %get3A_395 = tpu.vector_load %arg9[%get3A_393, %get3A_394] {strides = array<i32>} : memref<64x768xf32, #tpu.memory_space<vmem>>, vector<1x16xf32>,
      %get3A_396 = vector.shape_cast %get3A_395 : vector<1x16xf32> to vector<16xf32>
      %add3A_397 = arith.addf %get3A_392, %get3A_396 : vector<16xf32>
      %swap3A_398 = arith.index_cast %scan3A_208 : i32 to index
      %swap3A_399 = arith.constant 208 : index
      %swap3A_400 = tpu.vector_load %arg8[%swap3A_398, %swap3A_399] {strides = array<i32>} : memref<64x768xf32, #tpu.memory_space<vmem>>, vector<1x16xf32>,
      %swap3A_401 = vector.shape_cast %swap3A_400 : vector<1x16xf32> to vector<16xf32>
      %swap3A_402 = vector.shape_cast %add3A_397 : vector<16xf32> to vector<1x16xf32>
      tpu.vector_store %arg8[%swap3A_398, %swap3A_399], %swap3A_402 {strides = array<i32>} : memref<64x768xf32, #tpu.memory_space<vmem>>, vector<1x16xf32>,
      %get3A_403 = arith.index_cast %scan3A_208 : i32 to index
      %get3A_404 = arith.constant 224 : index
      %get3A_405 = tpu.vector_load %arg8[%get3A_403, %get3A_404] {strides = array<i32>} : memref<64x768xf32, #tpu.memory_space<vmem>>, vector<1x16xf32>,
      %get3A_406 = vector.shape_cast %get3A_405 : vector<1x16xf32> to vector<16xf32>
      %get3A_407 = arith.index_cast %scan3A_208 : i32 to index
      %get3A_408 = arith.constant 224 : index
      %get3A_409 = tpu.vector_load %arg9[%get3A_407, %get3A_408] {strides = array<i32>} : memref<64x768xf32, #tpu.memory_space<vmem>>, vector<1x16xf32>,
      %get3A_410 = vector.shape_cast %get3A_409 : vector<1x16xf32> to vector<16xf32>
      %add3A_411 = arith.addf %get3A_406, %get3A_410 : vector<16xf32>
      %swap3A_412 = arith.index_cast %scan3A_208 : i32 to index
      %swap3A_413 = arith.constant 224 : index
      %swap3A_414 = tpu.vector_load %arg8[%swap3A_412, %swap3A_413] {strides = array<i32>} : memref<64x768xf32, #tpu.memory_space<vmem>>, vector<1x16xf32>,
      %swap3A_415 = vector.shape_cast %swap3A_414 : vector<1x16xf32> to vector<16xf32>
      %swap3A_416 = vector.shape_cast %add3A_411 : vector<16xf32> to vector<1x16xf32>
      tpu.vector_store %arg8[%swap3A_412, %swap3A_413], %swap3A_416 {strides = array<i32>} : memref<64x768xf32, #tpu.memory_space<vmem>>, vector<1x16xf32>,
      %get3A_417 = arith.index_cast %scan3A_208 : i32 to index
      %get3A_418 = arith.constant 240 : index
      %get3A_419 = tpu.vector_load %arg8[%get3A_417, %get3A_418] {strides = array<i32>} : memref<64x768xf32, #tpu.memory_space<vmem>>, vector<1x16xf32>,
      %get3A_420 = vector.shape_cast %get3A_419 : vector<1x16xf32> to vector<16xf32>
      %get3A_421 = arith.index_cast %scan3A_208 : i32 to index
      %get3A_422 = arith.constant 240 : index
      %get3A_423 = tpu.vector_load %arg9[%get3A_421, %get3A_422] {strides = array<i32>} : memref<64x768xf32, #tpu.memory_space<vmem>>, vector<1x16xf32>,
      %get3A_424 = vector.shape_cast %get3A_423 : vector<1x16xf32> to vector<16xf32>
      %add3A_425 = arith.addf %get3A_420, %get3A_424 : vector<16xf32>
      %swap3A_426 = arith.index_cast %scan3A_208 : i32 to index
      %swap3A_427 = arith.constant 240 : index
      %swap3A_428 = tpu.vector_load %arg8[%swap3A_426, %swap3A_427] {strides = array<i32>} : memref<64x768xf32, #tpu.memory_space<vmem>>, vector<1x16xf32>,
      %swap3A_429 = vector.shape_cast %swap3A_428 : vector<1x16xf32> to vector<16xf32>
      %swap3A_430 = vector.shape_cast %add3A_425 : vector<16xf32> to vector<1x16xf32>
      tpu.vector_store %arg8[%swap3A_426, %swap3A_427], %swap3A_430 {strides = array<i32>} : memref<64x768xf32, #tpu.memory_space<vmem>>, vector<1x16xf32>,
      %get3A_431 = arith.index_cast %scan3A_208 : i32 to index
      %get3A_432 = arith.constant 256 : index
      %get3A_433 = tpu.vector_load %arg8[%get3A_431, %get3A_432] {strides = array<i32>} : memref<64x768xf32, #tpu.memory_space<vmem>>, vector<1x16xf32>,
      %get3A_434 = vector.shape_cast %get3A_433 : vector<1x16xf32> to vector<16xf32>
      %get3A_435 = arith.index_cast %scan3A_208 : i32 to index
      %get3A_436 = arith.constant 256 : index
      %get3A_437 = tpu.vector_load %arg9[%get3A_435, %get3A_436] {strides = array<i32>} : memref<64x768xf32, #tpu.memory_space<vmem>>, vector<1x16xf32>,
      %get3A_438 = vector.shape_cast %get3A_437 : vector<1x16xf32> to vector<16xf32>
      %add3A_439 = arith.addf %get3A_434, %get3A_438 : vector<16xf32>
      %swap3A_440 = arith.index_cast %scan3A_208 : i32 to index
      %swap3A_441 = arith.constant 256 : index
      %swap3A_442 = tpu.vector_load %arg8[%swap3A_440, %swap3A_441] {strides = array<i32>} : memref<64x768xf32, #tpu.memory_space<vmem>>, vector<1x16xf32>,
      %swap3A_443 = vector.shape_cast %swap3A_442 : vector<1x16xf32> to vector<16xf32>
      %swap3A_444 = vector.shape_cast %add3A_439 : vector<16xf32> to vector<1x16xf32>
      tpu.vector_store %arg8[%swap3A_440, %swap3A_441], %swap3A_444 {strides = array<i32>} : memref<64x768xf32, #tpu.memory_space<vmem>>, vector<1x16xf32>,
      %get3A_445 = arith.index_cast %scan3A_208 : i32 to index
      %get3A_446 = arith.constant 272 : index
      %get3A_447 = tpu.vector_load %arg8[%get3A_445, %get3A_446] {strides = array<i32>} : memref<64x768xf32, #tpu.memory_space<vmem>>, vector<1x16xf32>,
      %get3A_448 = vector.shape_cast %get3A_447 : vector<1x16xf32> to vector<16xf32>
      %get3A_449 = arith.index_cast %scan3A_208 : i32 to index
      %get3A_450 = arith.constant 272 : index
      %get3A_451 = tpu.vector_load %arg9[%get3A_449, %get3A_450] {strides = array<i32>} : memref<64x768xf32, #tpu.memory_space<vmem>>, vector<1x16xf32>,
      %get3A_452 = vector.shape_cast %get3A_451 : vector<1x16xf32> to vector<16xf32>
      %add3A_453 = arith.addf %get3A_448, %get3A_452 : vector<16xf32>
      %swap3A_454 = arith.index_cast %scan3A_208 : i32 to index
      %swap3A_455 = arith.constant 272 : index
      %swap3A_456 = tpu.vector_load %arg8[%swap3A_454, %swap3A_455] {strides = array<i32>} : memref<64x768xf32, #tpu.memory_space<vmem>>, vector<1x16xf32>,
      %swap3A_457 = vector.shape_cast %swap3A_456 : vector<1x16xf32> to vector<16xf32>
      %swap3A_458 = vector.shape_cast %add3A_453 : vector<16xf32> to vector<1x16xf32>
      tpu.vector_store %arg8[%swap3A_454, %swap3A_455], %swap3A_458 {strides = array<i32>} : memref<64x768xf32, #tpu.memory_space<vmem>>, vector<1x16xf32>,
      %get3A_459 = arith.index_cast %scan3A_208 : i32 to index
      %get3A_460 = arith.constant 288 : index
      %get3A_461 = tpu.vector_load %arg8[%get3A_459, %get3A_460] {strides = array<i32>} : memref<64x768xf32, #tpu.memory_space<vmem>>, vector<1x16xf32>,
      %get3A_462 = vector.shape_cast %get3A_461 : vector<1x16xf32> to vector<16xf32>
      %get3A_463 = arith.index_cast %scan3A_208 : i32 to index
      %get3A_464 = arith.constant 288 : index
      %get3A_465 = tpu.vector_load %arg9[%get3A_463, %get3A_464] {strides = array<i32>} : memref<64x768xf32, #tpu.memory_space<vmem>>, vector<1x16xf32>,
      %get3A_466 = vector.shape_cast %get3A_465 : vector<1x16xf32> to vector<16xf32>
      %add3A_467 = arith.addf %get3A_462, %get3A_466 : vector<16xf32>
      %swap3A_468 = arith.index_cast %scan3A_208 : i32 to index
      %swap3A_469 = arith.constant 288 : index
      %swap3A_470 = tpu.vector_load %arg8[%swap3A_468, %swap3A_469] {strides = array<i32>} : memref<64x768xf32, #tpu.memory_space<vmem>>, vector<1x16xf32>,
      %swap3A_471 = vector.shape_cast %swap3A_470 : vector<1x16xf32> to vector<16xf32>
      %swap3A_472 = vector.shape_cast %add3A_467 : vector<16xf32> to vector<1x16xf32>
      tpu.vector_store %arg8[%swap3A_468, %swap3A_469], %swap3A_472 {strides = array<i32>} : memref<64x768xf32, #tpu.memory_space<vmem>>, vector<1x16xf32>,
      %get3A_473 = arith.index_cast %scan3A_208 : i32 to index
      %get3A_474 = arith.constant 304 : index
      %get3A_475 = tpu.vector_load %arg8[%get3A_473, %get3A_474] {strides = array<i32>} : memref<64x768xf32, #tpu.memory_space<vmem>>, vector<1x16xf32>,
      %get3A_476 = vector.shape_cast %get3A_475 : vector<1x16xf32> to vector<16xf32>
      %get3A_477 = arith.index_cast %scan3A_208 : i32 to index
      %get3A_478 = arith.constant 304 : index
      %get3A_479 = tpu.vector_load %arg9[%get3A_477, %get3A_478] {strides = array<i32>} : memref<64x768xf32, #tpu.memory_space<vmem>>, vector<1x16xf32>,
      %get3A_480 = vector.shape_cast %get3A_479 : vector<1x16xf32> to vector<16xf32>
      %add3A_481 = arith.addf %get3A_476, %get3A_480 : vector<16xf32>
      %swap3A_482 = arith.index_cast %scan3A_208 : i32 to index
      %swap3A_483 = arith.constant 304 : index
      %swap3A_484 = tpu.vector_load %arg8[%swap3A_482, %swap3A_483] {strides = array<i32>} : memref<64x768xf32, #tpu.memory_space<vmem>>, vector<1x16xf32>,
      %swap3A_485 = vector.shape_cast %swap3A_484 : vector<1x16xf32> to vector<16xf32>
      %swap3A_486 = vector.shape_cast %add3A_481 : vector<16xf32> to vector<1x16xf32>
      tpu.vector_store %arg8[%swap3A_482, %swap3A_483], %swap3A_486 {strides = array<i32>} : memref<64x768xf32, #tpu.memory_space<vmem>>, vector<1x16xf32>,
      %get3A_487 = arith.index_cast %scan3A_208 : i32 to index
      %get3A_488 = arith.constant 320 : index
      %get3A_489 = tpu.vector_load %arg8[%get3A_487, %get3A_488] {strides = array<i32>} : memref<64x768xf32, #tpu.memory_space<vmem>>, vector<1x16xf32>,
      %get3A_490 = vector.shape_cast %get3A_489 : vector<1x16xf32> to vector<16xf32>
      %get3A_491 = arith.index_cast %scan3A_208 : i32 to index
      %get3A_492 = arith.constant 320 : index
      %get3A_493 = tpu.vector_load %arg9[%get3A_491, %get3A_492] {strides = array<i32>} : memref<64x768xf32, #tpu.memory_space<vmem>>, vector<1x16xf32>,
      %get3A_494 = vector.shape_cast %get3A_493 : vector<1x16xf32> to vector<16xf32>
      %add3A_495 = arith.addf %get3A_490, %get3A_494 : vector<16xf32>
      %swap3A_496 = arith.index_cast %scan3A_208 : i32 to index
      %swap3A_497 = arith.constant 320 : index
      %swap3A_498 = tpu.vector_load %arg8[%swap3A_496, %swap3A_497] {strides = array<i32>} : memref<64x768xf32, #tpu.memory_space<vmem>>, vector<1x16xf32>,
      %swap3A_499 = vector.shape_cast %swap3A_498 : vector<1x16xf32> to vector<16xf32>
      %swap3A_500 = vector.shape_cast %add3A_495 : vector<16xf32> to vector<1x16xf32>
      tpu.vector_store %arg8[%swap3A_496, %swap3A_497], %swap3A_500 {strides = array<i32>} : memref<64x768xf32, #tpu.memory_space<vmem>>, vector<1x16xf32>,
      %get3A_501 = arith.index_cast %scan3A_208 : i32 to index
      %get3A_502 = arith.constant 336 : index
      %get3A_503 = tpu.vector_load %arg8[%get3A_501, %get3A_502] {strides = array<i32>} : memref<64x768xf32, #tpu.memory_space<vmem>>, vector<1x16xf32>,
      %get3A_504 = vector.shape_cast %get3A_503 : vector<1x16xf32> to vector<16xf32>
      %get3A_505 = arith.index_cast %scan3A_208 : i32 to index
      %get3A_506 = arith.constant 336 : index
      %get3A_507 = tpu.vector_load %arg9[%get3A_505, %get3A_506] {strides = array<i32>} : memref<64x768xf32, #tpu.memory_space<vmem>>, vector<1x16xf32>,
      %get3A_508 = vector.shape_cast %get3A_507 : vector<1x16xf32> to vector<16xf32>
      %add3A_509 = arith.addf %get3A_504, %get3A_508 : vector<16xf32>
      %swap3A_510 = arith.index_cast %scan3A_208 : i32 to index
      %swap3A_511 = arith.constant 336 : index
      %swap3A_512 = tpu.vector_load %arg8[%swap3A_510, %swap3A_511] {strides = array<i32>} : memref<64x768xf32, #tpu.memory_space<vmem>>, vector<1x16xf32>,
      %swap3A_513 = vector.shape_cast %swap3A_512 : vector<1x16xf32> to vector<16xf32>
      %swap3A_514 = vector.shape_cast %add3A_509 : vector<16xf32> to vector<1x16xf32>
      tpu.vector_store %arg8[%swap3A_510, %swap3A_511], %swap3A_514 {strides = array<i32>} : memref<64x768xf32, #tpu.memory_space<vmem>>, vector<1x16xf32>,
      %get3A_515 = arith.index_cast %scan3A_208 : i32 to index
      %get3A_516 = arith.constant 352 : index
      %get3A_517 = tpu.vector_load %arg8[%get3A_515, %get3A_516] {strides = array<i32>} : memref<64x768xf32, #tpu.memory_space<vmem>>, vector<1x16xf32>,
      %get3A_518 = vector.shape_cast %get3A_517 : vector<1x16xf32> to vector<16xf32>
      %get3A_519 = arith.index_cast %scan3A_208 : i32 to index
      %get3A_520 = arith.constant 352 : index
      %get3A_521 = tpu.vector_load %arg9[%get3A_519, %get3A_520] {strides = array<i32>} : memref<64x768xf32, #tpu.memory_space<vmem>>, vector<1x16xf32>,
      %get3A_522 = vector.shape_cast %get3A_521 : vector<1x16xf32> to vector<16xf32>
      %add3A_523 = arith.addf %get3A_518, %get3A_522 : vector<16xf32>
      %swap3A_524 = arith.index_cast %scan3A_208 : i32 to index
      %swap3A_525 = arith.constant 352 : index
      %swap3A_526 = tpu.vector_load %arg8[%swap3A_524, %swap3A_525] {strides = array<i32>} : memref<64x768xf32, #tpu.memory_space<vmem>>, vector<1x16xf32>,
      %swap3A_527 = vector.shape_cast %swap3A_526 : vector<1x16xf32> to vector<16xf32>
      %swap3A_528 = vector.shape_cast %add3A_523 : vector<16xf32> to vector<1x16xf32>
      tpu.vector_store %arg8[%swap3A_524, %swap3A_525], %swap3A_528 {strides = array<i32>} : memref<64x768xf32, #tpu.memory_space<vmem>>, vector<1x16xf32>,
      %get3A_529 = arith.index_cast %scan3A_208 : i32 to index
      %get3A_530 = arith.constant 368 : index
      %get3A_531 = tpu.vector_load %arg8[%get3A_529, %get3A_530] {strides = array<i32>} : memref<64x768xf32, #tpu.memory_space<vmem>>, vector<1x16xf32>,
      %get3A_532 = vector.shape_cast %get3A_531 : vector<1x16xf32> to vector<16xf32>
      %get3A_533 = arith.index_cast %scan3A_208 : i32 to index
      %get3A_534 = arith.constant 368 : index
      %get3A_535 = tpu.vector_load %arg9[%get3A_533, %get3A_534] {strides = array<i32>} : memref<64x768xf32, #tpu.memory_space<vmem>>, vector<1x16xf32>,
      %get3A_536 = vector.shape_cast %get3A_535 : vector<1x16xf32> to vector<16xf32>
      %add3A_537 = arith.addf %get3A_532, %get3A_536 : vector<16xf32>
      %swap3A_538 = arith.index_cast %scan3A_208 : i32 to index
      %swap3A_539 = arith.constant 368 : index
      %swap3A_540 = tpu.vector_load %arg8[%swap3A_538, %swap3A_539] {strides = array<i32>} : memref<64x768xf32, #tpu.memory_space<vmem>>, vector<1x16xf32>,
      %swap3A_541 = vector.shape_cast %swap3A_540 : vector<1x16xf32> to vector<16xf32>
      %swap3A_542 = vector.shape_cast %add3A_537 : vector<16xf32> to vector<1x16xf32>
      tpu.vector_store %arg8[%swap3A_538, %swap3A_539], %swap3A_542 {strides = array<i32>} : memref<64x768xf32, #tpu.memory_space<vmem>>, vector<1x16xf32>,
      %get3A_543 = arith.index_cast %scan3A_208 : i32 to index
      %get3A_544 = arith.constant 384 : index
      %get3A_545 = tpu.vector_load %arg8[%get3A_543, %get3A_544] {strides = array<i32>} : memref<64x768xf32, #tpu.memory_space<vmem>>, vector<1x16xf32>,
      %get3A_546 = vector.shape_cast %get3A_545 : vector<1x16xf32> to vector<16xf32>
      %get3A_547 = arith.index_cast %scan3A_208 : i32 to index
      %get3A_548 = arith.constant 384 : index
      %get3A_549 = tpu.vector_load %arg9[%get3A_547, %get3A_548] {strides = array<i32>} : memref<64x768xf32, #tpu.memory_space<vmem>>, vector<1x16xf32>,
      %get3A_550 = vector.shape_cast %get3A_549 : vector<1x16xf32> to vector<16xf32>
      %add3A_551 = arith.addf %get3A_546, %get3A_550 : vector<16xf32>
      %swap3A_552 = arith.index_cast %scan3A_208 : i32 to index
      %swap3A_553 = arith.constant 384 : index
      %swap3A_554 = tpu.vector_load %arg8[%swap3A_552, %swap3A_553] {strides = array<i32>} : memref<64x768xf32, #tpu.memory_space<vmem>>, vector<1x16xf32>,
      %swap3A_555 = vector.shape_cast %swap3A_554 : vector<1x16xf32> to vector<16xf32>
      %swap3A_556 = vector.shape_cast %add3A_551 : vector<16xf32> to vector<1x16xf32>
      tpu.vector_store %arg8[%swap3A_552, %swap3A_553], %swap3A_556 {strides = array<i32>} : memref<64x768xf32, #tpu.memory_space<vmem>>, vector<1x16xf32>,
      %get3A_557 = arith.index_cast %scan3A_208 : i32 to index
      %get3A_558 = arith.constant 400 : index
      %get3A_559 = tpu.vector_load %arg8[%get3A_557, %get3A_558] {strides = array<i32>} : memref<64x768xf32, #tpu.memory_space<vmem>>, vector<1x16xf32>,
      %get3A_560 = vector.shape_cast %get3A_559 : vector<1x16xf32> to vector<16xf32>
      %get3A_561 = arith.index_cast %scan3A_208 : i32 to index
      %get3A_562 = arith.constant 400 : index
      %get3A_563 = tpu.vector_load %arg9[%get3A_561, %get3A_562] {strides = array<i32>} : memref<64x768xf32, #tpu.memory_space<vmem>>, vector<1x16xf32>,
      %get3A_564 = vector.shape_cast %get3A_563 : vector<1x16xf32> to vector<16xf32>
      %add3A_565 = arith.addf %get3A_560, %get3A_564 : vector<16xf32>
      %swap3A_566 = arith.index_cast %scan3A_208 : i32 to index
      %swap3A_567 = arith.constant 400 : index
      %swap3A_568 = tpu.vector_load %arg8[%swap3A_566, %swap3A_567] {strides = array<i32>} : memref<64x768xf32, #tpu.memory_space<vmem>>, vector<1x16xf32>,
      %swap3A_569 = vector.shape_cast %swap3A_568 : vector<1x16xf32> to vector<16xf32>
      %swap3A_570 = vector.shape_cast %add3A_565 : vector<16xf32> to vector<1x16xf32>
      tpu.vector_store %arg8[%swap3A_566, %swap3A_567], %swap3A_570 {strides = array<i32>} : memref<64x768xf32, #tpu.memory_space<vmem>>, vector<1x16xf32>,
      %get3A_571 = arith.index_cast %scan3A_208 : i32 to index
      %get3A_572 = arith.constant 416 : index
      %get3A_573 = tpu.vector_load %arg8[%get3A_571, %get3A_572] {strides = array<i32>} : memref<64x768xf32, #tpu.memory_space<vmem>>, vector<1x16xf32>,
      %get3A_574 = vector.shape_cast %get3A_573 : vector<1x16xf32> to vector<16xf32>
      %get3A_575 = arith.index_cast %scan3A_208 : i32 to index
      %get3A_576 = arith.constant 416 : index
      %get3A_577 = tpu.vector_load %arg9[%get3A_575, %get3A_576] {strides = array<i32>} : memref<64x768xf32, #tpu.memory_space<vmem>>, vector<1x16xf32>,
      %get3A_578 = vector.shape_cast %get3A_577 : vector<1x16xf32> to vector<16xf32>
      %add3A_579 = arith.addf %get3A_574, %get3A_578 : vector<16xf32>
      %swap3A_580 = arith.index_cast %scan3A_208 : i32 to index
      %swap3A_581 = arith.constant 416 : index
      %swap3A_582 = tpu.vector_load %arg8[%swap3A_580, %swap3A_581] {strides = array<i32>} : memref<64x768xf32, #tpu.memory_space<vmem>>, vector<1x16xf32>,
      %swap3A_583 = vector.shape_cast %swap3A_582 : vector<1x16xf32> to vector<16xf32>
      %swap3A_584 = vector.shape_cast %add3A_579 : vector<16xf32> to vector<1x16xf32>
      tpu.vector_store %arg8[%swap3A_580, %swap3A_581], %swap3A_584 {strides = array<i32>} : memref<64x768xf32, #tpu.memory_space<vmem>>, vector<1x16xf32>,
      %get3A_585 = arith.index_cast %scan3A_208 : i32 to index
      %get3A_586 = arith.constant 432 : index
      %get3A_587 = tpu.vector_load %arg8[%get3A_585, %get3A_586] {strides = array<i32>} : memref<64x768xf32, #tpu.memory_space<vmem>>, vector<1x16xf32>,
      %get3A_588 = vector.shape_cast %get3A_587 : vector<1x16xf32> to vector<16xf32>
      %get3A_589 = arith.index_cast %scan3A_208 : i32 to index
      %get3A_590 = arith.constant 432 : index
      %get3A_591 = tpu.vector_load %arg9[%get3A_589, %get3A_590] {strides = array<i32>} : memref<64x768xf32, #tpu.memory_space<vmem>>, vector<1x16xf32>,
      %get3A_592 = vector.shape_cast %get3A_591 : vector<1x16xf32> to vector<16xf32>
      %add3A_593 = arith.addf %get3A_588, %get3A_592 : vector<16xf32>
      %swap3A_594 = arith.index_cast %scan3A_208 : i32 to index
      %swap3A_595 = arith.constant 432 : index
      %swap3A_596 = tpu.vector_load %arg8[%swap3A_594, %swap3A_595] {strides = array<i32>} : memref<64x768xf32, #tpu.memory_space<vmem>>, vector<1x16xf32>,
      %swap3A_597 = vector.shape_cast %swap3A_596 : vector<1x16xf32> to vector<16xf32>
      %swap3A_598 = vector.shape_cast %add3A_593 : vector<16xf32> to vector<1x16xf32>
      tpu.vector_store %arg8[%swap3A_594, %swap3A_595], %swap3A_598 {strides = array<i32>} : memref<64x768xf32, #tpu.memory_space<vmem>>, vector<1x16xf32>,
      %get3A_599 = arith.index_cast %scan3A_208 : i32 to index
      %get3A_600 = arith.constant 448 : index
      %get3A_601 = tpu.vector_load %arg8[%get3A_599, %get3A_600] {strides = array<i32>} : memref<64x768xf32, #tpu.memory_space<vmem>>, vector<1x16xf32>,
      %get3A_602 = vector.shape_cast %get3A_601 : vector<1x16xf32> to vector<16xf32>
      %get3A_603 = arith.index_cast %scan3A_208 : i32 to index
      %get3A_604 = arith.constant 448 : index
      %get3A_605 = tpu.vector_load %arg9[%get3A_603, %get3A_604] {strides = array<i32>} : memref<64x768xf32, #tpu.memory_space<vmem>>, vector<1x16xf32>,
      %get3A_606 = vector.shape_cast %get3A_605 : vector<1x16xf32> to vector<16xf32>
      %add3A_607 = arith.addf %get3A_602, %get3A_606 : vector<16xf32>
      %swap3A_608 = arith.index_cast %scan3A_208 : i32 to index
      %swap3A_609 = arith.constant 448 : index
      %swap3A_610 = tpu.vector_load %arg8[%swap3A_608, %swap3A_609] {strides = array<i32>} : memref<64x768xf32, #tpu.memory_space<vmem>>, vector<1x16xf32>,
      %swap3A_611 = vector.shape_cast %swap3A_610 : vector<1x16xf32> to vector<16xf32>
      %swap3A_612 = vector.shape_cast %add3A_607 : vector<16xf32> to vector<1x16xf32>
      tpu.vector_store %arg8[%swap3A_608, %swap3A_609], %swap3A_612 {strides = array<i32>} : memref<64x768xf32, #tpu.memory_space<vmem>>, vector<1x16xf32>,
      %get3A_613 = arith.index_cast %scan3A_208 : i32 to index
      %get3A_614 = arith.constant 464 : index
      %get3A_615 = tpu.vector_load %arg8[%get3A_613, %get3A_614] {strides = array<i32>} : memref<64x768xf32, #tpu.memory_space<vmem>>, vector<1x16xf32>,
      %get3A_616 = vector.shape_cast %get3A_615 : vector<1x16xf32> to vector<16xf32>
      %get3A_617 = arith.index_cast %scan3A_208 : i32 to index
      %get3A_618 = arith.constant 464 : index
      %get3A_619 = tpu.vector_load %arg9[%get3A_617, %get3A_618] {strides = array<i32>} : memref<64x768xf32, #tpu.memory_space<vmem>>, vector<1x16xf32>,
      %get3A_620 = vector.shape_cast %get3A_619 : vector<1x16xf32> to vector<16xf32>
      %add3A_621 = arith.addf %get3A_616, %get3A_620 : vector<16xf32>
      %swap3A_622 = arith.index_cast %scan3A_208 : i32 to index
      %swap3A_623 = arith.constant 464 : index
      %swap3A_624 = tpu.vector_load %arg8[%swap3A_622, %swap3A_623] {strides = array<i32>} : memref<64x768xf32, #tpu.memory_space<vmem>>, vector<1x16xf32>,
      %swap3A_625 = vector.shape_cast %swap3A_624 : vector<1x16xf32> to vector<16xf32>
      %swap3A_626 = vector.shape_cast %add3A_621 : vector<16xf32> to vector<1x16xf32>
      tpu.vector_store %arg8[%swap3A_622, %swap3A_623], %swap3A_626 {strides = array<i32>} : memref<64x768xf32, #tpu.memory_space<vmem>>, vector<1x16xf32>,
      %get3A_627 = arith.index_cast %scan3A_208 : i32 to index
      %get3A_628 = arith.constant 480 : index
      %get3A_629 = tpu.vector_load %arg8[%get3A_627, %get3A_628] {strides = array<i32>} : memref<64x768xf32, #tpu.memory_space<vmem>>, vector<1x16xf32>,
      %get3A_630 = vector.shape_cast %get3A_629 : vector<1x16xf32> to vector<16xf32>
      %get3A_631 = arith.index_cast %scan3A_208 : i32 to index
      %get3A_632 = arith.constant 480 : index
      %get3A_633 = tpu.vector_load %arg9[%get3A_631, %get3A_632] {strides = array<i32>} : memref<64x768xf32, #tpu.memory_space<vmem>>, vector<1x16xf32>,
      %get3A_634 = vector.shape_cast %get3A_633 : vector<1x16xf32> to vector<16xf32>
      %add3A_635 = arith.addf %get3A_630, %get3A_634 : vector<16xf32>
      %swap3A_636 = arith.index_cast %scan3A_208 : i32 to index
      %swap3A_637 = arith.constant 480 : index
      %swap3A_638 = tpu.vector_load %arg8[%swap3A_636, %swap3A_637] {strides = array<i32>} : memref<64x768xf32, #tpu.memory_space<vmem>>, vector<1x16xf32>,
      %swap3A_639 = vector.shape_cast %swap3A_638 : vector<1x16xf32> to vector<16xf32>
      %swap3A_640 = vector.shape_cast %add3A_635 : vector<16xf32> to vector<1x16xf32>
      tpu.vector_store %arg8[%swap3A_636, %swap3A_637], %swap3A_640 {strides = array<i32>} : memref<64x768xf32, #tpu.memory_space<vmem>>, vector<1x16xf32>,
      %get3A_641 = arith.index_cast %scan3A_208 : i32 to index
      %get3A_642 = arith.constant 496 : index
      %get3A_643 = tpu.vector_load %arg8[%get3A_641, %get3A_642] {strides = array<i32>} : memref<64x768xf32, #tpu.memory_space<vmem>>, vector<1x16xf32>,
      %get3A_644 = vector.shape_cast %get3A_643 : vector<1x16xf32> to vector<16xf32>
      %get3A_645 = arith.index_cast %scan3A_208 : i32 to index
      %get3A_646 = arith.constant 496 : index
      %get3A_647 = tpu.vector_load %arg9[%get3A_645, %get3A_646] {strides = array<i32>} : memref<64x768xf32, #tpu.memory_space<vmem>>, vector<1x16xf32>,
      %get3A_648 = vector.shape_cast %get3A_647 : vector<1x16xf32> to vector<16xf32>
      %add3A_649 = arith.addf %get3A_644, %get3A_648 : vector<16xf32>
      %swap3A_650 = arith.index_cast %scan3A_208 : i32 to index
      %swap3A_651 = arith.constant 496 : index
      %swap3A_652 = tpu.vector_load %arg8[%swap3A_650, %swap3A_651] {strides = array<i32>} : memref<64x768xf32, #tpu.memory_space<vmem>>, vector<1x16xf32>,
      %swap3A_653 = vector.shape_cast %swap3A_652 : vector<1x16xf32> to vector<16xf32>
      %swap3A_654 = vector.shape_cast %add3A_649 : vector<16xf32> to vector<1x16xf32>
      tpu.vector_store %arg8[%swap3A_650, %swap3A_651], %swap3A_654 {strides = array<i32>} : memref<64x768xf32, #tpu.memory_space<vmem>>, vector<1x16xf32>,
      %get3A_655 = arith.index_cast %scan3A_208 : i32 to index
      %get3A_656 = arith.constant 512 : index
      %get3A_657 = tpu.vector_load %arg8[%get3A_655, %get3A_656] {strides = array<i32>} : memref<64x768xf32, #tpu.memory_space<vmem>>, vector<1x16xf32>,
      %get3A_658 = vector.shape_cast %get3A_657 : vector<1x16xf32> to vector<16xf32>
      %get3A_659 = arith.index_cast %scan3A_208 : i32 to index
      %get3A_660 = arith.constant 512 : index
      %get3A_661 = tpu.vector_load %arg9[%get3A_659, %get3A_660] {strides = array<i32>} : memref<64x768xf32, #tpu.memory_space<vmem>>, vector<1x16xf32>,
      %get3A_662 = vector.shape_cast %get3A_661 : vector<1x16xf32> to vector<16xf32>
      %add3A_663 = arith.addf %get3A_658, %get3A_662 : vector<16xf32>
      %swap3A_664 = arith.index_cast %scan3A_208 : i32 to index
      %swap3A_665 = arith.constant 512 : index
      %swap3A_666 = tpu.vector_load %arg8[%swap3A_664, %swap3A_665] {strides = array<i32>} : memref<64x768xf32, #tpu.memory_space<vmem>>, vector<1x16xf32>,
      %swap3A_667 = vector.shape_cast %swap3A_666 : vector<1x16xf32> to vector<16xf32>
      %swap3A_668 = vector.shape_cast %add3A_663 : vector<16xf32> to vector<1x16xf32>
      tpu.vector_store %arg8[%swap3A_664, %swap3A_665], %swap3A_668 {strides = array<i32>} : memref<64x768xf32, #tpu.memory_space<vmem>>, vector<1x16xf32>,
      %get3A_669 = arith.index_cast %scan3A_208 : i32 to index
      %get3A_670 = arith.constant 528 : index
      %get3A_671 = tpu.vector_load %arg8[%get3A_669, %get3A_670] {strides = array<i32>} : memref<64x768xf32, #tpu.memory_space<vmem>>, vector<1x16xf32>,
      %get3A_672 = vector.shape_cast %get3A_671 : vector<1x16xf32> to vector<16xf32>
      %get3A_673 = arith.index_cast %scan3A_208 : i32 to index
      %get3A_674 = arith.constant 528 : index
      %get3A_675 = tpu.vector_load %arg9[%get3A_673, %get3A_674] {strides = array<i32>} : memref<64x768xf32, #tpu.memory_space<vmem>>, vector<1x16xf32>,
      %get3A_676 = vector.shape_cast %get3A_675 : vector<1x16xf32> to vector<16xf32>
      %add3A_677 = arith.addf %get3A_672, %get3A_676 : vector<16xf32>
      %swap3A_678 = arith.index_cast %scan3A_208 : i32 to index
      %swap3A_679 = arith.constant 528 : index
      %swap3A_680 = tpu.vector_load %arg8[%swap3A_678, %swap3A_679] {strides = array<i32>} : memref<64x768xf32, #tpu.memory_space<vmem>>, vector<1x16xf32>,
      %swap3A_681 = vector.shape_cast %swap3A_680 : vector<1x16xf32> to vector<16xf32>
      %swap3A_682 = vector.shape_cast %add3A_677 : vector<16xf32> to vector<1x16xf32>
      tpu.vector_store %arg8[%swap3A_678, %swap3A_679], %swap3A_682 {strides = array<i32>} : memref<64x768xf32, #tpu.memory_space<vmem>>, vector<1x16xf32>,
      %get3A_683 = arith.index_cast %scan3A_208 : i32 to index
      %get3A_684 = arith.constant 544 : index
      %get3A_685 = tpu.vector_load %arg8[%get3A_683, %get3A_684] {strides = array<i32>} : memref<64x768xf32, #tpu.memory_space<vmem>>, vector<1x16xf32>,
      %get3A_686 = vector.shape_cast %get3A_685 : vector<1x16xf32> to vector<16xf32>
      %get3A_687 = arith.index_cast %scan3A_208 : i32 to index
      %get3A_688 = arith.constant 544 : index
      %get3A_689 = tpu.vector_load %arg9[%get3A_687, %get3A_688] {strides = array<i32>} : memref<64x768xf32, #tpu.memory_space<vmem>>, vector<1x16xf32>,
      %get3A_690 = vector.shape_cast %get3A_689 : vector<1x16xf32> to vector<16xf32>
      %add3A_691 = arith.addf %get3A_686, %get3A_690 : vector<16xf32>
      %swap3A_692 = arith.index_cast %scan3A_208 : i32 to index
      %swap3A_693 = arith.constant 544 : index
      %swap3A_694 = tpu.vector_load %arg8[%swap3A_692, %swap3A_693] {strides = array<i32>} : memref<64x768xf32, #tpu.memory_space<vmem>>, vector<1x16xf32>,
      %swap3A_695 = vector.shape_cast %swap3A_694 : vector<1x16xf32> to vector<16xf32>
      %swap3A_696 = vector.shape_cast %add3A_691 : vector<16xf32> to vector<1x16xf32>
      tpu.vector_store %arg8[%swap3A_692, %swap3A_693], %swap3A_696 {strides = array<i32>} : memref<64x768xf32, #tpu.memory_space<vmem>>, vector<1x16xf32>,
      %get3A_697 = arith.index_cast %scan3A_208 : i32 to index
      %get3A_698 = arith.constant 560 : index
      %get3A_699 = tpu.vector_load %arg8[%get3A_697, %get3A_698] {strides = array<i32>} : memref<64x768xf32, #tpu.memory_space<vmem>>, vector<1x16xf32>,
      %get3A_700 = vector.shape_cast %get3A_699 : vector<1x16xf32> to vector<16xf32>
      %get3A_701 = arith.index_cast %scan3A_208 : i32 to index
      %get3A_702 = arith.constant 560 : index
      %get3A_703 = tpu.vector_load %arg9[%get3A_701, %get3A_702] {strides = array<i32>} : memref<64x768xf32, #tpu.memory_space<vmem>>, vector<1x16xf32>,
      %get3A_704 = vector.shape_cast %get3A_703 : vector<1x16xf32> to vector<16xf32>
      %add3A_705 = arith.addf %get3A_700, %get3A_704 : vector<16xf32>
      %swap3A_706 = arith.index_cast %scan3A_208 : i32 to index
      %swap3A_707 = arith.constant 560 : index
      %swap3A_708 = tpu.vector_load %arg8[%swap3A_706, %swap3A_707] {strides = array<i32>} : memref<64x768xf32, #tpu.memory_space<vmem>>, vector<1x16xf32>,
      %swap3A_709 = vector.shape_cast %swap3A_708 : vector<1x16xf32> to vector<16xf32>
      %swap3A_710 = vector.shape_cast %add3A_705 : vector<16xf32> to vector<1x16xf32>
      tpu.vector_store %arg8[%swap3A_706, %swap3A_707], %swap3A_710 {strides = array<i32>} : memref<64x768xf32, #tpu.memory_space<vmem>>, vector<1x16xf32>,
      %get3A_711 = arith.index_cast %scan3A_208 : i32 to index
      %get3A_712 = arith.constant 576 : index
      %get3A_713 = tpu.vector_load %arg8[%get3A_711, %get3A_712] {strides = array<i32>} : memref<64x768xf32, #tpu.memory_space<vmem>>, vector<1x16xf32>,
      %get3A_714 = vector.shape_cast %get3A_713 : vector<1x16xf32> to vector<16xf32>
      %get3A_715 = arith.index_cast %scan3A_208 : i32 to index
      %get3A_716 = arith.constant 576 : index
      %get3A_717 = tpu.vector_load %arg9[%get3A_715, %get3A_716] {strides = array<i32>} : memref<64x768xf32, #tpu.memory_space<vmem>>, vector<1x16xf32>,
      %get3A_718 = vector.shape_cast %get3A_717 : vector<1x16xf32> to vector<16xf32>
      %add3A_719 = arith.addf %get3A_714, %get3A_718 : vector<16xf32>
      %swap3A_720 = arith.index_cast %scan3A_208 : i32 to index
      %swap3A_721 = arith.constant 576 : index
      %swap3A_722 = tpu.vector_load %arg8[%swap3A_720, %swap3A_721] {strides = array<i32>} : memref<64x768xf32, #tpu.memory_space<vmem>>, vector<1x16xf32>,
      %swap3A_723 = vector.shape_cast %swap3A_722 : vector<1x16xf32> to vector<16xf32>
      %swap3A_724 = vector.shape_cast %add3A_719 : vector<16xf32> to vector<1x16xf32>
      tpu.vector_store %arg8[%swap3A_720, %swap3A_721], %swap3A_724 {strides = array<i32>} : memref<64x768xf32, #tpu.memory_space<vmem>>, vector<1x16xf32>,
      %get3A_725 = arith.index_cast %scan3A_208 : i32 to index
      %get3A_726 = arith.constant 592 : index
      %get3A_727 = tpu.vector_load %arg8[%get3A_725, %get3A_726] {strides = array<i32>} : memref<64x768xf32, #tpu.memory_space<vmem>>, vector<1x16xf32>,
      %get3A_728 = vector.shape_cast %get3A_727 : vector<1x16xf32> to vector<16xf32>
      %get3A_729 = arith.index_cast %scan3A_208 : i32 to index
      %get3A_730 = arith.constant 592 : index
      %get3A_731 = tpu.vector_load %arg9[%get3A_729, %get3A_730] {strides = array<i32>} : memref<64x768xf32, #tpu.memory_space<vmem>>, vector<1x16xf32>,
      %get3A_732 = vector.shape_cast %get3A_731 : vector<1x16xf32> to vector<16xf32>
      %add3A_733 = arith.addf %get3A_728, %get3A_732 : vector<16xf32>
      %swap3A_734 = arith.index_cast %scan3A_208 : i32 to index
      %swap3A_735 = arith.constant 592 : index
      %swap3A_736 = tpu.vector_load %arg8[%swap3A_734, %swap3A_735] {strides = array<i32>} : memref<64x768xf32, #tpu.memory_space<vmem>>, vector<1x16xf32>,
      %swap3A_737 = vector.shape_cast %swap3A_736 : vector<1x16xf32> to vector<16xf32>
      %swap3A_738 = vector.shape_cast %add3A_733 : vector<16xf32> to vector<1x16xf32>
      tpu.vector_store %arg8[%swap3A_734, %swap3A_735], %swap3A_738 {strides = array<i32>} : memref<64x768xf32, #tpu.memory_space<vmem>>, vector<1x16xf32>,
      %get3A_739 = arith.index_cast %scan3A_208 : i32 to index
      %get3A_740 = arith.constant 608 : index
      %get3A_741 = tpu.vector_load %arg8[%get3A_739, %get3A_740] {strides = array<i32>} : memref<64x768xf32, #tpu.memory_space<vmem>>, vector<1x16xf32>,
      %get3A_742 = vector.shape_cast %get3A_741 : vector<1x16xf32> to vector<16xf32>
      %get3A_743 = arith.index_cast %scan3A_208 : i32 to index
      %get3A_744 = arith.constant 608 : index
      %get3A_745 = tpu.vector_load %arg9[%get3A_743, %get3A_744] {strides = array<i32>} : memref<64x768xf32, #tpu.memory_space<vmem>>, vector<1x16xf32>,
      %get3A_746 = vector.shape_cast %get3A_745 : vector<1x16xf32> to vector<16xf32>
      %add3A_747 = arith.addf %get3A_742, %get3A_746 : vector<16xf32>
      %swap3A_748 = arith.index_cast %scan3A_208 : i32 to index
      %swap3A_749 = arith.constant 608 : index
      %swap3A_750 = tpu.vector_load %arg8[%swap3A_748, %swap3A_749] {strides = array<i32>} : memref<64x768xf32, #tpu.memory_space<vmem>>, vector<1x16xf32>,
      %swap3A_751 = vector.shape_cast %swap3A_750 : vector<1x16xf32> to vector<16xf32>
      %swap3A_752 = vector.shape_cast %add3A_747 : vector<16xf32> to vector<1x16xf32>
      tpu.vector_store %arg8[%swap3A_748, %swap3A_749], %swap3A_752 {strides = array<i32>} : memref<64x768xf32, #tpu.memory_space<vmem>>, vector<1x16xf32>,
      %get3A_753 = arith.index_cast %scan3A_208 : i32 to index
      %get3A_754 = arith.constant 624 : index
      %get3A_755 = tpu.vector_load %arg8[%get3A_753, %get3A_754] {strides = array<i32>} : memref<64x768xf32, #tpu.memory_space<vmem>>, vector<1x16xf32>,
      %get3A_756 = vector.shape_cast %get3A_755 : vector<1x16xf32> to vector<16xf32>
      %get3A_757 = arith.index_cast %scan3A_208 : i32 to index
      %get3A_758 = arith.constant 624 : index
      %get3A_759 = tpu.vector_load %arg9[%get3A_757, %get3A_758] {strides = array<i32>} : memref<64x768xf32, #tpu.memory_space<vmem>>, vector<1x16xf32>,
      %get3A_760 = vector.shape_cast %get3A_759 : vector<1x16xf32> to vector<16xf32>
      %add3A_761 = arith.addf %get3A_756, %get3A_760 : vector<16xf32>
      %swap3A_762 = arith.index_cast %scan3A_208 : i32 to index
      %swap3A_763 = arith.constant 624 : index
      %swap3A_764 = tpu.vector_load %arg8[%swap3A_762, %swap3A_763] {strides = array<i32>} : memref<64x768xf32, #tpu.memory_space<vmem>>, vector<1x16xf32>,
      %swap3A_765 = vector.shape_cast %swap3A_764 : vector<1x16xf32> to vector<16xf32>
      %swap3A_766 = vector.shape_cast %add3A_761 : vector<16xf32> to vector<1x16xf32>
      tpu.vector_store %arg8[%swap3A_762, %swap3A_763], %swap3A_766 {strides = array<i32>} : memref<64x768xf32, #tpu.memory_space<vmem>>, vector<1x16xf32>,
      %get3A_767 = arith.index_cast %scan3A_208 : i32 to index
      %get3A_768 = arith.constant 640 : index
      %get3A_769 = tpu.vector_load %arg8[%get3A_767, %get3A_768] {strides = array<i32>} : memref<64x768xf32, #tpu.memory_space<vmem>>, vector<1x16xf32>,
      %get3A_770 = vector.shape_cast %get3A_769 : vector<1x16xf32> to vector<16xf32>
      %get3A_771 = arith.index_cast %scan3A_208 : i32 to index
      %get3A_772 = arith.constant 640 : index
      %get3A_773 = tpu.vector_load %arg9[%get3A_771, %get3A_772] {strides = array<i32>} : memref<64x768xf32, #tpu.memory_space<vmem>>, vector<1x16xf32>,
      %get3A_774 = vector.shape_cast %get3A_773 : vector<1x16xf32> to vector<16xf32>
      %add3A_775 = arith.addf %get3A_770, %get3A_774 : vector<16xf32>
      %swap3A_776 = arith.index_cast %scan3A_208 : i32 to index
      %swap3A_777 = arith.constant 640 : index
      %swap3A_778 = tpu.vector_load %arg8[%swap3A_776, %swap3A_777] {strides = array<i32>} : memref<64x768xf32, #tpu.memory_space<vmem>>, vector<1x16xf32>,
      %swap3A_779 = vector.shape_cast %swap3A_778 : vector<1x16xf32> to vector<16xf32>
      %swap3A_780 = vector.shape_cast %add3A_775 : vector<16xf32> to vector<1x16xf32>
      tpu.vector_store %arg8[%swap3A_776, %swap3A_777], %swap3A_780 {strides = array<i32>} : memref<64x768xf32, #tpu.memory_space<vmem>>, vector<1x16xf32>,
      %get3A_781 = arith.index_cast %scan3A_208 : i32 to index
      %get3A_782 = arith.constant 656 : index
      %get3A_783 = tpu.vector_load %arg8[%get3A_781, %get3A_782] {strides = array<i32>} : memref<64x768xf32, #tpu.memory_space<vmem>>, vector<1x16xf32>,
      %get3A_784 = vector.shape_cast %get3A_783 : vector<1x16xf32> to vector<16xf32>
      %get3A_785 = arith.index_cast %scan3A_208 : i32 to index
      %get3A_786 = arith.constant 656 : index
      %get3A_787 = tpu.vector_load %arg9[%get3A_785, %get3A_786] {strides = array<i32>} : memref<64x768xf32, #tpu.memory_space<vmem>>, vector<1x16xf32>,
      %get3A_788 = vector.shape_cast %get3A_787 : vector<1x16xf32> to vector<16xf32>
      %add3A_789 = arith.addf %get3A_784, %get3A_788 : vector<16xf32>
      %swap3A_790 = arith.index_cast %scan3A_208 : i32 to index
      %swap3A_791 = arith.constant 656 : index
      %swap3A_792 = tpu.vector_load %arg8[%swap3A_790, %swap3A_791] {strides = array<i32>} : memref<64x768xf32, #tpu.memory_space<vmem>>, vector<1x16xf32>,
      %swap3A_793 = vector.shape_cast %swap3A_792 : vector<1x16xf32> to vector<16xf32>
      %swap3A_794 = vector.shape_cast %add3A_789 : vector<16xf32> to vector<1x16xf32>
      tpu.vector_store %arg8[%swap3A_790, %swap3A_791], %swap3A_794 {strides = array<i32>} : memref<64x768xf32, #tpu.memory_space<vmem>>, vector<1x16xf32>,
      %get3A_795 = arith.index_cast %scan3A_208 : i32 to index
      %get3A_796 = arith.constant 672 : index
      %get3A_797 = tpu.vector_load %arg8[%get3A_795, %get3A_796] {strides = array<i32>} : memref<64x768xf32, #tpu.memory_space<vmem>>, vector<1x16xf32>,
      %get3A_798 = vector.shape_cast %get3A_797 : vector<1x16xf32> to vector<16xf32>
      %get3A_799 = arith.index_cast %scan3A_208 : i32 to index
      %get3A_800 = arith.constant 672 : index
      %get3A_801 = tpu.vector_load %arg9[%get3A_799, %get3A_800] {strides = array<i32>} : memref<64x768xf32, #tpu.memory_space<vmem>>, vector<1x16xf32>,
      %get3A_802 = vector.shape_cast %get3A_801 : vector<1x16xf32> to vector<16xf32>
      %add3A_803 = arith.addf %get3A_798, %get3A_802 : vector<16xf32>
      %swap3A_804 = arith.index_cast %scan3A_208 : i32 to index
      %swap3A_805 = arith.constant 672 : index
      %swap3A_806 = tpu.vector_load %arg8[%swap3A_804, %swap3A_805] {strides = array<i32>} : memref<64x768xf32, #tpu.memory_space<vmem>>, vector<1x16xf32>,
      %swap3A_807 = vector.shape_cast %swap3A_806 : vector<1x16xf32> to vector<16xf32>
      %swap3A_808 = vector.shape_cast %add3A_803 : vector<16xf32> to vector<1x16xf32>
      tpu.vector_store %arg8[%swap3A_804, %swap3A_805], %swap3A_808 {strides = array<i32>} : memref<64x768xf32, #tpu.memory_space<vmem>>, vector<1x16xf32>,
      %get3A_809 = arith.index_cast %scan3A_208 : i32 to index
      %get3A_810 = arith.constant 688 : index
      %get3A_811 = tpu.vector_load %arg8[%get3A_809, %get3A_810] {strides = array<i32>} : memref<64x768xf32, #tpu.memory_space<vmem>>, vector<1x16xf32>,
      %get3A_812 = vector.shape_cast %get3A_811 : vector<1x16xf32> to vector<16xf32>
      %get3A_813 = arith.index_cast %scan3A_208 : i32 to index
      %get3A_814 = arith.constant 688 : index
      %get3A_815 = tpu.vector_load %arg9[%get3A_813, %get3A_814] {strides = array<i32>} : memref<64x768xf32, #tpu.memory_space<vmem>>, vector<1x16xf32>,
      %get3A_816 = vector.shape_cast %get3A_815 : vector<1x16xf32> to vector<16xf32>
      %add3A_817 = arith.addf %get3A_812, %get3A_816 : vector<16xf32>
      %swap3A_818 = arith.index_cast %scan3A_208 : i32 to index
      %swap3A_819 = arith.constant 688 : index
      %swap3A_820 = tpu.vector_load %arg8[%swap3A_818, %swap3A_819] {strides = array<i32>} : memref<64x768xf32, #tpu.memory_space<vmem>>, vector<1x16xf32>,
      %swap3A_821 = vector.shape_cast %swap3A_820 : vector<1x16xf32> to vector<16xf32>
      %swap3A_822 = vector.shape_cast %add3A_817 : vector<16xf32> to vector<1x16xf32>
      tpu.vector_store %arg8[%swap3A_818, %swap3A_819], %swap3A_822 {strides = array<i32>} : memref<64x768xf32, #tpu.memory_space<vmem>>, vector<1x16xf32>,
      %get3A_823 = arith.index_cast %scan3A_208 : i32 to index
      %get3A_824 = arith.constant 704 : index
      %get3A_825 = tpu.vector_load %arg8[%get3A_823, %get3A_824] {strides = array<i32>} : memref<64x768xf32, #tpu.memory_space<vmem>>, vector<1x16xf32>,
      %get3A_826 = vector.shape_cast %get3A_825 : vector<1x16xf32> to vector<16xf32>
      %get3A_827 = arith.index_cast %scan3A_208 : i32 to index
      %get3A_828 = arith.constant 704 : index
      %get3A_829 = tpu.vector_load %arg9[%get3A_827, %get3A_828] {strides = array<i32>} : memref<64x768xf32, #tpu.memory_space<vmem>>, vector<1x16xf32>,
      %get3A_830 = vector.shape_cast %get3A_829 : vector<1x16xf32> to vector<16xf32>
      %add3A_831 = arith.addf %get3A_826, %get3A_830 : vector<16xf32>
      %swap3A_832 = arith.index_cast %scan3A_208 : i32 to index
      %swap3A_833 = arith.constant 704 : index
      %swap3A_834 = tpu.vector_load %arg8[%swap3A_832, %swap3A_833] {strides = array<i32>} : memref<64x768xf32, #tpu.memory_space<vmem>>, vector<1x16xf32>,
      %swap3A_835 = vector.shape_cast %swap3A_834 : vector<1x16xf32> to vector<16xf32>
      %swap3A_836 = vector.shape_cast %add3A_831 : vector<16xf32> to vector<1x16xf32>
      tpu.vector_store %arg8[%swap3A_832, %swap3A_833], %swap3A_836 {strides = array<i32>} : memref<64x768xf32, #tpu.memory_space<vmem>>, vector<1x16xf32>,
      %get3A_837 = arith.index_cast %scan3A_208 : i32 to index
      %get3A_838 = arith.constant 720 : index
      %get3A_839 = tpu.vector_load %arg8[%get3A_837, %get3A_838] {strides = array<i32>} : memref<64x768xf32, #tpu.memory_space<vmem>>, vector<1x16xf32>,
      %get3A_840 = vector.shape_cast %get3A_839 : vector<1x16xf32> to vector<16xf32>
      %get3A_841 = arith.index_cast %scan3A_208 : i32 to index
      %get3A_842 = arith.constant 720 : index
      %get3A_843 = tpu.vector_load %arg9[%get3A_841, %get3A_842] {strides = array<i32>} : memref<64x768xf32, #tpu.memory_space<vmem>>, vector<1x16xf32>,
      %get3A_844 = vector.shape_cast %get3A_843 : vector<1x16xf32> to vector<16xf32>
      %add3A_845 = arith.addf %get3A_840, %get3A_844 : vector<16xf32>
      %swap3A_846 = arith.index_cast %scan3A_208 : i32 to index
      %swap3A_847 = arith.constant 720 : index
      %swap3A_848 = tpu.vector_load %arg8[%swap3A_846, %swap3A_847] {strides = array<i32>} : memref<64x768xf32, #tpu.memory_space<vmem>>, vector<1x16xf32>,
      %swap3A_849 = vector.shape_cast %swap3A_848 : vector<1x16xf32> to vector<16xf32>
      %swap3A_850 = vector.shape_cast %add3A_845 : vector<16xf32> to vector<1x16xf32>
      tpu.vector_store %arg8[%swap3A_846, %swap3A_847], %swap3A_850 {strides = array<i32>} : memref<64x768xf32, #tpu.memory_space<vmem>>, vector<1x16xf32>,
      %get3A_851 = arith.index_cast %scan3A_208 : i32 to index
      %get3A_852 = arith.constant 736 : index
      %get3A_853 = tpu.vector_load %arg8[%get3A_851, %get3A_852] {strides = array<i32>} : memref<64x768xf32, #tpu.memory_space<vmem>>, vector<1x16xf32>,
      %get3A_854 = vector.shape_cast %get3A_853 : vector<1x16xf32> to vector<16xf32>
      %get3A_855 = arith.index_cast %scan3A_208 : i32 to index
      %get3A_856 = arith.constant 736 : index
      %get3A_857 = tpu.vector_load %arg9[%get3A_855, %get3A_856] {strides = array<i32>} : memref<64x768xf32, #tpu.memory_space<vmem>>, vector<1x16xf32>,
      %get3A_858 = vector.shape_cast %get3A_857 : vector<1x16xf32> to vector<16xf32>
      %add3A_859 = arith.addf %get3A_854, %get3A_858 : vector<16xf32>
      %swap3A_860 = arith.index_cast %scan3A_208 : i32 to index
      %swap3A_861 = arith.constant 736 : index
      %swap3A_862 = tpu.vector_load %arg8[%swap3A_860, %swap3A_861] {strides = array<i32>} : memref<64x768xf32, #tpu.memory_space<vmem>>, vector<1x16xf32>,
      %swap3A_863 = vector.shape_cast %swap3A_862 : vector<1x16xf32> to vector<16xf32>
      %swap3A_864 = vector.shape_cast %add3A_859 : vector<16xf32> to vector<1x16xf32>
      tpu.vector_store %arg8[%swap3A_860, %swap3A_861], %swap3A_864 {strides = array<i32>} : memref<64x768xf32, #tpu.memory_space<vmem>>, vector<1x16xf32>,
      %get3A_865 = arith.index_cast %scan3A_208 : i32 to index
      %get3A_866 = arith.constant 752 : index
      %get3A_867 = tpu.vector_load %arg8[%get3A_865, %get3A_866] {strides = array<i32>} : memref<64x768xf32, #tpu.memory_space<vmem>>, vector<1x16xf32>,
      %get3A_868 = vector.shape_cast %get3A_867 : vector<1x16xf32> to vector<16xf32>
      %get3A_869 = arith.index_cast %scan3A_208 : i32 to index
      %get3A_870 = arith.constant 752 : index
      %get3A_871 = tpu.vector_load %arg9[%get3A_869, %get3A_870] {strides = array<i32>} : memref<64x768xf32, #tpu.memory_space<vmem>>, vector<1x16xf32>,
      %get3A_872 = vector.shape_cast %get3A_871 : vector<1x16xf32> to vector<16xf32>
      %add3A_873 = arith.addf %get3A_868, %get3A_872 : vector<16xf32>
      %swap3A_874 = arith.index_cast %scan3A_208 : i32 to index
      %swap3A_875 = arith.constant 752 : index
      %swap3A_876 = tpu.vector_load %arg8[%swap3A_874, %swap3A_875] {strides = array<i32>} : memref<64x768xf32, #tpu.memory_space<vmem>>, vector<1x16xf32>,
      %swap3A_877 = vector.shape_cast %swap3A_876 : vector<1x16xf32> to vector<16xf32>
      %swap3A_878 = vector.shape_cast %add3A_873 : vector<16xf32> to vector<1x16xf32>
      tpu.vector_store %arg8[%swap3A_874, %swap3A_875], %swap3A_878 {strides = array<i32>} : memref<64x768xf32, #tpu.memory_space<vmem>>, vector<1x16xf32>,
    }
    %scan3A_175 = arith.constant 16 : i32
    %add3A_176 = arith.constant 32 : i32
    %add3A_177 = arith.addi %mul3A_2, %add3A_176 : i32
    "tpu.region"() ({
      %run_scoped3A = tpu.sem_alloc : memref<!tpu.dma_semaphore, #tpu.memory_space<semaphore_mem>>
      %dma_start3A_208 = arith.constant 32 : i32
      %dma_start3A_209 = arith.constant 0 : i32
      %dma_start3A_210 = tpu.memref_slice %arg8[%dma_start3A_208, %dma_start3A_209] : memref<64x768xf32, #tpu.memory_space<vmem>> -> memref<16x768xf32, #tpu.memory_space<vmem>>
      %dma_start3A_211 = arith.constant 0 : i32
      %dma_start3A_212 = tpu.memref_slice %arg5[%add3A_177, %dma_start3A_211] : memref<2048x768xf32, #tpu.memory_space<hbm>> -> memref<16x768xf32, #tpu.memory_space<hbm>>
      %dma_start3A_213 = arith.constant 0 : i32
      %dma_start3A_214 = tpu.memref_slice %arg5[%add3A_177, %dma_start3A_213] : memref<2048x768xf32, #tpu.memory_space<hbm>> -> memref<16x768xf32, #tpu.memory_space<hbm>>
      %dma_start3A_215 = arith.constant 32 : i32
      %dma_start3A_216 = arith.constant 0 : i32
      %dma_start3A_217 = tpu.memref_slice %arg8[%dma_start3A_215, %dma_start3A_216] : memref<64x768xf32, #tpu.memory_space<vmem>> -> memref<16x768xf32, #tpu.memory_space<vmem>>
      tpu.enqueue_dma source(%dma_start3A_217 : memref<16x768xf32, #tpu.memory_space<vmem>>) target(%dma_start3A_214 : memref<16x768xf32, #tpu.memory_space<hbm>>) target_semaphore(%run_scoped3A : memref<!tpu.dma_semaphore, #tpu.memory_space<semaphore_mem>>)
      %dma_wait3A_218 = arith.constant 32 : i32
      %dma_wait3A_219 = arith.constant 0 : i32
      %dma_wait3A_220 = tpu.memref_slice %arg8[%dma_wait3A_218, %dma_wait3A_219] : memref<64x768xf32, #tpu.memory_space<vmem>> -> memref<16x768xf32, #tpu.memory_space<vmem>>
      %dma_wait3A_221 = arith.constant 0 : i32
      %dma_wait3A_222 = tpu.memref_slice %arg5[%add3A_177, %dma_wait3A_221] : memref<2048x768xf32, #tpu.memory_space<hbm>> -> memref<16x768xf32, #tpu.memory_space<hbm>>
      %dma_wait3A_223 = arith.constant 0 : i32
      %dma_wait3A_224 = tpu.memref_slice %arg5[%add3A_177, %dma_wait3A_223] : memref<2048x768xf32, #tpu.memory_space<hbm>> -> memref<16x768xf32, #tpu.memory_space<hbm>>
      %dma_wait3A_225 = arith.constant 32 : i32
      %dma_wait3A_226 = arith.constant 0 : i32
      %dma_wait3A_227 = tpu.memref_slice %arg8[%dma_wait3A_225, %dma_wait3A_226] : memref<64x768xf32, #tpu.memory_space<vmem>> -> memref<16x768xf32, #tpu.memory_space<vmem>>
      tpu.wait_dma2 semaphore(%run_scoped3A : memref<!tpu.dma_semaphore, #tpu.memory_space<semaphore_mem>>) src(%dma_wait3A_227 : memref<16x768xf32, #tpu.memory_space<vmem>>) dst(%dma_wait3A_224 : memref<16x768xf32, #tpu.memory_space<hbm>>)
      tpu.yield
    }) : () -> ()
    %dma_wait3A_178 = arith.constant 3 : i32
    %dma_wait3A_179 = arith.constant 48 : i32
    %dma_wait3A_180 = arith.constant 0 : i32
    %dma_wait3A_181 = tpu.memref_slice %arg8[%dma_wait3A_179, %dma_wait3A_180] : memref<64x768xf32, #tpu.memory_space<vmem>> -> memref<16x768xf32, #tpu.memory_space<vmem>>
    %dma_wait3A_182 = arith.constant 48 : i32
    %dma_wait3A_183 = tpu.memref_slice %arg6[%dma_wait3A_182] : memref<64xi32, #tpu.memory_space<vmem>> -> memref<16xi32, #tpu.memory_space<vmem>>
    %dma_wait3A_184 = arith.constant 0 : i32
    %dma_wait3A_185 = arith.constant 0 : i32
    %dma_wait3A_186 = tpu.memref_slice %arg2[%dma_wait3A_184, %dma_wait3A_185] : memref<9280x768xf32, #tpu.memory_space<hbm>> -> memref<9280x768xf32, #tpu.memory_space<hbm>>
    %dma_wait3A_187 = tpu.memref_slice %arg10[%dma_wait3A_178] : memref<4x!tpu.dma_semaphore, #tpu.memory_space<semaphore_mem>> -> memref<1x!tpu.dma_semaphore, #tpu.memory_space<semaphore_mem>>
    %dma_wait3A_188 = tpu.memref_squeeze %dma_wait3A_187 : memref<1x!tpu.dma_semaphore, #tpu.memory_space<semaphore_mem>> -> memref<!tpu.dma_semaphore, #tpu.memory_space<semaphore_mem>>
    tpu.wait_indirect_dma semaphore(%dma_wait3A_188 : memref<!tpu.dma_semaphore, #tpu.memory_space<semaphore_mem>>) src(%dma_wait3A_186 : memref<9280x768xf32, #tpu.memory_space<hbm>>) dst(%dma_wait3A_181 : memref<16x768xf32, #tpu.memory_space<vmem>>)
    %dma_wait3A_189 = arith.constant 3 : i32
    %dma_wait3A_190 = arith.constant 48 : i32
    %dma_wait3A_191 = arith.constant 0 : i32
    %dma_wait3A_192 = tpu.memref_slice %arg9[%dma_wait3A_190, %dma_wait3A_191] : memref<64x768xf32, #tpu.memory_space<vmem>> -> memref<16x768xf32, #tpu.memory_space<vmem>>
    %dma_wait3A_193 = arith.constant 48 : i32
    %dma_wait3A_194 = tpu.memref_slice %arg7[%dma_wait3A_193] : memref<64xi32, #tpu.memory_space<vmem>> -> memref<16xi32, #tpu.memory_space<vmem>>
    %dma_wait3A_195 = arith.constant 0 : i32
    %dma_wait3A_196 = arith.constant 0 : i32
    %dma_wait3A_197 = tpu.memref_slice %arg2[%dma_wait3A_195, %dma_wait3A_196] : memref<9280x768xf32, #tpu.memory_space<hbm>> -> memref<9280x768xf32, #tpu.memory_space<hbm>>
    %dma_wait3A_198 = tpu.memref_slice %arg11[%dma_wait3A_189] : memref<4x!tpu.dma_semaphore, #tpu.memory_space<semaphore_mem>> -> memref<1x!tpu.dma_semaphore, #tpu.memory_space<semaphore_mem>>
    %dma_wait3A_199 = tpu.memref_squeeze %dma_wait3A_198 : memref<1x!tpu.dma_semaphore, #tpu.memory_space<semaphore_mem>> -> memref<!tpu.dma_semaphore, #tpu.memory_space<semaphore_mem>>
    tpu.wait_indirect_dma semaphore(%dma_wait3A_199 : memref<!tpu.dma_semaphore, #tpu.memory_space<semaphore_mem>>) src(%dma_wait3A_197 : memref<9280x768xf32, #tpu.memory_space<hbm>>) dst(%dma_wait3A_192 : memref<16x768xf32, #tpu.memory_space<vmem>>)
    %scan3A_200 = arith.constant 0 : i32
    %scan3A_201 = arith.constant 48 : i32
    %scan3A_202 = arith.constant 16 : i32
    %scan3A_203 = arith.addi %scan3A_201, %scan3A_202 : i32
    %scan3A_204 = arith.constant 1 : i32
    scf.for %scan3A_208 = %scan3A_201 to %scan3A_203 step %scan3A_204  : i32 {
      %get3A = arith.index_cast %scan3A_208 : i32 to index
      %get3A_209 = arith.constant 0 : index
      %get3A_210 = tpu.vector_load %arg8[%get3A, %get3A_209] {strides = array<i32>} : memref<64x768xf32, #tpu.memory_space<vmem>>, vector<1x16xf32>,
      %get3A_211 = vector.shape_cast %get3A_210 : vector<1x16xf32> to vector<16xf32>
      %get3A_212 = arith.index_cast %scan3A_208 : i32 to index
      %get3A_213 = arith.constant 0 : index
      %get3A_214 = tpu.vector_load %arg9[%get3A_212, %get3A_213] {strides = array<i32>} : memref<64x768xf32, #tpu.memory_space<vmem>>, vector<1x16xf32>,
      %get3A_215 = vector.shape_cast %get3A_214 : vector<1x16xf32> to vector<16xf32>
      %add3A_216 = arith.addf %get3A_211, %get3A_215 : vector<16xf32>
      %swap3A = arith.index_cast %scan3A_208 : i32 to index
      %swap3A_217 = arith.constant 0 : index
      %swap3A_218 = tpu.vector_load %arg8[%swap3A, %swap3A_217] {strides = array<i32>} : memref<64x768xf32, #tpu.memory_space<vmem>>, vector<1x16xf32>,
      %swap3A_219 = vector.shape_cast %swap3A_218 : vector<1x16xf32> to vector<16xf32>
      %swap3A_220 = vector.shape_cast %add3A_216 : vector<16xf32> to vector<1x16xf32>
      tpu.vector_store %arg8[%swap3A, %swap3A_217], %swap3A_220 {strides = array<i32>} : memref<64x768xf32, #tpu.memory_space<vmem>>, vector<1x16xf32>,
      %get3A_221 = arith.index_cast %scan3A_208 : i32 to index
      %get3A_222 = arith.constant 16 : index
      %get3A_223 = tpu.vector_load %arg8[%get3A_221, %get3A_222] {strides = array<i32>} : memref<64x768xf32, #tpu.memory_space<vmem>>, vector<1x16xf32>,
      %get3A_224 = vector.shape_cast %get3A_223 : vector<1x16xf32> to vector<16xf32>
      %get3A_225 = arith.index_cast %scan3A_208 : i32 to index
      %get3A_226 = arith.constant 16 : index
      %get3A_227 = tpu.vector_load %arg9[%get3A_225, %get3A_226] {strides = array<i32>} : memref<64x768xf32, #tpu.memory_space<vmem>>, vector<1x16xf32>,
      %get3A_228 = vector.shape_cast %get3A_227 : vector<1x16xf32> to vector<16xf32>
      %add3A_229 = arith.addf %get3A_224, %get3A_228 : vector<16xf32>
      %swap3A_230 = arith.index_cast %scan3A_208 : i32 to index
      %swap3A_231 = arith.constant 16 : index
      %swap3A_232 = tpu.vector_load %arg8[%swap3A_230, %swap3A_231] {strides = array<i32>} : memref<64x768xf32, #tpu.memory_space<vmem>>, vector<1x16xf32>,
      %swap3A_233 = vector.shape_cast %swap3A_232 : vector<1x16xf32> to vector<16xf32>
      %swap3A_234 = vector.shape_cast %add3A_229 : vector<16xf32> to vector<1x16xf32>
      tpu.vector_store %arg8[%swap3A_230, %swap3A_231], %swap3A_234 {strides = array<i32>} : memref<64x768xf32, #tpu.memory_space<vmem>>, vector<1x16xf32>,
      %get3A_235 = arith.index_cast %scan3A_208 : i32 to index
      %get3A_236 = arith.constant 32 : index
      %get3A_237 = tpu.vector_load %arg8[%get3A_235, %get3A_236] {strides = array<i32>} : memref<64x768xf32, #tpu.memory_space<vmem>>, vector<1x16xf32>,
      %get3A_238 = vector.shape_cast %get3A_237 : vector<1x16xf32> to vector<16xf32>
      %get3A_239 = arith.index_cast %scan3A_208 : i32 to index
      %get3A_240 = arith.constant 32 : index
      %get3A_241 = tpu.vector_load %arg9[%get3A_239, %get3A_240] {strides = array<i32>} : memref<64x768xf32, #tpu.memory_space<vmem>>, vector<1x16xf32>,
      %get3A_242 = vector.shape_cast %get3A_241 : vector<1x16xf32> to vector<16xf32>
      %add3A_243 = arith.addf %get3A_238, %get3A_242 : vector<16xf32>
      %swap3A_244 = arith.index_cast %scan3A_208 : i32 to index
      %swap3A_245 = arith.constant 32 : index
      %swap3A_246 = tpu.vector_load %arg8[%swap3A_244, %swap3A_245] {strides = array<i32>} : memref<64x768xf32, #tpu.memory_space<vmem>>, vector<1x16xf32>,
      %swap3A_247 = vector.shape_cast %swap3A_246 : vector<1x16xf32> to vector<16xf32>
      %swap3A_248 = vector.shape_cast %add3A_243 : vector<16xf32> to vector<1x16xf32>
      tpu.vector_store %arg8[%swap3A_244, %swap3A_245], %swap3A_248 {strides = array<i32>} : memref<64x768xf32, #tpu.memory_space<vmem>>, vector<1x16xf32>,
      %get3A_249 = arith.index_cast %scan3A_208 : i32 to index
      %get3A_250 = arith.constant 48 : index
      %get3A_251 = tpu.vector_load %arg8[%get3A_249, %get3A_250] {strides = array<i32>} : memref<64x768xf32, #tpu.memory_space<vmem>>, vector<1x16xf32>,
      %get3A_252 = vector.shape_cast %get3A_251 : vector<1x16xf32> to vector<16xf32>
      %get3A_253 = arith.index_cast %scan3A_208 : i32 to index
      %get3A_254 = arith.constant 48 : index
      %get3A_255 = tpu.vector_load %arg9[%get3A_253, %get3A_254] {strides = array<i32>} : memref<64x768xf32, #tpu.memory_space<vmem>>, vector<1x16xf32>,
      %get3A_256 = vector.shape_cast %get3A_255 : vector<1x16xf32> to vector<16xf32>
      %add3A_257 = arith.addf %get3A_252, %get3A_256 : vector<16xf32>
      %swap3A_258 = arith.index_cast %scan3A_208 : i32 to index
      %swap3A_259 = arith.constant 48 : index
      %swap3A_260 = tpu.vector_load %arg8[%swap3A_258, %swap3A_259] {strides = array<i32>} : memref<64x768xf32, #tpu.memory_space<vmem>>, vector<1x16xf32>,
      %swap3A_261 = vector.shape_cast %swap3A_260 : vector<1x16xf32> to vector<16xf32>
      %swap3A_262 = vector.shape_cast %add3A_257 : vector<16xf32> to vector<1x16xf32>
      tpu.vector_store %arg8[%swap3A_258, %swap3A_259], %swap3A_262 {strides = array<i32>} : memref<64x768xf32, #tpu.memory_space<vmem>>, vector<1x16xf32>,
      %get3A_263 = arith.index_cast %scan3A_208 : i32 to index
      %get3A_264 = arith.constant 64 : index
      %get3A_265 = tpu.vector_load %arg8[%get3A_263, %get3A_264] {strides = array<i32>} : memref<64x768xf32, #tpu.memory_space<vmem>>, vector<1x16xf32>,
      %get3A_266 = vector.shape_cast %get3A_265 : vector<1x16xf32> to vector<16xf32>
      %get3A_267 = arith.index_cast %scan3A_208 : i32 to index
      %get3A_268 = arith.constant 64 : index
      %get3A_269 = tpu.vector_load %arg9[%get3A_267, %get3A_268] {strides = array<i32>} : memref<64x768xf32, #tpu.memory_space<vmem>>, vector<1x16xf32>,
      %get3A_270 = vector.shape_cast %get3A_269 : vector<1x16xf32> to vector<16xf32>
      %add3A_271 = arith.addf %get3A_266, %get3A_270 : vector<16xf32>
      %swap3A_272 = arith.index_cast %scan3A_208 : i32 to index
      %swap3A_273 = arith.constant 64 : index
      %swap3A_274 = tpu.vector_load %arg8[%swap3A_272, %swap3A_273] {strides = array<i32>} : memref<64x768xf32, #tpu.memory_space<vmem>>, vector<1x16xf32>,
      %swap3A_275 = vector.shape_cast %swap3A_274 : vector<1x16xf32> to vector<16xf32>
      %swap3A_276 = vector.shape_cast %add3A_271 : vector<16xf32> to vector<1x16xf32>
      tpu.vector_store %arg8[%swap3A_272, %swap3A_273], %swap3A_276 {strides = array<i32>} : memref<64x768xf32, #tpu.memory_space<vmem>>, vector<1x16xf32>,
      %get3A_277 = arith.index_cast %scan3A_208 : i32 to index
      %get3A_278 = arith.constant 80 : index
      %get3A_279 = tpu.vector_load %arg8[%get3A_277, %get3A_278] {strides = array<i32>} : memref<64x768xf32, #tpu.memory_space<vmem>>, vector<1x16xf32>,
      %get3A_280 = vector.shape_cast %get3A_279 : vector<1x16xf32> to vector<16xf32>
      %get3A_281 = arith.index_cast %scan3A_208 : i32 to index
      %get3A_282 = arith.constant 80 : index
      %get3A_283 = tpu.vector_load %arg9[%get3A_281, %get3A_282] {strides = array<i32>} : memref<64x768xf32, #tpu.memory_space<vmem>>, vector<1x16xf32>,
      %get3A_284 = vector.shape_cast %get3A_283 : vector<1x16xf32> to vector<16xf32>
      %add3A_285 = arith.addf %get3A_280, %get3A_284 : vector<16xf32>
      %swap3A_286 = arith.index_cast %scan3A_208 : i32 to index
      %swap3A_287 = arith.constant 80 : index
      %swap3A_288 = tpu.vector_load %arg8[%swap3A_286, %swap3A_287] {strides = array<i32>} : memref<64x768xf32, #tpu.memory_space<vmem>>, vector<1x16xf32>,
      %swap3A_289 = vector.shape_cast %swap3A_288 : vector<1x16xf32> to vector<16xf32>
      %swap3A_290 = vector.shape_cast %add3A_285 : vector<16xf32> to vector<1x16xf32>
      tpu.vector_store %arg8[%swap3A_286, %swap3A_287], %swap3A_290 {strides = array<i32>} : memref<64x768xf32, #tpu.memory_space<vmem>>, vector<1x16xf32>,
      %get3A_291 = arith.index_cast %scan3A_208 : i32 to index
      %get3A_292 = arith.constant 96 : index
      %get3A_293 = tpu.vector_load %arg8[%get3A_291, %get3A_292] {strides = array<i32>} : memref<64x768xf32, #tpu.memory_space<vmem>>, vector<1x16xf32>,
      %get3A_294 = vector.shape_cast %get3A_293 : vector<1x16xf32> to vector<16xf32>
      %get3A_295 = arith.index_cast %scan3A_208 : i32 to index
      %get3A_296 = arith.constant 96 : index
      %get3A_297 = tpu.vector_load %arg9[%get3A_295, %get3A_296] {strides = array<i32>} : memref<64x768xf32, #tpu.memory_space<vmem>>, vector<1x16xf32>,
      %get3A_298 = vector.shape_cast %get3A_297 : vector<1x16xf32> to vector<16xf32>
      %add3A_299 = arith.addf %get3A_294, %get3A_298 : vector<16xf32>
      %swap3A_300 = arith.index_cast %scan3A_208 : i32 to index
      %swap3A_301 = arith.constant 96 : index
      %swap3A_302 = tpu.vector_load %arg8[%swap3A_300, %swap3A_301] {strides = array<i32>} : memref<64x768xf32, #tpu.memory_space<vmem>>, vector<1x16xf32>,
      %swap3A_303 = vector.shape_cast %swap3A_302 : vector<1x16xf32> to vector<16xf32>
      %swap3A_304 = vector.shape_cast %add3A_299 : vector<16xf32> to vector<1x16xf32>
      tpu.vector_store %arg8[%swap3A_300, %swap3A_301], %swap3A_304 {strides = array<i32>} : memref<64x768xf32, #tpu.memory_space<vmem>>, vector<1x16xf32>,
      %get3A_305 = arith.index_cast %scan3A_208 : i32 to index
      %get3A_306 = arith.constant 112 : index
      %get3A_307 = tpu.vector_load %arg8[%get3A_305, %get3A_306] {strides = array<i32>} : memref<64x768xf32, #tpu.memory_space<vmem>>, vector<1x16xf32>,
      %get3A_308 = vector.shape_cast %get3A_307 : vector<1x16xf32> to vector<16xf32>
      %get3A_309 = arith.index_cast %scan3A_208 : i32 to index
      %get3A_310 = arith.constant 112 : index
      %get3A_311 = tpu.vector_load %arg9[%get3A_309, %get3A_310] {strides = array<i32>} : memref<64x768xf32, #tpu.memory_space<vmem>>, vector<1x16xf32>,
      %get3A_312 = vector.shape_cast %get3A_311 : vector<1x16xf32> to vector<16xf32>
      %add3A_313 = arith.addf %get3A_308, %get3A_312 : vector<16xf32>
      %swap3A_314 = arith.index_cast %scan3A_208 : i32 to index
      %swap3A_315 = arith.constant 112 : index
      %swap3A_316 = tpu.vector_load %arg8[%swap3A_314, %swap3A_315] {strides = array<i32>} : memref<64x768xf32, #tpu.memory_space<vmem>>, vector<1x16xf32>,
      %swap3A_317 = vector.shape_cast %swap3A_316 : vector<1x16xf32> to vector<16xf32>
      %swap3A_318 = vector.shape_cast %add3A_313 : vector<16xf32> to vector<1x16xf32>
      tpu.vector_store %arg8[%swap3A_314, %swap3A_315], %swap3A_318 {strides = array<i32>} : memref<64x768xf32, #tpu.memory_space<vmem>>, vector<1x16xf32>,
      %get3A_319 = arith.index_cast %scan3A_208 : i32 to index
      %get3A_320 = arith.constant 128 : index
      %get3A_321 = tpu.vector_load %arg8[%get3A_319, %get3A_320] {strides = array<i32>} : memref<64x768xf32, #tpu.memory_space<vmem>>, vector<1x16xf32>,
      %get3A_322 = vector.shape_cast %get3A_321 : vector<1x16xf32> to vector<16xf32>
      %get3A_323 = arith.index_cast %scan3A_208 : i32 to index
      %get3A_324 = arith.constant 128 : index
      %get3A_325 = tpu.vector_load %arg9[%get3A_323, %get3A_324] {strides = array<i32>} : memref<64x768xf32, #tpu.memory_space<vmem>>, vector<1x16xf32>,
      %get3A_326 = vector.shape_cast %get3A_325 : vector<1x16xf32> to vector<16xf32>
      %add3A_327 = arith.addf %get3A_322, %get3A_326 : vector<16xf32>
      %swap3A_328 = arith.index_cast %scan3A_208 : i32 to index
      %swap3A_329 = arith.constant 128 : index
      %swap3A_330 = tpu.vector_load %arg8[%swap3A_328, %swap3A_329] {strides = array<i32>} : memref<64x768xf32, #tpu.memory_space<vmem>>, vector<1x16xf32>,
      %swap3A_331 = vector.shape_cast %swap3A_330 : vector<1x16xf32> to vector<16xf32>
      %swap3A_332 = vector.shape_cast %add3A_327 : vector<16xf32> to vector<1x16xf32>
      tpu.vector_store %arg8[%swap3A_328, %swap3A_329], %swap3A_332 {strides = array<i32>} : memref<64x768xf32, #tpu.memory_space<vmem>>, vector<1x16xf32>,
      %get3A_333 = arith.index_cast %scan3A_208 : i32 to index
      %get3A_334 = arith.constant 144 : index
      %get3A_335 = tpu.vector_load %arg8[%get3A_333, %get3A_334] {strides = array<i32>} : memref<64x768xf32, #tpu.memory_space<vmem>>, vector<1x16xf32>,
      %get3A_336 = vector.shape_cast %get3A_335 : vector<1x16xf32> to vector<16xf32>
      %get3A_337 = arith.index_cast %scan3A_208 : i32 to index
      %get3A_338 = arith.constant 144 : index
      %get3A_339 = tpu.vector_load %arg9[%get3A_337, %get3A_338] {strides = array<i32>} : memref<64x768xf32, #tpu.memory_space<vmem>>, vector<1x16xf32>,
      %get3A_340 = vector.shape_cast %get3A_339 : vector<1x16xf32> to vector<16xf32>
      %add3A_341 = arith.addf %get3A_336, %get3A_340 : vector<16xf32>
      %swap3A_342 = arith.index_cast %scan3A_208 : i32 to index
      %swap3A_343 = arith.constant 144 : index
      %swap3A_344 = tpu.vector_load %arg8[%swap3A_342, %swap3A_343] {strides = array<i32>} : memref<64x768xf32, #tpu.memory_space<vmem>>, vector<1x16xf32>,
      %swap3A_345 = vector.shape_cast %swap3A_344 : vector<1x16xf32> to vector<16xf32>
      %swap3A_346 = vector.shape_cast %add3A_341 : vector<16xf32> to vector<1x16xf32>
      tpu.vector_store %arg8[%swap3A_342, %swap3A_343], %swap3A_346 {strides = array<i32>} : memref<64x768xf32, #tpu.memory_space<vmem>>, vector<1x16xf32>,
      %get3A_347 = arith.index_cast %scan3A_208 : i32 to index
      %get3A_348 = arith.constant 160 : index
      %get3A_349 = tpu.vector_load %arg8[%get3A_347, %get3A_348] {strides = array<i32>} : memref<64x768xf32, #tpu.memory_space<vmem>>, vector<1x16xf32>,
      %get3A_350 = vector.shape_cast %get3A_349 : vector<1x16xf32> to vector<16xf32>
      %get3A_351 = arith.index_cast %scan3A_208 : i32 to index
      %get3A_352 = arith.constant 160 : index
      %get3A_353 = tpu.vector_load %arg9[%get3A_351, %get3A_352] {strides = array<i32>} : memref<64x768xf32, #tpu.memory_space<vmem>>, vector<1x16xf32>,
      %get3A_354 = vector.shape_cast %get3A_353 : vector<1x16xf32> to vector<16xf32>
      %add3A_355 = arith.addf %get3A_350, %get3A_354 : vector<16xf32>
      %swap3A_356 = arith.index_cast %scan3A_208 : i32 to index
      %swap3A_357 = arith.constant 160 : index
      %swap3A_358 = tpu.vector_load %arg8[%swap3A_356, %swap3A_357] {strides = array<i32>} : memref<64x768xf32, #tpu.memory_space<vmem>>, vector<1x16xf32>,
      %swap3A_359 = vector.shape_cast %swap3A_358 : vector<1x16xf32> to vector<16xf32>
      %swap3A_360 = vector.shape_cast %add3A_355 : vector<16xf32> to vector<1x16xf32>
      tpu.vector_store %arg8[%swap3A_356, %swap3A_357], %swap3A_360 {strides = array<i32>} : memref<64x768xf32, #tpu.memory_space<vmem>>, vector<1x16xf32>,
      %get3A_361 = arith.index_cast %scan3A_208 : i32 to index
      %get3A_362 = arith.constant 176 : index
      %get3A_363 = tpu.vector_load %arg8[%get3A_361, %get3A_362] {strides = array<i32>} : memref<64x768xf32, #tpu.memory_space<vmem>>, vector<1x16xf32>,
      %get3A_364 = vector.shape_cast %get3A_363 : vector<1x16xf32> to vector<16xf32>
      %get3A_365 = arith.index_cast %scan3A_208 : i32 to index
      %get3A_366 = arith.constant 176 : index
      %get3A_367 = tpu.vector_load %arg9[%get3A_365, %get3A_366] {strides = array<i32>} : memref<64x768xf32, #tpu.memory_space<vmem>>, vector<1x16xf32>,
      %get3A_368 = vector.shape_cast %get3A_367 : vector<1x16xf32> to vector<16xf32>
      %add3A_369 = arith.addf %get3A_364, %get3A_368 : vector<16xf32>
      %swap3A_370 = arith.index_cast %scan3A_208 : i32 to index
      %swap3A_371 = arith.constant 176 : index
      %swap3A_372 = tpu.vector_load %arg8[%swap3A_370, %swap3A_371] {strides = array<i32>} : memref<64x768xf32, #tpu.memory_space<vmem>>, vector<1x16xf32>,
      %swap3A_373 = vector.shape_cast %swap3A_372 : vector<1x16xf32> to vector<16xf32>
      %swap3A_374 = vector.shape_cast %add3A_369 : vector<16xf32> to vector<1x16xf32>
      tpu.vector_store %arg8[%swap3A_370, %swap3A_371], %swap3A_374 {strides = array<i32>} : memref<64x768xf32, #tpu.memory_space<vmem>>, vector<1x16xf32>,
      %get3A_375 = arith.index_cast %scan3A_208 : i32 to index
      %get3A_376 = arith.constant 192 : index
      %get3A_377 = tpu.vector_load %arg8[%get3A_375, %get3A_376] {strides = array<i32>} : memref<64x768xf32, #tpu.memory_space<vmem>>, vector<1x16xf32>,
      %get3A_378 = vector.shape_cast %get3A_377 : vector<1x16xf32> to vector<16xf32>
      %get3A_379 = arith.index_cast %scan3A_208 : i32 to index
      %get3A_380 = arith.constant 192 : index
      %get3A_381 = tpu.vector_load %arg9[%get3A_379, %get3A_380] {strides = array<i32>} : memref<64x768xf32, #tpu.memory_space<vmem>>, vector<1x16xf32>,
      %get3A_382 = vector.shape_cast %get3A_381 : vector<1x16xf32> to vector<16xf32>
      %add3A_383 = arith.addf %get3A_378, %get3A_382 : vector<16xf32>
      %swap3A_384 = arith.index_cast %scan3A_208 : i32 to index
      %swap3A_385 = arith.constant 192 : index
      %swap3A_386 = tpu.vector_load %arg8[%swap3A_384, %swap3A_385] {strides = array<i32>} : memref<64x768xf32, #tpu.memory_space<vmem>>, vector<1x16xf32>,
      %swap3A_387 = vector.shape_cast %swap3A_386 : vector<1x16xf32> to vector<16xf32>
      %swap3A_388 = vector.shape_cast %add3A_383 : vector<16xf32> to vector<1x16xf32>
      tpu.vector_store %arg8[%swap3A_384, %swap3A_385], %swap3A_388 {strides = array<i32>} : memref<64x768xf32, #tpu.memory_space<vmem>>, vector<1x16xf32>,
      %get3A_389 = arith.index_cast %scan3A_208 : i32 to index
      %get3A_390 = arith.constant 208 : index
      %get3A_391 = tpu.vector_load %arg8[%get3A_389, %get3A_390] {strides = array<i32>} : memref<64x768xf32, #tpu.memory_space<vmem>>, vector<1x16xf32>,
      %get3A_392 = vector.shape_cast %get3A_391 : vector<1x16xf32> to vector<16xf32>
      %get3A_393 = arith.index_cast %scan3A_208 : i32 to index
      %get3A_394 = arith.constant 208 : index
      %get3A_395 = tpu.vector_load %arg9[%get3A_393, %get3A_394] {strides = array<i32>} : memref<64x768xf32, #tpu.memory_space<vmem>>, vector<1x16xf32>,
      %get3A_396 = vector.shape_cast %get3A_395 : vector<1x16xf32> to vector<16xf32>
      %add3A_397 = arith.addf %get3A_392, %get3A_396 : vector<16xf32>
      %swap3A_398 = arith.index_cast %scan3A_208 : i32 to index
      %swap3A_399 = arith.constant 208 : index
      %swap3A_400 = tpu.vector_load %arg8[%swap3A_398, %swap3A_399] {strides = array<i32>} : memref<64x768xf32, #tpu.memory_space<vmem>>, vector<1x16xf32>,
      %swap3A_401 = vector.shape_cast %swap3A_400 : vector<1x16xf32> to vector<16xf32>
      %swap3A_402 = vector.shape_cast %add3A_397 : vector<16xf32> to vector<1x16xf32>
      tpu.vector_store %arg8[%swap3A_398, %swap3A_399], %swap3A_402 {strides = array<i32>} : memref<64x768xf32, #tpu.memory_space<vmem>>, vector<1x16xf32>,
      %get3A_403 = arith.index_cast %scan3A_208 : i32 to index
      %get3A_404 = arith.constant 224 : index
      %get3A_405 = tpu.vector_load %arg8[%get3A_403, %get3A_404] {strides = array<i32>} : memref<64x768xf32, #tpu.memory_space<vmem>>, vector<1x16xf32>,
      %get3A_406 = vector.shape_cast %get3A_405 : vector<1x16xf32> to vector<16xf32>
      %get3A_407 = arith.index_cast %scan3A_208 : i32 to index
      %get3A_408 = arith.constant 224 : index
      %get3A_409 = tpu.vector_load %arg9[%get3A_407, %get3A_408] {strides = array<i32>} : memref<64x768xf32, #tpu.memory_space<vmem>>, vector<1x16xf32>,
      %get3A_410 = vector.shape_cast %get3A_409 : vector<1x16xf32> to vector<16xf32>
      %add3A_411 = arith.addf %get3A_406, %get3A_410 : vector<16xf32>
      %swap3A_412 = arith.index_cast %scan3A_208 : i32 to index
      %swap3A_413 = arith.constant 224 : index
      %swap3A_414 = tpu.vector_load %arg8[%swap3A_412, %swap3A_413] {strides = array<i32>} : memref<64x768xf32, #tpu.memory_space<vmem>>, vector<1x16xf32>,
      %swap3A_415 = vector.shape_cast %swap3A_414 : vector<1x16xf32> to vector<16xf32>
      %swap3A_416 = vector.shape_cast %add3A_411 : vector<16xf32> to vector<1x16xf32>
      tpu.vector_store %arg8[%swap3A_412, %swap3A_413], %swap3A_416 {strides = array<i32>} : memref<64x768xf32, #tpu.memory_space<vmem>>, vector<1x16xf32>,
      %get3A_417 = arith.index_cast %scan3A_208 : i32 to index
      %get3A_418 = arith.constant 240 : index
      %get3A_419 = tpu.vector_load %arg8[%get3A_417, %get3A_418] {strides = array<i32>} : memref<64x768xf32, #tpu.memory_space<vmem>>, vector<1x16xf32>,
      %get3A_420 = vector.shape_cast %get3A_419 : vector<1x16xf32> to vector<16xf32>
      %get3A_421 = arith.index_cast %scan3A_208 : i32 to index
      %get3A_422 = arith.constant 240 : index
      %get3A_423 = tpu.vector_load %arg9[%get3A_421, %get3A_422] {strides = array<i32>} : memref<64x768xf32, #tpu.memory_space<vmem>>, vector<1x16xf32>,
      %get3A_424 = vector.shape_cast %get3A_423 : vector<1x16xf32> to vector<16xf32>
      %add3A_425 = arith.addf %get3A_420, %get3A_424 : vector<16xf32>
      %swap3A_426 = arith.index_cast %scan3A_208 : i32 to index
      %swap3A_427 = arith.constant 240 : index
      %swap3A_428 = tpu.vector_load %arg8[%swap3A_426, %swap3A_427] {strides = array<i32>} : memref<64x768xf32, #tpu.memory_space<vmem>>, vector<1x16xf32>,
      %swap3A_429 = vector.shape_cast %swap3A_428 : vector<1x16xf32> to vector<16xf32>
      %swap3A_430 = vector.shape_cast %add3A_425 : vector<16xf32> to vector<1x16xf32>
      tpu.vector_store %arg8[%swap3A_426, %swap3A_427], %swap3A_430 {strides = array<i32>} : memref<64x768xf32, #tpu.memory_space<vmem>>, vector<1x16xf32>,
      %get3A_431 = arith.index_cast %scan3A_208 : i32 to index
      %get3A_432 = arith.constant 256 : index
      %get3A_433 = tpu.vector_load %arg8[%get3A_431, %get3A_432] {strides = array<i32>} : memref<64x768xf32, #tpu.memory_space<vmem>>, vector<1x16xf32>,
      %get3A_434 = vector.shape_cast %get3A_433 : vector<1x16xf32> to vector<16xf32>
      %get3A_435 = arith.index_cast %scan3A_208 : i32 to index
      %get3A_436 = arith.constant 256 : index
      %get3A_437 = tpu.vector_load %arg9[%get3A_435, %get3A_436] {strides = array<i32>} : memref<64x768xf32, #tpu.memory_space<vmem>>, vector<1x16xf32>,
      %get3A_438 = vector.shape_cast %get3A_437 : vector<1x16xf32> to vector<16xf32>
      %add3A_439 = arith.addf %get3A_434, %get3A_438 : vector<16xf32>
      %swap3A_440 = arith.index_cast %scan3A_208 : i32 to index
      %swap3A_441 = arith.constant 256 : index
      %swap3A_442 = tpu.vector_load %arg8[%swap3A_440, %swap3A_441] {strides = array<i32>} : memref<64x768xf32, #tpu.memory_space<vmem>>, vector<1x16xf32>,
      %swap3A_443 = vector.shape_cast %swap3A_442 : vector<1x16xf32> to vector<16xf32>
      %swap3A_444 = vector.shape_cast %add3A_439 : vector<16xf32> to vector<1x16xf32>
      tpu.vector_store %arg8[%swap3A_440, %swap3A_441], %swap3A_444 {strides = array<i32>} : memref<64x768xf32, #tpu.memory_space<vmem>>, vector<1x16xf32>,
      %get3A_445 = arith.index_cast %scan3A_208 : i32 to index
      %get3A_446 = arith.constant 272 : index
      %get3A_447 = tpu.vector_load %arg8[%get3A_445, %get3A_446] {strides = array<i32>} : memref<64x768xf32, #tpu.memory_space<vmem>>, vector<1x16xf32>,
      %get3A_448 = vector.shape_cast %get3A_447 : vector<1x16xf32> to vector<16xf32>
      %get3A_449 = arith.index_cast %scan3A_208 : i32 to index
      %get3A_450 = arith.constant 272 : index
      %get3A_451 = tpu.vector_load %arg9[%get3A_449, %get3A_450] {strides = array<i32>} : memref<64x768xf32, #tpu.memory_space<vmem>>, vector<1x16xf32>,
      %get3A_452 = vector.shape_cast %get3A_451 : vector<1x16xf32> to vector<16xf32>
      %add3A_453 = arith.addf %get3A_448, %get3A_452 : vector<16xf32>
      %swap3A_454 = arith.index_cast %scan3A_208 : i32 to index
      %swap3A_455 = arith.constant 272 : index
      %swap3A_456 = tpu.vector_load %arg8[%swap3A_454, %swap3A_455] {strides = array<i32>} : memref<64x768xf32, #tpu.memory_space<vmem>>, vector<1x16xf32>,
      %swap3A_457 = vector.shape_cast %swap3A_456 : vector<1x16xf32> to vector<16xf32>
      %swap3A_458 = vector.shape_cast %add3A_453 : vector<16xf32> to vector<1x16xf32>
      tpu.vector_store %arg8[%swap3A_454, %swap3A_455], %swap3A_458 {strides = array<i32>} : memref<64x768xf32, #tpu.memory_space<vmem>>, vector<1x16xf32>,
      %get3A_459 = arith.index_cast %scan3A_208 : i32 to index
      %get3A_460 = arith.constant 288 : index
      %get3A_461 = tpu.vector_load %arg8[%get3A_459, %get3A_460] {strides = array<i32>} : memref<64x768xf32, #tpu.memory_space<vmem>>, vector<1x16xf32>,
      %get3A_462 = vector.shape_cast %get3A_461 : vector<1x16xf32> to vector<16xf32>
      %get3A_463 = arith.index_cast %scan3A_208 : i32 to index
      %get3A_464 = arith.constant 288 : index
      %get3A_465 = tpu.vector_load %arg9[%get3A_463, %get3A_464] {strides = array<i32>} : memref<64x768xf32, #tpu.memory_space<vmem>>, vector<1x16xf32>,
      %get3A_466 = vector.shape_cast %get3A_465 : vector<1x16xf32> to vector<16xf32>
      %add3A_467 = arith.addf %get3A_462, %get3A_466 : vector<16xf32>
      %swap3A_468 = arith.index_cast %scan3A_208 : i32 to index
      %swap3A_469 = arith.constant 288 : index
      %swap3A_470 = tpu.vector_load %arg8[%swap3A_468, %swap3A_469] {strides = array<i32>} : memref<64x768xf32, #tpu.memory_space<vmem>>, vector<1x16xf32>,
      %swap3A_471 = vector.shape_cast %swap3A_470 : vector<1x16xf32> to vector<16xf32>
      %swap3A_472 = vector.shape_cast %add3A_467 : vector<16xf32> to vector<1x16xf32>
      tpu.vector_store %arg8[%swap3A_468, %swap3A_469], %swap3A_472 {strides = array<i32>} : memref<64x768xf32, #tpu.memory_space<vmem>>, vector<1x16xf32>,
      %get3A_473 = arith.index_cast %scan3A_208 : i32 to index
      %get3A_474 = arith.constant 304 : index
      %get3A_475 = tpu.vector_load %arg8[%get3A_473, %get3A_474] {strides = array<i32>} : memref<64x768xf32, #tpu.memory_space<vmem>>, vector<1x16xf32>,
      %get3A_476 = vector.shape_cast %get3A_475 : vector<1x16xf32> to vector<16xf32>
      %get3A_477 = arith.index_cast %scan3A_208 : i32 to index
      %get3A_478 = arith.constant 304 : index
      %get3A_479 = tpu.vector_load %arg9[%get3A_477, %get3A_478] {strides = array<i32>} : memref<64x768xf32, #tpu.memory_space<vmem>>, vector<1x16xf32>,
      %get3A_480 = vector.shape_cast %get3A_479 : vector<1x16xf32> to vector<16xf32>
      %add3A_481 = arith.addf %get3A_476, %get3A_480 : vector<16xf32>
      %swap3A_482 = arith.index_cast %scan3A_208 : i32 to index
      %swap3A_483 = arith.constant 304 : index
      %swap3A_484 = tpu.vector_load %arg8[%swap3A_482, %swap3A_483] {strides = array<i32>} : memref<64x768xf32, #tpu.memory_space<vmem>>, vector<1x16xf32>,
      %swap3A_485 = vector.shape_cast %swap3A_484 : vector<1x16xf32> to vector<16xf32>
      %swap3A_486 = vector.shape_cast %add3A_481 : vector<16xf32> to vector<1x16xf32>
      tpu.vector_store %arg8[%swap3A_482, %swap3A_483], %swap3A_486 {strides = array<i32>} : memref<64x768xf32, #tpu.memory_space<vmem>>, vector<1x16xf32>,
      %get3A_487 = arith.index_cast %scan3A_208 : i32 to index
      %get3A_488 = arith.constant 320 : index
      %get3A_489 = tpu.vector_load %arg8[%get3A_487, %get3A_488] {strides = array<i32>} : memref<64x768xf32, #tpu.memory_space<vmem>>, vector<1x16xf32>,
      %get3A_490 = vector.shape_cast %get3A_489 : vector<1x16xf32> to vector<16xf32>
      %get3A_491 = arith.index_cast %scan3A_208 : i32 to index
      %get3A_492 = arith.constant 320 : index
      %get3A_493 = tpu.vector_load %arg9[%get3A_491, %get3A_492] {strides = array<i32>} : memref<64x768xf32, #tpu.memory_space<vmem>>, vector<1x16xf32>,
      %get3A_494 = vector.shape_cast %get3A_493 : vector<1x16xf32> to vector<16xf32>
      %add3A_495 = arith.addf %get3A_490, %get3A_494 : vector<16xf32>
      %swap3A_496 = arith.index_cast %scan3A_208 : i32 to index
      %swap3A_497 = arith.constant 320 : index
      %swap3A_498 = tpu.vector_load %arg8[%swap3A_496, %swap3A_497] {strides = array<i32>} : memref<64x768xf32, #tpu.memory_space<vmem>>, vector<1x16xf32>,
      %swap3A_499 = vector.shape_cast %swap3A_498 : vector<1x16xf32> to vector<16xf32>
      %swap3A_500 = vector.shape_cast %add3A_495 : vector<16xf32> to vector<1x16xf32>
      tpu.vector_store %arg8[%swap3A_496, %swap3A_497], %swap3A_500 {strides = array<i32>} : memref<64x768xf32, #tpu.memory_space<vmem>>, vector<1x16xf32>,
      %get3A_501 = arith.index_cast %scan3A_208 : i32 to index
      %get3A_502 = arith.constant 336 : index
      %get3A_503 = tpu.vector_load %arg8[%get3A_501, %get3A_502] {strides = array<i32>} : memref<64x768xf32, #tpu.memory_space<vmem>>, vector<1x16xf32>,
      %get3A_504 = vector.shape_cast %get3A_503 : vector<1x16xf32> to vector<16xf32>
      %get3A_505 = arith.index_cast %scan3A_208 : i32 to index
      %get3A_506 = arith.constant 336 : index
      %get3A_507 = tpu.vector_load %arg9[%get3A_505, %get3A_506] {strides = array<i32>} : memref<64x768xf32, #tpu.memory_space<vmem>>, vector<1x16xf32>,
      %get3A_508 = vector.shape_cast %get3A_507 : vector<1x16xf32> to vector<16xf32>
      %add3A_509 = arith.addf %get3A_504, %get3A_508 : vector<16xf32>
      %swap3A_510 = arith.index_cast %scan3A_208 : i32 to index
      %swap3A_511 = arith.constant 336 : index
      %swap3A_512 = tpu.vector_load %arg8[%swap3A_510, %swap3A_511] {strides = array<i32>} : memref<64x768xf32, #tpu.memory_space<vmem>>, vector<1x16xf32>,
      %swap3A_513 = vector.shape_cast %swap3A_512 : vector<1x16xf32> to vector<16xf32>
      %swap3A_514 = vector.shape_cast %add3A_509 : vector<16xf32> to vector<1x16xf32>
      tpu.vector_store %arg8[%swap3A_510, %swap3A_511], %swap3A_514 {strides = array<i32>} : memref<64x768xf32, #tpu.memory_space<vmem>>, vector<1x16xf32>,
      %get3A_515 = arith.index_cast %scan3A_208 : i32 to index
      %get3A_516 = arith.constant 352 : index
      %get3A_517 = tpu.vector_load %arg8[%get3A_515, %get3A_516] {strides = array<i32>} : memref<64x768xf32, #tpu.memory_space<vmem>>, vector<1x16xf32>,
      %get3A_518 = vector.shape_cast %get3A_517 : vector<1x16xf32> to vector<16xf32>
      %get3A_519 = arith.index_cast %scan3A_208 : i32 to index
      %get3A_520 = arith.constant 352 : index
      %get3A_521 = tpu.vector_load %arg9[%get3A_519, %get3A_520] {strides = array<i32>} : memref<64x768xf32, #tpu.memory_space<vmem>>, vector<1x16xf32>,
      %get3A_522 = vector.shape_cast %get3A_521 : vector<1x16xf32> to vector<16xf32>
      %add3A_523 = arith.addf %get3A_518, %get3A_522 : vector<16xf32>
      %swap3A_524 = arith.index_cast %scan3A_208 : i32 to index
      %swap3A_525 = arith.constant 352 : index
      %swap3A_526 = tpu.vector_load %arg8[%swap3A_524, %swap3A_525] {strides = array<i32>} : memref<64x768xf32, #tpu.memory_space<vmem>>, vector<1x16xf32>,
      %swap3A_527 = vector.shape_cast %swap3A_526 : vector<1x16xf32> to vector<16xf32>
      %swap3A_528 = vector.shape_cast %add3A_523 : vector<16xf32> to vector<1x16xf32>
      tpu.vector_store %arg8[%swap3A_524, %swap3A_525], %swap3A_528 {strides = array<i32>} : memref<64x768xf32, #tpu.memory_space<vmem>>, vector<1x16xf32>,
      %get3A_529 = arith.index_cast %scan3A_208 : i32 to index
      %get3A_530 = arith.constant 368 : index
      %get3A_531 = tpu.vector_load %arg8[%get3A_529, %get3A_530] {strides = array<i32>} : memref<64x768xf32, #tpu.memory_space<vmem>>, vector<1x16xf32>,
      %get3A_532 = vector.shape_cast %get3A_531 : vector<1x16xf32> to vector<16xf32>
      %get3A_533 = arith.index_cast %scan3A_208 : i32 to index
      %get3A_534 = arith.constant 368 : index
      %get3A_535 = tpu.vector_load %arg9[%get3A_533, %get3A_534] {strides = array<i32>} : memref<64x768xf32, #tpu.memory_space<vmem>>, vector<1x16xf32>,
      %get3A_536 = vector.shape_cast %get3A_535 : vector<1x16xf32> to vector<16xf32>
      %add3A_537 = arith.addf %get3A_532, %get3A_536 : vector<16xf32>
      %swap3A_538 = arith.index_cast %scan3A_208 : i32 to index
      %swap3A_539 = arith.constant 368 : index
      %swap3A_540 = tpu.vector_load %arg8[%swap3A_538, %swap3A_539] {strides = array<i32>} : memref<64x768xf32, #tpu.memory_space<vmem>>, vector<1x16xf32>,
      %swap3A_541 = vector.shape_cast %swap3A_540 : vector<1x16xf32> to vector<16xf32>
      %swap3A_542 = vector.shape_cast %add3A_537 : vector<16xf32> to vector<1x16xf32>
      tpu.vector_store %arg8[%swap3A_538, %swap3A_539], %swap3A_542 {strides = array<i32>} : memref<64x768xf32, #tpu.memory_space<vmem>>, vector<1x16xf32>,
      %get3A_543 = arith.index_cast %scan3A_208 : i32 to index
      %get3A_544 = arith.constant 384 : index
      %get3A_545 = tpu.vector_load %arg8[%get3A_543, %get3A_544] {strides = array<i32>} : memref<64x768xf32, #tpu.memory_space<vmem>>, vector<1x16xf32>,
      %get3A_546 = vector.shape_cast %get3A_545 : vector<1x16xf32> to vector<16xf32>
      %get3A_547 = arith.index_cast %scan3A_208 : i32 to index
      %get3A_548 = arith.constant 384 : index
      %get3A_549 = tpu.vector_load %arg9[%get3A_547, %get3A_548] {strides = array<i32>} : memref<64x768xf32, #tpu.memory_space<vmem>>, vector<1x16xf32>,
      %get3A_550 = vector.shape_cast %get3A_549 : vector<1x16xf32> to vector<16xf32>
      %add3A_551 = arith.addf %get3A_546, %get3A_550 : vector<16xf32>
      %swap3A_552 = arith.index_cast %scan3A_208 : i32 to index
      %swap3A_553 = arith.constant 384 : index
      %swap3A_554 = tpu.vector_load %arg8[%swap3A_552, %swap3A_553] {strides = array<i32>} : memref<64x768xf32, #tpu.memory_space<vmem>>, vector<1x16xf32>,
      %swap3A_555 = vector.shape_cast %swap3A_554 : vector<1x16xf32> to vector<16xf32>
      %swap3A_556 = vector.shape_cast %add3A_551 : vector<16xf32> to vector<1x16xf32>
      tpu.vector_store %arg8[%swap3A_552, %swap3A_553], %swap3A_556 {strides = array<i32>} : memref<64x768xf32, #tpu.memory_space<vmem>>, vector<1x16xf32>,
      %get3A_557 = arith.index_cast %scan3A_208 : i32 to index
      %get3A_558 = arith.constant 400 : index
      %get3A_559 = tpu.vector_load %arg8[%get3A_557, %get3A_558] {strides = array<i32>} : memref<64x768xf32, #tpu.memory_space<vmem>>, vector<1x16xf32>,
      %get3A_560 = vector.shape_cast %get3A_559 : vector<1x16xf32> to vector<16xf32>
      %get3A_561 = arith.index_cast %scan3A_208 : i32 to index
      %get3A_562 = arith.constant 400 : index
      %get3A_563 = tpu.vector_load %arg9[%get3A_561, %get3A_562] {strides = array<i32>} : memref<64x768xf32, #tpu.memory_space<vmem>>, vector<1x16xf32>,
      %get3A_564 = vector.shape_cast %get3A_563 : vector<1x16xf32> to vector<16xf32>
      %add3A_565 = arith.addf %get3A_560, %get3A_564 : vector<16xf32>
      %swap3A_566 = arith.index_cast %scan3A_208 : i32 to index
      %swap3A_567 = arith.constant 400 : index
      %swap3A_568 = tpu.vector_load %arg8[%swap3A_566, %swap3A_567] {strides = array<i32>} : memref<64x768xf32, #tpu.memory_space<vmem>>, vector<1x16xf32>,
      %swap3A_569 = vector.shape_cast %swap3A_568 : vector<1x16xf32> to vector<16xf32>
      %swap3A_570 = vector.shape_cast %add3A_565 : vector<16xf32> to vector<1x16xf32>
      tpu.vector_store %arg8[%swap3A_566, %swap3A_567], %swap3A_570 {strides = array<i32>} : memref<64x768xf32, #tpu.memory_space<vmem>>, vector<1x16xf32>,
      %get3A_571 = arith.index_cast %scan3A_208 : i32 to index
      %get3A_572 = arith.constant 416 : index
      %get3A_573 = tpu.vector_load %arg8[%get3A_571, %get3A_572] {strides = array<i32>} : memref<64x768xf32, #tpu.memory_space<vmem>>, vector<1x16xf32>,
      %get3A_574 = vector.shape_cast %get3A_573 : vector<1x16xf32> to vector<16xf32>
      %get3A_575 = arith.index_cast %scan3A_208 : i32 to index
      %get3A_576 = arith.constant 416 : index
      %get3A_577 = tpu.vector_load %arg9[%get3A_575, %get3A_576] {strides = array<i32>} : memref<64x768xf32, #tpu.memory_space<vmem>>, vector<1x16xf32>,
      %get3A_578 = vector.shape_cast %get3A_577 : vector<1x16xf32> to vector<16xf32>
      %add3A_579 = arith.addf %get3A_574, %get3A_578 : vector<16xf32>
      %swap3A_580 = arith.index_cast %scan3A_208 : i32 to index
      %swap3A_581 = arith.constant 416 : index
      %swap3A_582 = tpu.vector_load %arg8[%swap3A_580, %swap3A_581] {strides = array<i32>} : memref<64x768xf32, #tpu.memory_space<vmem>>, vector<1x16xf32>,
      %swap3A_583 = vector.shape_cast %swap3A_582 : vector<1x16xf32> to vector<16xf32>
      %swap3A_584 = vector.shape_cast %add3A_579 : vector<16xf32> to vector<1x16xf32>
      tpu.vector_store %arg8[%swap3A_580, %swap3A_581], %swap3A_584 {strides = array<i32>} : memref<64x768xf32, #tpu.memory_space<vmem>>, vector<1x16xf32>,
      %get3A_585 = arith.index_cast %scan3A_208 : i32 to index
      %get3A_586 = arith.constant 432 : index
      %get3A_587 = tpu.vector_load %arg8[%get3A_585, %get3A_586] {strides = array<i32>} : memref<64x768xf32, #tpu.memory_space<vmem>>, vector<1x16xf32>,
      %get3A_588 = vector.shape_cast %get3A_587 : vector<1x16xf32> to vector<16xf32>
      %get3A_589 = arith.index_cast %scan3A_208 : i32 to index
      %get3A_590 = arith.constant 432 : index
      %get3A_591 = tpu.vector_load %arg9[%get3A_589, %get3A_590] {strides = array<i32>} : memref<64x768xf32, #tpu.memory_space<vmem>>, vector<1x16xf32>,
      %get3A_592 = vector.shape_cast %get3A_591 : vector<1x16xf32> to vector<16xf32>
      %add3A_593 = arith.addf %get3A_588, %get3A_592 : vector<16xf32>
      %swap3A_594 = arith.index_cast %scan3A_208 : i32 to index
      %swap3A_595 = arith.constant 432 : index
      %swap3A_596 = tpu.vector_load %arg8[%swap3A_594, %swap3A_595] {strides = array<i32>} : memref<64x768xf32, #tpu.memory_space<vmem>>, vector<1x16xf32>,
      %swap3A_597 = vector.shape_cast %swap3A_596 : vector<1x16xf32> to vector<16xf32>
      %swap3A_598 = vector.shape_cast %add3A_593 : vector<16xf32> to vector<1x16xf32>
      tpu.vector_store %arg8[%swap3A_594, %swap3A_595], %swap3A_598 {strides = array<i32>} : memref<64x768xf32, #tpu.memory_space<vmem>>, vector<1x16xf32>,
      %get3A_599 = arith.index_cast %scan3A_208 : i32 to index
      %get3A_600 = arith.constant 448 : index
      %get3A_601 = tpu.vector_load %arg8[%get3A_599, %get3A_600] {strides = array<i32>} : memref<64x768xf32, #tpu.memory_space<vmem>>, vector<1x16xf32>,
      %get3A_602 = vector.shape_cast %get3A_601 : vector<1x16xf32> to vector<16xf32>
      %get3A_603 = arith.index_cast %scan3A_208 : i32 to index
      %get3A_604 = arith.constant 448 : index
      %get3A_605 = tpu.vector_load %arg9[%get3A_603, %get3A_604] {strides = array<i32>} : memref<64x768xf32, #tpu.memory_space<vmem>>, vector<1x16xf32>,
      %get3A_606 = vector.shape_cast %get3A_605 : vector<1x16xf32> to vector<16xf32>
      %add3A_607 = arith.addf %get3A_602, %get3A_606 : vector<16xf32>
      %swap3A_608 = arith.index_cast %scan3A_208 : i32 to index
      %swap3A_609 = arith.constant 448 : index
      %swap3A_610 = tpu.vector_load %arg8[%swap3A_608, %swap3A_609] {strides = array<i32>} : memref<64x768xf32, #tpu.memory_space<vmem>>, vector<1x16xf32>,
      %swap3A_611 = vector.shape_cast %swap3A_610 : vector<1x16xf32> to vector<16xf32>
      %swap3A_612 = vector.shape_cast %add3A_607 : vector<16xf32> to vector<1x16xf32>
      tpu.vector_store %arg8[%swap3A_608, %swap3A_609], %swap3A_612 {strides = array<i32>} : memref<64x768xf32, #tpu.memory_space<vmem>>, vector<1x16xf32>,
      %get3A_613 = arith.index_cast %scan3A_208 : i32 to index
      %get3A_614 = arith.constant 464 : index
      %get3A_615 = tpu.vector_load %arg8[%get3A_613, %get3A_614] {strides = array<i32>} : memref<64x768xf32, #tpu.memory_space<vmem>>, vector<1x16xf32>,
      %get3A_616 = vector.shape_cast %get3A_615 : vector<1x16xf32> to vector<16xf32>
      %get3A_617 = arith.index_cast %scan3A_208 : i32 to index
      %get3A_618 = arith.constant 464 : index
      %get3A_619 = tpu.vector_load %arg9[%get3A_617, %get3A_618] {strides = array<i32>} : memref<64x768xf32, #tpu.memory_space<vmem>>, vector<1x16xf32>,
      %get3A_620 = vector.shape_cast %get3A_619 : vector<1x16xf32> to vector<16xf32>
      %add3A_621 = arith.addf %get3A_616, %get3A_620 : vector<16xf32>
      %swap3A_622 = arith.index_cast %scan3A_208 : i32 to index
      %swap3A_623 = arith.constant 464 : index
      %swap3A_624 = tpu.vector_load %arg8[%swap3A_622, %swap3A_623] {strides = array<i32>} : memref<64x768xf32, #tpu.memory_space<vmem>>, vector<1x16xf32>,
      %swap3A_625 = vector.shape_cast %swap3A_624 : vector<1x16xf32> to vector<16xf32>
      %swap3A_626 = vector.shape_cast %add3A_621 : vector<16xf32> to vector<1x16xf32>
      tpu.vector_store %arg8[%swap3A_622, %swap3A_623], %swap3A_626 {strides = array<i32>} : memref<64x768xf32, #tpu.memory_space<vmem>>, vector<1x16xf32>,
      %get3A_627 = arith.index_cast %scan3A_208 : i32 to index
      %get3A_628 = arith.constant 480 : index
      %get3A_629 = tpu.vector_load %arg8[%get3A_627, %get3A_628] {strides = array<i32>} : memref<64x768xf32, #tpu.memory_space<vmem>>, vector<1x16xf32>,
      %get3A_630 = vector.shape_cast %get3A_629 : vector<1x16xf32> to vector<16xf32>
      %get3A_631 = arith.index_cast %scan3A_208 : i32 to index
      %get3A_632 = arith.constant 480 : index
      %get3A_633 = tpu.vector_load %arg9[%get3A_631, %get3A_632] {strides = array<i32>} : memref<64x768xf32, #tpu.memory_space<vmem>>, vector<1x16xf32>,
      %get3A_634 = vector.shape_cast %get3A_633 : vector<1x16xf32> to vector<16xf32>
      %add3A_635 = arith.addf %get3A_630, %get3A_634 : vector<16xf32>
      %swap3A_636 = arith.index_cast %scan3A_208 : i32 to index
      %swap3A_637 = arith.constant 480 : index
      %swap3A_638 = tpu.vector_load %arg8[%swap3A_636, %swap3A_637] {strides = array<i32>} : memref<64x768xf32, #tpu.memory_space<vmem>>, vector<1x16xf32>,
      %swap3A_639 = vector.shape_cast %swap3A_638 : vector<1x16xf32> to vector<16xf32>
      %swap3A_640 = vector.shape_cast %add3A_635 : vector<16xf32> to vector<1x16xf32>
      tpu.vector_store %arg8[%swap3A_636, %swap3A_637], %swap3A_640 {strides = array<i32>} : memref<64x768xf32, #tpu.memory_space<vmem>>, vector<1x16xf32>,
      %get3A_641 = arith.index_cast %scan3A_208 : i32 to index
      %get3A_642 = arith.constant 496 : index
      %get3A_643 = tpu.vector_load %arg8[%get3A_641, %get3A_642] {strides = array<i32>} : memref<64x768xf32, #tpu.memory_space<vmem>>, vector<1x16xf32>,
      %get3A_644 = vector.shape_cast %get3A_643 : vector<1x16xf32> to vector<16xf32>
      %get3A_645 = arith.index_cast %scan3A_208 : i32 to index
      %get3A_646 = arith.constant 496 : index
      %get3A_647 = tpu.vector_load %arg9[%get3A_645, %get3A_646] {strides = array<i32>} : memref<64x768xf32, #tpu.memory_space<vmem>>, vector<1x16xf32>,
      %get3A_648 = vector.shape_cast %get3A_647 : vector<1x16xf32> to vector<16xf32>
      %add3A_649 = arith.addf %get3A_644, %get3A_648 : vector<16xf32>
      %swap3A_650 = arith.index_cast %scan3A_208 : i32 to index
      %swap3A_651 = arith.constant 496 : index
      %swap3A_652 = tpu.vector_load %arg8[%swap3A_650, %swap3A_651] {strides = array<i32>} : memref<64x768xf32, #tpu.memory_space<vmem>>, vector<1x16xf32>,
      %swap3A_653 = vector.shape_cast %swap3A_652 : vector<1x16xf32> to vector<16xf32>
      %swap3A_654 = vector.shape_cast %add3A_649 : vector<16xf32> to vector<1x16xf32>
      tpu.vector_store %arg8[%swap3A_650, %swap3A_651], %swap3A_654 {strides = array<i32>} : memref<64x768xf32, #tpu.memory_space<vmem>>, vector<1x16xf32>,
      %get3A_655 = arith.index_cast %scan3A_208 : i32 to index
      %get3A_656 = arith.constant 512 : index
      %get3A_657 = tpu.vector_load %arg8[%get3A_655, %get3A_656] {strides = array<i32>} : memref<64x768xf32, #tpu.memory_space<vmem>>, vector<1x16xf32>,
      %get3A_658 = vector.shape_cast %get3A_657 : vector<1x16xf32> to vector<16xf32>
      %get3A_659 = arith.index_cast %scan3A_208 : i32 to index
      %get3A_660 = arith.constant 512 : index
      %get3A_661 = tpu.vector_load %arg9[%get3A_659, %get3A_660] {strides = array<i32>} : memref<64x768xf32, #tpu.memory_space<vmem>>, vector<1x16xf32>,
      %get3A_662 = vector.shape_cast %get3A_661 : vector<1x16xf32> to vector<16xf32>
      %add3A_663 = arith.addf %get3A_658, %get3A_662 : vector<16xf32>
      %swap3A_664 = arith.index_cast %scan3A_208 : i32 to index
      %swap3A_665 = arith.constant 512 : index
      %swap3A_666 = tpu.vector_load %arg8[%swap3A_664, %swap3A_665] {strides = array<i32>} : memref<64x768xf32, #tpu.memory_space<vmem>>, vector<1x16xf32>,
      %swap3A_667 = vector.shape_cast %swap3A_666 : vector<1x16xf32> to vector<16xf32>
      %swap3A_668 = vector.shape_cast %add3A_663 : vector<16xf32> to vector<1x16xf32>
      tpu.vector_store %arg8[%swap3A_664, %swap3A_665], %swap3A_668 {strides = array<i32>} : memref<64x768xf32, #tpu.memory_space<vmem>>, vector<1x16xf32>,
      %get3A_669 = arith.index_cast %scan3A_208 : i32 to index
      %get3A_670 = arith.constant 528 : index
      %get3A_671 = tpu.vector_load %arg8[%get3A_669, %get3A_670] {strides = array<i32>} : memref<64x768xf32, #tpu.memory_space<vmem>>, vector<1x16xf32>,
      %get3A_672 = vector.shape_cast %get3A_671 : vector<1x16xf32> to vector<16xf32>
      %get3A_673 = arith.index_cast %scan3A_208 : i32 to index
      %get3A_674 = arith.constant 528 : index
      %get3A_675 = tpu.vector_load %arg9[%get3A_673, %get3A_674] {strides = array<i32>} : memref<64x768xf32, #tpu.memory_space<vmem>>, vector<1x16xf32>,
      %get3A_676 = vector.shape_cast %get3A_675 : vector<1x16xf32> to vector<16xf32>
      %add3A_677 = arith.addf %get3A_672, %get3A_676 : vector<16xf32>
      %swap3A_678 = arith.index_cast %scan3A_208 : i32 to index
      %swap3A_679 = arith.constant 528 : index
      %swap3A_680 = tpu.vector_load %arg8[%swap3A_678, %swap3A_679] {strides = array<i32>} : memref<64x768xf32, #tpu.memory_space<vmem>>, vector<1x16xf32>,
      %swap3A_681 = vector.shape_cast %swap3A_680 : vector<1x16xf32> to vector<16xf32>
      %swap3A_682 = vector.shape_cast %add3A_677 : vector<16xf32> to vector<1x16xf32>
      tpu.vector_store %arg8[%swap3A_678, %swap3A_679], %swap3A_682 {strides = array<i32>} : memref<64x768xf32, #tpu.memory_space<vmem>>, vector<1x16xf32>,
      %get3A_683 = arith.index_cast %scan3A_208 : i32 to index
      %get3A_684 = arith.constant 544 : index
      %get3A_685 = tpu.vector_load %arg8[%get3A_683, %get3A_684] {strides = array<i32>} : memref<64x768xf32, #tpu.memory_space<vmem>>, vector<1x16xf32>,
      %get3A_686 = vector.shape_cast %get3A_685 : vector<1x16xf32> to vector<16xf32>
      %get3A_687 = arith.index_cast %scan3A_208 : i32 to index
      %get3A_688 = arith.constant 544 : index
      %get3A_689 = tpu.vector_load %arg9[%get3A_687, %get3A_688] {strides = array<i32>} : memref<64x768xf32, #tpu.memory_space<vmem>>, vector<1x16xf32>,
      %get3A_690 = vector.shape_cast %get3A_689 : vector<1x16xf32> to vector<16xf32>
      %add3A_691 = arith.addf %get3A_686, %get3A_690 : vector<16xf32>
      %swap3A_692 = arith.index_cast %scan3A_208 : i32 to index
      %swap3A_693 = arith.constant 544 : index
      %swap3A_694 = tpu.vector_load %arg8[%swap3A_692, %swap3A_693] {strides = array<i32>} : memref<64x768xf32, #tpu.memory_space<vmem>>, vector<1x16xf32>,
      %swap3A_695 = vector.shape_cast %swap3A_694 : vector<1x16xf32> to vector<16xf32>
      %swap3A_696 = vector.shape_cast %add3A_691 : vector<16xf32> to vector<1x16xf32>
      tpu.vector_store %arg8[%swap3A_692, %swap3A_693], %swap3A_696 {strides = array<i32>} : memref<64x768xf32, #tpu.memory_space<vmem>>, vector<1x16xf32>,
      %get3A_697 = arith.index_cast %scan3A_208 : i32 to index
      %get3A_698 = arith.constant 560 : index
      %get3A_699 = tpu.vector_load %arg8[%get3A_697, %get3A_698] {strides = array<i32>} : memref<64x768xf32, #tpu.memory_space<vmem>>, vector<1x16xf32>,
      %get3A_700 = vector.shape_cast %get3A_699 : vector<1x16xf32> to vector<16xf32>
      %get3A_701 = arith.index_cast %scan3A_208 : i32 to index
      %get3A_702 = arith.constant 560 : index
      %get3A_703 = tpu.vector_load %arg9[%get3A_701, %get3A_702] {strides = array<i32>} : memref<64x768xf32, #tpu.memory_space<vmem>>, vector<1x16xf32>,
      %get3A_704 = vector.shape_cast %get3A_703 : vector<1x16xf32> to vector<16xf32>
      %add3A_705 = arith.addf %get3A_700, %get3A_704 : vector<16xf32>
      %swap3A_706 = arith.index_cast %scan3A_208 : i32 to index
      %swap3A_707 = arith.constant 560 : index
      %swap3A_708 = tpu.vector_load %arg8[%swap3A_706, %swap3A_707] {strides = array<i32>} : memref<64x768xf32, #tpu.memory_space<vmem>>, vector<1x16xf32>,
      %swap3A_709 = vector.shape_cast %swap3A_708 : vector<1x16xf32> to vector<16xf32>
      %swap3A_710 = vector.shape_cast %add3A_705 : vector<16xf32> to vector<1x16xf32>
      tpu.vector_store %arg8[%swap3A_706, %swap3A_707], %swap3A_710 {strides = array<i32>} : memref<64x768xf32, #tpu.memory_space<vmem>>, vector<1x16xf32>,
      %get3A_711 = arith.index_cast %scan3A_208 : i32 to index
      %get3A_712 = arith.constant 576 : index
      %get3A_713 = tpu.vector_load %arg8[%get3A_711, %get3A_712] {strides = array<i32>} : memref<64x768xf32, #tpu.memory_space<vmem>>, vector<1x16xf32>,
      %get3A_714 = vector.shape_cast %get3A_713 : vector<1x16xf32> to vector<16xf32>
      %get3A_715 = arith.index_cast %scan3A_208 : i32 to index
      %get3A_716 = arith.constant 576 : index
      %get3A_717 = tpu.vector_load %arg9[%get3A_715, %get3A_716] {strides = array<i32>} : memref<64x768xf32, #tpu.memory_space<vmem>>, vector<1x16xf32>,
      %get3A_718 = vector.shape_cast %get3A_717 : vector<1x16xf32> to vector<16xf32>
      %add3A_719 = arith.addf %get3A_714, %get3A_718 : vector<16xf32>
      %swap3A_720 = arith.index_cast %scan3A_208 : i32 to index
      %swap3A_721 = arith.constant 576 : index
      %swap3A_722 = tpu.vector_load %arg8[%swap3A_720, %swap3A_721] {strides = array<i32>} : memref<64x768xf32, #tpu.memory_space<vmem>>, vector<1x16xf32>,
      %swap3A_723 = vector.shape_cast %swap3A_722 : vector<1x16xf32> to vector<16xf32>
      %swap3A_724 = vector.shape_cast %add3A_719 : vector<16xf32> to vector<1x16xf32>
      tpu.vector_store %arg8[%swap3A_720, %swap3A_721], %swap3A_724 {strides = array<i32>} : memref<64x768xf32, #tpu.memory_space<vmem>>, vector<1x16xf32>,
      %get3A_725 = arith.index_cast %scan3A_208 : i32 to index
      %get3A_726 = arith.constant 592 : index
      %get3A_727 = tpu.vector_load %arg8[%get3A_725, %get3A_726] {strides = array<i32>} : memref<64x768xf32, #tpu.memory_space<vmem>>, vector<1x16xf32>,
      %get3A_728 = vector.shape_cast %get3A_727 : vector<1x16xf32> to vector<16xf32>
      %get3A_729 = arith.index_cast %scan3A_208 : i32 to index
      %get3A_730 = arith.constant 592 : index
      %get3A_731 = tpu.vector_load %arg9[%get3A_729, %get3A_730] {strides = array<i32>} : memref<64x768xf32, #tpu.memory_space<vmem>>, vector<1x16xf32>,
      %get3A_732 = vector.shape_cast %get3A_731 : vector<1x16xf32> to vector<16xf32>
      %add3A_733 = arith.addf %get3A_728, %get3A_732 : vector<16xf32>
      %swap3A_734 = arith.index_cast %scan3A_208 : i32 to index
      %swap3A_735 = arith.constant 592 : index
      %swap3A_736 = tpu.vector_load %arg8[%swap3A_734, %swap3A_735] {strides = array<i32>} : memref<64x768xf32, #tpu.memory_space<vmem>>, vector<1x16xf32>,
      %swap3A_737 = vector.shape_cast %swap3A_736 : vector<1x16xf32> to vector<16xf32>
      %swap3A_738 = vector.shape_cast %add3A_733 : vector<16xf32> to vector<1x16xf32>
      tpu.vector_store %arg8[%swap3A_734, %swap3A_735], %swap3A_738 {strides = array<i32>} : memref<64x768xf32, #tpu.memory_space<vmem>>, vector<1x16xf32>,
      %get3A_739 = arith.index_cast %scan3A_208 : i32 to index
      %get3A_740 = arith.constant 608 : index
      %get3A_741 = tpu.vector_load %arg8[%get3A_739, %get3A_740] {strides = array<i32>} : memref<64x768xf32, #tpu.memory_space<vmem>>, vector<1x16xf32>,
      %get3A_742 = vector.shape_cast %get3A_741 : vector<1x16xf32> to vector<16xf32>
      %get3A_743 = arith.index_cast %scan3A_208 : i32 to index
      %get3A_744 = arith.constant 608 : index
      %get3A_745 = tpu.vector_load %arg9[%get3A_743, %get3A_744] {strides = array<i32>} : memref<64x768xf32, #tpu.memory_space<vmem>>, vector<1x16xf32>,
      %get3A_746 = vector.shape_cast %get3A_745 : vector<1x16xf32> to vector<16xf32>
      %add3A_747 = arith.addf %get3A_742, %get3A_746 : vector<16xf32>
      %swap3A_748 = arith.index_cast %scan3A_208 : i32 to index
      %swap3A_749 = arith.constant 608 : index
      %swap3A_750 = tpu.vector_load %arg8[%swap3A_748, %swap3A_749] {strides = array<i32>} : memref<64x768xf32, #tpu.memory_space<vmem>>, vector<1x16xf32>,
      %swap3A_751 = vector.shape_cast %swap3A_750 : vector<1x16xf32> to vector<16xf32>
      %swap3A_752 = vector.shape_cast %add3A_747 : vector<16xf32> to vector<1x16xf32>
      tpu.vector_store %arg8[%swap3A_748, %swap3A_749], %swap3A_752 {strides = array<i32>} : memref<64x768xf32, #tpu.memory_space<vmem>>, vector<1x16xf32>,
      %get3A_753 = arith.index_cast %scan3A_208 : i32 to index
      %get3A_754 = arith.constant 624 : index
      %get3A_755 = tpu.vector_load %arg8[%get3A_753, %get3A_754] {strides = array<i32>} : memref<64x768xf32, #tpu.memory_space<vmem>>, vector<1x16xf32>,
      %get3A_756 = vector.shape_cast %get3A_755 : vector<1x16xf32> to vector<16xf32>
      %get3A_757 = arith.index_cast %scan3A_208 : i32 to index
      %get3A_758 = arith.constant 624 : index
      %get3A_759 = tpu.vector_load %arg9[%get3A_757, %get3A_758] {strides = array<i32>} : memref<64x768xf32, #tpu.memory_space<vmem>>, vector<1x16xf32>,
      %get3A_760 = vector.shape_cast %get3A_759 : vector<1x16xf32> to vector<16xf32>
      %add3A_761 = arith.addf %get3A_756, %get3A_760 : vector<16xf32>
      %swap3A_762 = arith.index_cast %scan3A_208 : i32 to index
      %swap3A_763 = arith.constant 624 : index
      %swap3A_764 = tpu.vector_load %arg8[%swap3A_762, %swap3A_763] {strides = array<i32>} : memref<64x768xf32, #tpu.memory_space<vmem>>, vector<1x16xf32>,
      %swap3A_765 = vector.shape_cast %swap3A_764 : vector<1x16xf32> to vector<16xf32>
      %swap3A_766 = vector.shape_cast %add3A_761 : vector<16xf32> to vector<1x16xf32>
      tpu.vector_store %arg8[%swap3A_762, %swap3A_763], %swap3A_766 {strides = array<i32>} : memref<64x768xf32, #tpu.memory_space<vmem>>, vector<1x16xf32>,
      %get3A_767 = arith.index_cast %scan3A_208 : i32 to index
      %get3A_768 = arith.constant 640 : index
      %get3A_769 = tpu.vector_load %arg8[%get3A_767, %get3A_768] {strides = array<i32>} : memref<64x768xf32, #tpu.memory_space<vmem>>, vector<1x16xf32>,
      %get3A_770 = vector.shape_cast %get3A_769 : vector<1x16xf32> to vector<16xf32>
      %get3A_771 = arith.index_cast %scan3A_208 : i32 to index
      %get3A_772 = arith.constant 640 : index
      %get3A_773 = tpu.vector_load %arg9[%get3A_771, %get3A_772] {strides = array<i32>} : memref<64x768xf32, #tpu.memory_space<vmem>>, vector<1x16xf32>,
      %get3A_774 = vector.shape_cast %get3A_773 : vector<1x16xf32> to vector<16xf32>
      %add3A_775 = arith.addf %get3A_770, %get3A_774 : vector<16xf32>
      %swap3A_776 = arith.index_cast %scan3A_208 : i32 to index
      %swap3A_777 = arith.constant 640 : index
      %swap3A_778 = tpu.vector_load %arg8[%swap3A_776, %swap3A_777] {strides = array<i32>} : memref<64x768xf32, #tpu.memory_space<vmem>>, vector<1x16xf32>,
      %swap3A_779 = vector.shape_cast %swap3A_778 : vector<1x16xf32> to vector<16xf32>
      %swap3A_780 = vector.shape_cast %add3A_775 : vector<16xf32> to vector<1x16xf32>
      tpu.vector_store %arg8[%swap3A_776, %swap3A_777], %swap3A_780 {strides = array<i32>} : memref<64x768xf32, #tpu.memory_space<vmem>>, vector<1x16xf32>,
      %get3A_781 = arith.index_cast %scan3A_208 : i32 to index
      %get3A_782 = arith.constant 656 : index
      %get3A_783 = tpu.vector_load %arg8[%get3A_781, %get3A_782] {strides = array<i32>} : memref<64x768xf32, #tpu.memory_space<vmem>>, vector<1x16xf32>,
      %get3A_784 = vector.shape_cast %get3A_783 : vector<1x16xf32> to vector<16xf32>
      %get3A_785 = arith.index_cast %scan3A_208 : i32 to index
      %get3A_786 = arith.constant 656 : index
      %get3A_787 = tpu.vector_load %arg9[%get3A_785, %get3A_786] {strides = array<i32>} : memref<64x768xf32, #tpu.memory_space<vmem>>, vector<1x16xf32>,
      %get3A_788 = vector.shape_cast %get3A_787 : vector<1x16xf32> to vector<16xf32>
      %add3A_789 = arith.addf %get3A_784, %get3A_788 : vector<16xf32>
      %swap3A_790 = arith.index_cast %scan3A_208 : i32 to index
      %swap3A_791 = arith.constant 656 : index
      %swap3A_792 = tpu.vector_load %arg8[%swap3A_790, %swap3A_791] {strides = array<i32>} : memref<64x768xf32, #tpu.memory_space<vmem>>, vector<1x16xf32>,
      %swap3A_793 = vector.shape_cast %swap3A_792 : vector<1x16xf32> to vector<16xf32>
      %swap3A_794 = vector.shape_cast %add3A_789 : vector<16xf32> to vector<1x16xf32>
      tpu.vector_store %arg8[%swap3A_790, %swap3A_791], %swap3A_794 {strides = array<i32>} : memref<64x768xf32, #tpu.memory_space<vmem>>, vector<1x16xf32>,
      %get3A_795 = arith.index_cast %scan3A_208 : i32 to index
      %get3A_796 = arith.constant 672 : index
      %get3A_797 = tpu.vector_load %arg8[%get3A_795, %get3A_796] {strides = array<i32>} : memref<64x768xf32, #tpu.memory_space<vmem>>, vector<1x16xf32>,
      %get3A_798 = vector.shape_cast %get3A_797 : vector<1x16xf32> to vector<16xf32>
      %get3A_799 = arith.index_cast %scan3A_208 : i32 to index
      %get3A_800 = arith.constant 672 : index
      %get3A_801 = tpu.vector_load %arg9[%get3A_799, %get3A_800] {strides = array<i32>} : memref<64x768xf32, #tpu.memory_space<vmem>>, vector<1x16xf32>,
      %get3A_802 = vector.shape_cast %get3A_801 : vector<1x16xf32> to vector<16xf32>
      %add3A_803 = arith.addf %get3A_798, %get3A_802 : vector<16xf32>
      %swap3A_804 = arith.index_cast %scan3A_208 : i32 to index
      %swap3A_805 = arith.constant 672 : index
      %swap3A_806 = tpu.vector_load %arg8[%swap3A_804, %swap3A_805] {strides = array<i32>} : memref<64x768xf32, #tpu.memory_space<vmem>>, vector<1x16xf32>,
      %swap3A_807 = vector.shape_cast %swap3A_806 : vector<1x16xf32> to vector<16xf32>
      %swap3A_808 = vector.shape_cast %add3A_803 : vector<16xf32> to vector<1x16xf32>
      tpu.vector_store %arg8[%swap3A_804, %swap3A_805], %swap3A_808 {strides = array<i32>} : memref<64x768xf32, #tpu.memory_space<vmem>>, vector<1x16xf32>,
      %get3A_809 = arith.index_cast %scan3A_208 : i32 to index
      %get3A_810 = arith.constant 688 : index
      %get3A_811 = tpu.vector_load %arg8[%get3A_809, %get3A_810] {strides = array<i32>} : memref<64x768xf32, #tpu.memory_space<vmem>>, vector<1x16xf32>,
      %get3A_812 = vector.shape_cast %get3A_811 : vector<1x16xf32> to vector<16xf32>
      %get3A_813 = arith.index_cast %scan3A_208 : i32 to index
      %get3A_814 = arith.constant 688 : index
      %get3A_815 = tpu.vector_load %arg9[%get3A_813, %get3A_814] {strides = array<i32>} : memref<64x768xf32, #tpu.memory_space<vmem>>, vector<1x16xf32>,
      %get3A_816 = vector.shape_cast %get3A_815 : vector<1x16xf32> to vector<16xf32>
      %add3A_817 = arith.addf %get3A_812, %get3A_816 : vector<16xf32>
      %swap3A_818 = arith.index_cast %scan3A_208 : i32 to index
      %swap3A_819 = arith.constant 688 : index
      %swap3A_820 = tpu.vector_load %arg8[%swap3A_818, %swap3A_819] {strides = array<i32>} : memref<64x768xf32, #tpu.memory_space<vmem>>, vector<1x16xf32>,
      %swap3A_821 = vector.shape_cast %swap3A_820 : vector<1x16xf32> to vector<16xf32>
      %swap3A_822 = vector.shape_cast %add3A_817 : vector<16xf32> to vector<1x16xf32>
      tpu.vector_store %arg8[%swap3A_818, %swap3A_819], %swap3A_822 {strides = array<i32>} : memref<64x768xf32, #tpu.memory_space<vmem>>, vector<1x16xf32>,
      %get3A_823 = arith.index_cast %scan3A_208 : i32 to index
      %get3A_824 = arith.constant 704 : index
      %get3A_825 = tpu.vector_load %arg8[%get3A_823, %get3A_824] {strides = array<i32>} : memref<64x768xf32, #tpu.memory_space<vmem>>, vector<1x16xf32>,
      %get3A_826 = vector.shape_cast %get3A_825 : vector<1x16xf32> to vector<16xf32>
      %get3A_827 = arith.index_cast %scan3A_208 : i32 to index
      %get3A_828 = arith.constant 704 : index
      %get3A_829 = tpu.vector_load %arg9[%get3A_827, %get3A_828] {strides = array<i32>} : memref<64x768xf32, #tpu.memory_space<vmem>>, vector<1x16xf32>,
      %get3A_830 = vector.shape_cast %get3A_829 : vector<1x16xf32> to vector<16xf32>
      %add3A_831 = arith.addf %get3A_826, %get3A_830 : vector<16xf32>
      %swap3A_832 = arith.index_cast %scan3A_208 : i32 to index
      %swap3A_833 = arith.constant 704 : index
      %swap3A_834 = tpu.vector_load %arg8[%swap3A_832, %swap3A_833] {strides = array<i32>} : memref<64x768xf32, #tpu.memory_space<vmem>>, vector<1x16xf32>,
      %swap3A_835 = vector.shape_cast %swap3A_834 : vector<1x16xf32> to vector<16xf32>
      %swap3A_836 = vector.shape_cast %add3A_831 : vector<16xf32> to vector<1x16xf32>
      tpu.vector_store %arg8[%swap3A_832, %swap3A_833], %swap3A_836 {strides = array<i32>} : memref<64x768xf32, #tpu.memory_space<vmem>>, vector<1x16xf32>,
      %get3A_837 = arith.index_cast %scan3A_208 : i32 to index
      %get3A_838 = arith.constant 720 : index
      %get3A_839 = tpu.vector_load %arg8[%get3A_837, %get3A_838] {strides = array<i32>} : memref<64x768xf32, #tpu.memory_space<vmem>>, vector<1x16xf32>,
      %get3A_840 = vector.shape_cast %get3A_839 : vector<1x16xf32> to vector<16xf32>
      %get3A_841 = arith.index_cast %scan3A_208 : i32 to index
      %get3A_842 = arith.constant 720 : index
      %get3A_843 = tpu.vector_load %arg9[%get3A_841, %get3A_842] {strides = array<i32>} : memref<64x768xf32, #tpu.memory_space<vmem>>, vector<1x16xf32>,
      %get3A_844 = vector.shape_cast %get3A_843 : vector<1x16xf32> to vector<16xf32>
      %add3A_845 = arith.addf %get3A_840, %get3A_844 : vector<16xf32>
      %swap3A_846 = arith.index_cast %scan3A_208 : i32 to index
      %swap3A_847 = arith.constant 720 : index
      %swap3A_848 = tpu.vector_load %arg8[%swap3A_846, %swap3A_847] {strides = array<i32>} : memref<64x768xf32, #tpu.memory_space<vmem>>, vector<1x16xf32>,
      %swap3A_849 = vector.shape_cast %swap3A_848 : vector<1x16xf32> to vector<16xf32>
      %swap3A_850 = vector.shape_cast %add3A_845 : vector<16xf32> to vector<1x16xf32>
      tpu.vector_store %arg8[%swap3A_846, %swap3A_847], %swap3A_850 {strides = array<i32>} : memref<64x768xf32, #tpu.memory_space<vmem>>, vector<1x16xf32>,
      %get3A_851 = arith.index_cast %scan3A_208 : i32 to index
      %get3A_852 = arith.constant 736 : index
      %get3A_853 = tpu.vector_load %arg8[%get3A_851, %get3A_852] {strides = array<i32>} : memref<64x768xf32, #tpu.memory_space<vmem>>, vector<1x16xf32>,
      %get3A_854 = vector.shape_cast %get3A_853 : vector<1x16xf32> to vector<16xf32>
      %get3A_855 = arith.index_cast %scan3A_208 : i32 to index
      %get3A_856 = arith.constant 736 : index
      %get3A_857 = tpu.vector_load %arg9[%get3A_855, %get3A_856] {strides = array<i32>} : memref<64x768xf32, #tpu.memory_space<vmem>>, vector<1x16xf32>,
      %get3A_858 = vector.shape_cast %get3A_857 : vector<1x16xf32> to vector<16xf32>
      %add3A_859 = arith.addf %get3A_854, %get3A_858 : vector<16xf32>
      %swap3A_860 = arith.index_cast %scan3A_208 : i32 to index
      %swap3A_861 = arith.constant 736 : index
      %swap3A_862 = tpu.vector_load %arg8[%swap3A_860, %swap3A_861] {strides = array<i32>} : memref<64x768xf32, #tpu.memory_space<vmem>>, vector<1x16xf32>,
      %swap3A_863 = vector.shape_cast %swap3A_862 : vector<1x16xf32> to vector<16xf32>
      %swap3A_864 = vector.shape_cast %add3A_859 : vector<16xf32> to vector<1x16xf32>
      tpu.vector_store %arg8[%swap3A_860, %swap3A_861], %swap3A_864 {strides = array<i32>} : memref<64x768xf32, #tpu.memory_space<vmem>>, vector<1x16xf32>,
      %get3A_865 = arith.index_cast %scan3A_208 : i32 to index
      %get3A_866 = arith.constant 752 : index
      %get3A_867 = tpu.vector_load %arg8[%get3A_865, %get3A_866] {strides = array<i32>} : memref<64x768xf32, #tpu.memory_space<vmem>>, vector<1x16xf32>,
      %get3A_868 = vector.shape_cast %get3A_867 : vector<1x16xf32> to vector<16xf32>
      %get3A_869 = arith.index_cast %scan3A_208 : i32 to index
      %get3A_870 = arith.constant 752 : index
      %get3A_871 = tpu.vector_load %arg9[%get3A_869, %get3A_870] {strides = array<i32>} : memref<64x768xf32, #tpu.memory_space<vmem>>, vector<1x16xf32>,
      %get3A_872 = vector.shape_cast %get3A_871 : vector<1x16xf32> to vector<16xf32>
      %add3A_873 = arith.addf %get3A_868, %get3A_872 : vector<16xf32>
      %swap3A_874 = arith.index_cast %scan3A_208 : i32 to index
      %swap3A_875 = arith.constant 752 : index
      %swap3A_876 = tpu.vector_load %arg8[%swap3A_874, %swap3A_875] {strides = array<i32>} : memref<64x768xf32, #tpu.memory_space<vmem>>, vector<1x16xf32>,
      %swap3A_877 = vector.shape_cast %swap3A_876 : vector<1x16xf32> to vector<16xf32>
      %swap3A_878 = vector.shape_cast %add3A_873 : vector<16xf32> to vector<1x16xf32>
      tpu.vector_store %arg8[%swap3A_874, %swap3A_875], %swap3A_878 {strides = array<i32>} : memref<64x768xf32, #tpu.memory_space<vmem>>, vector<1x16xf32>,
    }
    %scan3A_205 = arith.constant 16 : i32
    %add3A_206 = arith.constant 48 : i32
    %add3A_207 = arith.addi %mul3A_2, %add3A_206 : i32
    "tpu.region"() ({
      %run_scoped3A = tpu.sem_alloc : memref<!tpu.dma_semaphore, #tpu.memory_space<semaphore_mem>>
      %dma_start3A_208 = arith.constant 48 : i32
      %dma_start3A_209 = arith.constant 0 : i32
      %dma_start3A_210 = tpu.memref_slice %arg8[%dma_start3A_208, %dma_start3A_209] : memref<64x768xf32, #tpu.memory_space<vmem>> -> memref<16x768xf32, #tpu.memory_space<vmem>>
      %dma_start3A_211 = arith.constant 0 : i32
      %dma_start3A_212 = tpu.memref_slice %arg5[%add3A_207, %dma_start3A_211] : memref<2048x768xf32, #tpu.memory_space<hbm>> -> memref<16x768xf32, #tpu.memory_space<hbm>>
      %dma_start3A_213 = arith.constant 0 : i32
      %dma_start3A_214 = tpu.memref_slice %arg5[%add3A_207, %dma_start3A_213] : memref<2048x768xf32, #tpu.memory_space<hbm>> -> memref<16x768xf32, #tpu.memory_space<hbm>>
      %dma_start3A_215 = arith.constant 48 : i32
      %dma_start3A_216 = arith.constant 0 : i32
      %dma_start3A_217 = tpu.memref_slice %arg8[%dma_start3A_215, %dma_start3A_216] : memref<64x768xf32, #tpu.memory_space<vmem>> -> memref<16x768xf32, #tpu.memory_space<vmem>>
      tpu.enqueue_dma source(%dma_start3A_217 : memref<16x768xf32, #tpu.memory_space<vmem>>) target(%dma_start3A_214 : memref<16x768xf32, #tpu.memory_space<hbm>>) target_semaphore(%run_scoped3A : memref<!tpu.dma_semaphore, #tpu.memory_space<semaphore_mem>>)
      %dma_wait3A_218 = arith.constant 48 : i32
      %dma_wait3A_219 = arith.constant 0 : i32
      %dma_wait3A_220 = tpu.memref_slice %arg8[%dma_wait3A_218, %dma_wait3A_219] : memref<64x768xf32, #tpu.memory_space<vmem>> -> memref<16x768xf32, #tpu.memory_space<vmem>>
      %dma_wait3A_221 = arith.constant 0 : i32
      %dma_wait3A_222 = tpu.memref_slice %arg5[%add3A_207, %dma_wait3A_221] : memref<2048x768xf32, #tpu.memory_space<hbm>> -> memref<16x768xf32, #tpu.memory_space<hbm>>
      %dma_wait3A_223 = arith.constant 0 : i32
      %dma_wait3A_224 = tpu.memref_slice %arg5[%add3A_207, %dma_wait3A_223] : memref<2048x768xf32, #tpu.memory_space<hbm>> -> memref<16x768xf32, #tpu.memory_space<hbm>>
      %dma_wait3A_225 = arith.constant 48 : i32
      %dma_wait3A_226 = arith.constant 0 : i32
      %dma_wait3A_227 = tpu.memref_slice %arg8[%dma_wait3A_225, %dma_wait3A_226] : memref<64x768xf32, #tpu.memory_space<vmem>> -> memref<16x768xf32, #tpu.memory_space<vmem>>
      tpu.wait_dma2 semaphore(%run_scoped3A : memref<!tpu.dma_semaphore, #tpu.memory_space<semaphore_mem>>) src(%dma_wait3A_227 : memref<16x768xf32, #tpu.memory_space<vmem>>) dst(%dma_wait3A_224 : memref<16x768xf32, #tpu.memory_space<hbm>>)
      tpu.yield
    }) : () -> ()
    return
  }
}

#map = affine_map<(d0, d1) -> (0, 0)>
#map1 = affine_map<(d0, d1) -> (0)>
module attributes {stable_mosaic.version = 14 : i64} {
  func.func @_dispatch_body(%arg0: i32, %arg1: i32, %arg2: memref<2048x768xf32, #tpu.memory_space<hbm>>, %arg3: memref<2048xi32, #tpu.memory_space<hbm>>, %arg4: memref<2048xi32, #tpu.memory_space<hbm>>, %arg5: memref<9280x768xf32, #tpu.memory_space<hbm>>, %arg6: memref<64xi32, #tpu.memory_space<vmem>>, %arg7: memref<64xi32, #tpu.memory_space<vmem>>, %arg8: memref<64x768xf32, #tpu.memory_space<vmem>>, %arg9: memref<!tpu.dma_semaphore, #tpu.memory_space<semaphore_mem>>) attributes {dimension_semantics = [#tpu.dimension_semantics<core_parallel>, #tpu.dimension_semantics<subcore_parallel>], iteration_bounds = array<i64: 2, 16>, scalar_prefetch = 0 : i64, scratch_operands = 4 : i64, tpu.core_type = #tpu.core_type<sc_vector_subcore>, window_params = [{transform_indices = #map}, {transform_indices = #map1}, {transform_indices = #map1}, {transform_indices = #map}]} {
    %mul3A = arith.constant 2 : i32
    %mul3A_0 = arith.muli %arg1, %mul3A : i32
    %add3A = arith.addi %mul3A_0, %arg0 : i32
    %mul3A_1 = arith.constant 64 : i32
    %mul3A_2 = arith.muli %add3A, %mul3A_1 : i32
    "tpu.region"() ({
      %run_scoped3A = tpu.sem_alloc : memref<!tpu.dma_semaphore, #tpu.memory_space<semaphore_mem>>
      %dma_start3A_13 = tpu.memref_slice %arg3[%mul3A_2] : memref<2048xi32, #tpu.memory_space<hbm>> -> memref<64xi32, #tpu.memory_space<hbm>>
      %dma_start3A_14 = tpu.memref_slice %arg3[%mul3A_2] : memref<2048xi32, #tpu.memory_space<hbm>> -> memref<64xi32, #tpu.memory_space<hbm>>
      tpu.enqueue_dma source(%dma_start3A_14 : memref<64xi32, #tpu.memory_space<hbm>>) target(%arg6 : memref<64xi32, #tpu.memory_space<vmem>>) target_semaphore(%run_scoped3A : memref<!tpu.dma_semaphore, #tpu.memory_space<semaphore_mem>>)
      %dma_wait3A_15 = tpu.memref_slice %arg3[%mul3A_2] : memref<2048xi32, #tpu.memory_space<hbm>> -> memref<64xi32, #tpu.memory_space<hbm>>
      %dma_wait3A_16 = tpu.memref_slice %arg3[%mul3A_2] : memref<2048xi32, #tpu.memory_space<hbm>> -> memref<64xi32, #tpu.memory_space<hbm>>
      tpu.wait_dma2 semaphore(%run_scoped3A : memref<!tpu.dma_semaphore, #tpu.memory_space<semaphore_mem>>) src(%dma_wait3A_16 : memref<64xi32, #tpu.memory_space<hbm>>) dst(%arg6 : memref<64xi32, #tpu.memory_space<vmem>>)
      tpu.yield
    }) : () -> ()
    "tpu.region"() ({
      %run_scoped3A = tpu.sem_alloc : memref<!tpu.dma_semaphore, #tpu.memory_space<semaphore_mem>>
      %dma_start3A_13 = tpu.memref_slice %arg4[%mul3A_2] : memref<2048xi32, #tpu.memory_space<hbm>> -> memref<64xi32, #tpu.memory_space<hbm>>
      %dma_start3A_14 = tpu.memref_slice %arg4[%mul3A_2] : memref<2048xi32, #tpu.memory_space<hbm>> -> memref<64xi32, #tpu.memory_space<hbm>>
      tpu.enqueue_dma source(%dma_start3A_14 : memref<64xi32, #tpu.memory_space<hbm>>) target(%arg7 : memref<64xi32, #tpu.memory_space<vmem>>) target_semaphore(%run_scoped3A : memref<!tpu.dma_semaphore, #tpu.memory_space<semaphore_mem>>)
      %dma_wait3A_15 = tpu.memref_slice %arg4[%mul3A_2] : memref<2048xi32, #tpu.memory_space<hbm>> -> memref<64xi32, #tpu.memory_space<hbm>>
      %dma_wait3A_16 = tpu.memref_slice %arg4[%mul3A_2] : memref<2048xi32, #tpu.memory_space<hbm>> -> memref<64xi32, #tpu.memory_space<hbm>>
      tpu.wait_dma2 semaphore(%run_scoped3A : memref<!tpu.dma_semaphore, #tpu.memory_space<semaphore_mem>>) src(%dma_wait3A_16 : memref<64xi32, #tpu.memory_space<hbm>>) dst(%arg7 : memref<64xi32, #tpu.memory_space<vmem>>)
      tpu.yield
    }) : () -> ()
    "tpu.region"() ({
      %run_scoped3A = tpu.sem_alloc : memref<!tpu.dma_semaphore, #tpu.memory_space<semaphore_mem>>
      %dma_start3A_13 = arith.constant 0 : i32
      %dma_start3A_14 = tpu.memref_slice %arg2[%mul3A_2, %dma_start3A_13] : memref<2048x768xf32, #tpu.memory_space<hbm>> -> memref<64x768xf32, #tpu.memory_space<hbm>>
      %dma_start3A_15 = arith.constant 0 : i32
      %dma_start3A_16 = tpu.memref_slice %arg2[%mul3A_2, %dma_start3A_15] : memref<2048x768xf32, #tpu.memory_space<hbm>> -> memref<64x768xf32, #tpu.memory_space<hbm>>
      tpu.enqueue_dma source(%dma_start3A_16 : memref<64x768xf32, #tpu.memory_space<hbm>>) target(%arg8 : memref<64x768xf32, #tpu.memory_space<vmem>>) target_semaphore(%run_scoped3A : memref<!tpu.dma_semaphore, #tpu.memory_space<semaphore_mem>>)
      %dma_wait3A_17 = arith.constant 0 : i32
      %dma_wait3A_18 = tpu.memref_slice %arg2[%mul3A_2, %dma_wait3A_17] : memref<2048x768xf32, #tpu.memory_space<hbm>> -> memref<64x768xf32, #tpu.memory_space<hbm>>
      %dma_wait3A_19 = arith.constant 0 : i32
      %dma_wait3A_20 = tpu.memref_slice %arg2[%mul3A_2, %dma_wait3A_19] : memref<2048x768xf32, #tpu.memory_space<hbm>> -> memref<64x768xf32, #tpu.memory_space<hbm>>
      tpu.wait_dma2 semaphore(%run_scoped3A : memref<!tpu.dma_semaphore, #tpu.memory_space<semaphore_mem>>) src(%dma_wait3A_20 : memref<64x768xf32, #tpu.memory_space<hbm>>) dst(%arg8 : memref<64x768xf32, #tpu.memory_space<vmem>>)
      tpu.yield
    }) : () -> ()
    %dma_start3A = arith.constant 0 : i32
    %dma_start3A_3 = arith.constant 0 : i32
    %dma_start3A_4 = tpu.memref_slice %arg5[%dma_start3A, %dma_start3A_3] : memref<9280x768xf32, #tpu.memory_space<hbm>> -> memref<9280x768xf32, #tpu.memory_space<hbm>>
    tpu.enqueue_indirect_dma source(%arg8 : memref<64x768xf32, #tpu.memory_space<vmem>>) target(%dma_start3A_4 : memref<9280x768xf32, #tpu.memory_space<hbm>>) offsets(%arg6 : memref<64xi32, #tpu.memory_space<vmem>>) semaphore(%arg9 : memref<!tpu.dma_semaphore, #tpu.memory_space<semaphore_mem>>)
    %dma_start3A_5 = arith.constant 0 : i32
    %dma_start3A_6 = arith.constant 0 : i32
    %dma_start3A_7 = tpu.memref_slice %arg5[%dma_start3A_5, %dma_start3A_6] : memref<9280x768xf32, #tpu.memory_space<hbm>> -> memref<9280x768xf32, #tpu.memory_space<hbm>>
    tpu.enqueue_indirect_dma source(%arg8 : memref<64x768xf32, #tpu.memory_space<vmem>>) target(%dma_start3A_7 : memref<9280x768xf32, #tpu.memory_space<hbm>>) offsets(%arg7 : memref<64xi32, #tpu.memory_space<vmem>>) semaphore(%arg9 : memref<!tpu.dma_semaphore, #tpu.memory_space<semaphore_mem>>)
    %dma_wait3A = arith.constant 0 : i32
    %dma_wait3A_8 = arith.constant 0 : i32
    %dma_wait3A_9 = tpu.memref_slice %arg5[%dma_wait3A, %dma_wait3A_8] : memref<9280x768xf32, #tpu.memory_space<hbm>> -> memref<9280x768xf32, #tpu.memory_space<hbm>>
    tpu.wait_indirect_dma semaphore(%arg9 : memref<!tpu.dma_semaphore, #tpu.memory_space<semaphore_mem>>) src(%arg8 : memref<64x768xf32, #tpu.memory_space<vmem>>) dst(%dma_wait3A_9 : memref<9280x768xf32, #tpu.memory_space<hbm>>)
    %dma_wait3A_10 = arith.constant 0 : i32
    %dma_wait3A_11 = arith.constant 0 : i32
    %dma_wait3A_12 = tpu.memref_slice %arg5[%dma_wait3A_10, %dma_wait3A_11] : memref<9280x768xf32, #tpu.memory_space<hbm>> -> memref<9280x768xf32, #tpu.memory_space<hbm>>
    tpu.wait_indirect_dma semaphore(%arg9 : memref<!tpu.dma_semaphore, #tpu.memory_space<semaphore_mem>>) src(%arg8 : memref<64x768xf32, #tpu.memory_space<vmem>>) dst(%dma_wait3A_12 : memref<9280x768xf32, #tpu.memory_space<hbm>>)
    return
  }
}

module attributes {stable_mosaic.version = 14 : i64} {
  func.func @_router_body(%arg0: memref<2048x768xf32, #tpu.memory_space<vmem>>, %arg1: memref<768x16xf32, #tpu.memory_space<vmem>>, %arg2: memref<1x16xf32, #tpu.memory_space<vmem>>, %arg3: memref<2048x2xi32, #tpu.memory_space<vmem>>, %arg4: memref<2048x2xf32, #tpu.memory_space<vmem>>, %arg5: memref<29x1xi32, #tpu.memory_space<vmem>>, %arg6: memref<29x1xi32, #tpu.memory_space<vmem>>, %arg7: memref<1x1xf32, #tpu.memory_space<vmem>>) attributes {dimension_semantics = [], scalar_prefetch = 0 : i64, scratch_operands = 0 : i64, tpu.core_type = #tpu.core_type<tc>} {
    %get3A = arith.constant 0 : index
    %get3A_0 = arith.constant 0 : index
    %get3A_1 = vector.load %arg0[%get3A, %get3A_0] : memref<2048x768xf32, #tpu.memory_space<vmem>>, vector<2048x768xf32>
    %get3A_2 = arith.constant 0 : index
    %get3A_3 = arith.constant 0 : index
    %get3A_4 = vector.load %arg1[%get3A_2, %get3A_3] : memref<768x16xf32, #tpu.memory_space<vmem>>, vector<768x16xf32>
    %dot_general3A = arith.constant dense<0.000000e+00> : vector<2048x16xf32>
    %dot_general3A_5 = tpu.matmul %get3A_1, %get3A_4, %dot_general3A {dimension_numbers = #tpu.dot_dimension_numbers<[1], [0], [0], [1], [0, 0, 1, 1], [], []>, transpose_lhs_hint = false} : vector<2048x768xf32>, vector<768x16xf32>, vector<2048x16xf32> -> vector<2048x16xf32>
    %get3A_6 = arith.constant 0 : index
    %get3A_7 = arith.constant 0 : index
    %get3A_8 = vector.load %arg2[%get3A_6, %get3A_7] : memref<1x16xf32, #tpu.memory_space<vmem>>, vector<1x16xf32>
    %add3A = vector.broadcast %get3A_8 : vector<1x16xf32> to vector<2048x16xf32>
    %add3A_9 = arith.addf %dot_general3A_5, %add3A : vector<2048x16xf32>
    %reduce_max3A = arith.constant dense<0xFF800000> : vector<2048xf32>
    %reduce_max3A_10 = vector.multi_reduction <maximumf>, %add3A_9, %reduce_max3A [1] : vector<2048x16xf32> to vector<2048xf32>
    %broadcast_in_dim3A = vector.shape_cast %reduce_max3A_10 : vector<2048xf32> to vector<2048x1xf32>
    %sub3A = vector.broadcast %broadcast_in_dim3A : vector<2048x1xf32> to vector<2048x16xf32>
    %sub3A_11 = arith.subf %add3A_9, %sub3A : vector<2048x16xf32>
    %exp3A = math.exp %sub3A_11 : vector<2048x16xf32>
    %reduce_sum3A = arith.constant dense<0.000000e+00> : vector<2048xf32>
    %reduce_sum3A_12 = vector.multi_reduction <add>, %exp3A, %reduce_sum3A [1] : vector<2048x16xf32> to vector<2048xf32>
    %broadcast_in_dim3A_13 = vector.shape_cast %reduce_sum3A_12 : vector<2048xf32> to vector<2048x1xf32>
    %div3A = vector.broadcast %broadcast_in_dim3A_13 : vector<2048x1xf32> to vector<2048x16xf32>
    %div3A_14 = arith.divf %exp3A, %div3A : vector<2048x16xf32>
    %iota3A = tpu.iota {dimensions = array<i32: 1>} : vector<2048x16xi32>
    %reduce_max3A_15 = arith.constant dense<0xFF800000> : vector<2048xf32>
    %reduce_max3A_16 = vector.multi_reduction <maximumf>, %div3A_14, %reduce_max3A_15 [1] : vector<2048x16xf32> to vector<2048xf32>
    %broadcast_in_dim3A_17 = vector.shape_cast %reduce_max3A_16 : vector<2048xf32> to vector<2048x1xf32>
    %eq3A = vector.broadcast %broadcast_in_dim3A_17 : vector<2048x1xf32> to vector<2048x16xf32>
    %eq3A_18 = arith.cmpf oeq, %div3A_14, %eq3A : vector<2048x16xf32>
    %jit3A = arith.constant 16 : i32
    %broadcast_in_dim3A_19 = vector.broadcast %jit3A : i32 to vector<2048x16xi32>
    %select_n3A = arith.select %eq3A_18, %iota3A, %broadcast_in_dim3A_19 : vector<2048x16xi1>, vector<2048x16xi32>
    %reduce_min3A = arith.constant dense<2147483647> : vector<2048xi32>
    %reduce_min3A_20 = vector.multi_reduction <minsi>, %select_n3A, %reduce_min3A [1] : vector<2048x16xi32> to vector<2048xi32>
    %broadcast_in_dim3A_21 = vector.shape_cast %reduce_min3A_20 : vector<2048xi32> to vector<2048x1xi32>
    %eq3A_22 = vector.broadcast %broadcast_in_dim3A_21 : vector<2048x1xi32> to vector<2048x16xi32>
    %eq3A_23 = arith.cmpi eq, %iota3A, %eq3A_22 : vector<2048x16xi32>
    %jit3A_24 = arith.constant 0xFF800000 : f32
    %broadcast_in_dim3A_25 = vector.broadcast %jit3A_24 : f32 to vector<2048x16xf32>
    %select_n3A_26 = arith.select %eq3A_23, %broadcast_in_dim3A_25, %div3A_14 : vector<2048x16xi1>, vector<2048x16xf32>
    %reduce_max3A_27 = arith.constant dense<0xFF800000> : vector<2048xf32>
    %reduce_max3A_28 = vector.multi_reduction <maximumf>, %select_n3A_26, %reduce_max3A_27 [1] : vector<2048x16xf32> to vector<2048xf32>
    %broadcast_in_dim3A_29 = vector.shape_cast %reduce_max3A_28 : vector<2048xf32> to vector<2048x1xf32>
    %eq3A_30 = vector.broadcast %broadcast_in_dim3A_29 : vector<2048x1xf32> to vector<2048x16xf32>
    %eq3A_31 = arith.cmpf oeq, %select_n3A_26, %eq3A_30 : vector<2048x16xf32>
    %jit3A_32 = arith.constant 16 : i32
    %broadcast_in_dim3A_33 = vector.broadcast %jit3A_32 : i32 to vector<2048x16xi32>
    %select_n3A_34 = arith.select %eq3A_31, %iota3A, %broadcast_in_dim3A_33 : vector<2048x16xi1>, vector<2048x16xi32>
    %reduce_min3A_35 = arith.constant dense<2147483647> : vector<2048xi32>
    %reduce_min3A_36 = vector.multi_reduction <minsi>, %select_n3A_34, %reduce_min3A_35 [1] : vector<2048x16xi32> to vector<2048xi32>
    %broadcast_in_dim3A_37 = vector.shape_cast %reduce_min3A_36 : vector<2048xi32> to vector<2048x1xi32>
    %eq3A_38 = vector.broadcast %broadcast_in_dim3A_37 : vector<2048x1xi32> to vector<2048x16xi32>
    %eq3A_39 = arith.cmpi eq, %iota3A, %eq3A_38 : vector<2048x16xi32>
    %add3A_40 = arith.addf %broadcast_in_dim3A_17, %broadcast_in_dim3A_29 : vector<2048x1xf32>
    %div3A_41 = arith.divf %broadcast_in_dim3A_17, %add3A_40 : vector<2048x1xf32>
    %swap3A = arith.constant 0 : index
    %swap3A_42 = arith.constant 0 : index
    %swap3A_43 = vector.load %arg4[%swap3A, %swap3A_42] : memref<2048x2xf32, #tpu.memory_space<vmem>>, vector<2048x1xf32>
    tpu.vector_store %arg4[%swap3A, %swap3A_42], %div3A_41 {strides = array<i32>} : memref<2048x2xf32, #tpu.memory_space<vmem>>, vector<2048x1xf32>,
    %div3A_44 = arith.divf %broadcast_in_dim3A_29, %add3A_40 : vector<2048x1xf32>
    %swap3A_45 = arith.constant 0 : index
    %swap3A_46 = arith.constant 1 : index
    %swap3A_47 = vector.load %arg4[%swap3A_45, %swap3A_46] : memref<2048x2xf32, #tpu.memory_space<vmem>>, vector<2048x1xf32>
    tpu.vector_store %arg4[%swap3A_45, %swap3A_46], %div3A_44 {strides = array<i32>} : memref<2048x2xf32, #tpu.memory_space<vmem>>, vector<2048x1xf32>,
    %reduce_sum3A_48 = arith.constant dense<0.000000e+00> : vector<16xf32>
    %reduce_sum3A_49 = vector.multi_reduction <add>, %div3A_14, %reduce_sum3A_48 [0] : vector<2048x16xf32> to vector<16xf32>
    %broadcast_in_dim3A_50 = vector.shape_cast %reduce_sum3A_49 : vector<16xf32> to vector<1x16xf32>
    %div3A_51 = arith.constant 2.048000e+03 : f32
    %div3A_52 = vector.broadcast %div3A_51 : f32 to vector<1x16xf32>
    %div3A_53 = arith.divf %broadcast_in_dim3A_50, %div3A_52 : vector<1x16xf32>
    %convert_element_type3A = arith.extui %eq3A_23 : vector<2048x16xi1> to vector<2048x16xi32>
    %convert_element_type3A_54 = arith.sitofp %convert_element_type3A : vector<2048x16xi32> to vector<2048x16xf32>
    %convert_element_type3A_55 = arith.extui %eq3A_39 : vector<2048x16xi1> to vector<2048x16xi32>
    %convert_element_type3A_56 = arith.sitofp %convert_element_type3A_55 : vector<2048x16xi32> to vector<2048x16xf32>
    %add3A_57 = arith.addf %convert_element_type3A_54, %convert_element_type3A_56 : vector<2048x16xf32>
    %reduce_sum3A_58 = arith.constant dense<0.000000e+00> : vector<16xf32>
    %reduce_sum3A_59 = vector.multi_reduction <add>, %add3A_57, %reduce_sum3A_58 [0] : vector<2048x16xf32> to vector<16xf32>
    %broadcast_in_dim3A_60 = vector.shape_cast %reduce_sum3A_59 : vector<16xf32> to vector<1x16xf32>
    %div3A_61 = arith.constant 4.096000e+03 : f32
    %div3A_62 = vector.broadcast %div3A_61 : f32 to vector<1x16xf32>
    %div3A_63 = arith.divf %broadcast_in_dim3A_60, %div3A_62 : vector<1x16xf32>
    %mul3A = arith.mulf %div3A_63, %div3A_53 : vector<1x16xf32>
    %reduce_sum3A_64 = arith.constant dense<0.000000e+00> : vector<1xf32>
    %reduce_sum3A_65 = vector.multi_reduction <add>, %mul3A, %reduce_sum3A_64 [1] : vector<1x16xf32> to vector<1xf32>
    %broadcast_in_dim3A_66 = vector.shape_cast %reduce_sum3A_65 : vector<1xf32> to vector<1x1xf32>
    %mul3A_67 = arith.constant 1.600000e-01 : f32
    %mul3A_68 = vector.broadcast %mul3A_67 : f32 to vector<1x1xf32>
    %mul3A_69 = arith.mulf %mul3A_68, %broadcast_in_dim3A_66 : vector<1x1xf32>
    %swap3A_70 = arith.constant 0 : index
    %swap3A_71 = arith.constant 0 : index
    %swap3A_72 = vector.load %arg7[%swap3A_70, %swap3A_71] : memref<1x1xf32, #tpu.memory_space<vmem>>, vector<1x1xf32>
    tpu.vector_store %arg7[%swap3A_70, %swap3A_71], %mul3A_69 {strides = array<i32>} : memref<1x1xf32, #tpu.memory_space<vmem>>, vector<1x1xf32>,
    %broadcast_in_dim3A_73 = arith.constant 0.000000e+00 : f32
    %broadcast_in_dim3A_74 = vector.broadcast %broadcast_in_dim3A_73 : f32 to vector<1x16xf32>
    %slice3A = vector.extract_strided_slice %add3A_57 {offsets = [0, 0], sizes = [2047, 16], strides = [1, 1]} : vector<2048x16xf32> to vector<2047x16xf32>
    %concatenate3A = tpu.concatenate %broadcast_in_dim3A_74, %slice3A in 0 : vector<1x16xf32>, vector<2047x16xf32> -> vector<2048x16xf32>
    %add3A_75 = arith.addf %add3A_57, %concatenate3A : vector<2048x16xf32>
    %broadcast_in_dim3A_76 = arith.constant 0.000000e+00 : f32
    %broadcast_in_dim3A_77 = vector.broadcast %broadcast_in_dim3A_76 : f32 to vector<2x16xf32>
    %slice3A_78 = vector.extract_strided_slice %add3A_75 {offsets = [0, 0], sizes = [2046, 16], strides = [1, 1]} : vector<2048x16xf32> to vector<2046x16xf32>
    %concatenate3A_79 = tpu.concatenate %broadcast_in_dim3A_77, %slice3A_78 in 0 : vector<2x16xf32>, vector<2046x16xf32> -> vector<2048x16xf32>
    %add3A_80 = arith.addf %add3A_75, %concatenate3A_79 : vector<2048x16xf32>
    %broadcast_in_dim3A_81 = arith.constant 0.000000e+00 : f32
    %broadcast_in_dim3A_82 = vector.broadcast %broadcast_in_dim3A_81 : f32 to vector<4x16xf32>
    %slice3A_83 = vector.extract_strided_slice %add3A_80 {offsets = [0, 0], sizes = [2044, 16], strides = [1, 1]} : vector<2048x16xf32> to vector<2044x16xf32>
    %concatenate3A_84 = tpu.concatenate %broadcast_in_dim3A_82, %slice3A_83 in 0 : vector<4x16xf32>, vector<2044x16xf32> -> vector<2048x16xf32>
    %add3A_85 = arith.addf %add3A_80, %concatenate3A_84 : vector<2048x16xf32>
    %broadcast_in_dim3A_86 = arith.constant 0.000000e+00 : f32
    %broadcast_in_dim3A_87 = vector.broadcast %broadcast_in_dim3A_86 : f32 to vector<8x16xf32>
    %slice3A_88 = vector.extract_strided_slice %add3A_85 {offsets = [0, 0], sizes = [2040, 16], strides = [1, 1]} : vector<2048x16xf32> to vector<2040x16xf32>
    %concatenate3A_89 = tpu.concatenate %broadcast_in_dim3A_87, %slice3A_88 in 0 : vector<8x16xf32>, vector<2040x16xf32> -> vector<2048x16xf32>
    %add3A_90 = arith.addf %add3A_85, %concatenate3A_89 : vector<2048x16xf32>
    %broadcast_in_dim3A_91 = arith.constant 0.000000e+00 : f32
    %broadcast_in_dim3A_92 = vector.broadcast %broadcast_in_dim3A_91 : f32 to vector<16x16xf32>
    %slice3A_93 = vector.extract_strided_slice %add3A_90 {offsets = [0, 0], sizes = [2032, 16], strides = [1, 1]} : vector<2048x16xf32> to vector<2032x16xf32>
    %concatenate3A_94 = tpu.concatenate %broadcast_in_dim3A_92, %slice3A_93 in 0 : vector<16x16xf32>, vector<2032x16xf32> -> vector<2048x16xf32>
    %add3A_95 = arith.addf %add3A_90, %concatenate3A_94 : vector<2048x16xf32>
    %broadcast_in_dim3A_96 = arith.constant 0.000000e+00 : f32
    %broadcast_in_dim3A_97 = vector.broadcast %broadcast_in_dim3A_96 : f32 to vector<32x16xf32>
    %slice3A_98 = vector.extract_strided_slice %add3A_95 {offsets = [0, 0], sizes = [2016, 16], strides = [1, 1]} : vector<2048x16xf32> to vector<2016x16xf32>
    %concatenate3A_99 = tpu.concatenate %broadcast_in_dim3A_97, %slice3A_98 in 0 : vector<32x16xf32>, vector<2016x16xf32> -> vector<2048x16xf32>
    %add3A_100 = arith.addf %add3A_95, %concatenate3A_99 : vector<2048x16xf32>
    %broadcast_in_dim3A_101 = arith.constant 0.000000e+00 : f32
    %broadcast_in_dim3A_102 = vector.broadcast %broadcast_in_dim3A_101 : f32 to vector<64x16xf32>
    %slice3A_103 = vector.extract_strided_slice %add3A_100 {offsets = [0, 0], sizes = [1984, 16], strides = [1, 1]} : vector<2048x16xf32> to vector<1984x16xf32>
    %concatenate3A_104 = tpu.concatenate %broadcast_in_dim3A_102, %slice3A_103 in 0 : vector<64x16xf32>, vector<1984x16xf32> -> vector<2048x16xf32>
    %add3A_105 = arith.addf %add3A_100, %concatenate3A_104 : vector<2048x16xf32>
    %broadcast_in_dim3A_106 = arith.constant 0.000000e+00 : f32
    %broadcast_in_dim3A_107 = vector.broadcast %broadcast_in_dim3A_106 : f32 to vector<128x16xf32>
    %slice3A_108 = vector.extract_strided_slice %add3A_105 {offsets = [0, 0], sizes = [1920, 16], strides = [1, 1]} : vector<2048x16xf32> to vector<1920x16xf32>
    %concatenate3A_109 = tpu.concatenate %broadcast_in_dim3A_107, %slice3A_108 in 0 : vector<128x16xf32>, vector<1920x16xf32> -> vector<2048x16xf32>
    %add3A_110 = arith.addf %add3A_105, %concatenate3A_109 : vector<2048x16xf32>
    %broadcast_in_dim3A_111 = arith.constant 0.000000e+00 : f32
    %broadcast_in_dim3A_112 = vector.broadcast %broadcast_in_dim3A_111 : f32 to vector<256x16xf32>
    %slice3A_113 = vector.extract_strided_slice %add3A_110 {offsets = [0, 0], sizes = [1792, 16], strides = [1, 1]} : vector<2048x16xf32> to vector<1792x16xf32>
    %concatenate3A_114 = tpu.concatenate %broadcast_in_dim3A_112, %slice3A_113 in 0 : vector<256x16xf32>, vector<1792x16xf32> -> vector<2048x16xf32>
    %add3A_115 = arith.addf %add3A_110, %concatenate3A_114 : vector<2048x16xf32>
    %broadcast_in_dim3A_116 = arith.constant 0.000000e+00 : f32
    %broadcast_in_dim3A_117 = vector.broadcast %broadcast_in_dim3A_116 : f32 to vector<512x16xf32>
    %slice3A_118 = vector.extract_strided_slice %add3A_115 {offsets = [0, 0], sizes = [1536, 16], strides = [1, 1]} : vector<2048x16xf32> to vector<1536x16xf32>
    %concatenate3A_119 = tpu.concatenate %broadcast_in_dim3A_117, %slice3A_118 in 0 : vector<512x16xf32>, vector<1536x16xf32> -> vector<2048x16xf32>
    %add3A_120 = arith.addf %add3A_115, %concatenate3A_119 : vector<2048x16xf32>
    %broadcast_in_dim3A_121 = arith.constant 0.000000e+00 : f32
    %broadcast_in_dim3A_122 = vector.broadcast %broadcast_in_dim3A_121 : f32 to vector<1024x16xf32>
    %slice3A_123 = vector.extract_strided_slice %add3A_120 {offsets = [0, 0], sizes = [1024, 16], strides = [1, 1]} : vector<2048x16xf32> to vector<1024x16xf32>
    %concatenate3A_124 = tpu.concatenate %broadcast_in_dim3A_122, %slice3A_123 in 0 : vector<1024x16xf32>, vector<1024x16xf32> -> vector<2048x16xf32>
    %add3A_125 = arith.addf %add3A_120, %concatenate3A_124 : vector<2048x16xf32>
    %sub3A_126 = arith.subf %add3A_125, %add3A_57 : vector<2048x16xf32>
    %add3A_127 = arith.constant 3.190000e+02 : f32
    %add3A_128 = vector.broadcast %add3A_127 : f32 to vector<1x16xf32>
    %add3A_129 = arith.addf %broadcast_in_dim3A_60, %add3A_128 : vector<1x16xf32>
    %div3A_130 = arith.constant 3.200000e+02 : f32
    %div3A_131 = vector.broadcast %div3A_130 : f32 to vector<1x16xf32>
    %div3A_132 = arith.divf %add3A_129, %div3A_131 : vector<1x16xf32>
    %floor3A = math.floor %div3A_132 : vector<1x16xf32>
    %iota3A_133 = tpu.iota {dimensions = array<i32: 0>} : vector<16x16xi32>
    %iota3A_134 = tpu.iota {dimensions = array<i32: 1>} : vector<16x16xi32>
    %lt3A = arith.cmpi slt, %iota3A_133, %iota3A_134 : vector<16x16xi32>
    %convert_element_type3A_135 = arith.extui %lt3A : vector<16x16xi1> to vector<16x16xi32>
    %convert_element_type3A_136 = arith.sitofp %convert_element_type3A_135 : vector<16x16xi32> to vector<16x16xf32>
    %dot_general3A_137 = arith.constant dense<0.000000e+00> : vector<1x16xf32>
    %dot_general3A_138 = tpu.matmul %floor3A, %convert_element_type3A_136, %dot_general3A_137 {dimension_numbers = #tpu.dot_dimension_numbers<[1], [0], [0], [1], [0, 0, 1, 1], [], []>, transpose_lhs_hint = false} : vector<1x16xf32>, vector<16x16xf32>, vector<1x16xf32> -> vector<1x16xf32>
    %add3A_139 = arith.addf %dot_general3A_138, %floor3A : vector<1x16xf32>
    %reduce_sum3A_140 = vector.shape_cast %floor3A : vector<1x16xf32> to vector<1x1x16xf32>
    %reduce_sum3A_141 = arith.constant dense<0.000000e+00> : vector<1xf32>
    %reduce_sum3A_142 = vector.multi_reduction <add>, %reduce_sum3A_140, %reduce_sum3A_141 [1, 2] : vector<1x1x16xf32> to vector<1xf32>
    %reduce_sum3A_143 = vector.shape_cast %reduce_sum3A_142 : vector<1xf32> to vector<1x1x1xf32>
    %reduce_sum3A_144 = vector.extract %reduce_sum3A_143[0, 0, 0] : f32 from vector<1x1x1xf32>
    %convert_element_type3A_145 = arith.fptosi %reduce_sum3A_144 : f32 to i32
    %mul3A_146 = arith.constant 3.200000e+02 : f32
    %mul3A_147 = vector.broadcast %mul3A_146 : f32 to vector<1x16xf32>
    %mul3A_148 = arith.mulf %dot_general3A_138, %mul3A_147 : vector<1x16xf32>
    %add3A_149 = vector.broadcast %mul3A_148 : vector<1x16xf32> to vector<2048x16xf32>
    %add3A_150 = arith.addf %sub3A_126, %add3A_149 : vector<2048x16xf32>
    %jit3A_151 = arith.constant 0.000000e+00 : f32
    %broadcast_in_dim3A_152 = vector.broadcast %jit3A_151 : f32 to vector<2048x16xf32>
    %select_n3A_153 = arith.select %eq3A_23, %add3A_150, %broadcast_in_dim3A_152 : vector<2048x16xi1>, vector<2048x16xf32>
    %reduce_sum3A_154 = arith.constant dense<0.000000e+00> : vector<2048xf32>
    %reduce_sum3A_155 = vector.multi_reduction <add>, %select_n3A_153, %reduce_sum3A_154 [1] : vector<2048x16xf32> to vector<2048xf32>
    %broadcast_in_dim3A_156 = vector.shape_cast %reduce_sum3A_155 : vector<2048xf32> to vector<2048x1xf32>
    %add3A_157 = vector.broadcast %mul3A_148 : vector<1x16xf32> to vector<2048x16xf32>
    %add3A_158 = arith.addf %sub3A_126, %add3A_157 : vector<2048x16xf32>
    %jit3A_159 = arith.constant 0.000000e+00 : f32
    %broadcast_in_dim3A_160 = vector.broadcast %jit3A_159 : f32 to vector<2048x16xf32>
    %select_n3A_161 = arith.select %eq3A_39, %add3A_158, %broadcast_in_dim3A_160 : vector<2048x16xi1>, vector<2048x16xf32>
    %reduce_sum3A_162 = arith.constant dense<0.000000e+00> : vector<2048xf32>
    %reduce_sum3A_163 = vector.multi_reduction <add>, %select_n3A_161, %reduce_sum3A_162 [1] : vector<2048x16xf32> to vector<2048xf32>
    %broadcast_in_dim3A_164 = vector.shape_cast %reduce_sum3A_163 : vector<2048xf32> to vector<2048x1xf32>
    %convert_element_type3A_165 = arith.fptosi %broadcast_in_dim3A_156 : vector<2048x1xf32> to vector<2048x1xi32>
    %swap3A_166 = arith.constant 0 : index
    %swap3A_167 = arith.constant 0 : index
    %swap3A_168 = vector.load %arg3[%swap3A_166, %swap3A_167] : memref<2048x2xi32, #tpu.memory_space<vmem>>, vector<2048x1xi32>
    tpu.vector_store %arg3[%swap3A_166, %swap3A_167], %convert_element_type3A_165 {strides = array<i32>} : memref<2048x2xi32, #tpu.memory_space<vmem>>, vector<2048x1xi32>,
    %convert_element_type3A_169 = arith.fptosi %broadcast_in_dim3A_164 : vector<2048x1xf32> to vector<2048x1xi32>
    %swap3A_170 = arith.constant 0 : index
    %swap3A_171 = arith.constant 1 : index
    %swap3A_172 = vector.load %arg3[%swap3A_170, %swap3A_171] : memref<2048x2xi32, #tpu.memory_space<vmem>>, vector<2048x1xi32>
    tpu.vector_store %arg3[%swap3A_170, %swap3A_171], %convert_element_type3A_169 {strides = array<i32>} : memref<2048x2xi32, #tpu.memory_space<vmem>>, vector<2048x1xi32>,
    %iota3A_173 = tpu.iota {dimensions = array<i32: 0>} : vector<29x16xi32>
    %sub3A_174 = arith.constant 1 : i32
    %sub3A_175 = arith.subi %convert_element_type3A_145, %sub3A_174 : i32
    %min3A = vector.broadcast %sub3A_175 : i32 to vector<29x16xi32>
    %min3A_176 = arith.minsi %iota3A_173, %min3A : vector<29x16xi32>
    %convert_element_type3A_177 = arith.fptosi %add3A_139 : vector<1x16xf32> to vector<1x16xi32>
    %ge3A = vector.broadcast %convert_element_type3A_177 : vector<1x16xi32> to vector<29x16xi32>
    %ge3A_178 = arith.cmpi sge, %min3A_176, %ge3A : vector<29x16xi32>
    %convert_element_type3A_179 = arith.extui %ge3A_178 : vector<29x16xi1> to vector<29x16xi32>
    %reduce_sum3A_180 = arith.constant dense<0> : vector<29xi32>
    %reduce_sum3A_181 = vector.multi_reduction <add>, %convert_element_type3A_179, %reduce_sum3A_180 [1] : vector<29x16xi32> to vector<29xi32>
    %broadcast_in_dim3A_182 = vector.shape_cast %reduce_sum3A_181 : vector<29xi32> to vector<29x1xi32>
    %swap3A_183 = arith.constant 0 : index
    %swap3A_184 = arith.constant 0 : index
    %swap3A_185 = vector.load %arg5[%swap3A_183, %swap3A_184] : memref<29x1xi32, #tpu.memory_space<vmem>>, vector<29x1xi32>
    tpu.vector_store %arg5[%swap3A_183, %swap3A_184], %broadcast_in_dim3A_182 {strides = array<i32>} : memref<29x1xi32, #tpu.memory_space<vmem>>, vector<29x1xi32>,
    %iota3A_186 = tpu.iota {dimensions = array<i32: 0>} : vector<29x1xi32>
    %sub3A_187 = arith.constant 1 : i32
    %sub3A_188 = arith.subi %convert_element_type3A_145, %sub3A_187 : i32
    %min3A_189 = vector.broadcast %sub3A_188 : i32 to vector<29x1xi32>
    %min3A_190 = arith.minsi %iota3A_186, %min3A_189 : vector<29x1xi32>
    %swap3A_191 = arith.constant 0 : index
    %swap3A_192 = arith.constant 0 : index
    %swap3A_193 = vector.load %arg6[%swap3A_191, %swap3A_192] : memref<29x1xi32, #tpu.memory_space<vmem>>, vector<29x1xi32>
    tpu.vector_store %arg6[%swap3A_191, %swap3A_192], %min3A_190 {strides = array<i32>} : memref<29x1xi32, #tpu.memory_space<vmem>>, vector<29x1xi32>,
    return
  }
}

module attributes {stable_mosaic.version = 14 : i64} {
  func.func @_gmm_body(%arg0: i32, %arg1: memref<29xi32, #tpu.memory_space<smem>>, %arg2: memref<29xi32, #tpu.memory_space<smem>>, %arg3: memref<320x768xf32, #tpu.memory_space<vmem>>, %arg4: memref<1x768x2048xf32, #tpu.memory_space<vmem>>, %arg5: memref<1x1x2048xf32, #tpu.memory_space<vmem>>, %arg6: memref<1x2048x768xf32, #tpu.memory_space<vmem>>, %arg7: memref<1x1x768xf32, #tpu.memory_space<vmem>>, %arg8: memref<1x2048xi32, #tpu.memory_space<vmem>>, %arg9: memref<1x2048xi32, #tpu.memory_space<vmem>>, %arg10: memref<2048x1xf32, #tpu.memory_space<vmem>>, %arg11: memref<2048x1xf32, #tpu.memory_space<vmem>>, %arg12: memref<320x768xf32, #tpu.memory_space<vmem>>) attributes {dimension_semantics = [#tpu.dimension_semantics<arbitrary>], iteration_bounds = array<i64: 29>, scalar_prefetch = 2 : i64, scratch_operands = 0 : i64, tpu.core_type = #tpu.core_type<tc>, window_params = [{transform_indices = @transform_0, window_bounds = array<i64: 320, 768>}, {transform_indices = @transform_1, window_bounds = array<i64: 1, 768, 2048>}, {transform_indices = @transform_2, window_bounds = array<i64: 1, 1, 2048>}, {transform_indices = @transform_3, window_bounds = array<i64: 1, 2048, 768>}, {transform_indices = @transform_4, window_bounds = array<i64: 1, 1, 768>}, {pipeline_mode = #tpu.pipeline_mode<synchronous>, transform_indices = @transform_5, window_bounds = array<i64: 1, 2048>}, {pipeline_mode = #tpu.pipeline_mode<synchronous>, transform_indices = @transform_6, window_bounds = array<i64: 1, 2048>}, {pipeline_mode = #tpu.pipeline_mode<synchronous>, transform_indices = @transform_7, window_bounds = array<i64: 2048, 1>}, {pipeline_mode = #tpu.pipeline_mode<synchronous>, transform_indices = @transform_8, window_bounds = array<i64: 2048, 1>}, {transform_indices = @transform_9, window_bounds = array<i64: 320, 768>}]} {
    %get3A = arith.index_cast %arg0 : i32 to index
    %get3A_0 = memref.load %arg2[%get3A] : memref<29xi32, #tpu.memory_space<smem>>
    %eq3A = arith.cmpi eq, %get3A_0, %arg0 : i32
    %convert_element_type3A = arith.extui %eq3A : i1 to i32
    %cond3A = arith.constant 0 : i32
    %cond3A_1 = arith.cmpi ne, %convert_element_type3A, %cond3A : i32
    scf.if %cond3A_1 {
      %get3A_2 = arith.constant 0 : index
      %get3A_3 = arith.constant 0 : index
      %get3A_4 = vector.load %arg3[%get3A_2, %get3A_3] : memref<320x768xf32, #tpu.memory_space<vmem>>, vector<320x768xf32>
      %get3A_5 = arith.constant 0 : index
      %get3A_6 = arith.constant 0 : index
      %get3A_7 = arith.constant 0 : index
      %get3A_8 = vector.load %arg4[%get3A_5, %get3A_6, %get3A_7] : memref<1x768x2048xf32, #tpu.memory_space<vmem>>, vector<1x768x2048xf32>
      %get3A_9 = vector.shape_cast %get3A_8 : vector<1x768x2048xf32> to vector<768x2048xf32>
      %dot_general3A = arith.constant dense<0.000000e+00> : vector<320x2048xf32>
      %dot_general3A_10 = tpu.matmul %get3A_4, %get3A_9, %dot_general3A {dimension_numbers = #tpu.dot_dimension_numbers<[1], [0], [0], [1], [0, 0, 1, 1], [], []>, transpose_lhs_hint = false} : vector<320x768xf32>, vector<768x2048xf32>, vector<320x2048xf32> -> vector<320x2048xf32>
      %get3A_11 = arith.constant 0 : index
      %get3A_12 = arith.constant 0 : index
      %get3A_13 = arith.constant 0 : index
      %get3A_14 = vector.load %arg5[%get3A_11, %get3A_12, %get3A_13] : memref<1x1x2048xf32, #tpu.memory_space<vmem>>, vector<1x1x2048xf32>
      %get3A_15 = vector.shape_cast %get3A_14 : vector<1x1x2048xf32> to vector<1x2048xf32>
      %add3A = vector.broadcast %get3A_15 : vector<1x2048xf32> to vector<320x2048xf32>
      %add3A_16 = arith.addf %dot_general3A_10, %add3A : vector<320x2048xf32>
      %max3A = arith.constant 0.000000e+00 : f32
      %max3A_17 = vector.broadcast %max3A : f32 to vector<320x2048xf32>
      %max3A_18 = arith.maximumf %add3A_16, %max3A_17 : vector<320x2048xf32>
      %get3A_19 = arith.constant 0 : index
      %get3A_20 = arith.constant 0 : index
      %get3A_21 = arith.constant 0 : index
      %get3A_22 = vector.load %arg6[%get3A_19, %get3A_20, %get3A_21] : memref<1x2048x768xf32, #tpu.memory_space<vmem>>, vector<1x2048x768xf32>
      %get3A_23 = vector.shape_cast %get3A_22 : vector<1x2048x768xf32> to vector<2048x768xf32>
      %dot_general3A_24 = arith.constant dense<0.000000e+00> : vector<320x768xf32>
      %dot_general3A_25 = tpu.matmul %max3A_18, %get3A_23, %dot_general3A_24 {dimension_numbers = #tpu.dot_dimension_numbers<[1], [0], [0], [1], [0, 0, 1, 1], [], []>, transpose_lhs_hint = false} : vector<320x2048xf32>, vector<2048x768xf32>, vector<320x768xf32> -> vector<320x768xf32>
      %mul3A = arith.constant 320 : i32
      %mul3A_26 = arith.muli %arg0, %mul3A : i32
      %iota3A = tpu.iota {dimensions = array<i32: 0>} : vector<320x1xi32>
      %add3A_27 = vector.broadcast %mul3A_26 : i32 to vector<320x1xi32>
      %add3A_28 = arith.addi %add3A_27, %iota3A : vector<320x1xi32>
      %get3A_29 = arith.constant 0 : index
      %get3A_30 = arith.constant 0 : index
      %get3A_31 = vector.load %arg8[%get3A_29, %get3A_30] : memref<1x2048xi32, #tpu.memory_space<vmem>>, vector<1x2048xi32>
      %eq3A_32 = vector.broadcast %get3A_31 : vector<1x2048xi32> to vector<320x2048xi32>
      %eq3A_33 = vector.broadcast %add3A_28 : vector<320x1xi32> to vector<320x2048xi32>
      %eq3A_34 = arith.cmpi eq, %eq3A_32, %eq3A_33 : vector<320x2048xi32>
      %convert_element_type3A_35 = arith.extui %eq3A_34 : vector<320x2048xi1> to vector<320x2048xi32>
      %convert_element_type3A_36 = arith.sitofp %convert_element_type3A_35 : vector<320x2048xi32> to vector<320x2048xf32>
      %get3A_37 = arith.constant 0 : index
      %get3A_38 = arith.constant 0 : index
      %get3A_39 = vector.load %arg9[%get3A_37, %get3A_38] : memref<1x2048xi32, #tpu.memory_space<vmem>>, vector<1x2048xi32>
      %eq3A_40 = vector.broadcast %get3A_39 : vector<1x2048xi32> to vector<320x2048xi32>
      %eq3A_41 = vector.broadcast %add3A_28 : vector<320x1xi32> to vector<320x2048xi32>
      %eq3A_42 = arith.cmpi eq, %eq3A_40, %eq3A_41 : vector<320x2048xi32>
      %convert_element_type3A_43 = arith.extui %eq3A_42 : vector<320x2048xi1> to vector<320x2048xi32>
      %convert_element_type3A_44 = arith.sitofp %convert_element_type3A_43 : vector<320x2048xi32> to vector<320x2048xf32>
      %get3A_45 = arith.constant 0 : index
      %get3A_46 = arith.constant 0 : index
      %get3A_47 = vector.load %arg10[%get3A_45, %get3A_46] : memref<2048x1xf32, #tpu.memory_space<vmem>>, vector<2048x1xf32>
      %dot_general3A_48 = arith.constant dense<0.000000e+00> : vector<320x1xf32>
      %dot_general3A_49 = tpu.matmul %convert_element_type3A_36, %get3A_47, %dot_general3A_48 {dimension_numbers = #tpu.dot_dimension_numbers<[1], [0], [0], [1], [0, 0, 1, 1], [], []>, transpose_lhs_hint = false} : vector<320x2048xf32>, vector<2048x1xf32>, vector<320x1xf32> -> vector<320x1xf32>
      %get3A_50 = arith.constant 0 : index
      %get3A_51 = arith.constant 0 : index
      %get3A_52 = vector.load %arg11[%get3A_50, %get3A_51] : memref<2048x1xf32, #tpu.memory_space<vmem>>, vector<2048x1xf32>
      %dot_general3A_53 = arith.constant dense<0.000000e+00> : vector<320x1xf32>
      %dot_general3A_54 = tpu.matmul %convert_element_type3A_44, %get3A_52, %dot_general3A_53 {dimension_numbers = #tpu.dot_dimension_numbers<[1], [0], [0], [1], [0, 0, 1, 1], [], []>, transpose_lhs_hint = false} : vector<320x2048xf32>, vector<2048x1xf32>, vector<320x1xf32> -> vector<320x1xf32>
      %add3A_55 = arith.addf %dot_general3A_49, %dot_general3A_54 : vector<320x1xf32>
      %get3A_56 = arith.constant 0 : index
      %get3A_57 = arith.constant 0 : index
      %get3A_58 = arith.constant 0 : index
      %get3A_59 = vector.load %arg7[%get3A_56, %get3A_57, %get3A_58] : memref<1x1x768xf32, #tpu.memory_space<vmem>>, vector<1x1x768xf32>
      %get3A_60 = vector.shape_cast %get3A_59 : vector<1x1x768xf32> to vector<1x768xf32>
      %add3A_61 = vector.broadcast %get3A_60 : vector<1x768xf32> to vector<320x768xf32>
      %add3A_62 = arith.addf %dot_general3A_25, %add3A_61 : vector<320x768xf32>
      %mul3A_63 = vector.broadcast %add3A_55 : vector<320x1xf32> to vector<320x768xf32>
      %mul3A_64 = arith.mulf %add3A_62, %mul3A_63 : vector<320x768xf32>
      %swap3A = arith.constant 0 : index
      %swap3A_65 = arith.constant 0 : index
      %swap3A_66 = vector.load %arg12[%swap3A, %swap3A_65] : memref<320x768xf32, #tpu.memory_space<vmem>>, vector<320x768xf32>
      tpu.vector_store %arg12[%swap3A, %swap3A_65], %mul3A_64 {strides = array<i32>} : memref<320x768xf32, #tpu.memory_space<vmem>>, vector<320x768xf32>,
    } else {
    }
    return
  }
  func.func @transform_0(%arg0: i32, %arg1: memref<29xi32, #tpu.memory_space<smem>>, %arg2: memref<29xi32, #tpu.memory_space<smem>>) -> (i32, i32) {
    %get3A = arith.index_cast %arg0 : i32 to index
    %get3A_0 = memref.load %arg2[%get3A] : memref<29xi32, #tpu.memory_space<smem>>
    %c0_i32 = arith.constant 0 : i32
    %c0_i32_1 = arith.constant 0 : i32
    return %get3A_0, %c0_i32 : i32, i32
  }
  func.func @transform_1(%arg0: i32, %arg1: memref<29xi32, #tpu.memory_space<smem>>, %arg2: memref<29xi32, #tpu.memory_space<smem>>) -> (i32, i32, i32) {
    %get3A = arith.index_cast %arg0 : i32 to index
    %get3A_0 = memref.load %arg1[%get3A] : memref<29xi32, #tpu.memory_space<smem>>
    %c0_i32 = arith.constant 0 : i32
    %c0_i32_1 = arith.constant 0 : i32
    %c0_i32_2 = arith.constant 0 : i32
    return %get3A_0, %c0_i32, %c0_i32_1 : i32, i32, i32
  }
  func.func @transform_2(%arg0: i32, %arg1: memref<29xi32, #tpu.memory_space<smem>>, %arg2: memref<29xi32, #tpu.memory_space<smem>>) -> (i32, i32, i32) {
    %get3A = arith.index_cast %arg0 : i32 to index
    %get3A_0 = memref.load %arg1[%get3A] : memref<29xi32, #tpu.memory_space<smem>>
    %c0_i32 = arith.constant 0 : i32
    %c0_i32_1 = arith.constant 0 : i32
    %c0_i32_2 = arith.constant 0 : i32
    return %get3A_0, %c0_i32, %c0_i32_1 : i32, i32, i32
  }
  func.func @transform_3(%arg0: i32, %arg1: memref<29xi32, #tpu.memory_space<smem>>, %arg2: memref<29xi32, #tpu.memory_space<smem>>) -> (i32, i32, i32) {
    %get3A = arith.index_cast %arg0 : i32 to index
    %get3A_0 = memref.load %arg1[%get3A] : memref<29xi32, #tpu.memory_space<smem>>
    %c0_i32 = arith.constant 0 : i32
    %c0_i32_1 = arith.constant 0 : i32
    %c0_i32_2 = arith.constant 0 : i32
    return %get3A_0, %c0_i32, %c0_i32_1 : i32, i32, i32
  }
  func.func @transform_4(%arg0: i32, %arg1: memref<29xi32, #tpu.memory_space<smem>>, %arg2: memref<29xi32, #tpu.memory_space<smem>>) -> (i32, i32, i32) {
    %get3A = arith.index_cast %arg0 : i32 to index
    %get3A_0 = memref.load %arg1[%get3A] : memref<29xi32, #tpu.memory_space<smem>>
    %c0_i32 = arith.constant 0 : i32
    %c0_i32_1 = arith.constant 0 : i32
    %c0_i32_2 = arith.constant 0 : i32
    return %get3A_0, %c0_i32, %c0_i32_1 : i32, i32, i32
  }
  func.func @transform_5(%arg0: i32, %arg1: memref<29xi32, #tpu.memory_space<smem>>, %arg2: memref<29xi32, #tpu.memory_space<smem>>) -> (i32, i32) {
    %c0_i32 = arith.constant 0 : i32
    %c0_i32_0 = arith.constant 0 : i32
    %c0_i32_1 = arith.constant 0 : i32
    return %c0_i32, %c0_i32_0 : i32, i32
  }
  func.func @transform_6(%arg0: i32, %arg1: memref<29xi32, #tpu.memory_space<smem>>, %arg2: memref<29xi32, #tpu.memory_space<smem>>) -> (i32, i32) {
    %c0_i32 = arith.constant 0 : i32
    %c0_i32_0 = arith.constant 0 : i32
    %c0_i32_1 = arith.constant 0 : i32
    return %c0_i32, %c0_i32_0 : i32, i32
  }
  func.func @transform_7(%arg0: i32, %arg1: memref<29xi32, #tpu.memory_space<smem>>, %arg2: memref<29xi32, #tpu.memory_space<smem>>) -> (i32, i32) {
    %c0_i32 = arith.constant 0 : i32
    %c0_i32_0 = arith.constant 0 : i32
    %c0_i32_1 = arith.constant 0 : i32
    return %c0_i32, %c0_i32_0 : i32, i32
  }
  func.func @transform_8(%arg0: i32, %arg1: memref<29xi32, #tpu.memory_space<smem>>, %arg2: memref<29xi32, #tpu.memory_space<smem>>) -> (i32, i32) {
    %c0_i32 = arith.constant 0 : i32
    %c0_i32_0 = arith.constant 0 : i32
    %c0_i32_1 = arith.constant 0 : i32
    return %c0_i32, %c0_i32_0 : i32, i32
  }
  func.func @transform_9(%arg0: i32, %arg1: memref<29xi32, #tpu.memory_space<smem>>, %arg2: memref<29xi32, #tpu.memory_space<smem>>) -> (i32, i32) {
    %get3A = arith.index_cast %arg0 : i32 to index
    %get3A_0 = memref.load %arg2[%get3A] : memref<29xi32, #tpu.memory_space<smem>>
    %c0_i32 = arith.constant 0 : i32
    %c0_i32_1 = arith.constant 0 : i32
    return %get3A_0, %c0_i32 : i32, i32
  }
}

</mosaic_0001>

<sc_bundles>
// kernel: kernel.6.cloned.1.call-start
scs
__scs_entry_jumppad:
0x0: {  	(pc) =	sbr.rel $0x88, $3  }
0x1: {  	(tag) =	ssettag $0x0;
	lr =	simm.s32 $0x1  }
0x2: {  	[smem:$0x3F9A] =	sst lr;
	_ =	strace $0xD0000000  }
0x3: {  	_ = 	snop  }
0x4: {  	_ = 	snop  }
0x5: {  	_ = 	snop  }
0x6: {  	_ = 	snop  }
0x7: {  	_ = 	snop  }
__scs_overlays_trampoline_lowered:
0x8: {  	[smem:$0x3FA9] =	sst s0  }
0x9: {  	[smem:$0x3FAA] =	sst s1  }
0xa: {  	[smem:$0x3FAB] =	sst s2  }
0xb: {  	[smem:$0x3FAC] =	sst s3  }
0xc: {  	[smem:$0x3FAD] =	sst s4  }
0xd: {  	[smem:$0x3FAE] =	sst s5  }
0xe: {  	[smem:$0x3FAF] =	sst s6  }
0xf: {  	[smem:$0x3FB0] =	sst s7  }
0x10: {  	[smem:$0x3FB1] =	sst s8  }
0x11: {  	[smem:$0x3FB2] =	sst s9;
	s0 =	simm.s32 @!p0 $0x0  }
0x12: {  	s1 =	sld [smem:$0x3F98];
	s0 =	simm.s32 @p0 $0x1  }
0x13: {  	[smem:$0x3FB3] =	sst s0;
	s0 =	simm.s32 @!p1 $0x0  }
0x14: {  	s2 =	sld [smem:$0x3F97];
	s0 =	simm.s32 @p1 $0x1  }
0x15: {  	[smem:$0x3FB4] =	sst s0;
	s0 =	simm.s32 @!p2 $0x0  }
0x16: {  	s3 =	sld [smem:$0x3FDB];
	s0 =	simm.s32 @p2 $0x1  }
0x17: {  	s4 =	simm.s32 $0x1BF5;
	[smem:$0x3FB6] =	sst s0  }
0x18: {  	s0 =	sld [smem:$0x3F99];
	_ =	swait.ge [sflag:s4], $0x0  }
0x19: {  	s7 =	sld [smem:$0x3F9A]  }
0x1a: {  	s8 =	sadd.s32 $0xFFFFE003, lr  }
0x1b: {  	s9 =	sadd.s32 $0xFFFFFEF7, lr;
	s5 =	simm.s32 $0xFFFFFFFF;
	p2 =	slt.u32 s8, $0xFFFFF086  }
0x1c: {  	p1 =	slt.u32 s9, $0xF7A;
	s5 =	simm.s32 @!p2 $0x0  }
0x1d: {  	s5 =	simm.s32 @p1 $0x1;
	p0 =	seq.s32 s7, s2  }
0x1e: {  	s7 =	smul.u32 @!p0 $0xF7A, s2;
	p2 =	seq.s32 @!p0 s5, $0x0  }
0x1f: {  	s9 =	smul.u32 $0xF7A, s1;
	s8 =	simm.s32 @!p0 $0x1BF5;
	p2 =	por !p2, p0  }
0x20: {  	[sflag:s8] =	ssyncset.s32 @!p0 $0xFFFFF086;
	s6 =	sadd.s32 @!p0 s3, s7;
	s7 =	simm.s32 @!p0 $0x108  }
0x21: {  	s3 =	sadd.s32 s3, s9;
	s6 =	sadd.s32 @!p0 $0x88, s6;
	s7 =	simm.s32 @p2 $0x1082  }
0x22: {  	[simem:s7], [sflag:s8] =	dma.local @!p0 [hbm:s6], $0xF7A  }
0x23: {  	s9 =	sor.u32 $0xD0000000, s2;
	s6 =	simm.s32 $0x108;
	_ =	swait.ge @!p0 [sflag:s8], $0x0  }
0x24: {  	s3 =	sadd.s32 $0x88, s3;
	s6 =	simm.s32 @!p1 $0x1082;
	[sflag:s4] =	ssyncset.s32 $0xFFFFF086  }
0x25: {  	[simem:s6], [sflag:s4] =	dma.local [hbm:s3], $0xF7A  }
0x26: {  	[smem:$0x3F9A] =	sst s1;
	(tag) =	ssettag s2;
	_ =	strace s9  }
0x27: {  	s1 =	sld [smem:$0x3FAA]  }
0x28: {  	s2 =	sld [smem:$0x3FAB]  }
0x29: {  	s4 =	sld [smem:$0x3FAD]  }
0x2a: {  	p0 =	seq.s32 s5, $0x0;
	s5 =	sld [smem:$0x3FAE]  }
0x2b: {  	s6 =	sld [smem:$0x3FAF]  }
0x2c: {  	s7 =	sld [smem:$0x3FB0]  }
0x2d: {  	s3 =	simm.s32 $0x108;
	s8 =	sld [smem:$0x3FB1]  }
0x2e: {  	s3 =	simm.s32 @!p0 $0x1082;
	s9 =	sld [smem:$0x3FB2]  }
0x2f: {  	lr =	sadd.s32 s0, s3;
	s0 =	sld [smem:$0x3FA9]  }
0x30: {  	s3 =	sld [smem:$0x3FAC]  }
0x31: {  	[smem:$0x3FB5] =	sst s10  }
0x32: {  	s10 =	sld [smem:$0x3FB3];
	_ =	sdelay $0x3  }
0x33: {  	p0 =	seq.s32 s10, $0x1;
	s10 =	sld [smem:$0x3FB5];
	_ =	sdelay $0x3  }
0x34: {  	[smem:$0x3FB5] =	sst s10  }
0x35: {  	s10 =	sld [smem:$0x3FB4];
	_ =	sdelay $0x3  }
0x36: {  	p1 =	seq.s32 s10, $0x1;
	s10 =	sld [smem:$0x3FB5];
	_ =	sdelay $0x3  }
0x37: {  	[smem:$0x3FB5] =	sst s10  }
0x38: {  	s10 =	sld [smem:$0x3FB6]  }
0x39: {  	_ = 	snop;
	(pc) =	sbr.ind lr, $3  }
0x3a: {  	_ = 	snop  }
0x3b: {  	_ = 	snop  }
0x3c: {  	p2 =	seq.s32 s10, $0x1;
	s10 =	sld [smem:$0x3FB5]  }
0x3d: {  	_ =	shalt  }
0x3e: {  	_ =	shalt  }
0x3f: {  	_ =	shalt  }
0x40: {  	_ =	shalt  }
0x41: {  	_ =	shalt  }
0x42: {  	_ =	shalt  }
0x43: {  	_ =	shalt  }
0x44: {  	_ =	shalt  }
0x45: {  	_ =	shalt  }
0x46: {  	_ =	shalt  }
0x47: {  	_ =	shalt  }
0x48: {  	_ =	shalt  }
0x49: {  	_ =	shalt  }
0x4a: {  	_ =	shalt  }
0x4b: {  	_ =	shalt  }
0x4c: {  	_ =	shalt  }
0x4d: {  	_ =	shalt  }
0x4e: {  	_ =	shalt  }
0x4f: {  	_ =	shalt  }
0x50: {  	_ =	shalt  }
0x51: {  	_ =	shalt  }
0x52: {  	_ =	shalt  }
0x53: {  	_ =	shalt  }
0x54: {  	_ =	shalt  }
0x55: {  	_ =	shalt  }
0x56: {  	_ =	shalt  }
0x57: {  	_ =	shalt  }
0x58: {  	_ =	shalt  }
0x59: {  	_ =	shalt  }
0x5a: {  	_ =	shalt  }
0x5b: {  	_ =	shalt  }
0x5c: {  	_ =	shalt  }
0x5d: {  	_ =	shalt  }
0x5e: {  	_ =	shalt  }
0x5f: {  	_ =	shalt  }
0x60: {  	_ =	shalt  }
0x61: {  	_ =	shalt  }
0x62: {  	_ =	shalt  }
0x63: {  	_ =	shalt  }
0x64: {  	_ =	shalt  }
0x65: {  	_ =	shalt  }
0x66: {  	_ =	shalt  }
0x67: {  	_ =	shalt  }
0x68: {  	_ =	shalt  }
0x69: {  	_ =	shalt  }
0x6a: {  	_ =	shalt  }
0x6b: {  	_ =	shalt  }
0x6c: {  	_ =	shalt  }
0x6d: {  	_ =	shalt  }
0x6e: {  	_ =	shalt  }
0x6f: {  	_ =	shalt  }
0x70: {  	_ =	shalt  }
0x71: {  	_ =	shalt  }
0x72: {  	_ =	shalt  }
0x73: {  	_ =	shalt  }
0x74: {  	_ =	shalt  }
0x75: {  	_ =	shalt  }
0x76: {  	_ =	shalt  }
0x77: {  	_ =	shalt  }
0x78: {  	_ =	shalt  }
0x79: {  	_ =	shalt  }
0x7a: {  	_ =	shalt  }
0x7b: {  	_ =	shalt  }
0x7c: {  	_ =	shalt  }
0x7d: {  	_ =	shalt  }
0x7e: {  	_ =	shalt  }
0x7f: {  	_ =	shalt  }
0x80: {  	_ =	shalt  }
0x81: {  	_ =	shalt  }
0x82: {  	_ =	shalt  }
0x83: {  	_ =	shalt  }
0x84: {  	_ =	shalt  }
0x85: {  	_ =	shalt  }
0x86: {  	_ =	shalt  }
0x87: {  	_ =	shalt  }
.Lfunc_end0:
.L_simem_size_0:
called_computation_lowered:
.L_overlay_start_0:
0x88: {  	s2 =	sld [smem:$0x3FD9]  }
0x89: {  	s3 =	sld [smem:$0x3FFE];
	_ =	sdelay $0x1  }
0x8a: {  	s1 =	srdreg.scid  }
0x8b: {  	s0 =	sand.u32 $0x1, s1  }
0x8c: {  	s17 =	sshll.u32 s0, $0xA;
	s2 =	sadd.s32 s3, s2  }
0x8d: {  	s2 =	sadd.s32 s2, s17  }
0x8e: {  	[smem:$0x3FC1] =	sst s2  }
0x8f: {  	_ = 	snop  }
0x90: {  	s2 =	sld [smem:$0x3FC9];
	(tm) =	ssettm $0x1  }
0x91: {  	s18 =	sld [smem:$0x3FFB];
	_ =	sdelay $0x3  }
0x92: {  	_ =	strace s18  }
0x93: {  	s3 =	sld [smem:$0x3FFC];
	_ =	sdelay $0x3  }
0x94: {  	_ =	strace s3  }
0x95: {  	s3 =	sld [smem:$0x3FFD];
	_ =	sdelay $0x3  }
0x96: {  	_ =	strace s3  }
0x97: {  	_ =	strace $0x8FFFFFFF  }
0x98: {  	s19 =	sld [smem:$0x3FDB];
	_ =	sdelay $0x1  }
0x99: {  	s4 =	simm.s32 $_scs_section_size  }
0x9a: {  	s5 =	simm.s32 $_size__tile_overlayer_lowered;
	s6 =	simm.s32 $_tile_overlayer_lowered  }
0x9b: {  	s22 =	simm.s32 $0x1BFF;
	s21 =	sshll.u32 s6, $0x1;
	s3 =	sadd.s32 s4, s19  }
0x9c: {  	s7 =	simm.s32 $0x0;
	s20 =	sshll.u32 s5, $0x1;
	s5 =	sadd.s32 s21, s3  }
0x9d: {  	[timem:s7], [sflag:s22] =	dma.local [hbm:s5], s20  }
0x9e: {  	_ =	swait.ge [sflag:s22], s20  }
0x9f: {  	s4 =	ssub.s32 $0x0, s20;
	[sflag:s22] =	ssyncset.done $0x0  }
0xa0: {  	[sflag:s22] =	ssyncadd.s32 s4;
	_ =	sdelay $0x1  }
0xa1: {  	s23 =	simm.s32 $0x1B8B  }
0xa2: {  	_ =	swait.ge [sflag:s23], $0x1  }
0xa3: {  	[sflag:s23] =	ssyncset.done $0x0  }
0xa4: {  	s25 =	simm.s32 $0x1B8E;
	s24 =	sld [smem:$0x3FFE];
	[sflag:s23] =	ssyncadd.s32 $0xFFFFFFFF  }
0xa5: {  	s26 =	simm.s32 $execute0_lowered;
	[smem:$0x3FD2] =	sst s25  }
0xa6: {  	s5 =	sshll.u32 s26, $0x1;
	_ =	strace $0x80000046;
	[dreg:$0x1] =	wrdreg $0xFFFFFFFF  }
0xa7: {  	s28 =	simm.s32 $_size_execute0_lowered;
	s3 =	sadd.s32 s3, s5;
	[dreg:$0x0] =	wrdreg $0x0  }
0xa8: {  	s5 =	sshll.u32 s28, $0x1;
	[dreg:$0x2] =	wrdreg s3  }
0xa9: {  	[dreg:$0x3] =	wrdreg s5  }
0xaa: {  	[dreg:$0x4] =	wrdreg $0xC0  }
0xab: {  	_ =	task [dreg:s7], $0x5FFFF  }
0xac: {  	[dreg:$0x1] =	wrdreg $0xFFFFFFFF  }
0xad: {  	[dreg:$0x0] =	wrdreg $0x60  }
0xae: {  	[dreg:$0x2] =	wrdreg s2  }
0xaf: {  	[dreg:$0x3] =	wrdreg s24  }
0xb0: {  	[dreg:$0x4] =	wrdreg $0x9  }
0xb1: {  	_ =	task.clear_ibuf [dreg:s7], $0x5FFFF;
	_ =	strace $0x90000046  }
0xb2: {  	s29 =	simm.s32 $0x9;
	_ =	strace $0x80000048  }
0xb3: {  	_ =	swait.ge [sflag:s29], $0x1  }
0xb4: {  	[sflag:s29] =	ssyncadd.s32 $0xFFFFFFFF  }
0xb5: {  	_ =	strace $0x90000048  }
0xb6: {  	_ =	sfence  }
0xb7: {  	s30 =	sld [smem:$0x0];
	_ =	sdelay $0x2  }
0xb8: {  	s31 =	sshll.u32 s1, $0xD;
	s1 =	sshrl.u32 s1, $0x2  }
0xb9: {  	s3 =	sand.u32 $0x4000, s31;
	s1 =	sadd.s32 s1, s30  }
0xba: {  	s0 =	sor.u32 s3, s0;
	s1 =	sshll.u32 s1, $0x11  }
0xbb: {  	s0 =	sor.u32 s1, s0  }
0xbc: {  	s0 =	sadd.s32 $0x8F2B, s0  }
0xbd: {  	[sflag:s0] =	ssyncadd.remote.s32 $0x1  }
0xbe: {  	_ =	sfence.sel $0xFFFF  }
0xbf: {  	[dreg:$0x0] =	wrdreg $0xFFFFFFFF;
	(pc) =	sbr.abs _section_cstart, $3  }
0xc0: {  	[dreg:$0x1] =	wrdreg $0xFFFFFFFF  }
0xc1: {  	_ =	task.clear_ibuf [dreg:s7], $0x2FFFF;
	_ =	strace $0x9FFFFFFF  }
0xc2: {  	(tm) =	ssettm $0x7FFFFFFF  }
0xc3: {  	_ =	shalt  }
tec
execute0_lowered:
.L_overlay_start_1:
0x0: {  	(tag) =	ssettag $0x1  }
0x1: {  	s0 =	rddreg [dreg:$0x0]  }
0x2: {  	s1 =	rddreg [dreg:$0x1]  }
0x3: {  	s2 =	srdreg.scid;
	s3 =	stileid.u32  }
0x4: {  	s26 =	simm.s32 $0x80;
	s8 =	simm.s32 $0x100;
	s11 =	simm.s32 $0x1900  }
0x5: {  	s12 =	simm.s32 $0x2100;
	s13 =	simm.s32 $0x2900;
	s14 =	simm.s32 $0x3100  }
0x6: {  	s15 =	simm.s32 $0x3900;
	s16 =	simm.s32 $0x4100;
	s17 =	simm.s32 $0x4900  }
0x7: {  	s18 =	simm.s32 $0x5100;
	s19 =	simm.s32 $0x5900;
	s20 =	simm.s32 $0x6100  }
0x8: {  	s21 =	simm.s32 $0x6900;
	s22 =	simm.s32 $0x7100;
	s23 =	simm.s32 $0x7900  }
0x9: {  	s28 =	simm.s32 $0x9900;
	s29 =	simm.s32 $0xA100;
	s30 =	simm.s32 $0xA900  }
0xa: {  	s31 =	simm.s32 $0xB100;
	s4 =	sand.u32 $0x1, s2;
	s2 =	simm.s32 $0x0  }
0xb: {  	s3 =	sshll.u32 s3, $0x4;
	s5 =	sshll.u32 s4, $0x3;
	[smem:$0x7FF] =	sst s2  }
0xc: {  	s4 =	ssub.s32 $0x2, s4;
	s5 =	sor.u32 s5, s3;
	_ =	strace $0x80000047  }
0xd: {  	s3 =	sadd.s32 $0x800, s1;
	s24 =	sshrl.u32 s4, $0x1;
	[dreg:$0x6] =	wrdreg s26  }
0xe: {  	s26 =	simm.s32 $0x9100;
	s6 =	sadd.s32 s5, s1;
	s5 =	smul.u32 $0x300, s5  }
0xf: {  	s25 =	ssub.s32 s4, s24;
	s4 =	sadd.s32 $0x900, s1;
	s7 =	sadd.s32 $0x600, s6  }
0x10: {  	s24 =	simm.s32 $0x8100;
	s6 =	sadd.s32 $0x400, s6;
	[dreg:$0x3] =	wrdreg s7  }
0x11: {  	v2 =	vlaneseq.u32;
	[dreg:$0x4] =	wrdreg s6;
	s0 =	sadd.s32 s0, s5;
	s5 =	sadd.s32 $0xA00, s1  }
0x12: {  	vm0 =	vmmov $0xffff;
	v1 =	vshrl.u32 v2, $0x3;
	s6 =	smax.u32 s25, $0x1;
	s7 =	simm.s32 $0x2;
	s25 =	simm.s32 $0x8900  }
0x13: {  	v0 =	vand.u32 $0x7, v2;
	v2 =	vor.u32 $0x8, v2;
	v1 =	vmul.u32 $0x8, v1;
	s1 =	simm.s32 $0x1;
	[dreg:$0x5] =	wrdreg s0;
	s0 =	simm.s32 $0xB900  }
.LBB2_1:
0x14: {  	s9 =	rddreg [dreg:$0x3]  }
0x15: {  	[tilespmem:s2], [sflag:$0x2] =	stream.linear.gather [hbm4b:s9+s2], $0x40, $0x38;
	[tilespmem:$0xC100] =	vst v63  }
0x16: {  	_ =	swait.ge [sflag:s7], $0x40  }
0x17: {  	s9 =	rddreg [dreg:$0x4];
	[sflag:s7] =	ssyncset.done $0x0  }
0x18: {  	s10 =	rddreg [dreg:$0x6];
	[sflag:s7] =	ssyncadd.s32 $0xFFFFFFC0  }
0x19: {  	[tilespmem:s10], [sflag:$0x2] =	stream.linear.gather [hbm4b:s9+s2], $0x40, $0x38;
	[tilespmem:$0xC100] =	vst v63  }
0x1a: {  	_ =	swait.ge [sflag:s7], $0x40  }
0x1b: {  	[sflag:s7] =	ssyncset.done $0x0  }
0x1c: {  	s10 =	rddreg [dreg:$0x5];
	[sflag:s7] =	ssyncadd.s32 $0xFFFFFFC0  }
0x1d: {  	[tilespmem:s8], [sflag:$0x2] =	stream.linear.gather [hbm4b:s10+s2], $0xC000, $0x38;
	[tilespmem:$0xC100] =	vst v63  }
0x1e: {  	_ =	swait.ge [sflag:s7], $0xC000  }
0x1f: {  	[sflag:s7] =	ssyncset.done $0x0  }
0x20: {  	[sflag:s7] =	ssyncadd.s32 $0xFFFF4000  }
0x21: {  	v3 =	vld [tilespmem:$0x0];
	_ =	sdelay $0x4  }
0x22: {  	v4 =	vshrl.u32 v3, $0x3  }
0x23: {  	v4 =	vmul.u32 $0x30, v4  }
0x24: {  	v3 =	vand.u32 $0x7, v3  }
0x25: {  	v3 =	vor.u32 v3, v4  }
0x26: {  	v4 =	vperm.xlane v3, v0;
	_ =	sdelay $0x1  }
0x27: {  	v4 =	vadd.s32 v1, v4;
	_ =	sdelay $0x3  }
0x28: {  	v3 =	vperm.xlane v3, v2  }
0x29: {  	[hbm4b:s3+s2] =	stream.indirect_vreg.scatter [tilespmem:s8], [sflag:$0x1], $0x80, v4, vm0, $0xb8;
	[tilespmem:$0xC100] =	vst v63  }
0x2a: {  	s9 =	simm.s32 $0x900;
	v3 =	vadd.s32 v1, v3  }
0x2b: {  	[hbm4b:s4+s2] =	stream.indirect_vreg.scatter [tilespmem:s9], [sflag:$0x1], $0x80, v4, vm0, $0xb8;
	[tilespmem:$0xC100] =	vst v63  }
0x2c: {  	s10 =	simm.s32 $0x1100  }
0x2d: {  	[hbm4b:s5+s2] =	stream.indirect_vreg.scatter [tilespmem:s10], [sflag:$0x1], $0x80, v4, vm0, $0xb8;
	[tilespmem:$0xC100] =	vst v63  }
0x2e: {  	_ = 	snop  }
0x2f: {  	[hbm4b:s3+s2] =	stream.indirect_vreg.scatter [tilespmem:s11], [sflag:$0x1], $0x80, v3, vm0, $0xb8;
	[tilespmem:$0xC100] =	vst v63  }
0x30: {  	_ = 	snop  }
0x31: {  	[hbm4b:s4+s2] =	stream.indirect_vreg.scatter [tilespmem:s12], [sflag:$0x1], $0x80, v3, vm0, $0xb8;
	[tilespmem:$0xC100] =	vst v63  }
0x32: {  	_ = 	snop  }
0x33: {  	[hbm4b:s5+s2] =	stream.indirect_vreg.scatter [tilespmem:s13], [sflag:$0x1], $0x80, v3, vm0, $0xb8;
	[tilespmem:$0xC100] =	vst v63  }
0x34: {  	v3 =	vld [tilespmem:$0x10];
	_ =	sdelay $0x4  }
0x35: {  	v57 =	vshrl.u32 v3, $0x3  }
0x36: {  	v4 =	vmul.u32 $0x30, v57  }
0x37: {  	v3 =	vand.u32 $0x7, v3  }
0x38: {  	v3 =	vor.u32 v3, v4  }
0x39: {  	v4 =	vperm.xlane v3, v0;
	_ =	sdelay $0x1  }
0x3a: {  	v4 =	vadd.s32 v1, v4;
	_ =	sdelay $0x3  }
0x3b: {  	v3 =	vperm.xlane v3, v2  }
0x3c: {  	[hbm4b:s3+s2] =	stream.indirect_vreg.scatter [tilespmem:s14], [sflag:$0x1], $0x80, v4, vm0, $0xb8;
	[tilespmem:$0xC100] =	vst v63  }
0x3d: {  	v3 =	vadd.s32 v1, v3  }
0x3e: {  	[hbm4b:s4+s2] =	stream.indirect_vreg.scatter [tilespmem:s15], [sflag:$0x1], $0x80, v4, vm0, $0xb8;
	[tilespmem:$0xC100] =	vst v63  }
0x3f: {  	_ = 	snop  }
0x40: {  	[hbm4b:s5+s2] =	stream.indirect_vreg.scatter [tilespmem:s16], [sflag:$0x1], $0x80, v4, vm0, $0xb8;
	[tilespmem:$0xC100] =	vst v63  }
0x41: {  	_ = 	snop  }
0x42: {  	[hbm4b:s3+s2] =	stream.indirect_vreg.scatter [tilespmem:s17], [sflag:$0x1], $0x80, v3, vm0, $0xb8;
	[tilespmem:$0xC100] =	vst v63  }
0x43: {  	_ = 	snop  }
0x44: {  	[hbm4b:s4+s2] =	stream.indirect_vreg.scatter [tilespmem:s18], [sflag:$0x1], $0x80, v3, vm0, $0xb8;
	[tilespmem:$0xC100] =	vst v63  }
0x45: {  	_ = 	snop  }
0x46: {  	[hbm4b:s5+s2] =	stream.indirect_vreg.scatter [tilespmem:s19], [sflag:$0x1], $0x80, v3, vm0, $0xb8;
	[tilespmem:$0xC100] =	vst v63  }
0x47: {  	v3 =	vld [tilespmem:$0x20];
	_ =	sdelay $0x4  }
0x48: {  	v58 =	vshrl.u32 v3, $0x3  }
0x49: {  	v4 =	vmul.u32 $0x30, v58  }
0x4a: {  	v3 =	vand.u32 $0x7, v3  }
0x4b: {  	v3 =	vor.u32 v3, v4  }
0x4c: {  	v4 =	vperm.xlane v3, v0;
	_ =	sdelay $0x1  }
0x4d: {  	v4 =	vadd.s32 v1, v4;
	_ =	sdelay $0x3  }
0x4e: {  	v3 =	vperm.xlane v3, v2  }
0x4f: {  	[hbm4b:s3+s2] =	stream.indirect_vreg.scatter [tilespmem:s20], [sflag:$0x1], $0x80, v4, vm0, $0xb8;
	[tilespmem:$0xC100] =	vst v63  }
0x50: {  	v3 =	vadd.s32 v1, v3  }
0x51: {  	[hbm4b:s4+s2] =	stream.indirect_vreg.scatter [tilespmem:s21], [sflag:$0x1], $0x80, v4, vm0, $0xb8;
	[tilespmem:$0xC100] =	vst v63  }
0x52: {  	_ = 	snop  }
0x53: {  	[hbm4b:s5+s2] =	stream.indirect_vreg.scatter [tilespmem:s22], [sflag:$0x1], $0x80, v4, vm0, $0xb8;
	[tilespmem:$0xC100] =	vst v63  }
0x54: {  	_ = 	snop  }
0x55: {  	[hbm4b:s3+s2] =	stream.indirect_vreg.scatter [tilespmem:s23], [sflag:$0x1], $0x80, v3, vm0, $0xb8;
	[tilespmem:$0xC100] =	vst v63  }
0x56: {  	_ = 	snop  }
0x57: {  	[hbm4b:s4+s2] =	stream.indirect_vreg.scatter [tilespmem:s24], [sflag:$0x1], $0x80, v3, vm0, $0xb8;
	[tilespmem:$0xC100] =	vst v63  }
0x58: {  	_ = 	snop  }
0x59: {  	[hbm4b:s5+s2] =	stream.indirect_vreg.scatter [tilespmem:s25], [sflag:$0x1], $0x80, v3, vm0, $0xb8;
	[tilespmem:$0xC100] =	vst v63  }
0x5a: {  	v3 =	vld [tilespmem:$0x30];
	_ =	sdelay $0x4  }
0x5b: {  	v59 =	vshrl.u32 v3, $0x3  }
0x5c: {  	v4 =	vmul.u32 $0x30, v59  }
0x5d: {  	v3 =	vand.u32 $0x7, v3  }
0x5e: {  	v3 =	vor.u32 v3, v4  }
0x5f: {  	v4 =	vperm.xlane v3, v0;
	_ =	sdelay $0x1  }
0x60: {  	v4 =	vadd.s32 v1, v4;
	_ =	sdelay $0x3  }
0x61: {  	v3 =	vperm.xlane v3, v2  }
0x62: {  	[hbm4b:s3+s2] =	stream.indirect_vreg.scatter [tilespmem:s26], [sflag:$0x1], $0x80, v4, vm0, $0xb8;
	[tilespmem:$0xC100] =	vst v63  }
0x63: {  	v3 =	vadd.s32 v1, v3  }
0x64: {  	[hbm4b:s4+s2] =	stream.indirect_vreg.scatter [tilespmem:s28], [sflag:$0x1], $0x80, v4, vm0, $0xb8;
	[tilespmem:$0xC100] =	vst v63  }
0x65: {  	_ = 	snop  }
0x66: {  	[hbm4b:s5+s2] =	stream.indirect_vreg.scatter [tilespmem:s29], [sflag:$0x1], $0x80, v4, vm0, $0xb8;
	[tilespmem:$0xC100] =	vst v63  }
0x67: {  	_ = 	snop  }
0x68: {  	[hbm4b:s3+s2] =	stream.indirect_vreg.scatter [tilespmem:s30], [sflag:$0x1], $0x80, v3, vm0, $0xb8;
	[tilespmem:$0xC100] =	vst v63  }
0x69: {  	_ = 	snop  }
0x6a: {  	[hbm4b:s4+s2] =	stream.indirect_vreg.scatter [tilespmem:s31], [sflag:$0x1], $0x80, v3, vm0, $0xb8;
	[tilespmem:$0xC100] =	vst v63  }
0x6b: {  	_ = 	snop  }
0x6c: {  	[hbm4b:s5+s2] =	stream.indirect_vreg.scatter [tilespmem:s0], [sflag:$0x1], $0x80, v3, vm0, $0xb8;
	[tilespmem:$0xC100] =	vst v63  }
0x6d: {  	v3 =	vld [tilespmem:$0x80];
	_ =	sdelay $0x4  }
0x6e: {  	v60 =	vshrl.u32 v3, $0x3  }
0x6f: {  	v4 =	vmul.u32 $0x30, v60  }
0x70: {  	v3 =	vand.u32 $0x7, v3  }
0x71: {  	v3 =	vor.u32 v3, v4  }
0x72: {  	v4 =	vperm.xlane v3, v0;
	_ =	sdelay $0x1  }
0x73: {  	v4 =	vadd.s32 v1, v4;
	_ =	sdelay $0x3  }
0x74: {  	v3 =	vperm.xlane v3, v2  }
0x75: {  	[hbm4b:s3+s2] =	stream.indirect_vreg.scatter [tilespmem:s8], [sflag:$0x1], $0x80, v4, vm0, $0xb8;
	[tilespmem:$0xC100] =	vst v63  }
0x76: {  	v3 =	vadd.s32 v1, v3  }
0x77: {  	[hbm4b:s4+s2] =	stream.indirect_vreg.scatter [tilespmem:s9], [sflag:$0x1], $0x80, v4, vm0, $0xb8;
	[tilespmem:$0xC100] =	vst v63  }
0x78: {  	_ = 	snop  }
0x79: {  	[hbm4b:s5+s2] =	stream.indirect_vreg.scatter [tilespmem:s10], [sflag:$0x1], $0x80, v4, vm0, $0xb8;
	[tilespmem:$0xC100] =	vst v63  }
0x7a: {  	_ = 	snop  }
0x7b: {  	[hbm4b:s3+s2] =	stream.indirect_vreg.scatter [tilespmem:s11], [sflag:$0x1], $0x80, v3, vm0, $0xb8;
	[tilespmem:$0xC100] =	vst v63  }
0x7c: {  	_ = 	snop  }
0x7d: {  	[hbm4b:s4+s2] =	stream.indirect_vreg.scatter [tilespmem:s12], [sflag:$0x1], $0x80, v3, vm0, $0xb8;
	[tilespmem:$0xC100] =	vst v63  }
0x7e: {  	_ = 	snop  }
0x7f: {  	[hbm4b:s5+s2] =	stream.indirect_vreg.scatter [tilespmem:s13], [sflag:$0x1], $0x80, v3, vm0, $0xb8;
	[tilespmem:$0xC100] =	vst v63  }
0x80: {  	v3 =	vld [tilespmem:$0x90];
	_ =	sdelay $0x4  }
0x81: {  	v61 =	vshrl.u32 v3, $0x3  }
0x82: {  	v4 =	vmul.u32 $0x30, v61  }
0x83: {  	v3 =	vand.u32 $0x7, v3  }
0x84: {  	v3 =	vor.u32 v3, v4  }
0x85: {  	v4 =	vperm.xlane v3, v0;
	_ =	sdelay $0x1  }
0x86: {  	v4 =	vadd.s32 v1, v4;
	_ =	sdelay $0x3  }
0x87: {  	v3 =	vperm.xlane v3, v2  }
0x88: {  	[hbm4b:s3+s2] =	stream.indirect_vreg.scatter [tilespmem:s14], [sflag:$0x1], $0x80, v4, vm0, $0xb8;
	[tilespmem:$0xC100] =	vst v63  }
0x89: {  	v3 =	vadd.s32 v1, v3  }
0x8a: {  	[hbm4b:s4+s2] =	stream.indirect_vreg.scatter [tilespmem:s15], [sflag:$0x1], $0x80, v4, vm0, $0xb8;
	[tilespmem:$0xC100] =	vst v63  }
0x8b: {  	_ = 	snop  }
0x8c: {  	[hbm4b:s5+s2] =	stream.indirect_vreg.scatter [tilespmem:s16], [sflag:$0x1], $0x80, v4, vm0, $0xb8;
	[tilespmem:$0xC100] =	vst v63  }
0x8d: {  	_ = 	snop  }
0x8e: {  	[hbm4b:s3+s2] =	stream.indirect_vreg.scatter [tilespmem:s17], [sflag:$0x1], $0x80, v3, vm0, $0xb8;
	[tilespmem:$0xC100] =	vst v63  }
0x8f: {  	_ = 	snop  }
0x90: {  	[hbm4b:s4+s2] =	stream.indirect_vreg.scatter [tilespmem:s18], [sflag:$0x1], $0x80, v3, vm0, $0xb8;
	[tilespmem:$0xC100] =	vst v63  }
0x91: {  	_ = 	snop  }
0x92: {  	[hbm4b:s5+s2] =	stream.indirect_vreg.scatter [tilespmem:s19], [sflag:$0x1], $0x80, v3, vm0, $0xb8;
	[tilespmem:$0xC100] =	vst v63  }
0x93: {  	v3 =	vld [tilespmem:$0xA0];
	_ =	sdelay $0x4  }
0x94: {  	v62 =	vshrl.u32 v3, $0x3  }
0x95: {  	v4 =	vmul.u32 $0x30, v62  }
0x96: {  	v3 =	vand.u32 $0x7, v3  }
0x97: {  	v3 =	vor.u32 v3, v4  }
0x98: {  	v4 =	vperm.xlane v3, v0;
	_ =	sdelay $0x1  }
0x99: {  	v4 =	vadd.s32 v1, v4;
	_ =	sdelay $0x3  }
0x9a: {  	v3 =	vperm.xlane v3, v2  }
0x9b: {  	[hbm4b:s3+s2] =	stream.indirect_vreg.scatter [tilespmem:s20], [sflag:$0x1], $0x80, v4, vm0, $0xb8;
	[tilespmem:$0xC100] =	vst v63  }
0x9c: {  	v3 =	vadd.s32 v1, v3  }
0x9d: {  	[hbm4b:s4+s2] =	stream.indirect_vreg.scatter [tilespmem:s21], [sflag:$0x1], $0x80, v4, vm0, $0xb8;
	[tilespmem:$0xC100] =	vst v63  }
0x9e: {  	_ = 	snop  }
0x9f: {  	[hbm4b:s5+s2] =	stream.indirect_vreg.scatter [tilespmem:s22], [sflag:$0x1], $0x80, v4, vm0, $0xb8;
	[tilespmem:$0xC100] =	vst v63  }
0xa0: {  	_ = 	snop  }
0xa1: {  	[hbm4b:s3+s2] =	stream.indirect_vreg.scatter [tilespmem:s23], [sflag:$0x1], $0x80, v3, vm0, $0xb8;
	[tilespmem:$0xC100] =	vst v63  }
0xa2: {  	_ = 	snop  }
0xa3: {  	[hbm4b:s4+s2] =	stream.indirect_vreg.scatter [tilespmem:s24], [sflag:$0x1], $0x80, v3, vm0, $0xb8;
	[tilespmem:$0xC100] =	vst v63  }
0xa4: {  	_ = 	snop  }
0xa5: {  	[hbm4b:s5+s2] =	stream.indirect_vreg.scatter [tilespmem:s25], [sflag:$0x1], $0x80, v3, vm0, $0xb8;
	[tilespmem:$0xC100] =	vst v63  }
0xa6: {  	v3 =	vld [tilespmem:$0xB0];
	_ =	sdelay $0x4  }
0xa7: {  	v63 =	vshrl.u32 v3, $0x3  }
0xa8: {  	v4 =	vmul.u32 $0x30, v63  }
0xa9: {  	v3 =	vand.u32 $0x7, v3  }
0xaa: {  	v3 =	vor.u32 v3, v4  }
0xab: {  	v4 =	vperm.xlane v3, v0;
	_ =	sdelay $0x1  }
0xac: {  	v4 =	vadd.s32 v1, v4;
	_ =	sdelay $0x3  }
0xad: {  	v3 =	vperm.xlane v3, v2  }
0xae: {  	[hbm4b:s3+s2] =	stream.indirect_vreg.scatter [tilespmem:s26], [sflag:$0x1], $0x80, v4, vm0, $0xb8;
	[tilespmem:$0xC100] =	vst v63  }
0xaf: {  	v3 =	vadd.s32 v1, v3  }
0xb0: {  	[hbm4b:s4+s2] =	stream.indirect_vreg.scatter [tilespmem:s28], [sflag:$0x1], $0x80, v4, vm0, $0xb8;
	[tilespmem:$0xC100] =	vst v63  }
0xb1: {  	_ = 	snop  }
0xb2: {  	[hbm4b:s5+s2] =	stream.indirect_vreg.scatter [tilespmem:s29], [sflag:$0x1], $0x80, v4, vm0, $0xb8;
	[tilespmem:$0xC100] =	vst v63  }
0xb3: {  	_ = 	snop  }
0xb4: {  	[hbm4b:s3+s2] =	stream.indirect_vreg.scatter [tilespmem:s30], [sflag:$0x1], $0x80, v3, vm0, $0xb8;
	[tilespmem:$0xC100] =	vst v63  }
0xb5: {  	_ = 	snop  }
0xb6: {  	[hbm4b:s4+s2] =	stream.indirect_vreg.scatter [tilespmem:s31], [sflag:$0x1], $0x80, v3, vm0, $0xb8;
	[tilespmem:$0xC100] =	vst v63  }
0xb7: {  	_ = 	snop  }
0xb8: {  	[hbm4b:s5+s2] =	stream.indirect_vreg.scatter [tilespmem:s0], [sflag:$0x1], $0x80, v3, vm0, $0xb8;
	[tilespmem:$0xC100] =	vst v63  }
0xb9: {  	p0 =	sne.s32 s6, $0x1;
	_ =	swait.ge [sflag:s1], $0xC000  }
.Ltmp0:
0xba: {  	[sflag:s1] =	ssyncset.done $0x0;
	(pc) =	sbr.rel @p0 .LBB2_1-.Ltmp0, $4  }
0xbb: {  	[sflag:s1] =	ssyncadd.s32 $0xFFFF4000  }
0xbc: {  	_ =	swait.ge [sflag:s1], $0xC000  }
0xbd: {  	[sflag:s1] =	ssyncset.done $0x0  }
0xbe: {  	s6 =	sadd.s32 $0xFFFFFFFF, s6;
	[sflag:s1] =	ssyncadd.s32 $0xFFFF4000  }
0xbf: {  	_ =	sfence.sel $0x180000  }
0xc0: {  	[bflag:$0x0] =	sbarrier.arrive $0xFFFF  }
0xc1: {  	_ =	strace $0x90000047  }
0xc2: {  	s0 =	stileid.u32;
	[bflag:$0x2] =	sbarrier.arrive $0xFFFF  }
0xc3: {  	p0 =	sne.s32 s0, $0x0;
	s0 =	rddreg [dreg:$0x2]  }
0xc4: {  	s0 =	sadd.s32 @!p0 $0x100000, s0  }
0xc5: {  	[sflag:s0] =	ssyncadd.tile.s32 @!p0 $0x1;
	_ =	shalt  }
.Lfunc_end2:
_tile_overlayer_lowered:
.L_overlay_start_2:
0xc6: {  	(tag) =	ssettag $0x2  }
0xc7: {  	s0 =	rddreg [dreg:$0x0];
	s2 =	stileid.u32  }
0xc8: {  	s1 =	rddreg [dreg:$0x1];
	p0 =	sne.s32 s2, $0x0  }
0xc9: {  	s3 =	rddreg [dreg:$0x2];
	[bflag:$0x3] =	sbarrier.arrive $0xFFFF;
	s2 =	simm.s32 @!p0 $0x1C02  }
0xca: {  	[timem:s3], [sflag:s2] =	dma.local @!p0 [hbm:s0], s1  }
0xcb: {  	s0 =	simm.s32 @!p0 $0x2  }
0xcc: {  	_ =	swait.ge @!p0 [sflag:s0], s1  }
0xcd: {  	s1 =	ssub.s32 @!p0 $0x0, s1;
	[sflag:s0] =	ssyncset.done @!p0 $0x0  }
0xce: {  	[sflag:s0] =	ssyncadd.s32 @!p0 s1  }
0xcf: {  	[bflag:$0x3] =	sbarrier.arrive $0xFFFF  }
0xd0: {  	_ =	shalt  }

// kernel: kernel.9.cloned.1.call-start
scs
__scs_entry_jumppad:
0x0: {  	(pc) =	sbr.rel $0x88, $3  }
0x1: {  	(tag) =	ssettag $0x0;
	lr =	simm.s32 $0x1  }
0x2: {  	[smem:$0x3F9A] =	sst lr;
	_ =	strace $0xD0000000  }
0x3: {  	_ = 	snop  }
0x4: {  	_ = 	snop  }
0x5: {  	_ = 	snop  }
0x6: {  	_ = 	snop  }
0x7: {  	_ = 	snop  }
__scs_overlays_trampoline_lowered:
0x8: {  	[smem:$0x3FA9] =	sst s0  }
0x9: {  	[smem:$0x3FAA] =	sst s1  }
0xa: {  	[smem:$0x3FAB] =	sst s2  }
0xb: {  	[smem:$0x3FAC] =	sst s3  }
0xc: {  	[smem:$0x3FAD] =	sst s4  }
0xd: {  	[smem:$0x3FAE] =	sst s5  }
0xe: {  	[smem:$0x3FAF] =	sst s6  }
0xf: {  	[smem:$0x3FB0] =	sst s7  }
0x10: {  	[smem:$0x3FB1] =	sst s8  }
0x11: {  	[smem:$0x3FB2] =	sst s9;
	s0 =	simm.s32 @!p0 $0x0  }
0x12: {  	s1 =	sld [smem:$0x3F98];
	s0 =	simm.s32 @p0 $0x1  }
0x13: {  	[smem:$0x3FB3] =	sst s0;
	s0 =	simm.s32 @!p1 $0x0  }
0x14: {  	s2 =	sld [smem:$0x3F97];
	s0 =	simm.s32 @p1 $0x1  }
0x15: {  	[smem:$0x3FB4] =	sst s0;
	s0 =	simm.s32 @!p2 $0x0  }
0x16: {  	s3 =	sld [smem:$0x3FDB];
	s0 =	simm.s32 @p2 $0x1  }
0x17: {  	s4 =	simm.s32 $0x1BF5;
	[smem:$0x3FB6] =	sst s0  }
0x18: {  	s0 =	sld [smem:$0x3F99];
	_ =	swait.ge [sflag:s4], $0x0  }
0x19: {  	s7 =	sld [smem:$0x3F9A]  }
0x1a: {  	s8 =	sadd.s32 $0xFFFFE003, lr  }
0x1b: {  	s9 =	sadd.s32 $0xFFFFFEF7, lr;
	s5 =	simm.s32 $0xFFFFFFFF;
	p2 =	slt.u32 s8, $0xFFFFF086  }
0x1c: {  	p1 =	slt.u32 s9, $0xF7A;
	s5 =	simm.s32 @!p2 $0x0  }
0x1d: {  	s5 =	simm.s32 @p1 $0x1;
	p0 =	seq.s32 s7, s2  }
0x1e: {  	s7 =	smul.u32 @!p0 $0xF7A, s2;
	p2 =	seq.s32 @!p0 s5, $0x0  }
0x1f: {  	s9 =	smul.u32 $0xF7A, s1;
	s8 =	simm.s32 @!p0 $0x1BF5;
	p2 =	por !p2, p0  }
0x20: {  	[sflag:s8] =	ssyncset.s32 @!p0 $0xFFFFF086;
	s6 =	sadd.s32 @!p0 s3, s7;
	s7 =	simm.s32 @!p0 $0x108  }
0x21: {  	s3 =	sadd.s32 s3, s9;
	s6 =	sadd.s32 @!p0 $0x88, s6;
	s7 =	simm.s32 @p2 $0x1082  }
0x22: {  	[simem:s7], [sflag:s8] =	dma.local @!p0 [hbm:s6], $0xF7A  }
0x23: {  	s9 =	sor.u32 $0xD0000000, s2;
	s6 =	simm.s32 $0x108;
	_ =	swait.ge @!p0 [sflag:s8], $0x0  }
0x24: {  	s3 =	sadd.s32 $0x88, s3;
	s6 =	simm.s32 @!p1 $0x1082;
	[sflag:s4] =	ssyncset.s32 $0xFFFFF086  }
0x25: {  	[simem:s6], [sflag:s4] =	dma.local [hbm:s3], $0xF7A  }
0x26: {  	[smem:$0x3F9A] =	sst s1;
	(tag) =	ssettag s2;
	_ =	strace s9  }
0x27: {  	s1 =	sld [smem:$0x3FAA]  }
0x28: {  	s2 =	sld [smem:$0x3FAB]  }
0x29: {  	s4 =	sld [smem:$0x3FAD]  }
0x2a: {  	p0 =	seq.s32 s5, $0x0;
	s5 =	sld [smem:$0x3FAE]  }
0x2b: {  	s6 =	sld [smem:$0x3FAF]  }
0x2c: {  	s7 =	sld [smem:$0x3FB0]  }
0x2d: {  	s3 =	simm.s32 $0x108;
	s8 =	sld [smem:$0x3FB1]  }
0x2e: {  	s3 =	simm.s32 @!p0 $0x1082;
	s9 =	sld [smem:$0x3FB2]  }
0x2f: {  	lr =	sadd.s32 s0, s3;
	s0 =	sld [smem:$0x3FA9]  }
0x30: {  	s3 =	sld [smem:$0x3FAC]  }
0x31: {  	[smem:$0x3FB5] =	sst s10  }
0x32: {  	s10 =	sld [smem:$0x3FB3];
	_ =	sdelay $0x3  }
0x33: {  	p0 =	seq.s32 s10, $0x1;
	s10 =	sld [smem:$0x3FB5];
	_ =	sdelay $0x3  }
0x34: {  	[smem:$0x3FB5] =	sst s10  }
0x35: {  	s10 =	sld [smem:$0x3FB4];
	_ =	sdelay $0x3  }
0x36: {  	p1 =	seq.s32 s10, $0x1;
	s10 =	sld [smem:$0x3FB5];
	_ =	sdelay $0x3  }
0x37: {  	[smem:$0x3FB5] =	sst s10  }
0x38: {  	s10 =	sld [smem:$0x3FB6]  }
0x39: {  	_ = 	snop;
	(pc) =	sbr.ind lr, $3  }
0x3a: {  	_ = 	snop  }
0x3b: {  	_ = 	snop  }
0x3c: {  	p2 =	seq.s32 s10, $0x1;
	s10 =	sld [smem:$0x3FB5]  }
0x3d: {  	_ =	shalt  }
0x3e: {  	_ =	shalt  }
0x3f: {  	_ =	shalt  }
0x40: {  	_ =	shalt  }
0x41: {  	_ =	shalt  }
0x42: {  	_ =	shalt  }
0x43: {  	_ =	shalt  }
0x44: {  	_ =	shalt  }
0x45: {  	_ =	shalt  }
0x46: {  	_ =	shalt  }
0x47: {  	_ =	shalt  }
0x48: {  	_ =	shalt  }
0x49: {  	_ =	shalt  }
0x4a: {  	_ =	shalt  }
0x4b: {  	_ =	shalt  }
0x4c: {  	_ =	shalt  }
0x4d: {  	_ =	shalt  }
0x4e: {  	_ =	shalt  }
0x4f: {  	_ =	shalt  }
0x50: {  	_ =	shalt  }
0x51: {  	_ =	shalt  }
0x52: {  	_ =	shalt  }
0x53: {  	_ =	shalt  }
0x54: {  	_ =	shalt  }
0x55: {  	_ =	shalt  }
0x56: {  	_ =	shalt  }
0x57: {  	_ =	shalt  }
0x58: {  	_ =	shalt  }
0x59: {  	_ =	shalt  }
0x5a: {  	_ =	shalt  }
0x5b: {  	_ =	shalt  }
0x5c: {  	_ =	shalt  }
0x5d: {  	_ =	shalt  }
0x5e: {  	_ =	shalt  }
0x5f: {  	_ =	shalt  }
0x60: {  	_ =	shalt  }
0x61: {  	_ =	shalt  }
0x62: {  	_ =	shalt  }
0x63: {  	_ =	shalt  }
0x64: {  	_ =	shalt  }
0x65: {  	_ =	shalt  }
0x66: {  	_ =	shalt  }
0x67: {  	_ =	shalt  }
0x68: {  	_ =	shalt  }
0x69: {  	_ =	shalt  }
0x6a: {  	_ =	shalt  }
0x6b: {  	_ =	shalt  }
0x6c: {  	_ =	shalt  }
0x6d: {  	_ =	shalt  }
0x6e: {  	_ =	shalt  }
0x6f: {  	_ =	shalt  }
0x70: {  	_ =	shalt  }
0x71: {  	_ =	shalt  }
0x72: {  	_ =	shalt  }
0x73: {  	_ =	shalt  }
0x74: {  	_ =	shalt  }
0x75: {  	_ =	shalt  }
0x76: {  	_ =	shalt  }
0x77: {  	_ =	shalt  }
0x78: {  	_ =	shalt  }
0x79: {  	_ =	shalt  }
0x7a: {  	_ =	shalt  }
0x7b: {  	_ =	shalt  }
0x7c: {  	_ =	shalt  }
0x7d: {  	_ =	shalt  }
0x7e: {  	_ =	shalt  }
0x7f: {  	_ =	shalt  }
0x80: {  	_ =	shalt  }
0x81: {  	_ =	shalt  }
0x82: {  	_ =	shalt  }
0x83: {  	_ =	shalt  }
0x84: {  	_ =	shalt  }
0x85: {  	_ =	shalt  }
0x86: {  	_ =	shalt  }
0x87: {  	_ =	shalt  }
.Lfunc_end0:
.L_simem_size_0:
called_computation.1_lowered:
.L_overlay_start_0:
0x88: {  	s2 =	sld [smem:$0x3FD9]  }
0x89: {  	s3 =	sld [smem:$0x3FFE];
	_ =	sdelay $0x1  }
0x8a: {  	s1 =	srdreg.scid  }
0x8b: {  	s0 =	sand.u32 $0x1, s1  }
0x8c: {  	s14 =	sshll.u32 s0, $0xA;
	s2 =	sadd.s32 s3, s2  }
0x8d: {  	s2 =	sadd.s32 s2, s14  }
0x8e: {  	[smem:$0x3FC1] =	sst s2  }
0x8f: {  	_ = 	snop  }
0x90: {  	s2 =	sld [smem:$0x3FD0];
	_ =	sdelay $0x2  }
0x91: {  	s15 =	simm.s32 $0xA;
	s4 =	simm.s32 $0x10  }
0x92: {  	[smem:s4], [sflag:s15] =	dma.local [hbm:s2], $0x1  }
0x93: {  	_ =	swait.eq [sflag:s15], $0x1  }
0x94: {  	[sflag:s15] =	ssyncset.done $0x0  }
0x95: {  	[sflag:s15] =	ssyncadd.s32 $0xFFFFFFFF  }
0x96: {  	s16 =	sld [smem:$0x10];
	(tm) =	ssettm $0x1  }
0x97: {  	s17 =	sld [smem:$0x3FFB];
	_ =	sdelay $0x3  }
0x98: {  	_ =	strace s17  }
0x99: {  	s3 =	sld [smem:$0x3FFC];
	_ =	sdelay $0x3  }
0x9a: {  	_ =	strace s3  }
0x9b: {  	s3 =	sld [smem:$0x3FFD];
	_ =	sdelay $0x3  }
0x9c: {  	_ =	strace s3  }
0x9d: {  	_ =	strace $0x8FFFFFFF  }
0x9e: {  	s18 =	sld [smem:$0x3FDB];
	_ =	sdelay $0x1  }
0x9f: {  	s19 =	simm.s32 $_scs_section_size  }
0xa0: {  	s5 =	simm.s32 $_size__tile_overlayer_lowered;
	s6 =	simm.s32 $_tile_overlayer_lowered  }
0xa1: {  	s22 =	simm.s32 $0x1BFF;
	s21 =	sshll.u32 s6, $0x1;
	s3 =	sadd.s32 s19, s18  }
0xa2: {  	s7 =	simm.s32 $0x0;
	s20 =	sshll.u32 s5, $0x1;
	s5 =	sadd.s32 s21, s3  }
0xa3: {  	[timem:s7], [sflag:s22] =	dma.local [hbm:s5], s20  }
0xa4: {  	_ =	swait.ge [sflag:s22], s20  }
0xa5: {  	s4 =	ssub.s32 $0x0, s20;
	[sflag:s22] =	ssyncset.done $0x0  }
0xa6: {  	[sflag:s22] =	ssyncadd.s32 s4;
	_ =	sdelay $0x1  }
0xa7: {  	s23 =	simm.s32 $0x1B8B  }
0xa8: {  	_ =	swait.ge [sflag:s23], $0x1  }
0xa9: {  	[sflag:s23] =	ssyncset.done $0x0  }
0xaa: {  	s25 =	simm.s32 $0x1B8E;
	s24 =	sld [smem:$0x3FFE];
	[sflag:s23] =	ssyncadd.s32 $0xFFFFFFFF  }
0xab: {  	s26 =	simm.s32 $execute0_lowered;
	[smem:$0x3FD2] =	sst s25  }
0xac: {  	s5 =	sshll.u32 s26, $0x1;
	_ =	strace $0x80000049;
	[dreg:$0x1] =	wrdreg $0xFFFFFFFF  }
0xad: {  	s28 =	simm.s32 $_size_execute0_lowered;
	s3 =	sadd.s32 s3, s5;
	[dreg:$0x0] =	wrdreg $0x0  }
0xae: {  	s5 =	sshll.u32 s28, $0x1;
	[dreg:$0x2] =	wrdreg s3  }
0xaf: {  	[dreg:$0x3] =	wrdreg s5  }
0xb0: {  	[dreg:$0x4] =	wrdreg $0xC0  }
0xb1: {  	_ =	task [dreg:s7], $0x5FFFF  }
0xb2: {  	[dreg:$0x1] =	wrdreg $0xFFFFFFFF  }
0xb3: {  	[dreg:$0x0] =	wrdreg $0x60  }
0xb4: {  	[dreg:$0x2] =	wrdreg s24  }
0xb5: {  	[dreg:$0x3] =	wrdreg s16  }
0xb6: {  	[dreg:$0x4] =	wrdreg $0x9  }
0xb7: {  	_ =	task.clear_ibuf [dreg:s7], $0x5FFFF;
	_ =	strace $0x90000049  }
0xb8: {  	s29 =	simm.s32 $0x9;
	_ =	strace $0x8000004B  }
0xb9: {  	_ =	swait.ge [sflag:s29], $0x1  }
0xba: {  	[sflag:s29] =	ssyncadd.s32 $0xFFFFFFFF  }
0xbb: {  	_ =	strace $0x9000004B  }
0xbc: {  	_ =	sfence  }
0xbd: {  	s30 =	sld [smem:$0x0];
	_ =	sdelay $0x2  }
0xbe: {  	s31 =	sshll.u32 s1, $0xD;
	s1 =	sshrl.u32 s1, $0x2  }
0xbf: {  	s3 =	sand.u32 $0x4000, s31;
	s1 =	sadd.s32 s1, s30  }
0xc0: {  	s0 =	sor.u32 s3, s0;
	s1 =	sshll.u32 s1, $0x11  }
0xc1: {  	s0 =	sor.u32 s1, s0  }
0xc2: {  	s0 =	sadd.s32 $0x8F2B, s0  }
0xc3: {  	[sflag:s0] =	ssyncadd.remote.s32 $0x1  }
0xc4: {  	_ =	sfence.sel $0xFFFF  }
0xc5: {  	[dreg:$0x0] =	wrdreg $0xFFFFFFFF;
	(pc) =	sbr.abs _section_cstart, $3  }
0xc6: {  	[dreg:$0x1] =	wrdreg $0xFFFFFFFF  }
0xc7: {  	_ =	task.clear_ibuf [dreg:s7], $0x2FFFF;
	_ =	strace $0x9FFFFFFF  }
0xc8: {  	(tm) =	ssettm $0x7FFFFFFF  }
0xc9: {  	_ =	shalt  }
tec
execute0_lowered:
.L_overlay_start_1:
0x0: {  	(tag) =	ssettag $0x1  }
0x1: {  	s0 =	rddreg [dreg:$0x0]  }
0x2: {  	s1 =	rddreg [dreg:$0x1]  }
0x3: {  	s2 =	simm.s32 $0x0;
	s3 =	srdreg.scid;
	s5 =	stileid.u32  }
0x4: {  	s13 =	simm.s32 $0x9;
	s15 =	simm.s32 $0x100;
	s28 =	simm.s32 $0x3100  }
0x5: {  	s21 =	simm.s32 $0x6100;
	s16 =	simm.s32 $0x9100;
	s30 =	simm.s32 $0x17900  }
0x6: {  	s31 =	simm.s32 $0x1;
	s14 =	simm.s32 $0x6;
	s17 =	simm.s32 $0x3  }
0x7: {  	s18 =	simm.s32 $0x7;
	s19 =	simm.s32 $0x4;
	s20 =	simm.s32 $0x8  }
0x8: {  	s22 =	simm.s32 $0x0;
	[smem:$0x7FF] =	sst s2;
	s4 =	sand.u32 $0x1, s3  }
0x9: {  	s5 =	sshll.u32 s5, $0x4;
	s3 =	sadd.s32 $0xDA000, s0;
	s6 =	sshll.u32 s4, $0x3  }
0xa: {  	_ =	strace $0x8000004A;
	s4 =	ssub.s32 $0x2, s4;
	s5 =	sor.u32 s6, s5  }
0xb: {  	s7 =	sshrl.u32 s4, $0x1;
	s6 =	sadd.s32 s5, s0;
	s8 =	smul.u32 $0x1800, s5  }
0xc: {  	s12 =	ssub.s32 s4, s7;
	s9 =	smul.u32 $0x300, s5;
	s7 =	sadd.s32 $0xDA200, s0  }
0xd: {  	s4 =	sadd.s32 $0x600, s6;
	s5 =	sadd.s32 $0x400, s6;
	s6 =	sadd.s32 $0xDA100, s0  }
0xe: {  	v2 =	vlaneseq.u32;
	s12 =	smax.u32 s12, $0x1;
	s10 =	sshrl.u32 s8, $0x3;
	s8 =	sadd.s32 s1, s9  }
0xf: {  	vm0 =	vmmov $0xffff;
	v1 =	vshrl.u32 v2, $0x3;
	s0 =	simm.s32 $0x5;
	s29 =	sadd.s32 s1, s10;
	s9 =	sadd.s32 $0x600, s8  }
0x10: {  	v0 =	vand.u32 $0x7, v2;
	v2 =	vor.u32 $0x8, v2;
	v1 =	vmul.u32 $0x8, v1;
	s1 =	simm.s32 $0x2;
	s10 =	sadd.s32 $0xC00, s29;
	s11 =	sadd.s32 $0x1200, s29  }
.LBB2_1:
0x11: {  	[tilespmem:s2], [sflag:$0x9] =	stream.linear.gather [hbm4b:s4+s2], $0x40, $0x38;
	[tilespmem:$0x18100] =	vst v63  }
0x12: {  	_ =	swait.ge [sflag:s13], $0x40  }
0x13: {  	[sflag:s13] =	ssyncset.done $0x0  }
0x14: {  	s23 =	simm.s32 $0x80;
	[sflag:s13] =	ssyncadd.s32 $0xFFFFFFC0  }
0x15: {  	[tilespmem:s23], [sflag:$0x9] =	stream.linear.gather [hbm4b:s5+s2], $0x40, $0x38;
	[tilespmem:$0x18100] =	vst v63  }
0x16: {  	_ =	swait.ge [sflag:s13], $0x40  }
0x17: {  	[sflag:s13] =	ssyncset.done $0x0  }
0x18: {  	[sflag:s13] =	ssyncadd.s32 $0xFFFFFFC0  }
0x19: {  	v3 =	vld [tilespmem:$0x0];
	_ =	sdelay $0x4  }
0x1a: {  	v4 =	vshrl.u32 v3, $0x3  }
0x1b: {  	v4 =	vmul.u32 $0x30, v4  }
0x1c: {  	v3 =	vand.u32 $0x7, v3  }
0x1d: {  	v3 =	vor.u32 v3, v4  }
0x1e: {  	v4 =	vperm.xlane v3, v0;
	_ =	sdelay $0x1  }
0x1f: {  	v4 =	vadd.s32 v1, v4;
	_ =	sdelay $0x3  }
0x20: {  	v3 =	vperm.xlane v3, v2  }
0x21: {  	[tilespmem:s15], [sflag:$0x1] =	stream.indirect_vreg.gather [hbm4b:s3+s2], $0x80, v4, vm0, $0xb8;
	[tilespmem:$0x18100] =	vst v63  }
0x22: {  	s24 =	simm.s32 $0x900;
	v3 =	vadd.s32 v1, v3  }
0x23: {  	[tilespmem:s24], [sflag:$0x1] =	stream.indirect_vreg.gather [hbm4b:s6+s2], $0x80, v4, vm0, $0xb8;
	[tilespmem:$0x18100] =	vst v63  }
0x24: {  	s25 =	simm.s32 $0x1100  }
0x25: {  	[tilespmem:s25], [sflag:$0x1] =	stream.indirect_vreg.gather [hbm4b:s7+s2], $0x80, v4, vm0, $0xb8;
	[tilespmem:$0x18100] =	vst v63  }
0x26: {  	s26 =	simm.s32 $0x1900  }
0x27: {  	[tilespmem:s26], [sflag:$0x1] =	stream.indirect_vreg.gather [hbm4b:s3+s2], $0x80, v3, vm0, $0xb8;
	[tilespmem:$0x18100] =	vst v63  }
0x28: {  	s29 =	simm.s32 $0x2100  }
0x29: {  	[tilespmem:s29], [sflag:$0x1] =	stream.indirect_vreg.gather [hbm4b:s6+s2], $0x80, v3, vm0, $0xb8;
	[tilespmem:$0x18100] =	vst v63  }
0x2a: {  	s24 =	simm.s32 $0x2900  }
0x2b: {  	[tilespmem:s24], [sflag:$0x1] =	stream.indirect_vreg.gather [hbm4b:s7+s2], $0x80, v3, vm0, $0xb8;
	[tilespmem:$0x18100] =	vst v63  }
0x2c: {  	v3 =	vld [tilespmem:$0x80];
	_ =	sdelay $0x4  }
0x2d: {  	v4 =	vshrl.u32 v3, $0x3  }
0x2e: {  	v4 =	vmul.u32 $0x30, v4  }
0x2f: {  	v3 =	vand.u32 $0x7, v3  }
0x30: {  	v3 =	vor.u32 v3, v4  }
0x31: {  	v4 =	vperm.xlane v3, v0;
	_ =	sdelay $0x1  }
0x32: {  	v4 =	vadd.s32 v1, v4;
	_ =	sdelay $0x3  }
0x33: {  	s25 =	simm.s32 $0xC100;
	v3 =	vperm.xlane v3, v2  }
0x34: {  	[tilespmem:s25], [sflag:$0x5] =	stream.indirect_vreg.gather [hbm4b:s3+s2], $0x80, v4, vm0, $0xb8;
	[tilespmem:$0x18100] =	vst v63  }
0x35: {  	s26 =	simm.s32 $0xC900;
	v3 =	vadd.s32 v1, v3  }
0x36: {  	[tilespmem:s26], [sflag:$0x5] =	stream.indirect_vreg.gather [hbm4b:s6+s2], $0x80, v4, vm0, $0xb8;
	[tilespmem:$0x18100] =	vst v63  }
0x37: {  	s29 =	simm.s32 $0xD100  }
0x38: {  	[tilespmem:s29], [sflag:$0x5] =	stream.indirect_vreg.gather [hbm4b:s7+s2], $0x80, v4, vm0, $0xb8;
	[tilespmem:$0x18100] =	vst v63  }
0x39: {  	s24 =	simm.s32 $0xD900  }
0x3a: {  	[tilespmem:s24], [sflag:$0x5] =	stream.indirect_vreg.gather [hbm4b:s3+s2], $0x80, v3, vm0, $0xb8;
	[tilespmem:$0x18100] =	vst v63  }
0x3b: {  	s25 =	simm.s32 $0xE100  }
0x3c: {  	[tilespmem:s25], [sflag:$0x5] =	stream.indirect_vreg.gather [hbm4b:s6+s2], $0x80, v3, vm0, $0xb8;
	[tilespmem:$0x18100] =	vst v63  }
0x3d: {  	s26 =	simm.s32 $0xE900  }
0x3e: {  	[tilespmem:s26], [sflag:$0x5] =	stream.indirect_vreg.gather [hbm4b:s7+s2], $0x80, v3, vm0, $0xb8;
	[tilespmem:$0x18100] =	vst v63  }
0x3f: {  	v3 =	vld [tilespmem:$0x10];
	_ =	sdelay $0x4  }
0x40: {  	v4 =	vshrl.u32 v3, $0x3  }
0x41: {  	v4 =	vmul.u32 $0x30, v4  }
0x42: {  	v3 =	vand.u32 $0x7, v3  }
0x43: {  	v3 =	vor.u32 v3, v4  }
0x44: {  	v4 =	vperm.xlane v3, v0;
	_ =	sdelay $0x1  }
0x45: {  	v4 =	vadd.s32 v1, v4;
	_ =	sdelay $0x3  }
0x46: {  	v3 =	vperm.xlane v3, v2  }
0x47: {  	[tilespmem:s28], [sflag:$0x2] =	stream.indirect_vreg.gather [hbm4b:s3+s2], $0x80, v4, vm0, $0xb8;
	[tilespmem:$0x18100] =	vst v63  }
0x48: {  	s29 =	simm.s32 $0x3900;
	v3 =	vadd.s32 v1, v3  }
0x49: {  	[tilespmem:s29], [sflag:$0x2] =	stream.indirect_vreg.gather [hbm4b:s6+s2], $0x80, v4, vm0, $0xb8;
	[tilespmem:$0x18100] =	vst v63  }
0x4a: {  	s24 =	simm.s32 $0x4100  }
0x4b: {  	[tilespmem:s24], [sflag:$0x2] =	stream.indirect_vreg.gather [hbm4b:s7+s2], $0x80, v4, vm0, $0xb8;
	[tilespmem:$0x18100] =	vst v63  }
0x4c: {  	s25 =	simm.s32 $0x4900  }
0x4d: {  	[tilespmem:s25], [sflag:$0x2] =	stream.indirect_vreg.gather [hbm4b:s3+s2], $0x80, v3, vm0, $0xb8;
	[tilespmem:$0x18100] =	vst v63  }
0x4e: {  	s26 =	simm.s32 $0x5100  }
0x4f: {  	[tilespmem:s26], [sflag:$0x2] =	stream.indirect_vreg.gather [hbm4b:s6+s2], $0x80, v3, vm0, $0xb8;
	[tilespmem:$0x18100] =	vst v63  }
0x50: {  	s29 =	simm.s32 $0x5900  }
0x51: {  	[tilespmem:s29], [sflag:$0x2] =	stream.indirect_vreg.gather [hbm4b:s7+s2], $0x80, v3, vm0, $0xb8;
	[tilespmem:$0x18100] =	vst v63  }
0x52: {  	v3 =	vld [tilespmem:$0x90];
	_ =	sdelay $0x4  }
0x53: {  	v4 =	vshrl.u32 v3, $0x3  }
0x54: {  	v4 =	vmul.u32 $0x30, v4  }
0x55: {  	v3 =	vand.u32 $0x7, v3  }
0x56: {  	v3 =	vor.u32 v3, v4  }
0x57: {  	v4 =	vperm.xlane v3, v0;
	_ =	sdelay $0x1  }
0x58: {  	v4 =	vadd.s32 v1, v4;
	_ =	sdelay $0x3  }
0x59: {  	s24 =	simm.s32 $0xF100;
	v3 =	vperm.xlane v3, v2  }
0x5a: {  	[tilespmem:s24], [sflag:$0x6] =	stream.indirect_vreg.gather [hbm4b:s3+s2], $0x80, v4, vm0, $0xb8;
	[tilespmem:$0x18100] =	vst v63  }
0x5b: {  	s25 =	simm.s32 $0xF900;
	v3 =	vadd.s32 v1, v3  }
0x5c: {  	[tilespmem:s25], [sflag:$0x6] =	stream.indirect_vreg.gather [hbm4b:s6+s2], $0x80, v4, vm0, $0xb8;
	[tilespmem:$0x18100] =	vst v63  }
0x5d: {  	s26 =	simm.s32 $0x10100  }
0x5e: {  	[tilespmem:s26], [sflag:$0x6] =	stream.indirect_vreg.gather [hbm4b:s7+s2], $0x80, v4, vm0, $0xb8;
	[tilespmem:$0x18100] =	vst v63  }
0x5f: {  	s29 =	simm.s32 $0x10900  }
0x60: {  	[tilespmem:s29], [sflag:$0x6] =	stream.indirect_vreg.gather [hbm4b:s3+s2], $0x80, v3, vm0, $0xb8;
	[tilespmem:$0x18100] =	vst v63  }
0x61: {  	s24 =	simm.s32 $0x11100  }
0x62: {  	[tilespmem:s24], [sflag:$0x6] =	stream.indirect_vreg.gather [hbm4b:s6+s2], $0x80, v3, vm0, $0xb8;
	[tilespmem:$0x18100] =	vst v63  }
0x63: {  	s25 =	simm.s32 $0x11900  }
0x64: {  	[tilespmem:s25], [sflag:$0x6] =	stream.indirect_vreg.gather [hbm4b:s7+s2], $0x80, v3, vm0, $0xb8;
	[tilespmem:$0x18100] =	vst v63  }
0x65: {  	v3 =	vld [tilespmem:$0x20];
	_ =	sdelay $0x4  }
0x66: {  	v4 =	vshrl.u32 v3, $0x3  }
0x67: {  	v4 =	vmul.u32 $0x30, v4  }
0x68: {  	v3 =	vand.u32 $0x7, v3  }
0x69: {  	v3 =	vor.u32 v3, v4  }
0x6a: {  	v4 =	vperm.xlane v3, v0;
	_ =	sdelay $0x1  }
0x6b: {  	v4 =	vadd.s32 v1, v4;
	_ =	sdelay $0x3  }
0x6c: {  	v3 =	vperm.xlane v3, v2  }
0x6d: {  	[tilespmem:s21], [sflag:$0x3] =	stream.indirect_vreg.gather [hbm4b:s3+s2], $0x80, v4, vm0, $0xb8;
	[tilespmem:$0x18100] =	vst v63  }
0x6e: {  	s26 =	simm.s32 $0x6900;
	v3 =	vadd.s32 v1, v3  }
0x6f: {  	[tilespmem:s26], [sflag:$0x3] =	stream.indirect_vreg.gather [hbm4b:s6+s2], $0x80, v4, vm0, $0xb8;
	[tilespmem:$0x18100] =	vst v63  }
0x70: {  	s29 =	simm.s32 $0x7100  }
0x71: {  	[tilespmem:s29], [sflag:$0x3] =	stream.indirect_vreg.gather [hbm4b:s7+s2], $0x80, v4, vm0, $0xb8;
	[tilespmem:$0x18100] =	vst v63  }
0x72: {  	s24 =	simm.s32 $0x7900  }
0x73: {  	[tilespmem:s24], [sflag:$0x3] =	stream.indirect_vreg.gather [hbm4b:s3+s2], $0x80, v3, vm0, $0xb8;
	[tilespmem:$0x18100] =	vst v63  }
0x74: {  	s25 =	simm.s32 $0x8100  }
0x75: {  	[tilespmem:s25], [sflag:$0x3] =	stream.indirect_vreg.gather [hbm4b:s6+s2], $0x80, v3, vm0, $0xb8;
	[tilespmem:$0x18100] =	vst v63  }
0x76: {  	s26 =	simm.s32 $0x8900  }
0x77: {  	[tilespmem:s26], [sflag:$0x3] =	stream.indirect_vreg.gather [hbm4b:s7+s2], $0x80, v3, vm0, $0xb8;
	[tilespmem:$0x18100] =	vst v63  }
0x78: {  	v3 =	vld [tilespmem:$0xA0];
	_ =	sdelay $0x4  }
0x79: {  	v4 =	vshrl.u32 v3, $0x3  }
0x7a: {  	v4 =	vmul.u32 $0x30, v4  }
0x7b: {  	v3 =	vand.u32 $0x7, v3  }
0x7c: {  	v3 =	vor.u32 v3, v4  }
0x7d: {  	v4 =	vperm.xlane v3, v0;
	_ =	sdelay $0x1  }
0x7e: {  	v4 =	vadd.s32 v1, v4;
	_ =	sdelay $0x3  }
0x7f: {  	s29 =	simm.s32 $0x12100;
	v3 =	vperm.xlane v3, v2  }
0x80: {  	[tilespmem:s29], [sflag:$0x7] =	stream.indirect_vreg.gather [hbm4b:s3+s2], $0x80, v4, vm0, $0xb8;
	[tilespmem:$0x18100] =	vst v63  }
0x81: {  	s24 =	simm.s32 $0x12900;
	v3 =	vadd.s32 v1, v3  }
0x82: {  	[tilespmem:s24], [sflag:$0x7] =	stream.indirect_vreg.gather [hbm4b:s6+s2], $0x80, v4, vm0, $0xb8;
	[tilespmem:$0x18100] =	vst v63  }
0x83: {  	s25 =	simm.s32 $0x13100  }
0x84: {  	[tilespmem:s25], [sflag:$0x7] =	stream.indirect_vreg.gather [hbm4b:s7+s2], $0x80, v4, vm0, $0xb8;
	[tilespmem:$0x18100] =	vst v63  }
0x85: {  	s26 =	simm.s32 $0x13900  }
0x86: {  	[tilespmem:s26], [sflag:$0x7] =	stream.indirect_vreg.gather [hbm4b:s3+s2], $0x80, v3, vm0, $0xb8;
	[tilespmem:$0x18100] =	vst v63  }
0x87: {  	s29 =	simm.s32 $0x14100  }
0x88: {  	[tilespmem:s29], [sflag:$0x7] =	stream.indirect_vreg.gather [hbm4b:s6+s2], $0x80, v3, vm0, $0xb8;
	[tilespmem:$0x18100] =	vst v63  }
0x89: {  	s24 =	simm.s32 $0x14900  }
0x8a: {  	[tilespmem:s24], [sflag:$0x7] =	stream.indirect_vreg.gather [hbm4b:s7+s2], $0x80, v3, vm0, $0xb8;
	[tilespmem:$0x18100] =	vst v63  }
0x8b: {  	v3 =	vld [tilespmem:$0x30];
	_ =	sdelay $0x4  }
0x8c: {  	v4 =	vshrl.u32 v3, $0x3  }
0x8d: {  	v4 =	vmul.u32 $0x30, v4  }
0x8e: {  	v3 =	vand.u32 $0x7, v3  }
0x8f: {  	v3 =	vor.u32 v3, v4  }
0x90: {  	v4 =	vperm.xlane v3, v0;
	_ =	sdelay $0x1  }
0x91: {  	v4 =	vadd.s32 v1, v4;
	_ =	sdelay $0x3  }
0x92: {  	v3 =	vperm.xlane v3, v2  }
0x93: {  	[tilespmem:s16], [sflag:$0x4] =	stream.indirect_vreg.gather [hbm4b:s3+s2], $0x80, v4, vm0, $0xb8;
	[tilespmem:$0x18100] =	vst v63  }
0x94: {  	s25 =	simm.s32 $0x9900;
	v3 =	vadd.s32 v1, v3  }
0x95: {  	[tilespmem:s25], [sflag:$0x4] =	stream.indirect_vreg.gather [hbm4b:s6+s2], $0x80, v4, vm0, $0xb8;
	[tilespmem:$0x18100] =	vst v63  }
0x96: {  	s26 =	simm.s32 $0xA100  }
0x97: {  	[tilespmem:s26], [sflag:$0x4] =	stream.indirect_vreg.gather [hbm4b:s7+s2], $0x80, v4, vm0, $0xb8;
	[tilespmem:$0x18100] =	vst v63  }
0x98: {  	s29 =	simm.s32 $0xA900  }
0x99: {  	[tilespmem:s29], [sflag:$0x4] =	stream.indirect_vreg.gather [hbm4b:s3+s2], $0x80, v3, vm0, $0xb8;
	[tilespmem:$0x18100] =	vst v63  }
0x9a: {  	s24 =	simm.s32 $0xB100  }
0x9b: {  	[tilespmem:s24], [sflag:$0x4] =	stream.indirect_vreg.gather [hbm4b:s6+s2], $0x80, v3, vm0, $0xb8;
	[tilespmem:$0x18100] =	vst v63  }
0x9c: {  	s25 =	simm.s32 $0xB900  }
0x9d: {  	[tilespmem:s25], [sflag:$0x4] =	stream.indirect_vreg.gather [hbm4b:s7+s2], $0x80, v3, vm0, $0xb8;
	[tilespmem:$0x18100] =	vst v63  }
0x9e: {  	v3 =	vld [tilespmem:$0xB0];
	_ =	sdelay $0x4  }
0x9f: {  	v4 =	vshrl.u32 v3, $0x3  }
0xa0: {  	v4 =	vmul.u32 $0x30, v4  }
0xa1: {  	v3 =	vand.u32 $0x7, v3  }
0xa2: {  	v3 =	vor.u32 v3, v4  }
0xa3: {  	v4 =	vperm.xlane v3, v0;
	_ =	sdelay $0x1  }
0xa4: {  	v4 =	vadd.s32 v1, v4;
	_ =	sdelay $0x3  }
0xa5: {  	s26 =	simm.s32 $0x15100;
	v3 =	vperm.xlane v3, v2  }
0xa6: {  	[tilespmem:s26], [sflag:$0x8] =	stream.indirect_vreg.gather [hbm4b:s3+s2], $0x80, v4, vm0, $0xb8;
	[tilespmem:$0x18100] =	vst v63  }
0xa7: {  	s29 =	simm.s32 $0x15900;
	v3 =	vadd.s32 v1, v3  }
0xa8: {  	[tilespmem:s29], [sflag:$0x8] =	stream.indirect_vreg.gather [hbm4b:s6+s2], $0x80, v4, vm0, $0xb8;
	[tilespmem:$0x18100] =	vst v63  }
0xa9: {  	s24 =	simm.s32 $0x16100  }
0xaa: {  	[tilespmem:s24], [sflag:$0x8] =	stream.indirect_vreg.gather [hbm4b:s7+s2], $0x80, v4, vm0, $0xb8;
	[tilespmem:$0x18100] =	vst v63  }
0xab: {  	s25 =	simm.s32 $0x16900  }
0xac: {  	[tilespmem:s25], [sflag:$0x8] =	stream.indirect_vreg.gather [hbm4b:s3+s2], $0x80, v3, vm0, $0xb8;
	[tilespmem:$0x18100] =	vst v63  }
0xad: {  	s26 =	simm.s32 $0x17100  }
0xae: {  	[tilespmem:s26], [sflag:$0x8] =	stream.indirect_vreg.gather [hbm4b:s6+s2], $0x80, v3, vm0, $0xb8;
	[tilespmem:$0x18100] =	vst v63  }
0xaf: {  	_ = 	snop  }
0xb0: {  	[tilespmem:s30], [sflag:$0x8] =	stream.indirect_vreg.gather [hbm4b:s7+s2], $0x80, v3, vm0, $0xb8;
	[tilespmem:$0x18100] =	vst v63  }
0xb1: {  	_ =	swait.ge [sflag:s31], $0x3000  }
0xb2: {  	[sflag:s31] =	ssyncset.done $0x0  }
0xb3: {  	s29 =	simm.s32 $0x0;
	[sflag:s31] =	ssyncadd.s32 $0xFFFFD000  }
0xb4: {  	s23 =	smul.u32 $0x1800, s29;
	_ =	swait.ge [sflag:s0], $0x3000  }
0xb5: {  	s24 =	sand.u32 $0x380, s2;
	[sflag:s0] =	ssyncset.done $0x0  }
0xb6: {  	s23 =	sor.u32 s24, s23;
	[sflag:s0] =	ssyncadd.s32 $0xFFFFD000  }
0xb7: {  	v12 =	vld [tilespmem:s23+$0xC100]  }
0xb8: {  	v13 =	vld [tilespmem:s23+$0xC110]  }
0xb9: {  	v14 =	vld [tilespmem:s23+$0xC120]  }
0xba: {  	v15 =	vld [tilespmem:s23+$0xC130]  }
0xbb: {  	v16 =	vld [tilespmem:s23+$0xC140]  }
0xbc: {  	v17 =	vld [tilespmem:s23+$0xC150]  }
0xbd: {  	v18 =	vld [tilespmem:s23+$0xC160]  }
0xbe: {  	v19 =	vld [tilespmem:s23+$0xC170]  }
0xbf: {  	v20 =	vld [tilespmem:s23+$0xC500]  }
0xc0: {  	v21 =	vld [tilespmem:s23+$0xC510]  }
0xc1: {  	v22 =	vld [tilespmem:s23+$0xC520]  }
0xc2: {  	v23 =	vld [tilespmem:s23+$0xC530]  }
0xc3: {  	v24 =	vld [tilespmem:s23+$0xC540]  }
0xc4: {  	v25 =	vld [tilespmem:s23+$0xC550]  }
0xc5: {  	v26 =	vld [tilespmem:s23+$0xC560]  }
0xc6: {  	v27 =	vld [tilespmem:s23+$0xC570]  }
0xc7: {  	v28 =	vld [tilespmem:s23+$0xC900]  }
0xc8: {  	v29 =	vld [tilespmem:s23+$0xC910]  }
0xc9: {  	v30 =	vld [tilespmem:s23+$0xC920]  }
0xca: {  	v31 =	vld [tilespmem:s23+$0xC930]  }
0xcb: {  	v32 =	vld [tilespmem:s23+$0xC940]  }
0xcc: {  	v33 =	vld [tilespmem:s23+$0xC950]  }
0xcd: {  	v34 =	vld [tilespmem:s23+$0xC960]  }
0xce: {  	v35 =	vld [tilespmem:s23+$0xC970]  }
0xcf: {  	v36 =	vld [tilespmem:s23+$0xCD00]  }
0xd0: {  	v37 =	vld [tilespmem:s23+$0xCD10]  }
0xd1: {  	v38 =	vld [tilespmem:s23+$0xCD20]  }
0xd2: {  	v39 =	vld [tilespmem:s23+$0xCD30]  }
0xd3: {  	v40 =	vld [tilespmem:s23+$0xCD40]  }
0xd4: {  	v41 =	vld [tilespmem:s23+$0xCD50]  }
0xd5: {  	v42 =	vld [tilespmem:s23+$0xCD60]  }
0xd6: {  	v43 =	vld [tilespmem:s23+$0xCD70]  }
0xd7: {  	v44 =	vld [tilespmem:s23+$0xD100]  }
0xd8: {  	v45 =	vld [tilespmem:s23+$0xD110]  }
0xd9: {  	v46 =	vld [tilespmem:s23+$0xD120]  }
0xda: {  	v47 =	vld [tilespmem:s23+$0xD130]  }
0xdb: {  	v48 =	vld [tilespmem:s23+$0xD140]  }
0xdc: {  	v49 =	vld [tilespmem:s23+$0xD150]  }
0xdd: {  	v50 =	vld [tilespmem:s23+$0xD160]  }
0xde: {  	v11 =	vld [tilespmem:s23+$0xD170]  }
0xdf: {  	v10 =	vld [tilespmem:s23+$0xD500]  }
0xe0: {  	v9 =	vld [tilespmem:s23+$0xD510]  }
0xe1: {  	v8 =	vld [tilespmem:s23+$0xD520]  }
0xe2: {  	v7 =	vld [tilespmem:s23+$0xD530]  }
0xe3: {  	v6 =	vld [tilespmem:s23+$0xD540]  }
0xe4: {  	v51 =	vld [tilespmem:s23+$0x100]  }
0xe5: {  	v52 =	vld [tilespmem:s23+$0x110]  }
0xe6: {  	v53 =	vld [tilespmem:s23+$0x120]  }
0xe7: {  	v54 =	vld [tilespmem:s23+$0x130]  }
0xe8: {  	v55 =	vld [tilespmem:s23+$0x140]  }
0xe9: {  	v62 =	vld [tilespmem:s23+$0x150];
	v12 =	vadd.f32 v12, v51  }
0xea: {  	v63 =	vld [tilespmem:s23+$0x160];
	v13 =	vadd.f32 v13, v52  }
0xeb: {  	[tilespmem:s23+$0x100] =	vst v12;
	v12 =	vadd.f32 v14, v53;
	v14 =	vld [tilespmem:s23+$0x170]  }
0xec: {  	[tilespmem:s23+$0x110] =	vst v13;
	v13 =	vadd.f32 v15, v54;
	v15 =	vld [tilespmem:s23+$0x500]  }
0xed: {  	[tilespmem:s23+$0x120] =	vst v12;
	v12 =	vadd.f32 v16, v55;
	v16 =	vld [tilespmem:s23+$0x510]  }
0xee: {  	[tilespmem:s23+$0x130] =	vst v13;
	v13 =	vadd.f32 v17, v62;
	v17 =	vld [tilespmem:s23+$0x520]  }
0xef: {  	v5 =	vld [tilespmem:s23+$0xD550]  }
0xf0: {  	[tilespmem:s23+$0x140] =	vst v12;
	v12 =	vadd.f32 v18, v63;
	v18 =	vld [tilespmem:s23+$0x570]  }
0xf1: {  	[tilespmem:s23+$0x150] =	vst v13;
	v13 =	vadd.f32 v19, v14;
	v14 =	vld [tilespmem:s23+$0x530]  }
0xf2: {  	[tilespmem:s23+$0x160] =	vst v12;
	v12 =	vadd.f32 v20, v15;
	v15 =	vld [tilespmem:s23+$0x540]  }
0xf3: {  	[tilespmem:s23+$0x170] =	vst v13;
	v13 =	vadd.f32 v21, v16;
	v16 =	vadd.f32 v22, v17;
	v17 =	vld [tilespmem:s23+$0x560]  }
0xf4: {  	[tilespmem:s23+$0x500] =	vst v12;
	v12 =	vld [tilespmem:s23+$0x550]  }
0xf5: {  	[tilespmem:s23+$0x510] =	vst v13;
	v13 =	vld [tilespmem:s23+$0x900];
	v18 =	vadd.f32 v27, v18  }
0xf6: {  	[tilespmem:s23+$0x520] =	vst v16;
	v16 =	vld [tilespmem:s23+$0x910];
	v14 =	vadd.f32 v23, v14  }
0xf7: {  	v4 =	vld [tilespmem:s23+$0xD560];
	v15 =	vadd.f32 v24, v15;
	[tilespmem:s23+$0x570] =	vst v18  }
0xf8: {  	[tilespmem:s23+$0x530] =	vst v14;
	v14 =	vld [tilespmem:s23+$0x920];
	v17 =	vadd.f32 v26, v17  }
0xf9: {  	v12 =	vadd.f32 v25, v12;
	[tilespmem:s23+$0x540] =	vst v15;
	v15 =	vld [tilespmem:s23+$0x930]  }
0xfa: {  	v18 =	vld [tilespmem:s23+$0x970];
	[tilespmem:s23+$0x560] =	vst v17;
	v13 =	vadd.f32 v28, v13  }
0xfb: {  	v16 =	vadd.f32 v29, v16;
	[tilespmem:s23+$0x550] =	vst v12;
	v12 =	vld [tilespmem:s23+$0x940]  }
0xfc: {  	v17 =	vld [tilespmem:s23+$0x950];
	[tilespmem:s23+$0x900] =	vst v13  }
0xfd: {  	[tilespmem:s23+$0x910] =	vst v16;
	v16 =	vld [tilespmem:s23+$0x960];
	v13 =	vadd.f32 v30, v14  }
0xfe: {  	v14 =	vld [tilespmem:s23+$0xD00];
	v15 =	vadd.f32 v31, v15  }
0xff: {  	[tilespmem:s23+$0x920] =	vst v13;
	v13 =	vld [tilespmem:s23+$0xD10]  }
0x100: {  	v12 =	vadd.f32 v32, v12;
	[tilespmem:s23+$0x930] =	vst v15;
	v15 =	vld [tilespmem:s23+$0xD20]  }
0x101: {  	v3 =	vld [tilespmem:s23+$0xD570];
	v17 =	vadd.f32 v33, v17  }
0x102: {  	v16 =	vadd.f32 v34, v16;
	[tilespmem:s23+$0x940] =	vst v12;
	v12 =	vld [tilespmem:s23+$0xD30]  }
0x103: {  	[tilespmem:s23+$0x950] =	vst v17;
	v17 =	vld [tilespmem:s23+$0xD40];
	v14 =	vadd.f32 v36, v14  }
0x104: {  	v18 =	vadd.f32 v35, v18;
	[tilespmem:s23+$0x960] =	vst v16;
	v16 =	vld [tilespmem:s23+$0xD50]  }
0x105: {  	v13 =	vadd.f32 v37, v13;
	[tilespmem:s23+$0xD00] =	vst v14;
	v14 =	vadd.f32 v38, v15;
	v15 =	vld [tilespmem:s23+$0xD60]  }
0x106: {  	[tilespmem:s23+$0x970] =	vst v18;
	v18 =	vld [tilespmem:s23+$0xD70]  }
0x107: {  	[tilespmem:s23+$0xD10] =	vst v13;
	v13 =	vld [tilespmem:s23+$0x1100];
	v12 =	vadd.f32 v39, v12  }
0x108: {  	v17 =	vadd.f32 v40, v17;
	[tilespmem:s23+$0xD20] =	vst v14;
	v14 =	vld [tilespmem:s23+$0x1110]  }
0x109: {  	v16 =	vadd.f32 v41, v16;
	[tilespmem:s23+$0xD30] =	vst v12;
	v12 =	vld [tilespmem:s23+$0x1120]  }
0x10a: {  	[tilespmem:s23+$0xD40] =	vst v17;
	v17 =	vld [tilespmem:s23+$0x1130];
	v15 =	vadd.f32 v42, v15  }
0x10b: {  	v19 =	vld [tilespmem:s23+$0x1140];
	[tilespmem:s23+$0xD50] =	vst v16;
	v16 =	vadd.f32 v43, v18  }
0x10c: {  	v18 =	vld [tilespmem:s23+$0x1150];
	v13 =	vadd.f32 v44, v13;
	[tilespmem:s23+$0xD60] =	vst v15  }
0x10d: {  	v20 =	vld [tilespmem:s23+$0x1160];
	[tilespmem:s23+$0xD70] =	vst v16;
	v14 =	vadd.f32 v45, v14  }
0x10e: {  	v16 =	vld [tilespmem:s23+$0x1170];
	[tilespmem:s23+$0x1100] =	vst v13;
	v12 =	vadd.f32 v46, v12  }
0x10f: {  	v15 =	vld [tilespmem:s23+$0x1500];
	v13 =	vadd.f32 v47, v17;
	[tilespmem:s23+$0x1110] =	vst v14  }
0x110: {  	v14 =	vld [tilespmem:s23+$0x1510];
	[tilespmem:s23+$0x1120] =	vst v12;
	v12 =	vadd.f32 v48, v19  }
0x111: {  	[tilespmem:s23+$0x1130] =	vst v13;
	v13 =	vld [tilespmem:s23+$0x1520];
	v18 =	vadd.f32 v49, v18  }
0x112: {  	s24 =	simm.s32 $0x1;
	s25 =	simm.s32 $0x0;
	v17 =	vadd.f32 v50, v20;
	[tilespmem:s23+$0x1140] =	vst v12;
	v12 =	vld [tilespmem:s23+$0x1530]  }
.LBB2_2:
0x113: {  	s26 =	sshrl.u32 s24, $0x3;
	p0 =	sne.s32 s24, $0xF;
	[tilespmem:s23+$0x1150] =	vst v18;
	v11 =	vadd.f32 v11, v16;
	v16 =	vld [tilespmem:s23+$0x1540]  }
0x114: {  	s25 =	sadd.s32 $0x80, s25;
	s26 =	smul.u32 $0x1800, s26;
	[tilespmem:s23+$0x1160] =	vst v17;
	v10 =	vadd.f32 v10, v15;
	v15 =	vld [tilespmem:s23+$0x1550]  }
0x115: {  	s29 =	sand.u32 $0x380, s25;
	[tilespmem:s23+$0x1170] =	vst v11;
	v9 =	vadd.f32 v9, v14;
	v11 =	vld [tilespmem:s23+$0x1560]  }
0x116: {  	s26 =	sor.u32 s29, s26;
	[tilespmem:s23+$0x1500] =	vst v10;
	v8 =	vadd.f32 v8, v13;
	v10 =	vld [tilespmem:s23+$0x1570]  }
0x117: {  	v39 =	vld [tilespmem:s26+$0xC100];
	[tilespmem:s23+$0x1510] =	vst v9;
	v7 =	vadd.f32 v7, v12  }
0x118: {  	v40 =	vld [tilespmem:s26+$0xC110];
	[tilespmem:s23+$0x1520] =	vst v8;
	v6 =	vadd.f32 v6, v16  }
0x119: {  	v41 =	vld [tilespmem:s26+$0xC120];
	[tilespmem:s23+$0x1530] =	vst v7;
	v5 =	vadd.f32 v5, v15  }
0x11a: {  	v42 =	vld [tilespmem:s26+$0xC130];
	[tilespmem:s23+$0x1540] =	vst v6;
	v4 =	vadd.f32 v4, v11  }
0x11b: {  	v43 =	vld [tilespmem:s26+$0xC140];
	[tilespmem:s23+$0x1550] =	vst v5;
	v3 =	vadd.f32 v3, v10  }
0x11c: {  	v44 =	vld [tilespmem:s26+$0xC150];
	[tilespmem:s23+$0x1560] =	vst v4  }
0x11d: {  	v45 =	vld [tilespmem:s26+$0xC160];
	[tilespmem:s23+$0x1570] =	vst v3;
	s23 =	smov.u32 s26  }
0x11e: {  	v46 =	vld [tilespmem:s23+$0xC170]  }
0x11f: {  	v47 =	vld [tilespmem:s23+$0xC500]  }
0x120: {  	v48 =	vld [tilespmem:s23+$0xC510]  }
0x121: {  	v49 =	vld [tilespmem:s23+$0xC520]  }
0x122: {  	v50 =	vld [tilespmem:s23+$0xC530]  }
0x123: {  	v38 =	vld [tilespmem:s23+$0xC540]  }
0x124: {  	v37 =	vld [tilespmem:s23+$0xC550]  }
0x125: {  	v36 =	vld [tilespmem:s23+$0xC560]  }
0x126: {  	v35 =	vld [tilespmem:s23+$0xC570]  }
0x127: {  	v34 =	vld [tilespmem:s23+$0xC900]  }
0x128: {  	v33 =	vld [tilespmem:s23+$0xC910]  }
0x129: {  	v32 =	vld [tilespmem:s23+$0xC920]  }
0x12a: {  	v31 =	vld [tilespmem:s23+$0xC930]  }
0x12b: {  	v30 =	vld [tilespmem:s23+$0xC940]  }
0x12c: {  	v29 =	vld [tilespmem:s23+$0xC950]  }
0x12d: {  	v28 =	vld [tilespmem:s23+$0xC960]  }
0x12e: {  	v27 =	vld [tilespmem:s23+$0xC970]  }
0x12f: {  	v26 =	vld [tilespmem:s23+$0xCD00]  }
0x130: {  	v25 =	vld [tilespmem:s23+$0xCD10]  }
0x131: {  	v24 =	vld [tilespmem:s23+$0xCD20]  }
0x132: {  	v23 =	vld [tilespmem:s23+$0xCD30]  }
0x133: {  	v22 =	vld [tilespmem:s23+$0xCD40]  }
0x134: {  	v21 =	vld [tilespmem:s23+$0xCD50]  }
0x135: {  	v20 =	vld [tilespmem:s23+$0xCD60]  }
0x136: {  	v19 =	vld [tilespmem:s23+$0xCD70]  }
0x137: {  	v18 =	vld [tilespmem:s23+$0xD100]  }
0x138: {  	v17 =	vld [tilespmem:s23+$0xD110]  }
0x139: {  	v16 =	vld [tilespmem:s23+$0xD120]  }
0x13a: {  	v15 =	vld [tilespmem:s23+$0xD130]  }
0x13b: {  	v14 =	vld [tilespmem:s23+$0xD140]  }
0x13c: {  	v13 =	vld [tilespmem:s23+$0xD150]  }
0x13d: {  	v12 =	vld [tilespmem:s23+$0xD160]  }
0x13e: {  	v11 =	vld [tilespmem:s23+$0xD170]  }
0x13f: {  	v10 =	vld [tilespmem:s23+$0xD500]  }
0x140: {  	v9 =	vld [tilespmem:s23+$0xD510]  }
0x141: {  	v8 =	vld [tilespmem:s23+$0xD520]  }
0x142: {  	v7 =	vld [tilespmem:s23+$0xD530]  }
0x143: {  	v6 =	vld [tilespmem:s23+$0xD540]  }
0x144: {  	v5 =	vld [tilespmem:s23+$0xD550]  }
0x145: {  	v4 =	vld [tilespmem:s23+$0xD560]  }
0x146: {  	v3 =	vld [tilespmem:s23+$0xD570]  }
0x147: {  	v51 =	vld [tilespmem:s23+$0x100]  }
0x148: {  	v52 =	vld [tilespmem:s23+$0x110]  }
0x149: {  	v53 =	vld [tilespmem:s23+$0x120]  }
0x14a: {  	v54 =	vld [tilespmem:s23+$0x130]  }
0x14b: {  	v55 =	vld [tilespmem:s23+$0x140]  }
0x14c: {  	v39 =	vadd.f32 v39, v51;
	v51 =	vld [tilespmem:s23+$0x150]  }
0x14d: {  	v40 =	vadd.f32 v40, v52;
	v52 =	vld [tilespmem:s23+$0x160]  }
0x14e: {  	[tilespmem:s23+$0x100] =	vst v39;
	v39 =	vadd.f32 v41, v53;
	v41 =	vld [tilespmem:s23+$0x170]  }
0x14f: {  	[tilespmem:s23+$0x110] =	vst v40;
	v40 =	vadd.f32 v42, v54;
	v42 =	vld [tilespmem:s23+$0x500]  }
0x150: {  	[tilespmem:s23+$0x120] =	vst v39;
	v39 =	vadd.f32 v43, v55;
	v43 =	vld [tilespmem:s23+$0x510]  }
0x151: {  	[tilespmem:s23+$0x130] =	vst v40;
	v40 =	vadd.f32 v44, v51;
	v44 =	vld [tilespmem:s23+$0x520]  }
0x152: {  	[tilespmem:s23+$0x140] =	vst v39;
	v39 =	vadd.f32 v45, v52;
	v45 =	vld [tilespmem:s23+$0x530]  }
0x153: {  	[tilespmem:s23+$0x150] =	vst v40;
	v40 =	vadd.f32 v46, v41;
	v41 =	vld [tilespmem:s23+$0x540]  }
0x154: {  	[tilespmem:s23+$0x160] =	vst v39;
	v39 =	vadd.f32 v47, v42;
	v42 =	vld [tilespmem:s23+$0x550]  }
0x155: {  	[tilespmem:s23+$0x170] =	vst v40;
	v40 =	vadd.f32 v48, v43;
	v43 =	vld [tilespmem:s23+$0x560]  }
0x156: {  	[tilespmem:s23+$0x500] =	vst v39;
	v39 =	vadd.f32 v49, v44;
	v44 =	vld [tilespmem:s23+$0x570]  }
0x157: {  	[tilespmem:s23+$0x510] =	vst v40;
	v40 =	vadd.f32 v50, v45;
	v45 =	vld [tilespmem:s23+$0x900]  }
0x158: {  	[tilespmem:s23+$0x520] =	vst v39;
	v38 =	vadd.f32 v38, v41;
	v39 =	vld [tilespmem:s23+$0x910]  }
0x159: {  	[tilespmem:s23+$0x530] =	vst v40;
	v37 =	vadd.f32 v37, v42;
	v40 =	vld [tilespmem:s23+$0x920]  }
0x15a: {  	[tilespmem:s23+$0x540] =	vst v38;
	v36 =	vadd.f32 v36, v43;
	v38 =	vld [tilespmem:s23+$0x930]  }
0x15b: {  	[tilespmem:s23+$0x550] =	vst v37;
	v35 =	vadd.f32 v35, v44;
	v37 =	vld [tilespmem:s23+$0x940]  }
0x15c: {  	[tilespmem:s23+$0x560] =	vst v36;
	v34 =	vadd.f32 v34, v45;
	v36 =	vld [tilespmem:s23+$0x950]  }
0x15d: {  	[tilespmem:s23+$0x570] =	vst v35;
	v33 =	vadd.f32 v33, v39;
	v35 =	vld [tilespmem:s23+$0x960]  }
0x15e: {  	[tilespmem:s23+$0x900] =	vst v34;
	v32 =	vadd.f32 v32, v40;
	v34 =	vld [tilespmem:s23+$0x970]  }
0x15f: {  	[tilespmem:s23+$0x910] =	vst v33;
	v31 =	vadd.f32 v31, v38;
	v33 =	vld [tilespmem:s23+$0xD00]  }
0x160: {  	[tilespmem:s23+$0x920] =	vst v32;
	v30 =	vadd.f32 v30, v37;
	v32 =	vld [tilespmem:s23+$0xD10]  }
0x161: {  	[tilespmem:s23+$0x930] =	vst v31;
	v29 =	vadd.f32 v29, v36;
	v31 =	vld [tilespmem:s23+$0xD20]  }
0x162: {  	[tilespmem:s23+$0x940] =	vst v30;
	v28 =	vadd.f32 v28, v35;
	v30 =	vld [tilespmem:s23+$0xD30]  }
0x163: {  	[tilespmem:s23+$0x950] =	vst v29;
	v27 =	vadd.f32 v27, v34;
	v29 =	vld [tilespmem:s23+$0xD40]  }
0x164: {  	[tilespmem:s23+$0x960] =	vst v28;
	v26 =	vadd.f32 v26, v33;
	v28 =	vld [tilespmem:s23+$0xD50]  }
0x165: {  	[tilespmem:s23+$0x970] =	vst v27;
	v25 =	vadd.f32 v25, v32;
	v27 =	vld [tilespmem:s23+$0xD60]  }
0x166: {  	[tilespmem:s23+$0xD00] =	vst v26;
	v24 =	vadd.f32 v24, v31;
	v26 =	vld [tilespmem:s23+$0xD70]  }
0x167: {  	[tilespmem:s23+$0xD10] =	vst v25;
	v23 =	vadd.f32 v23, v30;
	v25 =	vld [tilespmem:s23+$0x1100]  }
0x168: {  	[tilespmem:s23+$0xD20] =	vst v24;
	v22 =	vadd.f32 v22, v29;
	v24 =	vld [tilespmem:s23+$0x1110]  }
0x169: {  	[tilespmem:s23+$0xD30] =	vst v23;
	v21 =	vadd.f32 v21, v28;
	v23 =	vld [tilespmem:s23+$0x1120]  }
0x16a: {  	[tilespmem:s23+$0xD40] =	vst v22;
	v20 =	vadd.f32 v20, v27;
	v22 =	vld [tilespmem:s23+$0x1130]  }
0x16b: {  	[tilespmem:s23+$0xD50] =	vst v21;
	v19 =	vadd.f32 v19, v26;
	v21 =	vld [tilespmem:s23+$0x1140]  }
0x16c: {  	[tilespmem:s23+$0xD60] =	vst v20;
	v18 =	vadd.f32 v18, v25;
	v20 =	vld [tilespmem:s23+$0x1150]  }
0x16d: {  	[tilespmem:s23+$0xD70] =	vst v19;
	v17 =	vadd.f32 v17, v24;
	v19 =	vld [tilespmem:s23+$0x1160]  }
.Ltmp0:
0x16e: {  	[tilespmem:s23+$0x1100] =	vst v18;
	v18 =	vadd.f32 v16, v23;
	v16 =	vld [tilespmem:s23+$0x1170];
	(pc) =	sbr.rel @p0 .LBB2_2-.Ltmp0, $4  }
0x16f: {  	[tilespmem:s23+$0x1110] =	vst v17;
	v17 =	vadd.f32 v15, v22;
	v15 =	vld [tilespmem:s23+$0x1500]  }
0x170: {  	[tilespmem:s23+$0x1120] =	vst v18;
	v21 =	vadd.f32 v14, v21;
	v14 =	vld [tilespmem:s23+$0x1510]  }
0x171: {  	[tilespmem:s23+$0x1130] =	vst v17;
	v18 =	vadd.f32 v13, v20;
	v13 =	vld [tilespmem:s23+$0x1520]  }
0x172: {  	s24 =	sadd.s32 $0x1, s24;
	[tilespmem:s23+$0x1140] =	vst v21;
	v17 =	vadd.f32 v12, v19;
	v12 =	vld [tilespmem:s23+$0x1530]  }
0x173: {  	[tilespmem:s23+$0x1150] =	vst v18;
	v18 =	vld [tilespmem:s23+$0x1540];
	v11 =	vadd.f32 v11, v16  }
0x174: {  	v16 =	vld [tilespmem:s23+$0x1550];
	[tilespmem:s23+$0x1160] =	vst v17;
	v10 =	vadd.f32 v10, v15  }
0x175: {  	[tilespmem:s23+$0x1170] =	vst v11;
	v9 =	vadd.f32 v9, v14;
	v11 =	vld [tilespmem:s23+$0x1560]  }
0x176: {  	[tilespmem:s23+$0x1500] =	vst v10;
	v8 =	vadd.f32 v8, v13;
	v10 =	vld [tilespmem:s23+$0x1570]  }
0x177: {  	[tilespmem:s23+$0x1510] =	vst v9;
	v7 =	vadd.f32 v7, v12  }
0x178: {  	[tilespmem:s23+$0x1520] =	vst v8;
	v6 =	vadd.f32 v6, v18  }
0x179: {  	v5 =	vadd.f32 v5, v16;
	[tilespmem:s23+$0x1530] =	vst v7  }
0x17a: {  	[tilespmem:s23+$0x1540] =	vst v6;
	v4 =	vadd.f32 v4, v11  }
0x17b: {  	[tilespmem:s23+$0x1550] =	vst v5;
	v3 =	vadd.f32 v3, v10  }
0x17c: {  	[tilespmem:s23+$0x1560] =	vst v4  }
0x17d: {  	[tilespmem:s23+$0x1570] =	vst v3  }
0x17e: {  	[hbm4b:s8+s2] =	stream.linear.scatter [tilespmem:s15], [sflag:$0x9], $0x3000, $0x38;
	[tilespmem:$0x18100] =	vst v63  }
0x17f: {  	_ =	swait.ge [sflag:s13], $0x3000  }
0x180: {  	[sflag:s13] =	ssyncset.done $0x0  }
0x181: {  	[sflag:s13] =	ssyncadd.s32 $0xFFFFD000  }
0x182: {  	_ =	swait.ge [sflag:s1], $0x3000  }
0x183: {  	[sflag:s1] =	ssyncset.done $0x0  }
0x184: {  	s29 =	simm.s32 $0x2;
	[sflag:s1] =	ssyncadd.s32 $0xFFFFD000  }
0x185: {  	s24 =	simm.s32 $0x800;
	s23 =	smul.u32 $0x1800, s29;
	_ =	swait.ge [sflag:s14], $0x3000  }
0x186: {  	s25 =	sand.u32 $0x380, s24;
	[sflag:s14] =	ssyncset.done $0x0  }
0x187: {  	s23 =	sor.u32 s25, s23;
	[sflag:s14] =	ssyncadd.s32 $0xFFFFD000  }
0x188: {  	v12 =	vld [tilespmem:s23+$0xC100]  }
0x189: {  	v13 =	vld [tilespmem:s23+$0xC110]  }
0x18a: {  	v14 =	vld [tilespmem:s23+$0xC120]  }
0x18b: {  	v15 =	vld [tilespmem:s23+$0xC130]  }
0x18c: {  	v16 =	vld [tilespmem:s23+$0xC140]  }
0x18d: {  	v17 =	vld [tilespmem:s23+$0xC150]  }
0x18e: {  	v18 =	vld [tilespmem:s23+$0xC160]  }
0x18f: {  	v19 =	vld [tilespmem:s23+$0xC170]  }
0x190: {  	v20 =	vld [tilespmem:s23+$0xC500]  }
0x191: {  	v21 =	vld [tilespmem:s23+$0xC510]  }
0x192: {  	v22 =	vld [tilespmem:s23+$0xC520]  }
0x193: {  	v23 =	vld [tilespmem:s23+$0xC530]  }
0x194: {  	v24 =	vld [tilespmem:s23+$0xC540]  }
0x195: {  	v25 =	vld [tilespmem:s23+$0xC550]  }
0x196: {  	v26 =	vld [tilespmem:s23+$0xC560]  }
0x197: {  	v27 =	vld [tilespmem:s23+$0xC570]  }
0x198: {  	v28 =	vld [tilespmem:s23+$0xC900]  }
0x199: {  	v29 =	vld [tilespmem:s23+$0xC910]  }
0x19a: {  	v30 =	vld [tilespmem:s23+$0xC920]  }
0x19b: {  	v31 =	vld [tilespmem:s23+$0xC930]  }
0x19c: {  	v32 =	vld [tilespmem:s23+$0xC940]  }
0x19d: {  	v33 =	vld [tilespmem:s23+$0xC950]  }
0x19e: {  	v34 =	vld [tilespmem:s23+$0xC960]  }
0x19f: {  	v35 =	vld [tilespmem:s23+$0xC970]  }
0x1a0: {  	v36 =	vld [tilespmem:s23+$0xCD00]  }
0x1a1: {  	v37 =	vld [tilespmem:s23+$0xCD10]  }
0x1a2: {  	v38 =	vld [tilespmem:s23+$0xCD20]  }
0x1a3: {  	v39 =	vld [tilespmem:s23+$0xCD30]  }
0x1a4: {  	v40 =	vld [tilespmem:s23+$0xCD40]  }
0x1a5: {  	v41 =	vld [tilespmem:s23+$0xCD50]  }
0x1a6: {  	v42 =	vld [tilespmem:s23+$0xCD60]  }
0x1a7: {  	v43 =	vld [tilespmem:s23+$0xCD70]  }
0x1a8: {  	v44 =	vld [tilespmem:s23+$0xD100]  }
0x1a9: {  	v45 =	vld [tilespmem:s23+$0xD110]  }
0x1aa: {  	v46 =	vld [tilespmem:s23+$0xD120]  }
0x1ab: {  	v47 =	vld [tilespmem:s23+$0xD130]  }
0x1ac: {  	v48 =	vld [tilespmem:s23+$0xD140]  }
0x1ad: {  	v49 =	vld [tilespmem:s23+$0xD150]  }
0x1ae: {  	v50 =	vld [tilespmem:s23+$0xD160]  }
0x1af: {  	v11 =	vld [tilespmem:s23+$0xD170]  }
0x1b0: {  	v10 =	vld [tilespmem:s23+$0xD500]  }
0x1b1: {  	v9 =	vld [tilespmem:s23+$0xD510]  }
0x1b2: {  	v8 =	vld [tilespmem:s23+$0xD520]  }
0x1b3: {  	v7 =	vld [tilespmem:s23+$0xD530]  }
0x1b4: {  	v6 =	vld [tilespmem:s23+$0xD540]  }
0x1b5: {  	v51 =	vld [tilespmem:s23+$0x100]  }
0x1b6: {  	v52 =	vld [tilespmem:s23+$0x110]  }
0x1b7: {  	v53 =	vld [tilespmem:s23+$0x120]  }
0x1b8: {  	v54 =	vld [tilespmem:s23+$0x130]  }
0x1b9: {  	v55 =	vld [tilespmem:s23+$0x140]  }
0x1ba: {  	v62 =	vld [tilespmem:s23+$0x150];
	v12 =	vadd.f32 v12, v51  }
0x1bb: {  	v63 =	vld [tilespmem:s23+$0x160];
	v13 =	vadd.f32 v13, v52  }
0x1bc: {  	[tilespmem:s23+$0x100] =	vst v12;
	v12 =	vadd.f32 v14, v53;
	v14 =	vld [tilespmem:s23+$0x170]  }
0x1bd: {  	[tilespmem:s23+$0x110] =	vst v13;
	v13 =	vadd.f32 v15, v54;
	v15 =	vld [tilespmem:s23+$0x500]  }
0x1be: {  	[tilespmem:s23+$0x120] =	vst v12;
	v12 =	vadd.f32 v16, v55;
	v16 =	vld [tilespmem:s23+$0x510]  }
0x1bf: {  	[tilespmem:s23+$0x130] =	vst v13;
	v13 =	vadd.f32 v17, v62;
	v17 =	vld [tilespmem:s23+$0x520]  }
0x1c0: {  	v5 =	vld [tilespmem:s23+$0xD550]  }
0x1c1: {  	[tilespmem:s23+$0x140] =	vst v12;
	v12 =	vadd.f32 v18, v63;
	v18 =	vld [tilespmem:s23+$0x570]  }
0x1c2: {  	[tilespmem:s23+$0x150] =	vst v13;
	v13 =	vadd.f32 v19, v14;
	v14 =	vld [tilespmem:s23+$0x530]  }
0x1c3: {  	[tilespmem:s23+$0x160] =	vst v12;
	v12 =	vadd.f32 v20, v15;
	v15 =	vld [tilespmem:s23+$0x540]  }
0x1c4: {  	[tilespmem:s23+$0x170] =	vst v13;
	v13 =	vadd.f32 v21, v16;
	v16 =	vadd.f32 v22, v17;
	v17 =	vld [tilespmem:s23+$0x560]  }
0x1c5: {  	[tilespmem:s23+$0x500] =	vst v12;
	v12 =	vld [tilespmem:s23+$0x550]  }
0x1c6: {  	[tilespmem:s23+$0x510] =	vst v13;
	v13 =	vld [tilespmem:s23+$0x900];
	v18 =	vadd.f32 v27, v18  }
0x1c7: {  	[tilespmem:s23+$0x520] =	vst v16;
	v16 =	vld [tilespmem:s23+$0x910];
	v14 =	vadd.f32 v23, v14  }
0x1c8: {  	v4 =	vld [tilespmem:s23+$0xD560];
	v15 =	vadd.f32 v24, v15;
	[tilespmem:s23+$0x570] =	vst v18  }
0x1c9: {  	[tilespmem:s23+$0x530] =	vst v14;
	v14 =	vld [tilespmem:s23+$0x920];
	v17 =	vadd.f32 v26, v17  }
0x1ca: {  	v12 =	vadd.f32 v25, v12;
	[tilespmem:s23+$0x540] =	vst v15;
	v15 =	vld [tilespmem:s23+$0x930]  }
0x1cb: {  	v18 =	vld [tilespmem:s23+$0x970];
	[tilespmem:s23+$0x560] =	vst v17;
	v13 =	vadd.f32 v28, v13  }
0x1cc: {  	v16 =	vadd.f32 v29, v16;
	[tilespmem:s23+$0x550] =	vst v12;
	v12 =	vld [tilespmem:s23+$0x940]  }
0x1cd: {  	v17 =	vld [tilespmem:s23+$0x950];
	[tilespmem:s23+$0x900] =	vst v13  }
0x1ce: {  	[tilespmem:s23+$0x910] =	vst v16;
	v16 =	vld [tilespmem:s23+$0x960];
	v13 =	vadd.f32 v30, v14  }
0x1cf: {  	v14 =	vld [tilespmem:s23+$0xD00];
	v15 =	vadd.f32 v31, v15  }
0x1d0: {  	[tilespmem:s23+$0x920] =	vst v13;
	v13 =	vld [tilespmem:s23+$0xD10]  }
0x1d1: {  	v12 =	vadd.f32 v32, v12;
	[tilespmem:s23+$0x930] =	vst v15;
	v15 =	vld [tilespmem:s23+$0xD20]  }
0x1d2: {  	v3 =	vld [tilespmem:s23+$0xD570];
	v17 =	vadd.f32 v33, v17  }
0x1d3: {  	v16 =	vadd.f32 v34, v16;
	[tilespmem:s23+$0x940] =	vst v12;
	v12 =	vld [tilespmem:s23+$0xD30]  }
0x1d4: {  	[tilespmem:s23+$0x950] =	vst v17;
	v17 =	vld [tilespmem:s23+$0xD40];
	v14 =	vadd.f32 v36, v14  }
0x1d5: {  	v18 =	vadd.f32 v35, v18;
	[tilespmem:s23+$0x960] =	vst v16;
	v16 =	vld [tilespmem:s23+$0xD50]  }
0x1d6: {  	v13 =	vadd.f32 v37, v13;
	[tilespmem:s23+$0xD00] =	vst v14;
	v14 =	vadd.f32 v38, v15;
	v15 =	vld [tilespmem:s23+$0xD60]  }
0x1d7: {  	[tilespmem:s23+$0x970] =	vst v18;
	v18 =	vld [tilespmem:s23+$0xD70]  }
0x1d8: {  	[tilespmem:s23+$0xD10] =	vst v13;
	v13 =	vld [tilespmem:s23+$0x1100];
	v12 =	vadd.f32 v39, v12  }
0x1d9: {  	v17 =	vadd.f32 v40, v17;
	[tilespmem:s23+$0xD20] =	vst v14;
	v14 =	vld [tilespmem:s23+$0x1110]  }
0x1da: {  	v16 =	vadd.f32 v41, v16;
	[tilespmem:s23+$0xD30] =	vst v12;
	v12 =	vld [tilespmem:s23+$0x1120]  }
0x1db: {  	[tilespmem:s23+$0xD40] =	vst v17;
	v17 =	vld [tilespmem:s23+$0x1130];
	v15 =	vadd.f32 v42, v15  }
0x1dc: {  	v19 =	vld [tilespmem:s23+$0x1140];
	[tilespmem:s23+$0xD50] =	vst v16;
	v16 =	vadd.f32 v43, v18  }
0x1dd: {  	v18 =	vld [tilespmem:s23+$0x1150];
	v13 =	vadd.f32 v44, v13;
	[tilespmem:s23+$0xD60] =	vst v15  }
0x1de: {  	v20 =	vld [tilespmem:s23+$0x1160];
	[tilespmem:s23+$0xD70] =	vst v16;
	v14 =	vadd.f32 v45, v14  }
0x1df: {  	v16 =	vld [tilespmem:s23+$0x1170];
	[tilespmem:s23+$0x1100] =	vst v13;
	v12 =	vadd.f32 v46, v12  }
0x1e0: {  	v15 =	vld [tilespmem:s23+$0x1500];
	v13 =	vadd.f32 v47, v17;
	[tilespmem:s23+$0x1110] =	vst v14  }
0x1e1: {  	v14 =	vld [tilespmem:s23+$0x1510];
	[tilespmem:s23+$0x1120] =	vst v12;
	v12 =	vadd.f32 v48, v19  }
0x1e2: {  	[tilespmem:s23+$0x1130] =	vst v13;
	v13 =	vld [tilespmem:s23+$0x1520];
	v18 =	vadd.f32 v49, v18  }
0x1e3: {  	s25 =	simm.s32 $0x11;
	v17 =	vadd.f32 v50, v20;
	[tilespmem:s23+$0x1140] =	vst v12;
	v12 =	vld [tilespmem:s23+$0x1530]  }
.LBB2_4:
0x1e4: {  	s26 =	sshrl.u32 s25, $0x3;
	p0 =	sne.s32 s25, $0x1F;
	[tilespmem:s23+$0x1150] =	vst v18;
	v11 =	vadd.f32 v11, v16;
	v16 =	vld [tilespmem:s23+$0x1540]  }
0x1e5: {  	s24 =	sadd.s32 $0x80, s24;
	s26 =	smul.u32 $0x1800, s26;
	[tilespmem:s23+$0x1160] =	vst v17;
	v10 =	vadd.f32 v10, v15;
	v15 =	vld [tilespmem:s23+$0x1550]  }
0x1e6: {  	s29 =	sand.u32 $0x380, s24;
	[tilespmem:s23+$0x1170] =	vst v11;
	v9 =	vadd.f32 v9, v14;
	v11 =	vld [tilespmem:s23+$0x1560]  }
0x1e7: {  	s26 =	sor.u32 s29, s26;
	[tilespmem:s23+$0x1500] =	vst v10;
	v8 =	vadd.f32 v8, v13;
	v10 =	vld [tilespmem:s23+$0x1570]  }
0x1e8: {  	v39 =	vld [tilespmem:s26+$0xC100];
	[tilespmem:s23+$0x1510] =	vst v9;
	v7 =	vadd.f32 v7, v12  }
0x1e9: {  	v40 =	vld [tilespmem:s26+$0xC110];
	[tilespmem:s23+$0x1520] =	vst v8;
	v6 =	vadd.f32 v6, v16  }
0x1ea: {  	v41 =	vld [tilespmem:s26+$0xC120];
	[tilespmem:s23+$0x1530] =	vst v7;
	v5 =	vadd.f32 v5, v15  }
0x1eb: {  	v42 =	vld [tilespmem:s26+$0xC130];
	[tilespmem:s23+$0x1540] =	vst v6;
	v4 =	vadd.f32 v4, v11  }
0x1ec: {  	v43 =	vld [tilespmem:s26+$0xC140];
	[tilespmem:s23+$0x1550] =	vst v5;
	v3 =	vadd.f32 v3, v10  }
0x1ed: {  	v44 =	vld [tilespmem:s26+$0xC150];
	[tilespmem:s23+$0x1560] =	vst v4  }
0x1ee: {  	v45 =	vld [tilespmem:s26+$0xC160];
	[tilespmem:s23+$0x1570] =	vst v3;
	s23 =	smov.u32 s26  }
0x1ef: {  	v46 =	vld [tilespmem:s23+$0xC170]  }
0x1f0: {  	v47 =	vld [tilespmem:s23+$0xC500]  }
0x1f1: {  	v48 =	vld [tilespmem:s23+$0xC510]  }
0x1f2: {  	v49 =	vld [tilespmem:s23+$0xC520]  }
0x1f3: {  	v50 =	vld [tilespmem:s23+$0xC530]  }
0x1f4: {  	v38 =	vld [tilespmem:s23+$0xC540]  }
0x1f5: {  	v37 =	vld [tilespmem:s23+$0xC550]  }
0x1f6: {  	v36 =	vld [tilespmem:s23+$0xC560]  }
0x1f7: {  	v35 =	vld [tilespmem:s23+$0xC570]  }
0x1f8: {  	v34 =	vld [tilespmem:s23+$0xC900]  }
0x1f9: {  	v33 =	vld [tilespmem:s23+$0xC910]  }
0x1fa: {  	v32 =	vld [tilespmem:s23+$0xC920]  }
0x1fb: {  	v31 =	vld [tilespmem:s23+$0xC930]  }
0x1fc: {  	v30 =	vld [tilespmem:s23+$0xC940]  }
0x1fd: {  	v29 =	vld [tilespmem:s23+$0xC950]  }
0x1fe: {  	v28 =	vld [tilespmem:s23+$0xC960]  }
0x1ff: {  	v27 =	vld [tilespmem:s23+$0xC970]  }
0x200: {  	v26 =	vld [tilespmem:s23+$0xCD00]  }
0x201: {  	v25 =	vld [tilespmem:s23+$0xCD10]  }
0x202: {  	v24 =	vld [tilespmem:s23+$0xCD20]  }
0x203: {  	v23 =	vld [tilespmem:s23+$0xCD30]  }
0x204: {  	v22 =	vld [tilespmem:s23+$0xCD40]  }
0x205: {  	v21 =	vld [tilespmem:s23+$0xCD50]  }
0x206: {  	v20 =	vld [tilespmem:s23+$0xCD60]  }
0x207: {  	v19 =	vld [tilespmem:s23+$0xCD70]  }
0x208: {  	v18 =	vld [tilespmem:s23+$0xD100]  }
0x209: {  	v17 =	vld [tilespmem:s23+$0xD110]  }
0x20a: {  	v16 =	vld [tilespmem:s23+$0xD120]  }
0x20b: {  	v15 =	vld [tilespmem:s23+$0xD130]  }
0x20c: {  	v14 =	vld [tilespmem:s23+$0xD140]  }
0x20d: {  	v13 =	vld [tilespmem:s23+$0xD150]  }
0x20e: {  	v12 =	vld [tilespmem:s23+$0xD160]  }
0x20f: {  	v11 =	vld [tilespmem:s23+$0xD170]  }
0x210: {  	v10 =	vld [tilespmem:s23+$0xD500]  }
0x211: {  	v9 =	vld [tilespmem:s23+$0xD510]  }
0x212: {  	v8 =	vld [tilespmem:s23+$0xD520]  }
0x213: {  	v7 =	vld [tilespmem:s23+$0xD530]  }
0x214: {  	v6 =	vld [tilespmem:s23+$0xD540]  }
0x215: {  	v5 =	vld [tilespmem:s23+$0xD550]  }
0x216: {  	v4 =	vld [tilespmem:s23+$0xD560]  }
0x217: {  	v3 =	vld [tilespmem:s23+$0xD570]  }
0x218: {  	v51 =	vld [tilespmem:s23+$0x100]  }
0x219: {  	v52 =	vld [tilespmem:s23+$0x110]  }
0x21a: {  	v53 =	vld [tilespmem:s23+$0x120]  }
0x21b: {  	v54 =	vld [tilespmem:s23+$0x130]  }
0x21c: {  	v55 =	vld [tilespmem:s23+$0x140]  }
0x21d: {  	v39 =	vadd.f32 v39, v51;
	v51 =	vld [tilespmem:s23+$0x150]  }
0x21e: {  	v40 =	vadd.f32 v40, v52;
	v52 =	vld [tilespmem:s23+$0x160]  }
0x21f: {  	[tilespmem:s23+$0x100] =	vst v39;
	v39 =	vadd.f32 v41, v53;
	v41 =	vld [tilespmem:s23+$0x170]  }
0x220: {  	[tilespmem:s23+$0x110] =	vst v40;
	v40 =	vadd.f32 v42, v54;
	v42 =	vld [tilespmem:s23+$0x500]  }
0x221: {  	[tilespmem:s23+$0x120] =	vst v39;
	v39 =	vadd.f32 v43, v55;
	v43 =	vld [tilespmem:s23+$0x510]  }
0x222: {  	[tilespmem:s23+$0x130] =	vst v40;
	v40 =	vadd.f32 v44, v51;
	v44 =	vld [tilespmem:s23+$0x520]  }
0x223: {  	[tilespmem:s23+$0x140] =	vst v39;
	v39 =	vadd.f32 v45, v52;
	v45 =	vld [tilespmem:s23+$0x530]  }
0x224: {  	[tilespmem:s23+$0x150] =	vst v40;
	v40 =	vadd.f32 v46, v41;
	v41 =	vld [tilespmem:s23+$0x540]  }
0x225: {  	[tilespmem:s23+$0x160] =	vst v39;
	v39 =	vadd.f32 v47, v42;
	v42 =	vld [tilespmem:s23+$0x550]  }
0x226: {  	[tilespmem:s23+$0x170] =	vst v40;
	v40 =	vadd.f32 v48, v43;
	v43 =	vld [tilespmem:s23+$0x560]  }
0x227: {  	[tilespmem:s23+$0x500] =	vst v39;
	v39 =	vadd.f32 v49, v44;
	v44 =	vld [tilespmem:s23+$0x570]  }
0x228: {  	[tilespmem:s23+$0x510] =	vst v40;
	v40 =	vadd.f32 v50, v45;
	v45 =	vld [tilespmem:s23+$0x900]  }
0x229: {  	[tilespmem:s23+$0x520] =	vst v39;
	v38 =	vadd.f32 v38, v41;
	v39 =	vld [tilespmem:s23+$0x910]  }
0x22a: {  	[tilespmem:s23+$0x530] =	vst v40;
	v37 =	vadd.f32 v37, v42;
	v40 =	vld [tilespmem:s23+$0x920]  }
0x22b: {  	[tilespmem:s23+$0x540] =	vst v38;
	v36 =	vadd.f32 v36, v43;
	v38 =	vld [tilespmem:s23+$0x930]  }
0x22c: {  	[tilespmem:s23+$0x550] =	vst v37;
	v35 =	vadd.f32 v35, v44;
	v37 =	vld [tilespmem:s23+$0x940]  }
0x22d: {  	[tilespmem:s23+$0x560] =	vst v36;
	v34 =	vadd.f32 v34, v45;
	v36 =	vld [tilespmem:s23+$0x950]  }
0x22e: {  	[tilespmem:s23+$0x570] =	vst v35;
	v33 =	vadd.f32 v33, v39;
	v35 =	vld [tilespmem:s23+$0x960]  }
0x22f: {  	[tilespmem:s23+$0x900] =	vst v34;
	v32 =	vadd.f32 v32, v40;
	v34 =	vld [tilespmem:s23+$0x970]  }
0x230: {  	[tilespmem:s23+$0x910] =	vst v33;
	v31 =	vadd.f32 v31, v38;
	v33 =	vld [tilespmem:s23+$0xD00]  }
0x231: {  	[tilespmem:s23+$0x920] =	vst v32;
	v30 =	vadd.f32 v30, v37;
	v32 =	vld [tilespmem:s23+$0xD10]  }
0x232: {  	[tilespmem:s23+$0x930] =	vst v31;
	v29 =	vadd.f32 v29, v36;
	v31 =	vld [tilespmem:s23+$0xD20]  }
0x233: {  	[tilespmem:s23+$0x940] =	vst v30;
	v28 =	vadd.f32 v28, v35;
	v30 =	vld [tilespmem:s23+$0xD30]  }
0x234: {  	[tilespmem:s23+$0x950] =	vst v29;
	v27 =	vadd.f32 v27, v34;
	v29 =	vld [tilespmem:s23+$0xD40]  }
0x235: {  	[tilespmem:s23+$0x960] =	vst v28;
	v26 =	vadd.f32 v26, v33;
	v28 =	vld [tilespmem:s23+$0xD50]  }
0x236: {  	[tilespmem:s23+$0x970] =	vst v27;
	v25 =	vadd.f32 v25, v32;
	v27 =	vld [tilespmem:s23+$0xD60]  }
0x237: {  	[tilespmem:s23+$0xD00] =	vst v26;
	v24 =	vadd.f32 v24, v31;
	v26 =	vld [tilespmem:s23+$0xD70]  }
0x238: {  	[tilespmem:s23+$0xD10] =	vst v25;
	v23 =	vadd.f32 v23, v30;
	v25 =	vld [tilespmem:s23+$0x1100]  }
0x239: {  	[tilespmem:s23+$0xD20] =	vst v24;
	v22 =	vadd.f32 v22, v29;
	v24 =	vld [tilespmem:s23+$0x1110]  }
0x23a: {  	[tilespmem:s23+$0xD30] =	vst v23;
	v21 =	vadd.f32 v21, v28;
	v23 =	vld [tilespmem:s23+$0x1120]  }
0x23b: {  	[tilespmem:s23+$0xD40] =	vst v22;
	v20 =	vadd.f32 v20, v27;
	v22 =	vld [tilespmem:s23+$0x1130]  }
0x23c: {  	[tilespmem:s23+$0xD50] =	vst v21;
	v19 =	vadd.f32 v19, v26;
	v21 =	vld [tilespmem:s23+$0x1140]  }
0x23d: {  	[tilespmem:s23+$0xD60] =	vst v20;
	v18 =	vadd.f32 v18, v25;
	v20 =	vld [tilespmem:s23+$0x1150]  }
0x23e: {  	[tilespmem:s23+$0xD70] =	vst v19;
	v17 =	vadd.f32 v17, v24;
	v19 =	vld [tilespmem:s23+$0x1160]  }
.Ltmp1:
0x23f: {  	[tilespmem:s23+$0x1100] =	vst v18;
	v18 =	vadd.f32 v16, v23;
	v16 =	vld [tilespmem:s23+$0x1170];
	(pc) =	sbr.rel @p0 .LBB2_4-.Ltmp1, $4  }
0x240: {  	[tilespmem:s23+$0x1110] =	vst v17;
	v17 =	vadd.f32 v15, v22;
	v15 =	vld [tilespmem:s23+$0x1500]  }
0x241: {  	[tilespmem:s23+$0x1120] =	vst v18;
	v21 =	vadd.f32 v14, v21;
	v14 =	vld [tilespmem:s23+$0x1510]  }
0x242: {  	[tilespmem:s23+$0x1130] =	vst v17;
	v18 =	vadd.f32 v13, v20;
	v13 =	vld [tilespmem:s23+$0x1520]  }
0x243: {  	s25 =	sadd.s32 $0x1, s25;
	[tilespmem:s23+$0x1140] =	vst v21;
	v17 =	vadd.f32 v12, v19;
	v12 =	vld [tilespmem:s23+$0x1530]  }
0x244: {  	[tilespmem:s23+$0x1150] =	vst v18;
	v18 =	vld [tilespmem:s23+$0x1540];
	v11 =	vadd.f32 v11, v16  }
0x245: {  	v16 =	vld [tilespmem:s23+$0x1550];
	[tilespmem:s23+$0x1160] =	vst v17;
	v10 =	vadd.f32 v10, v15  }
0x246: {  	[tilespmem:s23+$0x1170] =	vst v11;
	v9 =	vadd.f32 v9, v14;
	v11 =	vld [tilespmem:s23+$0x1560]  }
0x247: {  	[tilespmem:s23+$0x1500] =	vst v10;
	v8 =	vadd.f32 v8, v13;
	v10 =	vld [tilespmem:s23+$0x1570]  }
0x248: {  	[tilespmem:s23+$0x1510] =	vst v9;
	v7 =	vadd.f32 v7, v12  }
0x249: {  	[tilespmem:s23+$0x1520] =	vst v8;
	v6 =	vadd.f32 v6, v18  }
0x24a: {  	v5 =	vadd.f32 v5, v16;
	[tilespmem:s23+$0x1530] =	vst v7  }
0x24b: {  	[tilespmem:s23+$0x1540] =	vst v6;
	v4 =	vadd.f32 v4, v11  }
0x24c: {  	[tilespmem:s23+$0x1550] =	vst v5;
	v3 =	vadd.f32 v3, v10  }
0x24d: {  	[tilespmem:s23+$0x1560] =	vst v4  }
0x24e: {  	[tilespmem:s23+$0x1570] =	vst v3  }
0x24f: {  	[hbm4b:s9+s2] =	stream.linear.scatter [tilespmem:s28], [sflag:$0x9], $0x3000, $0x38;
	[tilespmem:$0x18100] =	vst v63  }
0x250: {  	_ =	swait.ge [sflag:s13], $0x3000  }
0x251: {  	[sflag:s13] =	ssyncset.done $0x0  }
0x252: {  	[sflag:s13] =	ssyncadd.s32 $0xFFFFD000  }
0x253: {  	_ =	swait.ge [sflag:s17], $0x3000  }
0x254: {  	[sflag:s17] =	ssyncset.done $0x0  }
0x255: {  	s29 =	simm.s32 $0x4;
	[sflag:s17] =	ssyncadd.s32 $0xFFFFD000  }
0x256: {  	s24 =	simm.s32 $0x1000;
	s23 =	smul.u32 $0x1800, s29;
	_ =	swait.ge [sflag:s18], $0x3000  }
0x257: {  	s25 =	sand.u32 $0x380, s24;
	[sflag:s18] =	ssyncset.done $0x0  }
0x258: {  	s23 =	sor.u32 s25, s23;
	[sflag:s18] =	ssyncadd.s32 $0xFFFFD000  }
0x259: {  	v12 =	vld [tilespmem:s23+$0xC100]  }
0x25a: {  	v13 =	vld [tilespmem:s23+$0xC110]  }
0x25b: {  	v14 =	vld [tilespmem:s23+$0xC120]  }
0x25c: {  	v15 =	vld [tilespmem:s23+$0xC130]  }
0x25d: {  	v16 =	vld [tilespmem:s23+$0xC140]  }
0x25e: {  	v17 =	vld [tilespmem:s23+$0xC150]  }
0x25f: {  	v18 =	vld [tilespmem:s23+$0xC160]  }
0x260: {  	v19 =	vld [tilespmem:s23+$0xC170]  }
0x261: {  	v20 =	vld [tilespmem:s23+$0xC500]  }
0x262: {  	v21 =	vld [tilespmem:s23+$0xC510]  }
0x263: {  	v22 =	vld [tilespmem:s23+$0xC520]  }
0x264: {  	v23 =	vld [tilespmem:s23+$0xC530]  }
0x265: {  	v24 =	vld [tilespmem:s23+$0xC540]  }
0x266: {  	v25 =	vld [tilespmem:s23+$0xC550]  }
0x267: {  	v26 =	vld [tilespmem:s23+$0xC560]  }
0x268: {  	v27 =	vld [tilespmem:s23+$0xC570]  }
0x269: {  	v28 =	vld [tilespmem:s23+$0xC900]  }
0x26a: {  	v29 =	vld [tilespmem:s23+$0xC910]  }
0x26b: {  	v30 =	vld [tilespmem:s23+$0xC920]  }
0x26c: {  	v31 =	vld [tilespmem:s23+$0xC930]  }
0x26d: {  	v32 =	vld [tilespmem:s23+$0xC940]  }
0x26e: {  	v33 =	vld [tilespmem:s23+$0xC950]  }
0x26f: {  	v34 =	vld [tilespmem:s23+$0xC960]  }
0x270: {  	v35 =	vld [tilespmem:s23+$0xC970]  }
0x271: {  	v36 =	vld [tilespmem:s23+$0xCD00]  }
0x272: {  	v37 =	vld [tilespmem:s23+$0xCD10]  }
0x273: {  	v38 =	vld [tilespmem:s23+$0xCD20]  }
0x274: {  	v39 =	vld [tilespmem:s23+$0xCD30]  }
0x275: {  	v40 =	vld [tilespmem:s23+$0xCD40]  }
0x276: {  	v41 =	vld [tilespmem:s23+$0xCD50]  }
0x277: {  	v42 =	vld [tilespmem:s23+$0xCD60]  }
0x278: {  	v43 =	vld [tilespmem:s23+$0xCD70]  }
0x279: {  	v44 =	vld [tilespmem:s23+$0xD100]  }
0x27a: {  	v45 =	vld [tilespmem:s23+$0xD110]  }
0x27b: {  	v46 =	vld [tilespmem:s23+$0xD120]  }
0x27c: {  	v47 =	vld [tilespmem:s23+$0xD130]  }
0x27d: {  	v48 =	vld [tilespmem:s23+$0xD140]  }
0x27e: {  	v49 =	vld [tilespmem:s23+$0xD150]  }
0x27f: {  	v50 =	vld [tilespmem:s23+$0xD160]  }
0x280: {  	v11 =	vld [tilespmem:s23+$0xD170]  }
0x281: {  	v10 =	vld [tilespmem:s23+$0xD500]  }
0x282: {  	v9 =	vld [tilespmem:s23+$0xD510]  }
0x283: {  	v8 =	vld [tilespmem:s23+$0xD520]  }
0x284: {  	v7 =	vld [tilespmem:s23+$0xD530]  }
0x285: {  	v6 =	vld [tilespmem:s23+$0xD540]  }
0x286: {  	v51 =	vld [tilespmem:s23+$0x100]  }
0x287: {  	v52 =	vld [tilespmem:s23+$0x110]  }
0x288: {  	v53 =	vld [tilespmem:s23+$0x120]  }
0x289: {  	v54 =	vld [tilespmem:s23+$0x130]  }
0x28a: {  	v55 =	vld [tilespmem:s23+$0x140]  }
0x28b: {  	v62 =	vld [tilespmem:s23+$0x150];
	v12 =	vadd.f32 v12, v51  }
0x28c: {  	v63 =	vld [tilespmem:s23+$0x160];
	v13 =	vadd.f32 v13, v52  }
0x28d: {  	[tilespmem:s23+$0x100] =	vst v12;
	v12 =	vadd.f32 v14, v53;
	v14 =	vld [tilespmem:s23+$0x170]  }
0x28e: {  	[tilespmem:s23+$0x110] =	vst v13;
	v13 =	vadd.f32 v15, v54;
	v15 =	vld [tilespmem:s23+$0x500]  }
0x28f: {  	[tilespmem:s23+$0x120] =	vst v12;
	v12 =	vadd.f32 v16, v55;
	v16 =	vld [tilespmem:s23+$0x510]  }
0x290: {  	[tilespmem:s23+$0x130] =	vst v13;
	v13 =	vadd.f32 v17, v62;
	v17 =	vld [tilespmem:s23+$0x520]  }
0x291: {  	v5 =	vld [tilespmem:s23+$0xD550]  }
0x292: {  	[tilespmem:s23+$0x140] =	vst v12;
	v12 =	vadd.f32 v18, v63;
	v18 =	vld [tilespmem:s23+$0x570]  }
0x293: {  	[tilespmem:s23+$0x150] =	vst v13;
	v13 =	vadd.f32 v19, v14;
	v14 =	vld [tilespmem:s23+$0x530]  }
0x294: {  	[tilespmem:s23+$0x160] =	vst v12;
	v12 =	vadd.f32 v20, v15;
	v15 =	vld [tilespmem:s23+$0x540]  }
0x295: {  	[tilespmem:s23+$0x170] =	vst v13;
	v13 =	vadd.f32 v21, v16;
	v16 =	vadd.f32 v22, v17;
	v17 =	vld [tilespmem:s23+$0x560]  }
0x296: {  	[tilespmem:s23+$0x500] =	vst v12;
	v12 =	vld [tilespmem:s23+$0x550]  }
0x297: {  	[tilespmem:s23+$0x510] =	vst v13;
	v13 =	vld [tilespmem:s23+$0x900];
	v18 =	vadd.f32 v27, v18  }
0x298: {  	[tilespmem:s23+$0x520] =	vst v16;
	v16 =	vld [tilespmem:s23+$0x910];
	v14 =	vadd.f32 v23, v14  }
0x299: {  	v4 =	vld [tilespmem:s23+$0xD560];
	v15 =	vadd.f32 v24, v15;
	[tilespmem:s23+$0x570] =	vst v18  }
0x29a: {  	[tilespmem:s23+$0x530] =	vst v14;
	v14 =	vld [tilespmem:s23+$0x920];
	v17 =	vadd.f32 v26, v17  }
0x29b: {  	v12 =	vadd.f32 v25, v12;
	[tilespmem:s23+$0x540] =	vst v15;
	v15 =	vld [tilespmem:s23+$0x930]  }
0x29c: {  	v18 =	vld [tilespmem:s23+$0x970];
	[tilespmem:s23+$0x560] =	vst v17;
	v13 =	vadd.f32 v28, v13  }
0x29d: {  	v16 =	vadd.f32 v29, v16;
	[tilespmem:s23+$0x550] =	vst v12;
	v12 =	vld [tilespmem:s23+$0x940]  }
0x29e: {  	v17 =	vld [tilespmem:s23+$0x950];
	[tilespmem:s23+$0x900] =	vst v13  }
0x29f: {  	[tilespmem:s23+$0x910] =	vst v16;
	v16 =	vld [tilespmem:s23+$0x960];
	v13 =	vadd.f32 v30, v14  }
0x2a0: {  	v14 =	vld [tilespmem:s23+$0xD00];
	v15 =	vadd.f32 v31, v15  }
0x2a1: {  	[tilespmem:s23+$0x920] =	vst v13;
	v13 =	vld [tilespmem:s23+$0xD10]  }
0x2a2: {  	v12 =	vadd.f32 v32, v12;
	[tilespmem:s23+$0x930] =	vst v15;
	v15 =	vld [tilespmem:s23+$0xD20]  }
0x2a3: {  	v3 =	vld [tilespmem:s23+$0xD570];
	v17 =	vadd.f32 v33, v17  }
0x2a4: {  	v16 =	vadd.f32 v34, v16;
	[tilespmem:s23+$0x940] =	vst v12;
	v12 =	vld [tilespmem:s23+$0xD30]  }
0x2a5: {  	[tilespmem:s23+$0x950] =	vst v17;
	v17 =	vld [tilespmem:s23+$0xD40];
	v14 =	vadd.f32 v36, v14  }
0x2a6: {  	v18 =	vadd.f32 v35, v18;
	[tilespmem:s23+$0x960] =	vst v16;
	v16 =	vld [tilespmem:s23+$0xD50]  }
0x2a7: {  	v13 =	vadd.f32 v37, v13;
	[tilespmem:s23+$0xD00] =	vst v14;
	v14 =	vadd.f32 v38, v15;
	v15 =	vld [tilespmem:s23+$0xD60]  }
0x2a8: {  	[tilespmem:s23+$0x970] =	vst v18;
	v18 =	vld [tilespmem:s23+$0xD70]  }
0x2a9: {  	[tilespmem:s23+$0xD10] =	vst v13;
	v13 =	vld [tilespmem:s23+$0x1100];
	v12 =	vadd.f32 v39, v12  }
0x2aa: {  	v17 =	vadd.f32 v40, v17;
	[tilespmem:s23+$0xD20] =	vst v14;
	v14 =	vld [tilespmem:s23+$0x1110]  }
0x2ab: {  	v16 =	vadd.f32 v41, v16;
	[tilespmem:s23+$0xD30] =	vst v12;
	v12 =	vld [tilespmem:s23+$0x1120]  }
0x2ac: {  	[tilespmem:s23+$0xD40] =	vst v17;
	v17 =	vld [tilespmem:s23+$0x1130];
	v15 =	vadd.f32 v42, v15  }
0x2ad: {  	v19 =	vld [tilespmem:s23+$0x1140];
	[tilespmem:s23+$0xD50] =	vst v16;
	v16 =	vadd.f32 v43, v18  }
0x2ae: {  	v18 =	vld [tilespmem:s23+$0x1150];
	v13 =	vadd.f32 v44, v13;
	[tilespmem:s23+$0xD60] =	vst v15  }
0x2af: {  	v20 =	vld [tilespmem:s23+$0x1160];
	[tilespmem:s23+$0xD70] =	vst v16;
	v14 =	vadd.f32 v45, v14  }
0x2b0: {  	v16 =	vld [tilespmem:s23+$0x1170];
	[tilespmem:s23+$0x1100] =	vst v13;
	v12 =	vadd.f32 v46, v12  }
0x2b1: {  	v15 =	vld [tilespmem:s23+$0x1500];
	v13 =	vadd.f32 v47, v17;
	[tilespmem:s23+$0x1110] =	vst v14  }
0x2b2: {  	v14 =	vld [tilespmem:s23+$0x1510];
	[tilespmem:s23+$0x1120] =	vst v12;
	v12 =	vadd.f32 v48, v19  }
0x2b3: {  	[tilespmem:s23+$0x1130] =	vst v13;
	v13 =	vld [tilespmem:s23+$0x1520];
	v18 =	vadd.f32 v49, v18  }
0x2b4: {  	s25 =	simm.s32 $0x21;
	v17 =	vadd.f32 v50, v20;
	[tilespmem:s23+$0x1140] =	vst v12;
	v12 =	vld [tilespmem:s23+$0x1530]  }
.LBB2_6:
0x2b5: {  	s26 =	sshrl.u32 s25, $0x3;
	p0 =	sne.s32 s25, $0x2F;
	[tilespmem:s23+$0x1150] =	vst v18;
	v11 =	vadd.f32 v11, v16;
	v16 =	vld [tilespmem:s23+$0x1540]  }
0x2b6: {  	s24 =	sadd.s32 $0x80, s24;
	s26 =	smul.u32 $0x1800, s26;
	[tilespmem:s23+$0x1160] =	vst v17;
	v10 =	vadd.f32 v10, v15;
	v15 =	vld [tilespmem:s23+$0x1550]  }
0x2b7: {  	s29 =	sand.u32 $0x380, s24;
	[tilespmem:s23+$0x1170] =	vst v11;
	v9 =	vadd.f32 v9, v14;
	v11 =	vld [tilespmem:s23+$0x1560]  }
0x2b8: {  	s26 =	sor.u32 s29, s26;
	[tilespmem:s23+$0x1500] =	vst v10;
	v8 =	vadd.f32 v8, v13;
	v10 =	vld [tilespmem:s23+$0x1570]  }
0x2b9: {  	v39 =	vld [tilespmem:s26+$0xC100];
	[tilespmem:s23+$0x1510] =	vst v9;
	v7 =	vadd.f32 v7, v12  }
0x2ba: {  	v40 =	vld [tilespmem:s26+$0xC110];
	[tilespmem:s23+$0x1520] =	vst v8;
	v6 =	vadd.f32 v6, v16  }
0x2bb: {  	v41 =	vld [tilespmem:s26+$0xC120];
	[tilespmem:s23+$0x1530] =	vst v7;
	v5 =	vadd.f32 v5, v15  }
0x2bc: {  	v42 =	vld [tilespmem:s26+$0xC130];
	[tilespmem:s23+$0x1540] =	vst v6;
	v4 =	vadd.f32 v4, v11  }
0x2bd: {  	v43 =	vld [tilespmem:s26+$0xC140];
	[tilespmem:s23+$0x1550] =	vst v5;
	v3 =	vadd.f32 v3, v10  }
0x2be: {  	v44 =	vld [tilespmem:s26+$0xC150];
	[tilespmem:s23+$0x1560] =	vst v4  }
0x2bf: {  	v45 =	vld [tilespmem:s26+$0xC160];
	[tilespmem:s23+$0x1570] =	vst v3;
	s23 =	smov.u32 s26  }
0x2c0: {  	v46 =	vld [tilespmem:s23+$0xC170]  }
0x2c1: {  	v47 =	vld [tilespmem:s23+$0xC500]  }
0x2c2: {  	v48 =	vld [tilespmem:s23+$0xC510]  }
0x2c3: {  	v49 =	vld [tilespmem:s23+$0xC520]  }
0x2c4: {  	v50 =	vld [tilespmem:s23+$0xC530]  }
0x2c5: {  	v38 =	vld [tilespmem:s23+$0xC540]  }
0x2c6: {  	v37 =	vld [tilespmem:s23+$0xC550]  }
0x2c7: {  	v36 =	vld [tilespmem:s23+$0xC560]  }
0x2c8: {  	v35 =	vld [tilespmem:s23+$0xC570]  }
0x2c9: {  	v34 =	vld [tilespmem:s23+$0xC900]  }
0x2ca: {  	v33 =	vld [tilespmem:s23+$0xC910]  }
0x2cb: {  	v32 =	vld [tilespmem:s23+$0xC920]  }
0x2cc: {  	v31 =	vld [tilespmem:s23+$0xC930]  }
0x2cd: {  	v30 =	vld [tilespmem:s23+$0xC940]  }
0x2ce: {  	v29 =	vld [tilespmem:s23+$0xC950]  }
0x2cf: {  	v28 =	vld [tilespmem:s23+$0xC960]  }
0x2d0: {  	v27 =	vld [tilespmem:s23+$0xC970]  }
0x2d1: {  	v26 =	vld [tilespmem:s23+$0xCD00]  }
0x2d2: {  	v25 =	vld [tilespmem:s23+$0xCD10]  }
0x2d3: {  	v24 =	vld [tilespmem:s23+$0xCD20]  }
0x2d4: {  	v23 =	vld [tilespmem:s23+$0xCD30]  }
0x2d5: {  	v22 =	vld [tilespmem:s23+$0xCD40]  }
0x2d6: {  	v21 =	vld [tilespmem:s23+$0xCD50]  }
0x2d7: {  	v20 =	vld [tilespmem:s23+$0xCD60]  }
0x2d8: {  	v19 =	vld [tilespmem:s23+$0xCD70]  }
0x2d9: {  	v18 =	vld [tilespmem:s23+$0xD100]  }
0x2da: {  	v17 =	vld [tilespmem:s23+$0xD110]  }
0x2db: {  	v16 =	vld [tilespmem:s23+$0xD120]  }
0x2dc: {  	v15 =	vld [tilespmem:s23+$0xD130]  }
0x2dd: {  	v14 =	vld [tilespmem:s23+$0xD140]  }
0x2de: {  	v13 =	vld [tilespmem:s23+$0xD150]  }
0x2df: {  	v12 =	vld [tilespmem:s23+$0xD160]  }
0x2e0: {  	v11 =	vld [tilespmem:s23+$0xD170]  }
0x2e1: {  	v10 =	vld [tilespmem:s23+$0xD500]  }
0x2e2: {  	v9 =	vld [tilespmem:s23+$0xD510]  }
0x2e3: {  	v8 =	vld [tilespmem:s23+$0xD520]  }
0x2e4: {  	v7 =	vld [tilespmem:s23+$0xD530]  }
0x2e5: {  	v6 =	vld [tilespmem:s23+$0xD540]  }
0x2e6: {  	v5 =	vld [tilespmem:s23+$0xD550]  }
0x2e7: {  	v4 =	vld [tilespmem:s23+$0xD560]  }
0x2e8: {  	v3 =	vld [tilespmem:s23+$0xD570]  }
0x2e9: {  	v51 =	vld [tilespmem:s23+$0x100]  }
0x2ea: {  	v52 =	vld [tilespmem:s23+$0x110]  }
0x2eb: {  	v53 =	vld [tilespmem:s23+$0x120]  }
0x2ec: {  	v54 =	vld [tilespmem:s23+$0x130]  }
0x2ed: {  	v55 =	vld [tilespmem:s23+$0x140]  }
0x2ee: {  	v39 =	vadd.f32 v39, v51;
	v51 =	vld [tilespmem:s23+$0x150]  }
0x2ef: {  	v40 =	vadd.f32 v40, v52;
	v52 =	vld [tilespmem:s23+$0x160]  }
0x2f0: {  	[tilespmem:s23+$0x100] =	vst v39;
	v39 =	vadd.f32 v41, v53;
	v41 =	vld [tilespmem:s23+$0x170]  }
0x2f1: {  	[tilespmem:s23+$0x110] =	vst v40;
	v40 =	vadd.f32 v42, v54;
	v42 =	vld [tilespmem:s23+$0x500]  }
0x2f2: {  	[tilespmem:s23+$0x120] =	vst v39;
	v39 =	vadd.f32 v43, v55;
	v43 =	vld [tilespmem:s23+$0x510]  }
0x2f3: {  	[tilespmem:s23+$0x130] =	vst v40;
	v40 =	vadd.f32 v44, v51;
	v44 =	vld [tilespmem:s23+$0x520]  }
0x2f4: {  	[tilespmem:s23+$0x140] =	vst v39;
	v39 =	vadd.f32 v45, v52;
	v45 =	vld [tilespmem:s23+$0x530]  }
0x2f5: {  	[tilespmem:s23+$0x150] =	vst v40;
	v40 =	vadd.f32 v46, v41;
	v41 =	vld [tilespmem:s23+$0x540]  }
0x2f6: {  	[tilespmem:s23+$0x160] =	vst v39;
	v39 =	vadd.f32 v47, v42;
	v42 =	vld [tilespmem:s23+$0x550]  }
0x2f7: {  	[tilespmem:s23+$0x170] =	vst v40;
	v40 =	vadd.f32 v48, v43;
	v43 =	vld [tilespmem:s23+$0x560]  }
0x2f8: {  	[tilespmem:s23+$0x500] =	vst v39;
	v39 =	vadd.f32 v49, v44;
	v44 =	vld [tilespmem:s23+$0x570]  }
0x2f9: {  	[tilespmem:s23+$0x510] =	vst v40;
	v40 =	vadd.f32 v50, v45;
	v45 =	vld [tilespmem:s23+$0x900]  }
0x2fa: {  	[tilespmem:s23+$0x520] =	vst v39;
	v38 =	vadd.f32 v38, v41;
	v39 =	vld [tilespmem:s23+$0x910]  }
0x2fb: {  	[tilespmem:s23+$0x530] =	vst v40;
	v37 =	vadd.f32 v37, v42;
	v40 =	vld [tilespmem:s23+$0x920]  }
0x2fc: {  	[tilespmem:s23+$0x540] =	vst v38;
	v36 =	vadd.f32 v36, v43;
	v38 =	vld [tilespmem:s23+$0x930]  }
0x2fd: {  	[tilespmem:s23+$0x550] =	vst v37;
	v35 =	vadd.f32 v35, v44;
	v37 =	vld [tilespmem:s23+$0x940]  }
0x2fe: {  	[tilespmem:s23+$0x560] =	vst v36;
	v34 =	vadd.f32 v34, v45;
	v36 =	vld [tilespmem:s23+$0x950]  }
0x2ff: {  	[tilespmem:s23+$0x570] =	vst v35;
	v33 =	vadd.f32 v33, v39;
	v35 =	vld [tilespmem:s23+$0x960]  }
0x300: {  	[tilespmem:s23+$0x900] =	vst v34;
	v32 =	vadd.f32 v32, v40;
	v34 =	vld [tilespmem:s23+$0x970]  }
0x301: {  	[tilespmem:s23+$0x910] =	vst v33;
	v31 =	vadd.f32 v31, v38;
	v33 =	vld [tilespmem:s23+$0xD00]  }
0x302: {  	[tilespmem:s23+$0x920] =	vst v32;
	v30 =	vadd.f32 v30, v37;
	v32 =	vld [tilespmem:s23+$0xD10]  }
0x303: {  	[tilespmem:s23+$0x930] =	vst v31;
	v29 =	vadd.f32 v29, v36;
	v31 =	vld [tilespmem:s23+$0xD20]  }
0x304: {  	[tilespmem:s23+$0x940] =	vst v30;
	v28 =	vadd.f32 v28, v35;
	v30 =	vld [tilespmem:s23+$0xD30]  }
0x305: {  	[tilespmem:s23+$0x950] =	vst v29;
	v27 =	vadd.f32 v27, v34;
	v29 =	vld [tilespmem:s23+$0xD40]  }
0x306: {  	[tilespmem:s23+$0x960] =	vst v28;
	v26 =	vadd.f32 v26, v33;
	v28 =	vld [tilespmem:s23+$0xD50]  }
0x307: {  	[tilespmem:s23+$0x970] =	vst v27;
	v25 =	vadd.f32 v25, v32;
	v27 =	vld [tilespmem:s23+$0xD60]  }
0x308: {  	[tilespmem:s23+$0xD00] =	vst v26;
	v24 =	vadd.f32 v24, v31;
	v26 =	vld [tilespmem:s23+$0xD70]  }
0x309: {  	[tilespmem:s23+$0xD10] =	vst v25;
	v23 =	vadd.f32 v23, v30;
	v25 =	vld [tilespmem:s23+$0x1100]  }
0x30a: {  	[tilespmem:s23+$0xD20] =	vst v24;
	v22 =	vadd.f32 v22, v29;
	v24 =	vld [tilespmem:s23+$0x1110]  }
0x30b: {  	[tilespmem:s23+$0xD30] =	vst v23;
	v21 =	vadd.f32 v21, v28;
	v23 =	vld [tilespmem:s23+$0x1120]  }
0x30c: {  	[tilespmem:s23+$0xD40] =	vst v22;
	v20 =	vadd.f32 v20, v27;
	v22 =	vld [tilespmem:s23+$0x1130]  }
0x30d: {  	[tilespmem:s23+$0xD50] =	vst v21;
	v19 =	vadd.f32 v19, v26;
	v21 =	vld [tilespmem:s23+$0x1140]  }
0x30e: {  	[tilespmem:s23+$0xD60] =	vst v20;
	v18 =	vadd.f32 v18, v25;
	v20 =	vld [tilespmem:s23+$0x1150]  }
0x30f: {  	[tilespmem:s23+$0xD70] =	vst v19;
	v17 =	vadd.f32 v17, v24;
	v19 =	vld [tilespmem:s23+$0x1160]  }
.Ltmp2:
0x310: {  	[tilespmem:s23+$0x1100] =	vst v18;
	v18 =	vadd.f32 v16, v23;
	v16 =	vld [tilespmem:s23+$0x1170];
	(pc) =	sbr.rel @p0 .LBB2_6-.Ltmp2, $4  }
0x311: {  	[tilespmem:s23+$0x1110] =	vst v17;
	v17 =	vadd.f32 v15, v22;
	v15 =	vld [tilespmem:s23+$0x1500]  }
0x312: {  	[tilespmem:s23+$0x1120] =	vst v18;
	v21 =	vadd.f32 v14, v21;
	v14 =	vld [tilespmem:s23+$0x1510]  }
0x313: {  	[tilespmem:s23+$0x1130] =	vst v17;
	v18 =	vadd.f32 v13, v20;
	v13 =	vld [tilespmem:s23+$0x1520]  }
0x314: {  	s25 =	sadd.s32 $0x1, s25;
	[tilespmem:s23+$0x1140] =	vst v21;
	v17 =	vadd.f32 v12, v19;
	v12 =	vld [tilespmem:s23+$0x1530]  }
0x315: {  	[tilespmem:s23+$0x1150] =	vst v18;
	v18 =	vld [tilespmem:s23+$0x1540];
	v11 =	vadd.f32 v11, v16  }
0x316: {  	v16 =	vld [tilespmem:s23+$0x1550];
	[tilespmem:s23+$0x1160] =	vst v17;
	v10 =	vadd.f32 v10, v15  }
0x317: {  	[tilespmem:s23+$0x1170] =	vst v11;
	v9 =	vadd.f32 v9, v14;
	v11 =	vld [tilespmem:s23+$0x1560]  }
0x318: {  	[tilespmem:s23+$0x1500] =	vst v10;
	v8 =	vadd.f32 v8, v13;
	v10 =	vld [tilespmem:s23+$0x1570]  }
0x319: {  	[tilespmem:s23+$0x1510] =	vst v9;
	v7 =	vadd.f32 v7, v12  }
0x31a: {  	[tilespmem:s23+$0x1520] =	vst v8;
	v6 =	vadd.f32 v6, v18  }
0x31b: {  	v5 =	vadd.f32 v5, v16;
	[tilespmem:s23+$0x1530] =	vst v7  }
0x31c: {  	[tilespmem:s23+$0x1540] =	vst v6;
	v4 =	vadd.f32 v4, v11  }
0x31d: {  	[tilespmem:s23+$0x1550] =	vst v5;
	v3 =	vadd.f32 v3, v10  }
0x31e: {  	[tilespmem:s23+$0x1560] =	vst v4  }
0x31f: {  	[tilespmem:s23+$0x1570] =	vst v3  }
0x320: {  	[hbm4b:s10+s2] =	stream.linear.scatter [tilespmem:s21], [sflag:$0x9], $0x3000, $0x38;
	[tilespmem:$0x18100] =	vst v63  }
0x321: {  	_ =	swait.ge [sflag:s13], $0x3000  }
0x322: {  	[sflag:s13] =	ssyncset.done $0x0  }
0x323: {  	[sflag:s13] =	ssyncadd.s32 $0xFFFFD000  }
0x324: {  	_ =	swait.ge [sflag:s19], $0x3000  }
0x325: {  	[sflag:s19] =	ssyncset.done $0x0  }
0x326: {  	s29 =	simm.s32 $0x6;
	[sflag:s19] =	ssyncadd.s32 $0xFFFFD000  }
0x327: {  	s24 =	simm.s32 $0x1800;
	s23 =	smul.u32 $0x1800, s29;
	_ =	swait.ge [sflag:s20], $0x3000  }
0x328: {  	s25 =	sand.u32 $0x380, s24;
	[sflag:s20] =	ssyncset.done $0x0  }
0x329: {  	s23 =	sor.u32 s25, s23;
	[sflag:s20] =	ssyncadd.s32 $0xFFFFD000  }
0x32a: {  	v12 =	vld [tilespmem:s23+$0xC100]  }
0x32b: {  	v13 =	vld [tilespmem:s23+$0xC110]  }
0x32c: {  	v14 =	vld [tilespmem:s23+$0xC120]  }
0x32d: {  	v15 =	vld [tilespmem:s23+$0xC130]  }
0x32e: {  	v16 =	vld [tilespmem:s23+$0xC140]  }
0x32f: {  	v17 =	vld [tilespmem:s23+$0xC150]  }
0x330: {  	v18 =	vld [tilespmem:s23+$0xC160]  }
0x331: {  	v19 =	vld [tilespmem:s23+$0xC170]  }
0x332: {  	v20 =	vld [tilespmem:s23+$0xC500]  }
0x333: {  	v21 =	vld [tilespmem:s23+$0xC510]  }
0x334: {  	v22 =	vld [tilespmem:s23+$0xC520]  }
0x335: {  	v23 =	vld [tilespmem:s23+$0xC530]  }
0x336: {  	v24 =	vld [tilespmem:s23+$0xC540]  }
0x337: {  	v25 =	vld [tilespmem:s23+$0xC550]  }
0x338: {  	v26 =	vld [tilespmem:s23+$0xC560]  }
0x339: {  	v27 =	vld [tilespmem:s23+$0xC570]  }
0x33a: {  	v28 =	vld [tilespmem:s23+$0xC900]  }
0x33b: {  	v29 =	vld [tilespmem:s23+$0xC910]  }
0x33c: {  	v30 =	vld [tilespmem:s23+$0xC920]  }
0x33d: {  	v31 =	vld [tilespmem:s23+$0xC930]  }
0x33e: {  	v32 =	vld [tilespmem:s23+$0xC940]  }
0x33f: {  	v33 =	vld [tilespmem:s23+$0xC950]  }
0x340: {  	v34 =	vld [tilespmem:s23+$0xC960]  }
0x341: {  	v35 =	vld [tilespmem:s23+$0xC970]  }
0x342: {  	v36 =	vld [tilespmem:s23+$0xCD00]  }
0x343: {  	v37 =	vld [tilespmem:s23+$0xCD10]  }
0x344: {  	v38 =	vld [tilespmem:s23+$0xCD20]  }
0x345: {  	v39 =	vld [tilespmem:s23+$0xCD30]  }
0x346: {  	v40 =	vld [tilespmem:s23+$0xCD40]  }
0x347: {  	v41 =	vld [tilespmem:s23+$0xCD50]  }
0x348: {  	v42 =	vld [tilespmem:s23+$0xCD60]  }
0x349: {  	v43 =	vld [tilespmem:s23+$0xCD70]  }
0x34a: {  	v44 =	vld [tilespmem:s23+$0xD100]  }
0x34b: {  	v45 =	vld [tilespmem:s23+$0xD110]  }
0x34c: {  	v46 =	vld [tilespmem:s23+$0xD120]  }
0x34d: {  	v47 =	vld [tilespmem:s23+$0xD130]  }
0x34e: {  	v48 =	vld [tilespmem:s23+$0xD140]  }
0x34f: {  	v49 =	vld [tilespmem:s23+$0xD150]  }
0x350: {  	v50 =	vld [tilespmem:s23+$0xD160]  }
0x351: {  	v11 =	vld [tilespmem:s23+$0xD170]  }
0x352: {  	v10 =	vld [tilespmem:s23+$0xD500]  }
0x353: {  	v9 =	vld [tilespmem:s23+$0xD510]  }
0x354: {  	v8 =	vld [tilespmem:s23+$0xD520]  }
0x355: {  	v7 =	vld [tilespmem:s23+$0xD530]  }
0x356: {  	v6 =	vld [tilespmem:s23+$0xD540]  }
0x357: {  	v51 =	vld [tilespmem:s23+$0x100]  }
0x358: {  	v52 =	vld [tilespmem:s23+$0x110]  }
0x359: {  	v53 =	vld [tilespmem:s23+$0x120]  }
0x35a: {  	v54 =	vld [tilespmem:s23+$0x130]  }
0x35b: {  	v55 =	vld [tilespmem:s23+$0x140]  }
0x35c: {  	v62 =	vld [tilespmem:s23+$0x150];
	v12 =	vadd.f32 v12, v51  }
0x35d: {  	v63 =	vld [tilespmem:s23+$0x160];
	v13 =	vadd.f32 v13, v52  }
0x35e: {  	[tilespmem:s23+$0x100] =	vst v12;
	v12 =	vadd.f32 v14, v53;
	v14 =	vld [tilespmem:s23+$0x170]  }
0x35f: {  	[tilespmem:s23+$0x110] =	vst v13;
	v13 =	vadd.f32 v15, v54;
	v15 =	vld [tilespmem:s23+$0x500]  }
0x360: {  	[tilespmem:s23+$0x120] =	vst v12;
	v12 =	vadd.f32 v16, v55;
	v16 =	vld [tilespmem:s23+$0x510]  }
0x361: {  	[tilespmem:s23+$0x130] =	vst v13;
	v13 =	vadd.f32 v17, v62;
	v17 =	vld [tilespmem:s23+$0x520]  }
0x362: {  	v5 =	vld [tilespmem:s23+$0xD550]  }
0x363: {  	[tilespmem:s23+$0x140] =	vst v12;
	v12 =	vadd.f32 v18, v63;
	v18 =	vld [tilespmem:s23+$0x570]  }
0x364: {  	[tilespmem:s23+$0x150] =	vst v13;
	v13 =	vadd.f32 v19, v14;
	v14 =	vld [tilespmem:s23+$0x530]  }
0x365: {  	[tilespmem:s23+$0x160] =	vst v12;
	v12 =	vadd.f32 v20, v15;
	v15 =	vld [tilespmem:s23+$0x540]  }
0x366: {  	[tilespmem:s23+$0x170] =	vst v13;
	v13 =	vadd.f32 v21, v16;
	v16 =	vadd.f32 v22, v17;
	v17 =	vld [tilespmem:s23+$0x560]  }
0x367: {  	[tilespmem:s23+$0x500] =	vst v12;
	v12 =	vld [tilespmem:s23+$0x550]  }
0x368: {  	[tilespmem:s23+$0x510] =	vst v13;
	v13 =	vld [tilespmem:s23+$0x900];
	v18 =	vadd.f32 v27, v18  }
0x369: {  	[tilespmem:s23+$0x520] =	vst v16;
	v16 =	vld [tilespmem:s23+$0x910];
	v14 =	vadd.f32 v23, v14  }
0x36a: {  	v4 =	vld [tilespmem:s23+$0xD560];
	v15 =	vadd.f32 v24, v15;
	[tilespmem:s23+$0x570] =	vst v18  }
0x36b: {  	[tilespmem:s23+$0x530] =	vst v14;
	v14 =	vld [tilespmem:s23+$0x920];
	v17 =	vadd.f32 v26, v17  }
0x36c: {  	v12 =	vadd.f32 v25, v12;
	[tilespmem:s23+$0x540] =	vst v15;
	v15 =	vld [tilespmem:s23+$0x930]  }
0x36d: {  	v18 =	vld [tilespmem:s23+$0x970];
	[tilespmem:s23+$0x560] =	vst v17;
	v13 =	vadd.f32 v28, v13  }
0x36e: {  	v16 =	vadd.f32 v29, v16;
	[tilespmem:s23+$0x550] =	vst v12;
	v12 =	vld [tilespmem:s23+$0x940]  }
0x36f: {  	v17 =	vld [tilespmem:s23+$0x950];
	[tilespmem:s23+$0x900] =	vst v13  }
0x370: {  	[tilespmem:s23+$0x910] =	vst v16;
	v16 =	vld [tilespmem:s23+$0x960];
	v13 =	vadd.f32 v30, v14  }
0x371: {  	v14 =	vld [tilespmem:s23+$0xD00];
	v15 =	vadd.f32 v31, v15  }
0x372: {  	[tilespmem:s23+$0x920] =	vst v13;
	v13 =	vld [tilespmem:s23+$0xD10]  }
0x373: {  	v12 =	vadd.f32 v32, v12;
	[tilespmem:s23+$0x930] =	vst v15;
	v15 =	vld [tilespmem:s23+$0xD20]  }
0x374: {  	v3 =	vld [tilespmem:s23+$0xD570];
	v17 =	vadd.f32 v33, v17  }
0x375: {  	v16 =	vadd.f32 v34, v16;
	[tilespmem:s23+$0x940] =	vst v12;
	v12 =	vld [tilespmem:s23+$0xD30]  }
0x376: {  	[tilespmem:s23+$0x950] =	vst v17;
	v17 =	vld [tilespmem:s23+$0xD40];
	v14 =	vadd.f32 v36, v14  }
0x377: {  	v18 =	vadd.f32 v35, v18;
	[tilespmem:s23+$0x960] =	vst v16;
	v16 =	vld [tilespmem:s23+$0xD50]  }
0x378: {  	v13 =	vadd.f32 v37, v13;
	[tilespmem:s23+$0xD00] =	vst v14;
	v14 =	vadd.f32 v38, v15;
	v15 =	vld [tilespmem:s23+$0xD60]  }
0x379: {  	[tilespmem:s23+$0x970] =	vst v18;
	v18 =	vld [tilespmem:s23+$0xD70]  }
0x37a: {  	[tilespmem:s23+$0xD10] =	vst v13;
	v13 =	vld [tilespmem:s23+$0x1100];
	v12 =	vadd.f32 v39, v12  }
0x37b: {  	v17 =	vadd.f32 v40, v17;
	[tilespmem:s23+$0xD20] =	vst v14;
	v14 =	vld [tilespmem:s23+$0x1110]  }
0x37c: {  	v16 =	vadd.f32 v41, v16;
	[tilespmem:s23+$0xD30] =	vst v12;
	v12 =	vld [tilespmem:s23+$0x1120]  }
0x37d: {  	[tilespmem:s23+$0xD40] =	vst v17;
	v17 =	vld [tilespmem:s23+$0x1130];
	v15 =	vadd.f32 v42, v15  }
0x37e: {  	v19 =	vld [tilespmem:s23+$0x1140];
	[tilespmem:s23+$0xD50] =	vst v16;
	v16 =	vadd.f32 v43, v18  }
0x37f: {  	v18 =	vld [tilespmem:s23+$0x1150];
	v13 =	vadd.f32 v44, v13;
	[tilespmem:s23+$0xD60] =	vst v15  }
0x380: {  	v20 =	vld [tilespmem:s23+$0x1160];
	[tilespmem:s23+$0xD70] =	vst v16;
	v14 =	vadd.f32 v45, v14  }
0x381: {  	v16 =	vld [tilespmem:s23+$0x1170];
	[tilespmem:s23+$0x1100] =	vst v13;
	v12 =	vadd.f32 v46, v12  }
0x382: {  	v15 =	vld [tilespmem:s23+$0x1500];
	v13 =	vadd.f32 v47, v17;
	[tilespmem:s23+$0x1110] =	vst v14  }
0x383: {  	v14 =	vld [tilespmem:s23+$0x1510];
	[tilespmem:s23+$0x1120] =	vst v12;
	v12 =	vadd.f32 v48, v19  }
0x384: {  	[tilespmem:s23+$0x1130] =	vst v13;
	v13 =	vld [tilespmem:s23+$0x1520];
	v18 =	vadd.f32 v49, v18  }
0x385: {  	s25 =	simm.s32 $0x31;
	v17 =	vadd.f32 v50, v20;
	[tilespmem:s23+$0x1140] =	vst v12;
	v12 =	vld [tilespmem:s23+$0x1530]  }
.LBB2_8:
0x386: {  	s26 =	sshrl.u32 s25, $0x3;
	p0 =	sne.s32 s25, $0x3F;
	[tilespmem:s23+$0x1150] =	vst v18;
	v11 =	vadd.f32 v11, v16;
	v16 =	vld [tilespmem:s23+$0x1540]  }
0x387: {  	s24 =	sadd.s32 $0x80, s24;
	s26 =	smul.u32 $0x1800, s26;
	[tilespmem:s23+$0x1160] =	vst v17;
	v10 =	vadd.f32 v10, v15;
	v15 =	vld [tilespmem:s23+$0x1550]  }
0x388: {  	s29 =	sand.u32 $0x380, s24;
	[tilespmem:s23+$0x1170] =	vst v11;
	v9 =	vadd.f32 v9, v14;
	v11 =	vld [tilespmem:s23+$0x1560]  }
0x389: {  	s26 =	sor.u32 s29, s26;
	[tilespmem:s23+$0x1500] =	vst v10;
	v8 =	vadd.f32 v8, v13;
	v10 =	vld [tilespmem:s23+$0x1570]  }
0x38a: {  	v39 =	vld [tilespmem:s26+$0xC100];
	[tilespmem:s23+$0x1510] =	vst v9;
	v7 =	vadd.f32 v7, v12  }
0x38b: {  	v40 =	vld [tilespmem:s26+$0xC110];
	[tilespmem:s23+$0x1520] =	vst v8;
	v6 =	vadd.f32 v6, v16  }
0x38c: {  	v41 =	vld [tilespmem:s26+$0xC120];
	[tilespmem:s23+$0x1530] =	vst v7;
	v5 =	vadd.f32 v5, v15  }
0x38d: {  	v42 =	vld [tilespmem:s26+$0xC130];
	[tilespmem:s23+$0x1540] =	vst v6;
	v4 =	vadd.f32 v4, v11  }
0x38e: {  	v43 =	vld [tilespmem:s26+$0xC140];
	[tilespmem:s23+$0x1550] =	vst v5;
	v3 =	vadd.f32 v3, v10  }
0x38f: {  	v44 =	vld [tilespmem:s26+$0xC150];
	[tilespmem:s23+$0x1560] =	vst v4  }
0x390: {  	v45 =	vld [tilespmem:s26+$0xC160];
	[tilespmem:s23+$0x1570] =	vst v3;
	s23 =	smov.u32 s26  }
0x391: {  	v46 =	vld [tilespmem:s23+$0xC170]  }
0x392: {  	v47 =	vld [tilespmem:s23+$0xC500]  }
0x393: {  	v48 =	vld [tilespmem:s23+$0xC510]  }
0x394: {  	v49 =	vld [tilespmem:s23+$0xC520]  }
0x395: {  	v50 =	vld [tilespmem:s23+$0xC530]  }
0x396: {  	v38 =	vld [tilespmem:s23+$0xC540]  }
0x397: {  	v37 =	vld [tilespmem:s23+$0xC550]  }
0x398: {  	v36 =	vld [tilespmem:s23+$0xC560]  }
0x399: {  	v35 =	vld [tilespmem:s23+$0xC570]  }
0x39a: {  	v34 =	vld [tilespmem:s23+$0xC900]  }
0x39b: {  	v33 =	vld [tilespmem:s23+$0xC910]  }
0x39c: {  	v32 =	vld [tilespmem:s23+$0xC920]  }
0x39d: {  	v31 =	vld [tilespmem:s23+$0xC930]  }
0x39e: {  	v30 =	vld [tilespmem:s23+$0xC940]  }
0x39f: {  	v29 =	vld [tilespmem:s23+$0xC950]  }
0x3a0: {  	v28 =	vld [tilespmem:s23+$0xC960]  }
0x3a1: {  	v27 =	vld [tilespmem:s23+$0xC970]  }
0x3a2: {  	v26 =	vld [tilespmem:s23+$0xCD00]  }
0x3a3: {  	v25 =	vld [tilespmem:s23+$0xCD10]  }
0x3a4: {  	v24 =	vld [tilespmem:s23+$0xCD20]  }
0x3a5: {  	v23 =	vld [tilespmem:s23+$0xCD30]  }
0x3a6: {  	v22 =	vld [tilespmem:s23+$0xCD40]  }
0x3a7: {  	v21 =	vld [tilespmem:s23+$0xCD50]  }
0x3a8: {  	v20 =	vld [tilespmem:s23+$0xCD60]  }
0x3a9: {  	v19 =	vld [tilespmem:s23+$0xCD70]  }
0x3aa: {  	v18 =	vld [tilespmem:s23+$0xD100]  }
0x3ab: {  	v17 =	vld [tilespmem:s23+$0xD110]  }
0x3ac: {  	v16 =	vld [tilespmem:s23+$0xD120]  }
0x3ad: {  	v15 =	vld [tilespmem:s23+$0xD130]  }
0x3ae: {  	v14 =	vld [tilespmem:s23+$0xD140]  }
0x3af: {  	v13 =	vld [tilespmem:s23+$0xD150]  }
0x3b0: {  	v12 =	vld [tilespmem:s23+$0xD160]  }
0x3b1: {  	v11 =	vld [tilespmem:s23+$0xD170]  }
0x3b2: {  	v10 =	vld [tilespmem:s23+$0xD500]  }
0x3b3: {  	v9 =	vld [tilespmem:s23+$0xD510]  }
0x3b4: {  	v8 =	vld [tilespmem:s23+$0xD520]  }
0x3b5: {  	v7 =	vld [tilespmem:s23+$0xD530]  }
0x3b6: {  	v6 =	vld [tilespmem:s23+$0xD540]  }
0x3b7: {  	v5 =	vld [tilespmem:s23+$0xD550]  }
0x3b8: {  	v4 =	vld [tilespmem:s23+$0xD560]  }
0x3b9: {  	v3 =	vld [tilespmem:s23+$0xD570]  }
0x3ba: {  	v51 =	vld [tilespmem:s23+$0x100]  }
0x3bb: {  	v52 =	vld [tilespmem:s23+$0x110]  }
0x3bc: {  	v53 =	vld [tilespmem:s23+$0x120]  }
0x3bd: {  	v54 =	vld [tilespmem:s23+$0x130]  }
0x3be: {  	v55 =	vld [tilespmem:s23+$0x140]  }
0x3bf: {  	v39 =	vadd.f32 v39, v51;
	v51 =	vld [tilespmem:s23+$0x150]  }
0x3c0: {  	v40 =	vadd.f32 v40, v52;
	v52 =	vld [tilespmem:s23+$0x160]  }
0x3c1: {  	[tilespmem:s23+$0x100] =	vst v39;
	v39 =	vadd.f32 v41, v53;
	v41 =	vld [tilespmem:s23+$0x170]  }
0x3c2: {  	[tilespmem:s23+$0x110] =	vst v40;
	v40 =	vadd.f32 v42, v54;
	v42 =	vld [tilespmem:s23+$0x500]  }
0x3c3: {  	[tilespmem:s23+$0x120] =	vst v39;
	v39 =	vadd.f32 v43, v55;
	v43 =	vld [tilespmem:s23+$0x510]  }
0x3c4: {  	[tilespmem:s23+$0x130] =	vst v40;
	v40 =	vadd.f32 v44, v51;
	v44 =	vld [tilespmem:s23+$0x520]  }
0x3c5: {  	[tilespmem:s23+$0x140] =	vst v39;
	v39 =	vadd.f32 v45, v52;
	v45 =	vld [tilespmem:s23+$0x530]  }
0x3c6: {  	[tilespmem:s23+$0x150] =	vst v40;
	v40 =	vadd.f32 v46, v41;
	v41 =	vld [tilespmem:s23+$0x540]  }
0x3c7: {  	[tilespmem:s23+$0x160] =	vst v39;
	v39 =	vadd.f32 v47, v42;
	v42 =	vld [tilespmem:s23+$0x550]  }
0x3c8: {  	[tilespmem:s23+$0x170] =	vst v40;
	v40 =	vadd.f32 v48, v43;
	v43 =	vld [tilespmem:s23+$0x560]  }
0x3c9: {  	[tilespmem:s23+$0x500] =	vst v39;
	v39 =	vadd.f32 v49, v44;
	v44 =	vld [tilespmem:s23+$0x570]  }
0x3ca: {  	[tilespmem:s23+$0x510] =	vst v40;
	v40 =	vadd.f32 v50, v45;
	v45 =	vld [tilespmem:s23+$0x900]  }
0x3cb: {  	[tilespmem:s23+$0x520] =	vst v39;
	v38 =	vadd.f32 v38, v41;
	v39 =	vld [tilespmem:s23+$0x910]  }
0x3cc: {  	[tilespmem:s23+$0x530] =	vst v40;
	v37 =	vadd.f32 v37, v42;
	v40 =	vld [tilespmem:s23+$0x920]  }
0x3cd: {  	[tilespmem:s23+$0x540] =	vst v38;
	v36 =	vadd.f32 v36, v43;
	v38 =	vld [tilespmem:s23+$0x930]  }
0x3ce: {  	[tilespmem:s23+$0x550] =	vst v37;
	v35 =	vadd.f32 v35, v44;
	v37 =	vld [tilespmem:s23+$0x940]  }
0x3cf: {  	[tilespmem:s23+$0x560] =	vst v36;
	v34 =	vadd.f32 v34, v45;
	v36 =	vld [tilespmem:s23+$0x950]  }
0x3d0: {  	[tilespmem:s23+$0x570] =	vst v35;
	v33 =	vadd.f32 v33, v39;
	v35 =	vld [tilespmem:s23+$0x960]  }
0x3d1: {  	[tilespmem:s23+$0x900] =	vst v34;
	v32 =	vadd.f32 v32, v40;
	v34 =	vld [tilespmem:s23+$0x970]  }
0x3d2: {  	[tilespmem:s23+$0x910] =	vst v33;
	v31 =	vadd.f32 v31, v38;
	v33 =	vld [tilespmem:s23+$0xD00]  }
0x3d3: {  	[tilespmem:s23+$0x920] =	vst v32;
	v30 =	vadd.f32 v30, v37;
	v32 =	vld [tilespmem:s23+$0xD10]  }
0x3d4: {  	[tilespmem:s23+$0x930] =	vst v31;
	v29 =	vadd.f32 v29, v36;
	v31 =	vld [tilespmem:s23+$0xD20]  }
0x3d5: {  	[tilespmem:s23+$0x940] =	vst v30;
	v28 =	vadd.f32 v28, v35;
	v30 =	vld [tilespmem:s23+$0xD30]  }
0x3d6: {  	[tilespmem:s23+$0x950] =	vst v29;
	v27 =	vadd.f32 v27, v34;
	v29 =	vld [tilespmem:s23+$0xD40]  }
0x3d7: {  	[tilespmem:s23+$0x960] =	vst v28;
	v26 =	vadd.f32 v26, v33;
	v28 =	vld [tilespmem:s23+$0xD50]  }
0x3d8: {  	[tilespmem:s23+$0x970] =	vst v27;
	v25 =	vadd.f32 v25, v32;
	v27 =	vld [tilespmem:s23+$0xD60]  }
0x3d9: {  	[tilespmem:s23+$0xD00] =	vst v26;
	v24 =	vadd.f32 v24, v31;
	v26 =	vld [tilespmem:s23+$0xD70]  }
0x3da: {  	[tilespmem:s23+$0xD10] =	vst v25;
	v23 =	vadd.f32 v23, v30;
	v25 =	vld [tilespmem:s23+$0x1100]  }
0x3db: {  	[tilespmem:s23+$0xD20] =	vst v24;
	v22 =	vadd.f32 v22, v29;
	v24 =	vld [tilespmem:s23+$0x1110]  }
0x3dc: {  	[tilespmem:s23+$0xD30] =	vst v23;
	v21 =	vadd.f32 v21, v28;
	v23 =	vld [tilespmem:s23+$0x1120]  }
0x3dd: {  	[tilespmem:s23+$0xD40] =	vst v22;
	v20 =	vadd.f32 v20, v27;
	v22 =	vld [tilespmem:s23+$0x1130]  }
0x3de: {  	[tilespmem:s23+$0xD50] =	vst v21;
	v19 =	vadd.f32 v19, v26;
	v21 =	vld [tilespmem:s23+$0x1140]  }
0x3df: {  	[tilespmem:s23+$0xD60] =	vst v20;
	v18 =	vadd.f32 v18, v25;
	v20 =	vld [tilespmem:s23+$0x1150]  }
0x3e0: {  	[tilespmem:s23+$0xD70] =	vst v19;
	v17 =	vadd.f32 v17, v24;
	v19 =	vld [tilespmem:s23+$0x1160]  }
.Ltmp3:
0x3e1: {  	[tilespmem:s23+$0x1100] =	vst v18;
	v18 =	vadd.f32 v16, v23;
	v16 =	vld [tilespmem:s23+$0x1170];
	(pc) =	sbr.rel @p0 .LBB2_8-.Ltmp3, $4  }
0x3e2: {  	[tilespmem:s23+$0x1110] =	vst v17;
	v17 =	vadd.f32 v15, v22;
	v15 =	vld [tilespmem:s23+$0x1500]  }
0x3e3: {  	[tilespmem:s23+$0x1120] =	vst v18;
	v21 =	vadd.f32 v14, v21;
	v14 =	vld [tilespmem:s23+$0x1510]  }
0x3e4: {  	[tilespmem:s23+$0x1130] =	vst v17;
	v18 =	vadd.f32 v13, v20;
	v13 =	vld [tilespmem:s23+$0x1520]  }
0x3e5: {  	s25 =	sadd.s32 $0x1, s25;
	[tilespmem:s23+$0x1140] =	vst v21;
	v17 =	vadd.f32 v12, v19;
	v12 =	vld [tilespmem:s23+$0x1530]  }
0x3e6: {  	[tilespmem:s23+$0x1150] =	vst v18;
	v60 =	vld [tilespmem:s23+$0x1540];
	v11 =	vadd.f32 v11, v16  }
0x3e7: {  	v61 =	vld [tilespmem:s23+$0x1550];
	[tilespmem:s23+$0x1160] =	vst v17;
	v10 =	vadd.f32 v10, v15  }
0x3e8: {  	v62 =	vld [tilespmem:s23+$0x1560];
	[tilespmem:s23+$0x1170] =	vst v11;
	v9 =	vadd.f32 v9, v14  }
0x3e9: {  	v63 =	vld [tilespmem:s23+$0x1570];
	[tilespmem:s23+$0x1500] =	vst v10;
	v8 =	vadd.f32 v8, v13  }
0x3ea: {  	[tilespmem:s23+$0x1510] =	vst v9;
	v7 =	vadd.f32 v7, v12  }
0x3eb: {  	[tilespmem:s23+$0x1520] =	vst v8;
	v6 =	vadd.f32 v6, v60  }
0x3ec: {  	v5 =	vadd.f32 v5, v61;
	[tilespmem:s23+$0x1530] =	vst v7  }
0x3ed: {  	v4 =	vadd.f32 v4, v62;
	[tilespmem:s23+$0x1540] =	vst v6  }
0x3ee: {  	s22 =	sadd.s32 $0x1, s22;
	v3 =	vadd.f32 v3, v63;
	[tilespmem:s23+$0x1550] =	vst v5  }
0x3ef: {  	p0 =	sne.s32 s22, s12;
	[tilespmem:s23+$0x1560] =	vst v4  }
.Ltmp4:
0x3f0: {  	[tilespmem:s23+$0x1570] =	vst v3;
	(pc) =	sbr.rel @p0 .LBB2_1-.Ltmp4, $4  }
0x3f1: {  	[hbm4b:s11+s2] =	stream.linear.scatter [tilespmem:s16], [sflag:$0x9], $0x3000, $0x38;
	[tilespmem:$0x18100] =	vst v63  }
0x3f2: {  	_ =	swait.ge [sflag:s13], $0x3000  }
0x3f3: {  	[sflag:s13] =	ssyncset.done $0x0  }
0x3f4: {  	[sflag:s13] =	ssyncadd.s32 $0xFFFFD000  }
0x3f5: {  	_ =	sfence.sel $0x180000  }
0x3f6: {  	[bflag:$0x0] =	sbarrier.arrive $0xFFFF  }
0x3f7: {  	_ =	strace $0x9000004A  }
0x3f8: {  	s0 =	stileid.u32;
	[bflag:$0x2] =	sbarrier.arrive $0xFFFF  }
0x3f9: {  	p0 =	sne.s32 s0, $0x0;
	s0 =	rddreg [dreg:$0x2]  }
0x3fa: {  	s0 =	sadd.s32 @!p0 $0x100000, s0  }
0x3fb: {  	[sflag:s0] =	ssyncadd.tile.s32 @!p0 $0x1;
	_ =	shalt  }
.Lfunc_end2:
_tile_overlayer_lowered:
.L_overlay_start_2:
0x3fc: {  	(tag) =	ssettag $0x2  }
0x3fd: {  	s0 =	rddreg [dreg:$0x0];
	s2 =	stileid.u32  }
0x3fe: {  	s1 =	rddreg [dreg:$0x1];
	p0 =	sne.s32 s2, $0x0  }
0x3ff: {  	s3 =	rddreg [dreg:$0x2];
	[bflag:$0x3] =	sbarrier.arrive $0xFFFF;
	s2 =	simm.s32 @!p0 $0x1C09  }
0x400: {  	[timem:s3], [sflag:s2] =	dma.local @!p0 [hbm:s0], s1  }
0x401: {  	s0 =	simm.s32 @!p0 $0x9  }
0x402: {  	_ =	swait.ge @!p0 [sflag:s0], s1  }
0x403: {  	s1 =	ssub.s32 @!p0 $0x0, s1;
	[sflag:s0] =	ssyncset.done @!p0 $0x0  }
0x404: {  	[sflag:s0] =	ssyncadd.s32 @!p0 s1  }
0x405: {  	[bflag:$0x3] =	sbarrier.arrive $0xFFFF  }
0x406: {  	_ =	shalt  }

</sc_bundles>
